<compile_context>
chip_gen: v7x
topology: tpu7x:2x2x1
jax: 0.10.2.dev20260603
libtpu: 0.0.44.dev20260713+nightly
codegen_flags: <defaults>
</compile_context>

<pallas_src>
import functools

import jax
import jax.numpy as jnp
from jax import lax
from jax.experimental import pallas as pl
from jax.experimental.pallas import tpu as pltpu
from jax.experimental.pallas import tpu_sc as plsc

B, S = 16384, 50
V, D = 1_000_000, 32

NC, NS = 2, 16
NW = NC * NS
ROWS_PER_W = B // NW
CB = 32
NCHUNKS = ROWS_PER_W // CB
BT = 128
NBT = B // BT
DBLK = D // 8


def _make_sc_lookup():
  mesh = plsc.VectorSubcoreMesh(core_axis_name="c", subcore_axis_name="s")

  @functools.partial(
      pl.kernel,
      mesh=mesh,
      compiler_params=pltpu.CompilerParams(
          use_tc_tiling_on_sc=False, needs_layout_passes=False),
      out_type=jax.ShapeDtypeStruct((S, DBLK, NBT, 8, BT), jnp.float32),
      scratch_types=[
          pltpu.VMEM((CB, S), jnp.int32),
          pltpu.VMEM((CB, S), jnp.int32),
          pltpu.VMEM((CB, S, D), jnp.float32),
          pltpu.VMEM((CB, S, D), jnp.float32),
          pltpu.VMEM((DBLK, 1, 8, CB), jnp.float32),
          pltpu.VMEM((DBLK, 1, 8, CB), jnp.float32),
          pltpu.SemaphoreType.DMA,
          pltpu.SemaphoreType.DMA,
          pltpu.SemaphoreType.DMA,
          pltpu.SemaphoreType.DMA,
          pltpu.SemaphoreType.DMA,
          pltpu.SemaphoreType.DMA,
      ],
  )
  def lookup(idx_hbm, table_hbm, out_hbm, idx0, idx1, rows0, rows1,
             st0, st1, isem0, isem1, gsem0, gsem1, ssem0, ssem1):
    wid = lax.axis_index("s") * NC + lax.axis_index("c")
    b_base = wid * ROWS_PER_W
    idx_v = (idx0, idx1)
    rows_v = (rows0, rows1)
    stage = (st0, st1)
    isem = (isem0, isem1)
    gsem = (gsem0, gsem1)
    ssem = (ssem0, ssem1)

    lane = lax.iota(jnp.int32, 16)
    zero16 = jnp.zeros((16,), jnp.int32)
    dblk_c = [lane // 8, lane // 8 + 2]
    drow_c = lax.rem(lane, 8)

    def idx_copy(c, s):
      return pltpu.make_async_copy(
          idx_hbm.at[pl.ds(b_base + c * CB, CB)], idx_v[s], isem[s])

    def fire_gathers(s):
      def go(j, carry):
        pltpu.make_async_copy(
            table_hbm.at[idx_v[s].at[j]], rows_v[s].at[j], gsem[s]).start()
        return carry
      lax.fori_loop(0, CB, go, 0)

    def drain_gathers(s):
      def dr(j, carry):
        pltpu.make_async_copy(
            table_hbm.at[idx_v[s].at[j]], rows_v[s].at[j], gsem[s]).wait()
        return carry
      lax.fori_loop(0, CB, dr, 0)

    def stage_copies(c, s_, q):
      btile = (b_base + c * CB) // BT
      bcol0 = (b_base + c * CB) % BT
      return [
          pltpu.make_async_copy(
              stage[q],
              out_hbm.at[s_, pl.ds(0, DBLK), pl.ds(btile, 1), pl.ds(0, 8),
                         pl.ds(bcol0, CB)],
              ssem[q])
      ]

    def transpose_chunk(c, s):
      def per_pair(p, carry):
        for q in range(2):
          s_ = 2 * p + q
          @pl.when(s_ >= 2)
          def _():
            for cp in stage_copies(c, s_ - 2, q):
              cp.wait()
          for bb in range(CB):
            bb_c = zero16 + bb
            for h in range(2):
              vals = rows_v[s][bb, s_, pl.ds(16 * h, 16)]
              plsc.store_scatter(
                  stage[q], [dblk_c[h], zero16, drow_c, bb_c], vals)
          for cp in stage_copies(c, s_, q):
            cp.start()
        return carry
      lax.fori_loop(0, S // 2, per_pair, 0)
      for cp in stage_copies(c, S - 2, 0):
        cp.wait()
      for cp in stage_copies(c, S - 1, 1):
        cp.wait()

    idx_copy(0, 0).start()
    idx_copy(1, 1).start()
    idx_copy(0, 0).wait()
    fire_gathers(0)

    def pair_body(i, carry):
      for s in range(2):
        c = 2 * i + s
        @pl.when(c + 1 < NCHUNKS)
        def _():
          idx_copy(c + 1, 1 - s).wait()
          fire_gathers(1 - s)
        drain_gathers(s)
        @pl.when(c + 2 < NCHUNKS)
        def _():
          idx_copy(c + 2, s).start()
        transpose_chunk(c, s)
      return carry

    lax.fori_loop(0, NCHUNKS // 2, pair_body, 0)

  return lookup


_sc_lookup = _make_sc_lookup()


@jax.jit
def kernel(token_ids, weight):
  out5 = _sc_lookup(token_ids.astype(jnp.int32), weight)
  return out5.transpose(2, 4, 0, 1, 3).reshape(B, S, D)

# --- scband reference (transcript-rebuilt; emitter-appended) ---
"""Pipeline reference for scband-embedding-18253611008715 (READ-ONLY COPY).

The authoritative reference and input builder live on the scoring server;
editing this copy changes nothing except your own understanding.
"""

import jax, jax.numpy as jnp
import numpy as np


def setup_inputs(seed: int = 0) -> dict:
    key = jax.random.key(seed)
    k1, k2 = jax.random.split(key)
    token_ids = jax.random.randint(k1, (16384, 50), 0, 1000000, dtype=jnp.int64)
    # trunc_normal(mean=0, std=1, a=-3, b=3) approximated with truncated normal
    weight = jax.random.truncated_normal(k2, -3.0, 3.0, (1000000, 32), dtype=jnp.float32)
    return {"token_ids": token_ids, "weight": weight}


def reference(token_ids, weight):
    # out = self.weight[token_ids]
    out = jnp.take(weight, token_ids, axis=0)
    return out

if __name__ == "__main__":
    import jax
    _d = setup_inputs()
    print(jax.jit(kernel)(*tuple(_d.values())))

</pallas_src>

<mosaic_0001>
#map = affine_map<(d0, d1) -> (0, 0)>
#map1 = affine_map<(d0, d1) -> (0, 0, 0, 0, 0)>
module attributes {stable_mosaic.version = 14 : i64} {
  func.func @lookup(%arg0: i32, %arg1: i32, %arg2: memref<16384x50xi32, #tpu.memory_space<hbm>>, %arg3: memref<1000000x32xf32, #tpu.memory_space<hbm>>, %arg4: memref<50x4x128x8x128xf32, #tpu.memory_space<hbm>>, %arg5: memref<32x50xi32, #tpu.memory_space<vmem>>, %arg6: memref<32x50xi32, #tpu.memory_space<vmem>>, %arg7: memref<32x50x32xf32, #tpu.memory_space<vmem>>, %arg8: memref<32x50x32xf32, #tpu.memory_space<vmem>>, %arg9: memref<4x1x8x32xf32, #tpu.memory_space<vmem>>, %arg10: memref<4x1x8x32xf32, #tpu.memory_space<vmem>>, %arg11: memref<!tpu.dma_semaphore, #tpu.memory_space<semaphore_mem>>, %arg12: memref<!tpu.dma_semaphore, #tpu.memory_space<semaphore_mem>>, %arg13: memref<!tpu.dma_semaphore, #tpu.memory_space<semaphore_mem>>, %arg14: memref<!tpu.dma_semaphore, #tpu.memory_space<semaphore_mem>>, %arg15: memref<!tpu.dma_semaphore, #tpu.memory_space<semaphore_mem>>, %arg16: memref<!tpu.dma_semaphore, #tpu.memory_space<semaphore_mem>>) attributes {dimension_semantics = [#tpu.dimension_semantics<core_parallel>, #tpu.dimension_semantics<subcore_parallel>], iteration_bounds = array<i64: 2, 16>, scalar_prefetch = 0 : i64, scratch_operands = 12 : i64, tpu.core_type = #tpu.core_type<sc_vector_subcore>, window_params = [{transform_indices = #map}, {transform_indices = #map}, {transform_indices = #map1}]} {
    %mul3A = arith.constant 2 : i32
    %mul3A_0 = arith.muli %arg1, %mul3A : i32
    %add3A = arith.addi %mul3A_0, %arg0 : i32
    %mul3A_1 = arith.constant 512 : i32
    %mul3A_2 = arith.muli %add3A, %mul3A_1 : i32
    %iota3A = tpu.iota {dimensions = array<i32: 0>} : vector<16xi32>
    %broadcast_in_dim3A = arith.constant 0 : i32
    %broadcast_in_dim3A_3 = vector.broadcast %broadcast_in_dim3A : i32 to vector<16xi32>
    %jit3A = arith.constant 8 : i32
    %div3A = vector.broadcast %jit3A : i32 to vector<16xi32>
    %div3A_4 = arith.divsi %iota3A, %div3A : vector<16xi32>
    %sign3A = arith.constant 0 : i32
    %sign3A_5 = vector.broadcast %sign3A : i32 to vector<16xi32>
    %sign3A_6 = arith.cmpi sgt, %iota3A, %sign3A_5 : vector<16xi32>
    %sign3A_7 = arith.extui %sign3A_6 : vector<16xi1> to vector<16xi32>
    %sign3A_8 = arith.constant 0 : i32
    %sign3A_9 = vector.broadcast %sign3A_8 : i32 to vector<16xi32>
    %sign3A_10 = arith.cmpi slt, %iota3A, %sign3A_9 : vector<16xi32>
    %sign3A_11 = arith.extui %sign3A_10 : vector<16xi1> to vector<16xi32>
    %sign3A_12 = arith.subi %sign3A_7, %sign3A_11 : vector<16xi32>
    %sign3A_13 = arith.constant 0 : i32
    %sign3A_14 = arith.cmpi sgt, %jit3A, %sign3A_13 : i32
    %sign3A_15 = arith.extui %sign3A_14 : i1 to i32
    %sign3A_16 = arith.constant 0 : i32
    %sign3A_17 = arith.cmpi slt, %jit3A, %sign3A_16 : i32
    %sign3A_18 = arith.extui %sign3A_17 : i1 to i32
    %sign3A_19 = arith.subi %sign3A_15, %sign3A_18 : i32
    %ne3A = vector.broadcast %sign3A_19 : i32 to vector<16xi32>
    %ne3A_20 = arith.cmpi ne, %sign3A_12, %ne3A : vector<16xi32>
    %rem3A = vector.broadcast %jit3A : i32 to vector<16xi32>
    %rem3A_21 = arith.remsi %iota3A, %rem3A : vector<16xi32>
    %ne3A_22 = arith.constant 0 : i32
    %ne3A_23 = vector.broadcast %ne3A_22 : i32 to vector<16xi32>
    %ne3A_24 = arith.cmpi ne, %rem3A_21, %ne3A_23 : vector<16xi32>
    %and3A = arith.andi %ne3A_20, %ne3A_24 : vector<16xi1>
    %sub3A = arith.constant 1 : i32
    %sub3A_25 = vector.broadcast %sub3A : i32 to vector<16xi32>
    %sub3A_26 = arith.subi %div3A_4, %sub3A_25 : vector<16xi32>
    %select_n3A = arith.select %and3A, %sub3A_26, %div3A_4 : vector<16xi1>, vector<16xi32>
    %jit3A_27 = arith.constant 8 : i32
    %div3A_28 = vector.broadcast %jit3A_27 : i32 to vector<16xi32>
    %div3A_29 = arith.divsi %iota3A, %div3A_28 : vector<16xi32>
    %sign3A_30 = arith.constant 0 : i32
    %sign3A_31 = vector.broadcast %sign3A_30 : i32 to vector<16xi32>
    %sign3A_32 = arith.cmpi sgt, %iota3A, %sign3A_31 : vector<16xi32>
    %sign3A_33 = arith.extui %sign3A_32 : vector<16xi1> to vector<16xi32>
    %sign3A_34 = arith.constant 0 : i32
    %sign3A_35 = vector.broadcast %sign3A_34 : i32 to vector<16xi32>
    %sign3A_36 = arith.cmpi slt, %iota3A, %sign3A_35 : vector<16xi32>
    %sign3A_37 = arith.extui %sign3A_36 : vector<16xi1> to vector<16xi32>
    %sign3A_38 = arith.subi %sign3A_33, %sign3A_37 : vector<16xi32>
    %sign3A_39 = arith.constant 0 : i32
    %sign3A_40 = arith.cmpi sgt, %jit3A_27, %sign3A_39 : i32
    %sign3A_41 = arith.extui %sign3A_40 : i1 to i32
    %sign3A_42 = arith.constant 0 : i32
    %sign3A_43 = arith.cmpi slt, %jit3A_27, %sign3A_42 : i32
    %sign3A_44 = arith.extui %sign3A_43 : i1 to i32
    %sign3A_45 = arith.subi %sign3A_41, %sign3A_44 : i32
    %ne3A_46 = vector.broadcast %sign3A_45 : i32 to vector<16xi32>
    %ne3A_47 = arith.cmpi ne, %sign3A_38, %ne3A_46 : vector<16xi32>
    %rem3A_48 = vector.broadcast %jit3A_27 : i32 to vector<16xi32>
    %rem3A_49 = arith.remsi %iota3A, %rem3A_48 : vector<16xi32>
    %ne3A_50 = arith.constant 0 : i32
    %ne3A_51 = vector.broadcast %ne3A_50 : i32 to vector<16xi32>
    %ne3A_52 = arith.cmpi ne, %rem3A_49, %ne3A_51 : vector<16xi32>
    %and3A_53 = arith.andi %ne3A_47, %ne3A_52 : vector<16xi1>
    %sub3A_54 = arith.constant 1 : i32
    %sub3A_55 = vector.broadcast %sub3A_54 : i32 to vector<16xi32>
    %sub3A_56 = arith.subi %div3A_29, %sub3A_55 : vector<16xi32>
    %select_n3A_57 = arith.select %and3A_53, %sub3A_56, %div3A_29 : vector<16xi1>, vector<16xi32>
    %add3A_58 = arith.constant 2 : i32
    %add3A_59 = vector.broadcast %add3A_58 : i32 to vector<16xi32>
    %add3A_60 = arith.addi %select_n3A_57, %add3A_59 : vector<16xi32>
    %rem3A_61 = arith.constant 8 : i32
    %rem3A_62 = vector.broadcast %rem3A_61 : i32 to vector<16xi32>
    %rem3A_63 = arith.remsi %iota3A, %rem3A_62 : vector<16xi32>
    %add3A_64 = arith.constant 0 : i32
    %add3A_65 = arith.addi %mul3A_2, %add3A_64 : i32
    %dma_start3A = arith.constant 0 : i32
    %dma_start3A_66 = tpu.memref_slice %arg2[%add3A_65, %dma_start3A] : memref<16384x50xi32, #tpu.memory_space<hbm>> -> memref<32x50xi32, #tpu.memory_space<hbm>>
    %dma_start3A_67 = arith.constant 0 : i32
    %dma_start3A_68 = tpu.memref_slice %arg2[%add3A_65, %dma_start3A_67] : memref<16384x50xi32, #tpu.memory_space<hbm>> -> memref<32x50xi32, #tpu.memory_space<hbm>>
    tpu.enqueue_dma source(%dma_start3A_68 : memref<32x50xi32, #tpu.memory_space<hbm>>) target(%arg5 : memref<32x50xi32, #tpu.memory_space<vmem>>) target_semaphore(%arg11 : memref<!tpu.dma_semaphore, #tpu.memory_space<semaphore_mem>>)
    %add3A_69 = arith.constant 32 : i32
    %add3A_70 = arith.addi %mul3A_2, %add3A_69 : i32
    %dma_start3A_71 = arith.constant 0 : i32
    %dma_start3A_72 = tpu.memref_slice %arg2[%add3A_70, %dma_start3A_71] : memref<16384x50xi32, #tpu.memory_space<hbm>> -> memref<32x50xi32, #tpu.memory_space<hbm>>
    %dma_start3A_73 = arith.constant 0 : i32
    %dma_start3A_74 = tpu.memref_slice %arg2[%add3A_70, %dma_start3A_73] : memref<16384x50xi32, #tpu.memory_space<hbm>> -> memref<32x50xi32, #tpu.memory_space<hbm>>
    tpu.enqueue_dma source(%dma_start3A_74 : memref<32x50xi32, #tpu.memory_space<hbm>>) target(%arg6 : memref<32x50xi32, #tpu.memory_space<vmem>>) target_semaphore(%arg12 : memref<!tpu.dma_semaphore, #tpu.memory_space<semaphore_mem>>)
    %add3A_75 = arith.constant 0 : i32
    %add3A_76 = arith.addi %mul3A_2, %add3A_75 : i32
    %dma_wait3A = arith.constant 0 : i32
    %dma_wait3A_77 = tpu.memref_slice %arg2[%add3A_76, %dma_wait3A] : memref<16384x50xi32, #tpu.memory_space<hbm>> -> memref<32x50xi32, #tpu.memory_space<hbm>>
    %dma_wait3A_78 = arith.constant 0 : i32
    %dma_wait3A_79 = tpu.memref_slice %arg2[%add3A_76, %dma_wait3A_78] : memref<16384x50xi32, #tpu.memory_space<hbm>> -> memref<32x50xi32, #tpu.memory_space<hbm>>
    tpu.wait_dma2 semaphore(%arg11 : memref<!tpu.dma_semaphore, #tpu.memory_space<semaphore_mem>>) src(%dma_wait3A_79 : memref<32x50xi32, #tpu.memory_space<hbm>>) dst(%arg5 : memref<32x50xi32, #tpu.memory_space<vmem>>)
    %scan3A = arith.constant 0 : i32
    %scan3A_80 = arith.constant 0 : i32
    %scan3A_81 = arith.constant 32 : i32
    %scan3A_82 = arith.addi %scan3A_80, %scan3A_81 : i32
    %scan3A_83 = arith.constant 1 : i32
    scf.for %scan3A_91 = %scan3A_80 to %scan3A_82 step %scan3A_83  : i32 {
      %dma_start3A_92 = arith.constant 0 : i32
      %dma_start3A_93 = arith.constant 0 : i32
      %dma_start3A_94 = tpu.memref_slice %arg7[%scan3A_91, %dma_start3A_92, %dma_start3A_93] : memref<32x50x32xf32, #tpu.memory_space<vmem>> -> memref<1x50x32xf32, #tpu.memory_space<vmem>>
      %dma_start3A_95 = tpu.memref_squeeze %dma_start3A_94 : memref<1x50x32xf32, #tpu.memory_space<vmem>> -> memref<50x32xf32, #tpu.memory_space<vmem>>
      %dma_start3A_96 = arith.constant 0 : i32
      %dma_start3A_97 = tpu.memref_slice %arg5[%scan3A_91, %dma_start3A_96] : memref<32x50xi32, #tpu.memory_space<vmem>> -> memref<1x50xi32, #tpu.memory_space<vmem>>
      %dma_start3A_98 = tpu.memref_squeeze %dma_start3A_97 : memref<1x50xi32, #tpu.memory_space<vmem>> -> memref<50xi32, #tpu.memory_space<vmem>>
      %dma_start3A_99 = arith.constant 0 : i32
      %dma_start3A_100 = arith.constant 0 : i32
      %dma_start3A_101 = tpu.memref_slice %arg3[%dma_start3A_99, %dma_start3A_100] : memref<1000000x32xf32, #tpu.memory_space<hbm>> -> memref<1000000x32xf32, #tpu.memory_space<hbm>>
      tpu.enqueue_indirect_dma source(%dma_start3A_101 : memref<1000000x32xf32, #tpu.memory_space<hbm>>) target(%dma_start3A_95 : memref<50x32xf32, #tpu.memory_space<vmem>>) offsets(%dma_start3A_98 : memref<50xi32, #tpu.memory_space<vmem>>) semaphore(%arg13 : memref<!tpu.dma_semaphore, #tpu.memory_space<semaphore_mem>>)
    }
    %scan3A_84 = arith.constant 32 : i32
    %scan3A_85 = arith.constant 0 : i32
    %scan3A_86 = arith.constant 0 : i32
    %scan3A_87 = arith.constant 8 : i32
    %scan3A_88 = arith.addi %scan3A_86, %scan3A_87 : i32
    %scan3A_89 = arith.constant 1 : i32
    scf.for %scan3A_91 = %scan3A_86 to %scan3A_88 step %scan3A_89  : i32 {
      %mul3A_92 = arith.constant 2 : i32
      %mul3A_93 = arith.muli %mul3A_92, %scan3A_91 : i32
      %add3A_94 = arith.constant 0 : i32
      %add3A_95 = arith.addi %mul3A_93, %add3A_94 : i32
      %add3A_96 = arith.constant 1 : i32
      %add3A_97 = arith.addi %add3A_95, %add3A_96 : i32
      %lt3A = arith.constant 16 : i32
      %lt3A_98 = arith.cmpi slt, %add3A_97, %lt3A : i32
      %convert_element_type3A = arith.extui %lt3A_98 : i1 to i32
      %cond3A = arith.constant 0 : i32
      %cond3A_99 = arith.cmpi ne, %convert_element_type3A, %cond3A : i32
      scf.if %cond3A_99 {
        %add3A_368 = arith.constant 1 : i32
        %add3A_369 = arith.addi %add3A_95, %add3A_368 : i32
        %mul3A_370 = arith.constant 32 : i32
        %mul3A_371 = arith.muli %add3A_369, %mul3A_370 : i32
        %add3A_372 = arith.addi %mul3A_2, %mul3A_371 : i32
        %dma_wait3A_373 = arith.constant 0 : i32
        %dma_wait3A_374 = tpu.memref_slice %arg2[%add3A_372, %dma_wait3A_373] : memref<16384x50xi32, #tpu.memory_space<hbm>> -> memref<32x50xi32, #tpu.memory_space<hbm>>
        %dma_wait3A_375 = arith.constant 0 : i32
        %dma_wait3A_376 = tpu.memref_slice %arg2[%add3A_372, %dma_wait3A_375] : memref<16384x50xi32, #tpu.memory_space<hbm>> -> memref<32x50xi32, #tpu.memory_space<hbm>>
        tpu.wait_dma2 semaphore(%arg12 : memref<!tpu.dma_semaphore, #tpu.memory_space<semaphore_mem>>) src(%dma_wait3A_376 : memref<32x50xi32, #tpu.memory_space<hbm>>) dst(%arg6 : memref<32x50xi32, #tpu.memory_space<vmem>>)
        %scan3A_377 = arith.constant 0 : i32
        %scan3A_378 = arith.constant 0 : i32
        %scan3A_379 = arith.constant 32 : i32
        %scan3A_380 = arith.addi %scan3A_378, %scan3A_379 : i32
        %scan3A_381 = arith.constant 1 : i32
        scf.for %scan3A_383 = %scan3A_378 to %scan3A_380 step %scan3A_381  : i32 {
          %dma_start3A_384 = arith.constant 0 : i32
          %dma_start3A_385 = arith.constant 0 : i32
          %dma_start3A_386 = tpu.memref_slice %arg8[%scan3A_383, %dma_start3A_384, %dma_start3A_385] : memref<32x50x32xf32, #tpu.memory_space<vmem>> -> memref<1x50x32xf32, #tpu.memory_space<vmem>>
          %dma_start3A_387 = tpu.memref_squeeze %dma_start3A_386 : memref<1x50x32xf32, #tpu.memory_space<vmem>> -> memref<50x32xf32, #tpu.memory_space<vmem>>
          %dma_start3A_388 = arith.constant 0 : i32
          %dma_start3A_389 = tpu.memref_slice %arg6[%scan3A_383, %dma_start3A_388] : memref<32x50xi32, #tpu.memory_space<vmem>> -> memref<1x50xi32, #tpu.memory_space<vmem>>
          %dma_start3A_390 = tpu.memref_squeeze %dma_start3A_389 : memref<1x50xi32, #tpu.memory_space<vmem>> -> memref<50xi32, #tpu.memory_space<vmem>>
          %dma_start3A_391 = arith.constant 0 : i32
          %dma_start3A_392 = arith.constant 0 : i32
          %dma_start3A_393 = tpu.memref_slice %arg3[%dma_start3A_391, %dma_start3A_392] : memref<1000000x32xf32, #tpu.memory_space<hbm>> -> memref<1000000x32xf32, #tpu.memory_space<hbm>>
          tpu.enqueue_indirect_dma source(%dma_start3A_393 : memref<1000000x32xf32, #tpu.memory_space<hbm>>) target(%dma_start3A_387 : memref<50x32xf32, #tpu.memory_space<vmem>>) offsets(%dma_start3A_390 : memref<50xi32, #tpu.memory_space<vmem>>) semaphore(%arg14 : memref<!tpu.dma_semaphore, #tpu.memory_space<semaphore_mem>>)
        }
        %scan3A_382 = arith.constant 32 : i32
      } else {
      }
      %scan3A_100 = arith.constant 0 : i32
      %scan3A_101 = arith.constant 0 : i32
      %scan3A_102 = arith.constant 32 : i32
      %scan3A_103 = arith.addi %scan3A_101, %scan3A_102 : i32
      %scan3A_104 = arith.constant 1 : i32
      scf.for %scan3A_368 = %scan3A_101 to %scan3A_103 step %scan3A_104  : i32 {
        %dma_wait3A_369 = arith.constant 0 : i32
        %dma_wait3A_370 = arith.constant 0 : i32
        %dma_wait3A_371 = tpu.memref_slice %arg7[%scan3A_368, %dma_wait3A_369, %dma_wait3A_370] : memref<32x50x32xf32, #tpu.memory_space<vmem>> -> memref<1x50x32xf32, #tpu.memory_space<vmem>>
        %dma_wait3A_372 = tpu.memref_squeeze %dma_wait3A_371 : memref<1x50x32xf32, #tpu.memory_space<vmem>> -> memref<50x32xf32, #tpu.memory_space<vmem>>
        %dma_wait3A_373 = arith.constant 0 : i32
        %dma_wait3A_374 = tpu.memref_slice %arg5[%scan3A_368, %dma_wait3A_373] : memref<32x50xi32, #tpu.memory_space<vmem>> -> memref<1x50xi32, #tpu.memory_space<vmem>>
        %dma_wait3A_375 = tpu.memref_squeeze %dma_wait3A_374 : memref<1x50xi32, #tpu.memory_space<vmem>> -> memref<50xi32, #tpu.memory_space<vmem>>
        %dma_wait3A_376 = arith.constant 0 : i32
        %dma_wait3A_377 = arith.constant 0 : i32
        %dma_wait3A_378 = tpu.memref_slice %arg3[%dma_wait3A_376, %dma_wait3A_377] : memref<1000000x32xf32, #tpu.memory_space<hbm>> -> memref<1000000x32xf32, #tpu.memory_space<hbm>>
        tpu.wait_indirect_dma semaphore(%arg13 : memref<!tpu.dma_semaphore, #tpu.memory_space<semaphore_mem>>) src(%dma_wait3A_378 : memref<1000000x32xf32, #tpu.memory_space<hbm>>) dst(%dma_wait3A_372 : memref<50x32xf32, #tpu.memory_space<vmem>>)
      }
      %scan3A_105 = arith.constant 32 : i32
      %add3A_106 = arith.constant 2 : i32
      %add3A_107 = arith.addi %add3A_95, %add3A_106 : i32
      %lt3A_108 = arith.constant 16 : i32
      %lt3A_109 = arith.cmpi slt, %add3A_107, %lt3A_108 : i32
      %convert_element_type3A_110 = arith.extui %lt3A_109 : i1 to i32
      %cond3A_111 = arith.constant 0 : i32
      %cond3A_112 = arith.cmpi ne, %convert_element_type3A_110, %cond3A_111 : i32
      scf.if %cond3A_112 {
        %add3A_368 = arith.constant 2 : i32
        %add3A_369 = arith.addi %add3A_95, %add3A_368 : i32
        %mul3A_370 = arith.constant 32 : i32
        %mul3A_371 = arith.muli %add3A_369, %mul3A_370 : i32
        %add3A_372 = arith.addi %mul3A_2, %mul3A_371 : i32
        %dma_start3A_373 = arith.constant 0 : i32
        %dma_start3A_374 = tpu.memref_slice %arg2[%add3A_372, %dma_start3A_373] : memref<16384x50xi32, #tpu.memory_space<hbm>> -> memref<32x50xi32, #tpu.memory_space<hbm>>
        %dma_start3A_375 = arith.constant 0 : i32
        %dma_start3A_376 = tpu.memref_slice %arg2[%add3A_372, %dma_start3A_375] : memref<16384x50xi32, #tpu.memory_space<hbm>> -> memref<32x50xi32, #tpu.memory_space<hbm>>
        tpu.enqueue_dma source(%dma_start3A_376 : memref<32x50xi32, #tpu.memory_space<hbm>>) target(%arg5 : memref<32x50xi32, #tpu.memory_space<vmem>>) target_semaphore(%arg11 : memref<!tpu.dma_semaphore, #tpu.memory_space<semaphore_mem>>)
      } else {
      }
      %scan3A_113 = arith.constant 0 : i32
      %scan3A_114 = arith.constant 0 : i32
      %scan3A_115 = arith.constant 25 : i32
      %scan3A_116 = arith.addi %scan3A_114, %scan3A_115 : i32
      %scan3A_117 = arith.constant 1 : i32
      scf.for %scan3A_368 = %scan3A_114 to %scan3A_116 step %scan3A_117  : i32 {
        %mul3A_369 = arith.constant 2 : i32
        %mul3A_370 = arith.muli %mul3A_369, %scan3A_368 : i32
        %add3A_371 = arith.constant 0 : i32
        %add3A_372 = arith.addi %mul3A_370, %add3A_371 : i32
        %ge3A = arith.constant 2 : i32
        %ge3A_373 = arith.cmpi sge, %add3A_372, %ge3A : i32
        %convert_element_type3A_374 = arith.extui %ge3A_373 : i1 to i32
        %cond3A_375 = arith.constant 0 : i32
        %cond3A_376 = arith.cmpi ne, %convert_element_type3A_374, %cond3A_375 : i32
        scf.if %cond3A_376 {
          %sub3A_1325 = arith.constant 2 : i32
          %sub3A_1326 = arith.subi %add3A_372, %sub3A_1325 : i32
          %mul3A_1327 = arith.constant 32 : i32
          %mul3A_1328 = arith.muli %add3A_95, %mul3A_1327 : i32
          %add3A_1329 = arith.addi %mul3A_2, %mul3A_1328 : i32
          %jit3A_1330 = arith.constant 128 : i32
          %div3A_1331 = arith.divsi %add3A_1329, %jit3A_1330 : i32
          %sign3A_1332 = arith.constant 0 : i32
          %sign3A_1333 = arith.cmpi sgt, %add3A_1329, %sign3A_1332 : i32
          %sign3A_1334 = arith.extui %sign3A_1333 : i1 to i32
          %sign3A_1335 = arith.constant 0 : i32
          %sign3A_1336 = arith.cmpi slt, %add3A_1329, %sign3A_1335 : i32
          %sign3A_1337 = arith.extui %sign3A_1336 : i1 to i32
          %sign3A_1338 = arith.subi %sign3A_1334, %sign3A_1337 : i32
          %sign3A_1339 = arith.constant 0 : i32
          %sign3A_1340 = arith.cmpi sgt, %jit3A_1330, %sign3A_1339 : i32
          %sign3A_1341 = arith.extui %sign3A_1340 : i1 to i32
          %sign3A_1342 = arith.constant 0 : i32
          %sign3A_1343 = arith.cmpi slt, %jit3A_1330, %sign3A_1342 : i32
          %sign3A_1344 = arith.extui %sign3A_1343 : i1 to i32
          %sign3A_1345 = arith.subi %sign3A_1341, %sign3A_1344 : i32
          %ne3A_1346 = arith.cmpi ne, %sign3A_1338, %sign3A_1345 : i32
          %rem3A_1347 = arith.remsi %add3A_1329, %jit3A_1330 : i32
          %ne3A_1348 = arith.constant 0 : i32
          %ne3A_1349 = arith.cmpi ne, %rem3A_1347, %ne3A_1348 : i32
          %and3A_1350 = arith.andi %ne3A_1346, %ne3A_1349 : i1
          %sub3A_1351 = arith.constant 1 : i32
          %sub3A_1352 = arith.subi %div3A_1331, %sub3A_1351 : i32
          %select_n3A_1353 = arith.select %and3A_1350, %sub3A_1352, %div3A_1331 : i32
          %mul3A_1354 = arith.constant 32 : i32
          %mul3A_1355 = arith.muli %add3A_95, %mul3A_1354 : i32
          %add3A_1356 = arith.addi %mul3A_2, %mul3A_1355 : i32
          %jit3A_1357 = arith.constant 128 : i32
          %eq3A_1358 = arith.constant 0 : i32
          %eq3A_1359 = arith.cmpi eq, %jit3A_1357, %eq3A_1358 : i32
          %jit3A_1360 = arith.constant 1 : i32
          %select_n3A_1361 = arith.select %eq3A_1359, %jit3A_1360, %jit3A_1357 : i32
          %rem3A_1362 = arith.remsi %add3A_1356, %select_n3A_1361 : i32
          %ne3A_1363 = arith.constant 0 : i32
          %ne3A_1364 = arith.cmpi ne, %rem3A_1362, %ne3A_1363 : i32
          %lt3A_1365 = arith.constant 0 : i32
          %lt3A_1366 = arith.cmpi slt, %rem3A_1362, %lt3A_1365 : i32
          %lt3A_1367 = arith.constant 0 : i32
          %lt3A_1368 = arith.cmpi slt, %select_n3A_1361, %lt3A_1367 : i32
          %ne3A_1369 = arith.xori %lt3A_1366, %lt3A_1368 : i1
          %and3A_1370 = arith.andi %ne3A_1369, %ne3A_1364 : i1
          %add3A_1371 = arith.addi %rem3A_1362, %select_n3A_1361 : i32
          %select_n3A_1372 = arith.select %and3A_1370, %add3A_1371, %rem3A_1362 : i32
          %dma_wait3A_1373 = arith.constant 0 : i32
          %dma_wait3A_1374 = arith.constant 0 : i32
          %dma_wait3A_1375 = tpu.memref_slice %arg4[%sub3A_1326, %dma_wait3A_1373, %select_n3A_1353, %dma_wait3A_1374, %select_n3A_1372] : memref<50x4x128x8x128xf32, #tpu.memory_space<hbm>> -> memref<1x4x1x8x32xf32, #tpu.memory_space<hbm>>
          %dma_wait3A_1376 = tpu.memref_squeeze %dma_wait3A_1375 : memref<1x4x1x8x32xf32, #tpu.memory_space<hbm>> -> memref<4x1x8x32xf32, #tpu.memory_space<hbm>>
          %dma_wait3A_1377 = arith.constant 0 : i32
          %dma_wait3A_1378 = arith.constant 0 : i32
          %dma_wait3A_1379 = tpu.memref_slice %arg4[%sub3A_1326, %dma_wait3A_1377, %select_n3A_1353, %dma_wait3A_1378, %select_n3A_1372] : memref<50x4x128x8x128xf32, #tpu.memory_space<hbm>> -> memref<1x4x1x8x32xf32, #tpu.memory_space<hbm>>
          %dma_wait3A_1380 = tpu.memref_squeeze %dma_wait3A_1379 : memref<1x4x1x8x32xf32, #tpu.memory_space<hbm>> -> memref<4x1x8x32xf32, #tpu.memory_space<hbm>>
          tpu.wait_dma2 semaphore(%arg15 : memref<!tpu.dma_semaphore, #tpu.memory_space<semaphore_mem>>) src(%arg9 : memref<4x1x8x32xf32, #tpu.memory_space<vmem>>) dst(%dma_wait3A_1380 : memref<4x1x8x32xf32, #tpu.memory_space<hbm>>)
        } else {
        }
        %add3A_377 = arith.constant 0 : i32
        %add3A_378 = vector.broadcast %add3A_377 : i32 to vector<16xi32>
        %add3A_379 = arith.addi %broadcast_in_dim3A_3, %add3A_378 : vector<16xi32>
        %get3A = arith.constant 0 : i32
        %get3A_380 = arith.index_cast %get3A : i32 to index
        %get3A_381 = arith.index_cast %add3A_372 : i32 to index
        %get3A_382 = arith.constant 0 : index
        %get3A_383 = tpu.vector_load %arg7[%get3A_380, %get3A_381, %get3A_382] {strides = array<i32>} : memref<32x50x32xf32, #tpu.memory_space<vmem>>, vector<16xf32>,
        tpu.vector_store_idx %arg9[%select_n3A, %broadcast_in_dim3A_3, %rem3A_63, %add3A_379], %get3A_383 : memref<4x1x8x32xf32, #tpu.memory_space<vmem>>[vector<16xi32>, vector<16xi32>, vector<16xi32>, vector<16xi32>], vector<16xf32>,
        %get3A_384 = arith.constant 0 : i32
        %get3A_385 = arith.index_cast %get3A_384 : i32 to index
        %get3A_386 = arith.index_cast %add3A_372 : i32 to index
        %get3A_387 = arith.constant 16 : index
        %get3A_388 = tpu.vector_load %arg7[%get3A_385, %get3A_386, %get3A_387] {strides = array<i32>} : memref<32x50x32xf32, #tpu.memory_space<vmem>>, vector<16xf32>,
        tpu.vector_store_idx %arg9[%add3A_60, %broadcast_in_dim3A_3, %rem3A_63, %add3A_379], %get3A_388 : memref<4x1x8x32xf32, #tpu.memory_space<vmem>>[vector<16xi32>, vector<16xi32>, vector<16xi32>, vector<16xi32>], vector<16xf32>,
        %add3A_389 = arith.constant 1 : i32
        %add3A_390 = vector.broadcast %add3A_389 : i32 to vector<16xi32>
        %add3A_391 = arith.addi %broadcast_in_dim3A_3, %add3A_390 : vector<16xi32>
        %get3A_392 = arith.constant 1 : i32
        %get3A_393 = arith.index_cast %get3A_392 : i32 to index
        %get3A_394 = arith.index_cast %add3A_372 : i32 to index
        %get3A_395 = arith.constant 0 : index
        %get3A_396 = tpu.vector_load %arg7[%get3A_393, %get3A_394, %get3A_395] {strides = array<i32>} : memref<32x50x32xf32, #tpu.memory_space<vmem>>, vector<16xf32>,
        tpu.vector_store_idx %arg9[%select_n3A, %broadcast_in_dim3A_3, %rem3A_63, %add3A_391], %get3A_396 : memref<4x1x8x32xf32, #tpu.memory_space<vmem>>[vector<16xi32>, vector<16xi32>, vector<16xi32>, vector<16xi32>], vector<16xf32>,
        %get3A_397 = arith.constant 1 : i32
        %get3A_398 = arith.index_cast %get3A_397 : i32 to index
        %get3A_399 = arith.index_cast %add3A_372 : i32 to index
        %get3A_400 = arith.constant 16 : index
        %get3A_401 = tpu.vector_load %arg7[%get3A_398, %get3A_399, %get3A_400] {strides = array<i32>} : memref<32x50x32xf32, #tpu.memory_space<vmem>>, vector<16xf32>,
        tpu.vector_store_idx %arg9[%add3A_60, %broadcast_in_dim3A_3, %rem3A_63, %add3A_391], %get3A_401 : memref<4x1x8x32xf32, #tpu.memory_space<vmem>>[vector<16xi32>, vector<16xi32>, vector<16xi32>, vector<16xi32>], vector<16xf32>,
        %add3A_402 = arith.constant 2 : i32
        %add3A_403 = vector.broadcast %add3A_402 : i32 to vector<16xi32>
        %add3A_404 = arith.addi %broadcast_in_dim3A_3, %add3A_403 : vector<16xi32>
        %get3A_405 = arith.constant 2 : i32
        %get3A_406 = arith.index_cast %get3A_405 : i32 to index
        %get3A_407 = arith.index_cast %add3A_372 : i32 to index
        %get3A_408 = arith.constant 0 : index
        %get3A_409 = tpu.vector_load %arg7[%get3A_406, %get3A_407, %get3A_408] {strides = array<i32>} : memref<32x50x32xf32, #tpu.memory_space<vmem>>, vector<16xf32>,
        tpu.vector_store_idx %arg9[%select_n3A, %broadcast_in_dim3A_3, %rem3A_63, %add3A_404], %get3A_409 : memref<4x1x8x32xf32, #tpu.memory_space<vmem>>[vector<16xi32>, vector<16xi32>, vector<16xi32>, vector<16xi32>], vector<16xf32>,
        %get3A_410 = arith.constant 2 : i32
        %get3A_411 = arith.index_cast %get3A_410 : i32 to index
        %get3A_412 = arith.index_cast %add3A_372 : i32 to index
        %get3A_413 = arith.constant 16 : index
        %get3A_414 = tpu.vector_load %arg7[%get3A_411, %get3A_412, %get3A_413] {strides = array<i32>} : memref<32x50x32xf32, #tpu.memory_space<vmem>>, vector<16xf32>,
        tpu.vector_store_idx %arg9[%add3A_60, %broadcast_in_dim3A_3, %rem3A_63, %add3A_404], %get3A_414 : memref<4x1x8x32xf32, #tpu.memory_space<vmem>>[vector<16xi32>, vector<16xi32>, vector<16xi32>, vector<16xi32>], vector<16xf32>,
        %add3A_415 = arith.constant 3 : i32
        %add3A_416 = vector.broadcast %add3A_415 : i32 to vector<16xi32>
        %add3A_417 = arith.addi %broadcast_in_dim3A_3, %add3A_416 : vector<16xi32>
        %get3A_418 = arith.constant 3 : i32
        %get3A_419 = arith.index_cast %get3A_418 : i32 to index
        %get3A_420 = arith.index_cast %add3A_372 : i32 to index
        %get3A_421 = arith.constant 0 : index
        %get3A_422 = tpu.vector_load %arg7[%get3A_419, %get3A_420, %get3A_421] {strides = array<i32>} : memref<32x50x32xf32, #tpu.memory_space<vmem>>, vector<16xf32>,
        tpu.vector_store_idx %arg9[%select_n3A, %broadcast_in_dim3A_3, %rem3A_63, %add3A_417], %get3A_422 : memref<4x1x8x32xf32, #tpu.memory_space<vmem>>[vector<16xi32>, vector<16xi32>, vector<16xi32>, vector<16xi32>], vector<16xf32>,
        %get3A_423 = arith.constant 3 : i32
        %get3A_424 = arith.index_cast %get3A_423 : i32 to index
        %get3A_425 = arith.index_cast %add3A_372 : i32 to index
        %get3A_426 = arith.constant 16 : index
        %get3A_427 = tpu.vector_load %arg7[%get3A_424, %get3A_425, %get3A_426] {strides = array<i32>} : memref<32x50x32xf32, #tpu.memory_space<vmem>>, vector<16xf32>,
        tpu.vector_store_idx %arg9[%add3A_60, %broadcast_in_dim3A_3, %rem3A_63, %add3A_417], %get3A_427 : memref<4x1x8x32xf32, #tpu.memory_space<vmem>>[vector<16xi32>, vector<16xi32>, vector<16xi32>, vector<16xi32>], vector<16xf32>,
        %add3A_428 = arith.constant 4 : i32
        %add3A_429 = vector.broadcast %add3A_428 : i32 to vector<16xi32>
        %add3A_430 = arith.addi %broadcast_in_dim3A_3, %add3A_429 : vector<16xi32>
        %get3A_431 = arith.constant 4 : i32
        %get3A_432 = arith.index_cast %get3A_431 : i32 to index
        %get3A_433 = arith.index_cast %add3A_372 : i32 to index
        %get3A_434 = arith.constant 0 : index
        %get3A_435 = tpu.vector_load %arg7[%get3A_432, %get3A_433, %get3A_434] {strides = array<i32>} : memref<32x50x32xf32, #tpu.memory_space<vmem>>, vector<16xf32>,
        tpu.vector_store_idx %arg9[%select_n3A, %broadcast_in_dim3A_3, %rem3A_63, %add3A_430], %get3A_435 : memref<4x1x8x32xf32, #tpu.memory_space<vmem>>[vector<16xi32>, vector<16xi32>, vector<16xi32>, vector<16xi32>], vector<16xf32>,
        %get3A_436 = arith.constant 4 : i32
        %get3A_437 = arith.index_cast %get3A_436 : i32 to index
        %get3A_438 = arith.index_cast %add3A_372 : i32 to index
        %get3A_439 = arith.constant 16 : index
        %get3A_440 = tpu.vector_load %arg7[%get3A_437, %get3A_438, %get3A_439] {strides = array<i32>} : memref<32x50x32xf32, #tpu.memory_space<vmem>>, vector<16xf32>,
        tpu.vector_store_idx %arg9[%add3A_60, %broadcast_in_dim3A_3, %rem3A_63, %add3A_430], %get3A_440 : memref<4x1x8x32xf32, #tpu.memory_space<vmem>>[vector<16xi32>, vector<16xi32>, vector<16xi32>, vector<16xi32>], vector<16xf32>,
        %add3A_441 = arith.constant 5 : i32
        %add3A_442 = vector.broadcast %add3A_441 : i32 to vector<16xi32>
        %add3A_443 = arith.addi %broadcast_in_dim3A_3, %add3A_442 : vector<16xi32>
        %get3A_444 = arith.constant 5 : i32
        %get3A_445 = arith.index_cast %get3A_444 : i32 to index
        %get3A_446 = arith.index_cast %add3A_372 : i32 to index
        %get3A_447 = arith.constant 0 : index
        %get3A_448 = tpu.vector_load %arg7[%get3A_445, %get3A_446, %get3A_447] {strides = array<i32>} : memref<32x50x32xf32, #tpu.memory_space<vmem>>, vector<16xf32>,
        tpu.vector_store_idx %arg9[%select_n3A, %broadcast_in_dim3A_3, %rem3A_63, %add3A_443], %get3A_448 : memref<4x1x8x32xf32, #tpu.memory_space<vmem>>[vector<16xi32>, vector<16xi32>, vector<16xi32>, vector<16xi32>], vector<16xf32>,
        %get3A_449 = arith.constant 5 : i32
        %get3A_450 = arith.index_cast %get3A_449 : i32 to index
        %get3A_451 = arith.index_cast %add3A_372 : i32 to index
        %get3A_452 = arith.constant 16 : index
        %get3A_453 = tpu.vector_load %arg7[%get3A_450, %get3A_451, %get3A_452] {strides = array<i32>} : memref<32x50x32xf32, #tpu.memory_space<vmem>>, vector<16xf32>,
        tpu.vector_store_idx %arg9[%add3A_60, %broadcast_in_dim3A_3, %rem3A_63, %add3A_443], %get3A_453 : memref<4x1x8x32xf32, #tpu.memory_space<vmem>>[vector<16xi32>, vector<16xi32>, vector<16xi32>, vector<16xi32>], vector<16xf32>,
        %add3A_454 = arith.constant 6 : i32
        %add3A_455 = vector.broadcast %add3A_454 : i32 to vector<16xi32>
        %add3A_456 = arith.addi %broadcast_in_dim3A_3, %add3A_455 : vector<16xi32>
        %get3A_457 = arith.constant 6 : i32
        %get3A_458 = arith.index_cast %get3A_457 : i32 to index
        %get3A_459 = arith.index_cast %add3A_372 : i32 to index
        %get3A_460 = arith.constant 0 : index
        %get3A_461 = tpu.vector_load %arg7[%get3A_458, %get3A_459, %get3A_460] {strides = array<i32>} : memref<32x50x32xf32, #tpu.memory_space<vmem>>, vector<16xf32>,
        tpu.vector_store_idx %arg9[%select_n3A, %broadcast_in_dim3A_3, %rem3A_63, %add3A_456], %get3A_461 : memref<4x1x8x32xf32, #tpu.memory_space<vmem>>[vector<16xi32>, vector<16xi32>, vector<16xi32>, vector<16xi32>], vector<16xf32>,
        %get3A_462 = arith.constant 6 : i32
        %get3A_463 = arith.index_cast %get3A_462 : i32 to index
        %get3A_464 = arith.index_cast %add3A_372 : i32 to index
        %get3A_465 = arith.constant 16 : index
        %get3A_466 = tpu.vector_load %arg7[%get3A_463, %get3A_464, %get3A_465] {strides = array<i32>} : memref<32x50x32xf32, #tpu.memory_space<vmem>>, vector<16xf32>,
        tpu.vector_store_idx %arg9[%add3A_60, %broadcast_in_dim3A_3, %rem3A_63, %add3A_456], %get3A_466 : memref<4x1x8x32xf32, #tpu.memory_space<vmem>>[vector<16xi32>, vector<16xi32>, vector<16xi32>, vector<16xi32>], vector<16xf32>,
        %add3A_467 = arith.constant 7 : i32
        %add3A_468 = vector.broadcast %add3A_467 : i32 to vector<16xi32>
        %add3A_469 = arith.addi %broadcast_in_dim3A_3, %add3A_468 : vector<16xi32>
        %get3A_470 = arith.constant 7 : i32
        %get3A_471 = arith.index_cast %get3A_470 : i32 to index
        %get3A_472 = arith.index_cast %add3A_372 : i32 to index
        %get3A_473 = arith.constant 0 : index
        %get3A_474 = tpu.vector_load %arg7[%get3A_471, %get3A_472, %get3A_473] {strides = array<i32>} : memref<32x50x32xf32, #tpu.memory_space<vmem>>, vector<16xf32>,
        tpu.vector_store_idx %arg9[%select_n3A, %broadcast_in_dim3A_3, %rem3A_63, %add3A_469], %get3A_474 : memref<4x1x8x32xf32, #tpu.memory_space<vmem>>[vector<16xi32>, vector<16xi32>, vector<16xi32>, vector<16xi32>], vector<16xf32>,
        %get3A_475 = arith.constant 7 : i32
        %get3A_476 = arith.index_cast %get3A_475 : i32 to index
        %get3A_477 = arith.index_cast %add3A_372 : i32 to index
        %get3A_478 = arith.constant 16 : index
        %get3A_479 = tpu.vector_load %arg7[%get3A_476, %get3A_477, %get3A_478] {strides = array<i32>} : memref<32x50x32xf32, #tpu.memory_space<vmem>>, vector<16xf32>,
        tpu.vector_store_idx %arg9[%add3A_60, %broadcast_in_dim3A_3, %rem3A_63, %add3A_469], %get3A_479 : memref<4x1x8x32xf32, #tpu.memory_space<vmem>>[vector<16xi32>, vector<16xi32>, vector<16xi32>, vector<16xi32>], vector<16xf32>,
        %add3A_480 = arith.constant 8 : i32
        %add3A_481 = vector.broadcast %add3A_480 : i32 to vector<16xi32>
        %add3A_482 = arith.addi %broadcast_in_dim3A_3, %add3A_481 : vector<16xi32>
        %get3A_483 = arith.constant 8 : i32
        %get3A_484 = arith.index_cast %get3A_483 : i32 to index
        %get3A_485 = arith.index_cast %add3A_372 : i32 to index
        %get3A_486 = arith.constant 0 : index
        %get3A_487 = tpu.vector_load %arg7[%get3A_484, %get3A_485, %get3A_486] {strides = array<i32>} : memref<32x50x32xf32, #tpu.memory_space<vmem>>, vector<16xf32>,
        tpu.vector_store_idx %arg9[%select_n3A, %broadcast_in_dim3A_3, %rem3A_63, %add3A_482], %get3A_487 : memref<4x1x8x32xf32, #tpu.memory_space<vmem>>[vector<16xi32>, vector<16xi32>, vector<16xi32>, vector<16xi32>], vector<16xf32>,
        %get3A_488 = arith.constant 8 : i32
        %get3A_489 = arith.index_cast %get3A_488 : i32 to index
        %get3A_490 = arith.index_cast %add3A_372 : i32 to index
        %get3A_491 = arith.constant 16 : index
        %get3A_492 = tpu.vector_load %arg7[%get3A_489, %get3A_490, %get3A_491] {strides = array<i32>} : memref<32x50x32xf32, #tpu.memory_space<vmem>>, vector<16xf32>,
        tpu.vector_store_idx %arg9[%add3A_60, %broadcast_in_dim3A_3, %rem3A_63, %add3A_482], %get3A_492 : memref<4x1x8x32xf32, #tpu.memory_space<vmem>>[vector<16xi32>, vector<16xi32>, vector<16xi32>, vector<16xi32>], vector<16xf32>,
        %add3A_493 = arith.constant 9 : i32
        %add3A_494 = vector.broadcast %add3A_493 : i32 to vector<16xi32>
        %add3A_495 = arith.addi %broadcast_in_dim3A_3, %add3A_494 : vector<16xi32>
        %get3A_496 = arith.constant 9 : i32
        %get3A_497 = arith.index_cast %get3A_496 : i32 to index
        %get3A_498 = arith.index_cast %add3A_372 : i32 to index
        %get3A_499 = arith.constant 0 : index
        %get3A_500 = tpu.vector_load %arg7[%get3A_497, %get3A_498, %get3A_499] {strides = array<i32>} : memref<32x50x32xf32, #tpu.memory_space<vmem>>, vector<16xf32>,
        tpu.vector_store_idx %arg9[%select_n3A, %broadcast_in_dim3A_3, %rem3A_63, %add3A_495], %get3A_500 : memref<4x1x8x32xf32, #tpu.memory_space<vmem>>[vector<16xi32>, vector<16xi32>, vector<16xi32>, vector<16xi32>], vector<16xf32>,
        %get3A_501 = arith.constant 9 : i32
        %get3A_502 = arith.index_cast %get3A_501 : i32 to index
        %get3A_503 = arith.index_cast %add3A_372 : i32 to index
        %get3A_504 = arith.constant 16 : index
        %get3A_505 = tpu.vector_load %arg7[%get3A_502, %get3A_503, %get3A_504] {strides = array<i32>} : memref<32x50x32xf32, #tpu.memory_space<vmem>>, vector<16xf32>,
        tpu.vector_store_idx %arg9[%add3A_60, %broadcast_in_dim3A_3, %rem3A_63, %add3A_495], %get3A_505 : memref<4x1x8x32xf32, #tpu.memory_space<vmem>>[vector<16xi32>, vector<16xi32>, vector<16xi32>, vector<16xi32>], vector<16xf32>,
        %add3A_506 = arith.constant 10 : i32
        %add3A_507 = vector.broadcast %add3A_506 : i32 to vector<16xi32>
        %add3A_508 = arith.addi %broadcast_in_dim3A_3, %add3A_507 : vector<16xi32>
        %get3A_509 = arith.constant 10 : i32
        %get3A_510 = arith.index_cast %get3A_509 : i32 to index
        %get3A_511 = arith.index_cast %add3A_372 : i32 to index
        %get3A_512 = arith.constant 0 : index
        %get3A_513 = tpu.vector_load %arg7[%get3A_510, %get3A_511, %get3A_512] {strides = array<i32>} : memref<32x50x32xf32, #tpu.memory_space<vmem>>, vector<16xf32>,
        tpu.vector_store_idx %arg9[%select_n3A, %broadcast_in_dim3A_3, %rem3A_63, %add3A_508], %get3A_513 : memref<4x1x8x32xf32, #tpu.memory_space<vmem>>[vector<16xi32>, vector<16xi32>, vector<16xi32>, vector<16xi32>], vector<16xf32>,
        %get3A_514 = arith.constant 10 : i32
        %get3A_515 = arith.index_cast %get3A_514 : i32 to index
        %get3A_516 = arith.index_cast %add3A_372 : i32 to index
        %get3A_517 = arith.constant 16 : index
        %get3A_518 = tpu.vector_load %arg7[%get3A_515, %get3A_516, %get3A_517] {strides = array<i32>} : memref<32x50x32xf32, #tpu.memory_space<vmem>>, vector<16xf32>,
        tpu.vector_store_idx %arg9[%add3A_60, %broadcast_in_dim3A_3, %rem3A_63, %add3A_508], %get3A_518 : memref<4x1x8x32xf32, #tpu.memory_space<vmem>>[vector<16xi32>, vector<16xi32>, vector<16xi32>, vector<16xi32>], vector<16xf32>,
        %add3A_519 = arith.constant 11 : i32
        %add3A_520 = vector.broadcast %add3A_519 : i32 to vector<16xi32>
        %add3A_521 = arith.addi %broadcast_in_dim3A_3, %add3A_520 : vector<16xi32>
        %get3A_522 = arith.constant 11 : i32
        %get3A_523 = arith.index_cast %get3A_522 : i32 to index
        %get3A_524 = arith.index_cast %add3A_372 : i32 to index
        %get3A_525 = arith.constant 0 : index
        %get3A_526 = tpu.vector_load %arg7[%get3A_523, %get3A_524, %get3A_525] {strides = array<i32>} : memref<32x50x32xf32, #tpu.memory_space<vmem>>, vector<16xf32>,
        tpu.vector_store_idx %arg9[%select_n3A, %broadcast_in_dim3A_3, %rem3A_63, %add3A_521], %get3A_526 : memref<4x1x8x32xf32, #tpu.memory_space<vmem>>[vector<16xi32>, vector<16xi32>, vector<16xi32>, vector<16xi32>], vector<16xf32>,
        %get3A_527 = arith.constant 11 : i32
        %get3A_528 = arith.index_cast %get3A_527 : i32 to index
        %get3A_529 = arith.index_cast %add3A_372 : i32 to index
        %get3A_530 = arith.constant 16 : index
        %get3A_531 = tpu.vector_load %arg7[%get3A_528, %get3A_529, %get3A_530] {strides = array<i32>} : memref<32x50x32xf32, #tpu.memory_space<vmem>>, vector<16xf32>,
        tpu.vector_store_idx %arg9[%add3A_60, %broadcast_in_dim3A_3, %rem3A_63, %add3A_521], %get3A_531 : memref<4x1x8x32xf32, #tpu.memory_space<vmem>>[vector<16xi32>, vector<16xi32>, vector<16xi32>, vector<16xi32>], vector<16xf32>,
        %add3A_532 = arith.constant 12 : i32
        %add3A_533 = vector.broadcast %add3A_532 : i32 to vector<16xi32>
        %add3A_534 = arith.addi %broadcast_in_dim3A_3, %add3A_533 : vector<16xi32>
        %get3A_535 = arith.constant 12 : i32
        %get3A_536 = arith.index_cast %get3A_535 : i32 to index
        %get3A_537 = arith.index_cast %add3A_372 : i32 to index
        %get3A_538 = arith.constant 0 : index
        %get3A_539 = tpu.vector_load %arg7[%get3A_536, %get3A_537, %get3A_538] {strides = array<i32>} : memref<32x50x32xf32, #tpu.memory_space<vmem>>, vector<16xf32>,
        tpu.vector_store_idx %arg9[%select_n3A, %broadcast_in_dim3A_3, %rem3A_63, %add3A_534], %get3A_539 : memref<4x1x8x32xf32, #tpu.memory_space<vmem>>[vector<16xi32>, vector<16xi32>, vector<16xi32>, vector<16xi32>], vector<16xf32>,
        %get3A_540 = arith.constant 12 : i32
        %get3A_541 = arith.index_cast %get3A_540 : i32 to index
        %get3A_542 = arith.index_cast %add3A_372 : i32 to index
        %get3A_543 = arith.constant 16 : index
        %get3A_544 = tpu.vector_load %arg7[%get3A_541, %get3A_542, %get3A_543] {strides = array<i32>} : memref<32x50x32xf32, #tpu.memory_space<vmem>>, vector<16xf32>,
        tpu.vector_store_idx %arg9[%add3A_60, %broadcast_in_dim3A_3, %rem3A_63, %add3A_534], %get3A_544 : memref<4x1x8x32xf32, #tpu.memory_space<vmem>>[vector<16xi32>, vector<16xi32>, vector<16xi32>, vector<16xi32>], vector<16xf32>,
        %add3A_545 = arith.constant 13 : i32
        %add3A_546 = vector.broadcast %add3A_545 : i32 to vector<16xi32>
        %add3A_547 = arith.addi %broadcast_in_dim3A_3, %add3A_546 : vector<16xi32>
        %get3A_548 = arith.constant 13 : i32
        %get3A_549 = arith.index_cast %get3A_548 : i32 to index
        %get3A_550 = arith.index_cast %add3A_372 : i32 to index
        %get3A_551 = arith.constant 0 : index
        %get3A_552 = tpu.vector_load %arg7[%get3A_549, %get3A_550, %get3A_551] {strides = array<i32>} : memref<32x50x32xf32, #tpu.memory_space<vmem>>, vector<16xf32>,
        tpu.vector_store_idx %arg9[%select_n3A, %broadcast_in_dim3A_3, %rem3A_63, %add3A_547], %get3A_552 : memref<4x1x8x32xf32, #tpu.memory_space<vmem>>[vector<16xi32>, vector<16xi32>, vector<16xi32>, vector<16xi32>], vector<16xf32>,
        %get3A_553 = arith.constant 13 : i32
        %get3A_554 = arith.index_cast %get3A_553 : i32 to index
        %get3A_555 = arith.index_cast %add3A_372 : i32 to index
        %get3A_556 = arith.constant 16 : index
        %get3A_557 = tpu.vector_load %arg7[%get3A_554, %get3A_555, %get3A_556] {strides = array<i32>} : memref<32x50x32xf32, #tpu.memory_space<vmem>>, vector<16xf32>,
        tpu.vector_store_idx %arg9[%add3A_60, %broadcast_in_dim3A_3, %rem3A_63, %add3A_547], %get3A_557 : memref<4x1x8x32xf32, #tpu.memory_space<vmem>>[vector<16xi32>, vector<16xi32>, vector<16xi32>, vector<16xi32>], vector<16xf32>,
        %add3A_558 = arith.constant 14 : i32
        %add3A_559 = vector.broadcast %add3A_558 : i32 to vector<16xi32>
        %add3A_560 = arith.addi %broadcast_in_dim3A_3, %add3A_559 : vector<16xi32>
        %get3A_561 = arith.constant 14 : i32
        %get3A_562 = arith.index_cast %get3A_561 : i32 to index
        %get3A_563 = arith.index_cast %add3A_372 : i32 to index
        %get3A_564 = arith.constant 0 : index
        %get3A_565 = tpu.vector_load %arg7[%get3A_562, %get3A_563, %get3A_564] {strides = array<i32>} : memref<32x50x32xf32, #tpu.memory_space<vmem>>, vector<16xf32>,
        tpu.vector_store_idx %arg9[%select_n3A, %broadcast_in_dim3A_3, %rem3A_63, %add3A_560], %get3A_565 : memref<4x1x8x32xf32, #tpu.memory_space<vmem>>[vector<16xi32>, vector<16xi32>, vector<16xi32>, vector<16xi32>], vector<16xf32>,
        %get3A_566 = arith.constant 14 : i32
        %get3A_567 = arith.index_cast %get3A_566 : i32 to index
        %get3A_568 = arith.index_cast %add3A_372 : i32 to index
        %get3A_569 = arith.constant 16 : index
        %get3A_570 = tpu.vector_load %arg7[%get3A_567, %get3A_568, %get3A_569] {strides = array<i32>} : memref<32x50x32xf32, #tpu.memory_space<vmem>>, vector<16xf32>,
        tpu.vector_store_idx %arg9[%add3A_60, %broadcast_in_dim3A_3, %rem3A_63, %add3A_560], %get3A_570 : memref<4x1x8x32xf32, #tpu.memory_space<vmem>>[vector<16xi32>, vector<16xi32>, vector<16xi32>, vector<16xi32>], vector<16xf32>,
        %add3A_571 = arith.constant 15 : i32
        %add3A_572 = vector.broadcast %add3A_571 : i32 to vector<16xi32>
        %add3A_573 = arith.addi %broadcast_in_dim3A_3, %add3A_572 : vector<16xi32>
        %get3A_574 = arith.constant 15 : i32
        %get3A_575 = arith.index_cast %get3A_574 : i32 to index
        %get3A_576 = arith.index_cast %add3A_372 : i32 to index
        %get3A_577 = arith.constant 0 : index
        %get3A_578 = tpu.vector_load %arg7[%get3A_575, %get3A_576, %get3A_577] {strides = array<i32>} : memref<32x50x32xf32, #tpu.memory_space<vmem>>, vector<16xf32>,
        tpu.vector_store_idx %arg9[%select_n3A, %broadcast_in_dim3A_3, %rem3A_63, %add3A_573], %get3A_578 : memref<4x1x8x32xf32, #tpu.memory_space<vmem>>[vector<16xi32>, vector<16xi32>, vector<16xi32>, vector<16xi32>], vector<16xf32>,
        %get3A_579 = arith.constant 15 : i32
        %get3A_580 = arith.index_cast %get3A_579 : i32 to index
        %get3A_581 = arith.index_cast %add3A_372 : i32 to index
        %get3A_582 = arith.constant 16 : index
        %get3A_583 = tpu.vector_load %arg7[%get3A_580, %get3A_581, %get3A_582] {strides = array<i32>} : memref<32x50x32xf32, #tpu.memory_space<vmem>>, vector<16xf32>,
        tpu.vector_store_idx %arg9[%add3A_60, %broadcast_in_dim3A_3, %rem3A_63, %add3A_573], %get3A_583 : memref<4x1x8x32xf32, #tpu.memory_space<vmem>>[vector<16xi32>, vector<16xi32>, vector<16xi32>, vector<16xi32>], vector<16xf32>,
        %add3A_584 = arith.constant 16 : i32
        %add3A_585 = vector.broadcast %add3A_584 : i32 to vector<16xi32>
        %add3A_586 = arith.addi %broadcast_in_dim3A_3, %add3A_585 : vector<16xi32>
        %get3A_587 = arith.constant 16 : i32
        %get3A_588 = arith.index_cast %get3A_587 : i32 to index
        %get3A_589 = arith.index_cast %add3A_372 : i32 to index
        %get3A_590 = arith.constant 0 : index
        %get3A_591 = tpu.vector_load %arg7[%get3A_588, %get3A_589, %get3A_590] {strides = array<i32>} : memref<32x50x32xf32, #tpu.memory_space<vmem>>, vector<16xf32>,
        tpu.vector_store_idx %arg9[%select_n3A, %broadcast_in_dim3A_3, %rem3A_63, %add3A_586], %get3A_591 : memref<4x1x8x32xf32, #tpu.memory_space<vmem>>[vector<16xi32>, vector<16xi32>, vector<16xi32>, vector<16xi32>], vector<16xf32>,
        %get3A_592 = arith.constant 16 : i32
        %get3A_593 = arith.index_cast %get3A_592 : i32 to index
        %get3A_594 = arith.index_cast %add3A_372 : i32 to index
        %get3A_595 = arith.constant 16 : index
        %get3A_596 = tpu.vector_load %arg7[%get3A_593, %get3A_594, %get3A_595] {strides = array<i32>} : memref<32x50x32xf32, #tpu.memory_space<vmem>>, vector<16xf32>,
        tpu.vector_store_idx %arg9[%add3A_60, %broadcast_in_dim3A_3, %rem3A_63, %add3A_586], %get3A_596 : memref<4x1x8x32xf32, #tpu.memory_space<vmem>>[vector<16xi32>, vector<16xi32>, vector<16xi32>, vector<16xi32>], vector<16xf32>,
        %add3A_597 = arith.constant 17 : i32
        %add3A_598 = vector.broadcast %add3A_597 : i32 to vector<16xi32>
        %add3A_599 = arith.addi %broadcast_in_dim3A_3, %add3A_598 : vector<16xi32>
        %get3A_600 = arith.constant 17 : i32
        %get3A_601 = arith.index_cast %get3A_600 : i32 to index
        %get3A_602 = arith.index_cast %add3A_372 : i32 to index
        %get3A_603 = arith.constant 0 : index
        %get3A_604 = tpu.vector_load %arg7[%get3A_601, %get3A_602, %get3A_603] {strides = array<i32>} : memref<32x50x32xf32, #tpu.memory_space<vmem>>, vector<16xf32>,
        tpu.vector_store_idx %arg9[%select_n3A, %broadcast_in_dim3A_3, %rem3A_63, %add3A_599], %get3A_604 : memref<4x1x8x32xf32, #tpu.memory_space<vmem>>[vector<16xi32>, vector<16xi32>, vector<16xi32>, vector<16xi32>], vector<16xf32>,
        %get3A_605 = arith.constant 17 : i32
        %get3A_606 = arith.index_cast %get3A_605 : i32 to index
        %get3A_607 = arith.index_cast %add3A_372 : i32 to index
        %get3A_608 = arith.constant 16 : index
        %get3A_609 = tpu.vector_load %arg7[%get3A_606, %get3A_607, %get3A_608] {strides = array<i32>} : memref<32x50x32xf32, #tpu.memory_space<vmem>>, vector<16xf32>,
        tpu.vector_store_idx %arg9[%add3A_60, %broadcast_in_dim3A_3, %rem3A_63, %add3A_599], %get3A_609 : memref<4x1x8x32xf32, #tpu.memory_space<vmem>>[vector<16xi32>, vector<16xi32>, vector<16xi32>, vector<16xi32>], vector<16xf32>,
        %add3A_610 = arith.constant 18 : i32
        %add3A_611 = vector.broadcast %add3A_610 : i32 to vector<16xi32>
        %add3A_612 = arith.addi %broadcast_in_dim3A_3, %add3A_611 : vector<16xi32>
        %get3A_613 = arith.constant 18 : i32
        %get3A_614 = arith.index_cast %get3A_613 : i32 to index
        %get3A_615 = arith.index_cast %add3A_372 : i32 to index
        %get3A_616 = arith.constant 0 : index
        %get3A_617 = tpu.vector_load %arg7[%get3A_614, %get3A_615, %get3A_616] {strides = array<i32>} : memref<32x50x32xf32, #tpu.memory_space<vmem>>, vector<16xf32>,
        tpu.vector_store_idx %arg9[%select_n3A, %broadcast_in_dim3A_3, %rem3A_63, %add3A_612], %get3A_617 : memref<4x1x8x32xf32, #tpu.memory_space<vmem>>[vector<16xi32>, vector<16xi32>, vector<16xi32>, vector<16xi32>], vector<16xf32>,
        %get3A_618 = arith.constant 18 : i32
        %get3A_619 = arith.index_cast %get3A_618 : i32 to index
        %get3A_620 = arith.index_cast %add3A_372 : i32 to index
        %get3A_621 = arith.constant 16 : index
        %get3A_622 = tpu.vector_load %arg7[%get3A_619, %get3A_620, %get3A_621] {strides = array<i32>} : memref<32x50x32xf32, #tpu.memory_space<vmem>>, vector<16xf32>,
        tpu.vector_store_idx %arg9[%add3A_60, %broadcast_in_dim3A_3, %rem3A_63, %add3A_612], %get3A_622 : memref<4x1x8x32xf32, #tpu.memory_space<vmem>>[vector<16xi32>, vector<16xi32>, vector<16xi32>, vector<16xi32>], vector<16xf32>,
        %add3A_623 = arith.constant 19 : i32
        %add3A_624 = vector.broadcast %add3A_623 : i32 to vector<16xi32>
        %add3A_625 = arith.addi %broadcast_in_dim3A_3, %add3A_624 : vector<16xi32>
        %get3A_626 = arith.constant 19 : i32
        %get3A_627 = arith.index_cast %get3A_626 : i32 to index
        %get3A_628 = arith.index_cast %add3A_372 : i32 to index
        %get3A_629 = arith.constant 0 : index
        %get3A_630 = tpu.vector_load %arg7[%get3A_627, %get3A_628, %get3A_629] {strides = array<i32>} : memref<32x50x32xf32, #tpu.memory_space<vmem>>, vector<16xf32>,
        tpu.vector_store_idx %arg9[%select_n3A, %broadcast_in_dim3A_3, %rem3A_63, %add3A_625], %get3A_630 : memref<4x1x8x32xf32, #tpu.memory_space<vmem>>[vector<16xi32>, vector<16xi32>, vector<16xi32>, vector<16xi32>], vector<16xf32>,
        %get3A_631 = arith.constant 19 : i32
        %get3A_632 = arith.index_cast %get3A_631 : i32 to index
        %get3A_633 = arith.index_cast %add3A_372 : i32 to index
        %get3A_634 = arith.constant 16 : index
        %get3A_635 = tpu.vector_load %arg7[%get3A_632, %get3A_633, %get3A_634] {strides = array<i32>} : memref<32x50x32xf32, #tpu.memory_space<vmem>>, vector<16xf32>,
        tpu.vector_store_idx %arg9[%add3A_60, %broadcast_in_dim3A_3, %rem3A_63, %add3A_625], %get3A_635 : memref<4x1x8x32xf32, #tpu.memory_space<vmem>>[vector<16xi32>, vector<16xi32>, vector<16xi32>, vector<16xi32>], vector<16xf32>,
        %add3A_636 = arith.constant 20 : i32
        %add3A_637 = vector.broadcast %add3A_636 : i32 to vector<16xi32>
        %add3A_638 = arith.addi %broadcast_in_dim3A_3, %add3A_637 : vector<16xi32>
        %get3A_639 = arith.constant 20 : i32
        %get3A_640 = arith.index_cast %get3A_639 : i32 to index
        %get3A_641 = arith.index_cast %add3A_372 : i32 to index
        %get3A_642 = arith.constant 0 : index
        %get3A_643 = tpu.vector_load %arg7[%get3A_640, %get3A_641, %get3A_642] {strides = array<i32>} : memref<32x50x32xf32, #tpu.memory_space<vmem>>, vector<16xf32>,
        tpu.vector_store_idx %arg9[%select_n3A, %broadcast_in_dim3A_3, %rem3A_63, %add3A_638], %get3A_643 : memref<4x1x8x32xf32, #tpu.memory_space<vmem>>[vector<16xi32>, vector<16xi32>, vector<16xi32>, vector<16xi32>], vector<16xf32>,
        %get3A_644 = arith.constant 20 : i32
        %get3A_645 = arith.index_cast %get3A_644 : i32 to index
        %get3A_646 = arith.index_cast %add3A_372 : i32 to index
        %get3A_647 = arith.constant 16 : index
        %get3A_648 = tpu.vector_load %arg7[%get3A_645, %get3A_646, %get3A_647] {strides = array<i32>} : memref<32x50x32xf32, #tpu.memory_space<vmem>>, vector<16xf32>,
        tpu.vector_store_idx %arg9[%add3A_60, %broadcast_in_dim3A_3, %rem3A_63, %add3A_638], %get3A_648 : memref<4x1x8x32xf32, #tpu.memory_space<vmem>>[vector<16xi32>, vector<16xi32>, vector<16xi32>, vector<16xi32>], vector<16xf32>,
        %add3A_649 = arith.constant 21 : i32
        %add3A_650 = vector.broadcast %add3A_649 : i32 to vector<16xi32>
        %add3A_651 = arith.addi %broadcast_in_dim3A_3, %add3A_650 : vector<16xi32>
        %get3A_652 = arith.constant 21 : i32
        %get3A_653 = arith.index_cast %get3A_652 : i32 to index
        %get3A_654 = arith.index_cast %add3A_372 : i32 to index
        %get3A_655 = arith.constant 0 : index
        %get3A_656 = tpu.vector_load %arg7[%get3A_653, %get3A_654, %get3A_655] {strides = array<i32>} : memref<32x50x32xf32, #tpu.memory_space<vmem>>, vector<16xf32>,
        tpu.vector_store_idx %arg9[%select_n3A, %broadcast_in_dim3A_3, %rem3A_63, %add3A_651], %get3A_656 : memref<4x1x8x32xf32, #tpu.memory_space<vmem>>[vector<16xi32>, vector<16xi32>, vector<16xi32>, vector<16xi32>], vector<16xf32>,
        %get3A_657 = arith.constant 21 : i32
        %get3A_658 = arith.index_cast %get3A_657 : i32 to index
        %get3A_659 = arith.index_cast %add3A_372 : i32 to index
        %get3A_660 = arith.constant 16 : index
        %get3A_661 = tpu.vector_load %arg7[%get3A_658, %get3A_659, %get3A_660] {strides = array<i32>} : memref<32x50x32xf32, #tpu.memory_space<vmem>>, vector<16xf32>,
        tpu.vector_store_idx %arg9[%add3A_60, %broadcast_in_dim3A_3, %rem3A_63, %add3A_651], %get3A_661 : memref<4x1x8x32xf32, #tpu.memory_space<vmem>>[vector<16xi32>, vector<16xi32>, vector<16xi32>, vector<16xi32>], vector<16xf32>,
        %add3A_662 = arith.constant 22 : i32
        %add3A_663 = vector.broadcast %add3A_662 : i32 to vector<16xi32>
        %add3A_664 = arith.addi %broadcast_in_dim3A_3, %add3A_663 : vector<16xi32>
        %get3A_665 = arith.constant 22 : i32
        %get3A_666 = arith.index_cast %get3A_665 : i32 to index
        %get3A_667 = arith.index_cast %add3A_372 : i32 to index
        %get3A_668 = arith.constant 0 : index
        %get3A_669 = tpu.vector_load %arg7[%get3A_666, %get3A_667, %get3A_668] {strides = array<i32>} : memref<32x50x32xf32, #tpu.memory_space<vmem>>, vector<16xf32>,
        tpu.vector_store_idx %arg9[%select_n3A, %broadcast_in_dim3A_3, %rem3A_63, %add3A_664], %get3A_669 : memref<4x1x8x32xf32, #tpu.memory_space<vmem>>[vector<16xi32>, vector<16xi32>, vector<16xi32>, vector<16xi32>], vector<16xf32>,
        %get3A_670 = arith.constant 22 : i32
        %get3A_671 = arith.index_cast %get3A_670 : i32 to index
        %get3A_672 = arith.index_cast %add3A_372 : i32 to index
        %get3A_673 = arith.constant 16 : index
        %get3A_674 = tpu.vector_load %arg7[%get3A_671, %get3A_672, %get3A_673] {strides = array<i32>} : memref<32x50x32xf32, #tpu.memory_space<vmem>>, vector<16xf32>,
        tpu.vector_store_idx %arg9[%add3A_60, %broadcast_in_dim3A_3, %rem3A_63, %add3A_664], %get3A_674 : memref<4x1x8x32xf32, #tpu.memory_space<vmem>>[vector<16xi32>, vector<16xi32>, vector<16xi32>, vector<16xi32>], vector<16xf32>,
        %add3A_675 = arith.constant 23 : i32
        %add3A_676 = vector.broadcast %add3A_675 : i32 to vector<16xi32>
        %add3A_677 = arith.addi %broadcast_in_dim3A_3, %add3A_676 : vector<16xi32>
        %get3A_678 = arith.constant 23 : i32
        %get3A_679 = arith.index_cast %get3A_678 : i32 to index
        %get3A_680 = arith.index_cast %add3A_372 : i32 to index
        %get3A_681 = arith.constant 0 : index
        %get3A_682 = tpu.vector_load %arg7[%get3A_679, %get3A_680, %get3A_681] {strides = array<i32>} : memref<32x50x32xf32, #tpu.memory_space<vmem>>, vector<16xf32>,
        tpu.vector_store_idx %arg9[%select_n3A, %broadcast_in_dim3A_3, %rem3A_63, %add3A_677], %get3A_682 : memref<4x1x8x32xf32, #tpu.memory_space<vmem>>[vector<16xi32>, vector<16xi32>, vector<16xi32>, vector<16xi32>], vector<16xf32>,
        %get3A_683 = arith.constant 23 : i32
        %get3A_684 = arith.index_cast %get3A_683 : i32 to index
        %get3A_685 = arith.index_cast %add3A_372 : i32 to index
        %get3A_686 = arith.constant 16 : index
        %get3A_687 = tpu.vector_load %arg7[%get3A_684, %get3A_685, %get3A_686] {strides = array<i32>} : memref<32x50x32xf32, #tpu.memory_space<vmem>>, vector<16xf32>,
        tpu.vector_store_idx %arg9[%add3A_60, %broadcast_in_dim3A_3, %rem3A_63, %add3A_677], %get3A_687 : memref<4x1x8x32xf32, #tpu.memory_space<vmem>>[vector<16xi32>, vector<16xi32>, vector<16xi32>, vector<16xi32>], vector<16xf32>,
        %add3A_688 = arith.constant 24 : i32
        %add3A_689 = vector.broadcast %add3A_688 : i32 to vector<16xi32>
        %add3A_690 = arith.addi %broadcast_in_dim3A_3, %add3A_689 : vector<16xi32>
        %get3A_691 = arith.constant 24 : i32
        %get3A_692 = arith.index_cast %get3A_691 : i32 to index
        %get3A_693 = arith.index_cast %add3A_372 : i32 to index
        %get3A_694 = arith.constant 0 : index
        %get3A_695 = tpu.vector_load %arg7[%get3A_692, %get3A_693, %get3A_694] {strides = array<i32>} : memref<32x50x32xf32, #tpu.memory_space<vmem>>, vector<16xf32>,
        tpu.vector_store_idx %arg9[%select_n3A, %broadcast_in_dim3A_3, %rem3A_63, %add3A_690], %get3A_695 : memref<4x1x8x32xf32, #tpu.memory_space<vmem>>[vector<16xi32>, vector<16xi32>, vector<16xi32>, vector<16xi32>], vector<16xf32>,
        %get3A_696 = arith.constant 24 : i32
        %get3A_697 = arith.index_cast %get3A_696 : i32 to index
        %get3A_698 = arith.index_cast %add3A_372 : i32 to index
        %get3A_699 = arith.constant 16 : index
        %get3A_700 = tpu.vector_load %arg7[%get3A_697, %get3A_698, %get3A_699] {strides = array<i32>} : memref<32x50x32xf32, #tpu.memory_space<vmem>>, vector<16xf32>,
        tpu.vector_store_idx %arg9[%add3A_60, %broadcast_in_dim3A_3, %rem3A_63, %add3A_690], %get3A_700 : memref<4x1x8x32xf32, #tpu.memory_space<vmem>>[vector<16xi32>, vector<16xi32>, vector<16xi32>, vector<16xi32>], vector<16xf32>,
        %add3A_701 = arith.constant 25 : i32
        %add3A_702 = vector.broadcast %add3A_701 : i32 to vector<16xi32>
        %add3A_703 = arith.addi %broadcast_in_dim3A_3, %add3A_702 : vector<16xi32>
        %get3A_704 = arith.constant 25 : i32
        %get3A_705 = arith.index_cast %get3A_704 : i32 to index
        %get3A_706 = arith.index_cast %add3A_372 : i32 to index
        %get3A_707 = arith.constant 0 : index
        %get3A_708 = tpu.vector_load %arg7[%get3A_705, %get3A_706, %get3A_707] {strides = array<i32>} : memref<32x50x32xf32, #tpu.memory_space<vmem>>, vector<16xf32>,
        tpu.vector_store_idx %arg9[%select_n3A, %broadcast_in_dim3A_3, %rem3A_63, %add3A_703], %get3A_708 : memref<4x1x8x32xf32, #tpu.memory_space<vmem>>[vector<16xi32>, vector<16xi32>, vector<16xi32>, vector<16xi32>], vector<16xf32>,
        %get3A_709 = arith.constant 25 : i32
        %get3A_710 = arith.index_cast %get3A_709 : i32 to index
        %get3A_711 = arith.index_cast %add3A_372 : i32 to index
        %get3A_712 = arith.constant 16 : index
        %get3A_713 = tpu.vector_load %arg7[%get3A_710, %get3A_711, %get3A_712] {strides = array<i32>} : memref<32x50x32xf32, #tpu.memory_space<vmem>>, vector<16xf32>,
        tpu.vector_store_idx %arg9[%add3A_60, %broadcast_in_dim3A_3, %rem3A_63, %add3A_703], %get3A_713 : memref<4x1x8x32xf32, #tpu.memory_space<vmem>>[vector<16xi32>, vector<16xi32>, vector<16xi32>, vector<16xi32>], vector<16xf32>,
        %add3A_714 = arith.constant 26 : i32
        %add3A_715 = vector.broadcast %add3A_714 : i32 to vector<16xi32>
        %add3A_716 = arith.addi %broadcast_in_dim3A_3, %add3A_715 : vector<16xi32>
        %get3A_717 = arith.constant 26 : i32
        %get3A_718 = arith.index_cast %get3A_717 : i32 to index
        %get3A_719 = arith.index_cast %add3A_372 : i32 to index
        %get3A_720 = arith.constant 0 : index
        %get3A_721 = tpu.vector_load %arg7[%get3A_718, %get3A_719, %get3A_720] {strides = array<i32>} : memref<32x50x32xf32, #tpu.memory_space<vmem>>, vector<16xf32>,
        tpu.vector_store_idx %arg9[%select_n3A, %broadcast_in_dim3A_3, %rem3A_63, %add3A_716], %get3A_721 : memref<4x1x8x32xf32, #tpu.memory_space<vmem>>[vector<16xi32>, vector<16xi32>, vector<16xi32>, vector<16xi32>], vector<16xf32>,
        %get3A_722 = arith.constant 26 : i32
        %get3A_723 = arith.index_cast %get3A_722 : i32 to index
        %get3A_724 = arith.index_cast %add3A_372 : i32 to index
        %get3A_725 = arith.constant 16 : index
        %get3A_726 = tpu.vector_load %arg7[%get3A_723, %get3A_724, %get3A_725] {strides = array<i32>} : memref<32x50x32xf32, #tpu.memory_space<vmem>>, vector<16xf32>,
        tpu.vector_store_idx %arg9[%add3A_60, %broadcast_in_dim3A_3, %rem3A_63, %add3A_716], %get3A_726 : memref<4x1x8x32xf32, #tpu.memory_space<vmem>>[vector<16xi32>, vector<16xi32>, vector<16xi32>, vector<16xi32>], vector<16xf32>,
        %add3A_727 = arith.constant 27 : i32
        %add3A_728 = vector.broadcast %add3A_727 : i32 to vector<16xi32>
        %add3A_729 = arith.addi %broadcast_in_dim3A_3, %add3A_728 : vector<16xi32>
        %get3A_730 = arith.constant 27 : i32
        %get3A_731 = arith.index_cast %get3A_730 : i32 to index
        %get3A_732 = arith.index_cast %add3A_372 : i32 to index
        %get3A_733 = arith.constant 0 : index
        %get3A_734 = tpu.vector_load %arg7[%get3A_731, %get3A_732, %get3A_733] {strides = array<i32>} : memref<32x50x32xf32, #tpu.memory_space<vmem>>, vector<16xf32>,
        tpu.vector_store_idx %arg9[%select_n3A, %broadcast_in_dim3A_3, %rem3A_63, %add3A_729], %get3A_734 : memref<4x1x8x32xf32, #tpu.memory_space<vmem>>[vector<16xi32>, vector<16xi32>, vector<16xi32>, vector<16xi32>], vector<16xf32>,
        %get3A_735 = arith.constant 27 : i32
        %get3A_736 = arith.index_cast %get3A_735 : i32 to index
        %get3A_737 = arith.index_cast %add3A_372 : i32 to index
        %get3A_738 = arith.constant 16 : index
        %get3A_739 = tpu.vector_load %arg7[%get3A_736, %get3A_737, %get3A_738] {strides = array<i32>} : memref<32x50x32xf32, #tpu.memory_space<vmem>>, vector<16xf32>,
        tpu.vector_store_idx %arg9[%add3A_60, %broadcast_in_dim3A_3, %rem3A_63, %add3A_729], %get3A_739 : memref<4x1x8x32xf32, #tpu.memory_space<vmem>>[vector<16xi32>, vector<16xi32>, vector<16xi32>, vector<16xi32>], vector<16xf32>,
        %add3A_740 = arith.constant 28 : i32
        %add3A_741 = vector.broadcast %add3A_740 : i32 to vector<16xi32>
        %add3A_742 = arith.addi %broadcast_in_dim3A_3, %add3A_741 : vector<16xi32>
        %get3A_743 = arith.constant 28 : i32
        %get3A_744 = arith.index_cast %get3A_743 : i32 to index
        %get3A_745 = arith.index_cast %add3A_372 : i32 to index
        %get3A_746 = arith.constant 0 : index
        %get3A_747 = tpu.vector_load %arg7[%get3A_744, %get3A_745, %get3A_746] {strides = array<i32>} : memref<32x50x32xf32, #tpu.memory_space<vmem>>, vector<16xf32>,
        tpu.vector_store_idx %arg9[%select_n3A, %broadcast_in_dim3A_3, %rem3A_63, %add3A_742], %get3A_747 : memref<4x1x8x32xf32, #tpu.memory_space<vmem>>[vector<16xi32>, vector<16xi32>, vector<16xi32>, vector<16xi32>], vector<16xf32>,
        %get3A_748 = arith.constant 28 : i32
        %get3A_749 = arith.index_cast %get3A_748 : i32 to index
        %get3A_750 = arith.index_cast %add3A_372 : i32 to index
        %get3A_751 = arith.constant 16 : index
        %get3A_752 = tpu.vector_load %arg7[%get3A_749, %get3A_750, %get3A_751] {strides = array<i32>} : memref<32x50x32xf32, #tpu.memory_space<vmem>>, vector<16xf32>,
        tpu.vector_store_idx %arg9[%add3A_60, %broadcast_in_dim3A_3, %rem3A_63, %add3A_742], %get3A_752 : memref<4x1x8x32xf32, #tpu.memory_space<vmem>>[vector<16xi32>, vector<16xi32>, vector<16xi32>, vector<16xi32>], vector<16xf32>,
        %add3A_753 = arith.constant 29 : i32
        %add3A_754 = vector.broadcast %add3A_753 : i32 to vector<16xi32>
        %add3A_755 = arith.addi %broadcast_in_dim3A_3, %add3A_754 : vector<16xi32>
        %get3A_756 = arith.constant 29 : i32
        %get3A_757 = arith.index_cast %get3A_756 : i32 to index
        %get3A_758 = arith.index_cast %add3A_372 : i32 to index
        %get3A_759 = arith.constant 0 : index
        %get3A_760 = tpu.vector_load %arg7[%get3A_757, %get3A_758, %get3A_759] {strides = array<i32>} : memref<32x50x32xf32, #tpu.memory_space<vmem>>, vector<16xf32>,
        tpu.vector_store_idx %arg9[%select_n3A, %broadcast_in_dim3A_3, %rem3A_63, %add3A_755], %get3A_760 : memref<4x1x8x32xf32, #tpu.memory_space<vmem>>[vector<16xi32>, vector<16xi32>, vector<16xi32>, vector<16xi32>], vector<16xf32>,
        %get3A_761 = arith.constant 29 : i32
        %get3A_762 = arith.index_cast %get3A_761 : i32 to index
        %get3A_763 = arith.index_cast %add3A_372 : i32 to index
        %get3A_764 = arith.constant 16 : index
        %get3A_765 = tpu.vector_load %arg7[%get3A_762, %get3A_763, %get3A_764] {strides = array<i32>} : memref<32x50x32xf32, #tpu.memory_space<vmem>>, vector<16xf32>,
        tpu.vector_store_idx %arg9[%add3A_60, %broadcast_in_dim3A_3, %rem3A_63, %add3A_755], %get3A_765 : memref<4x1x8x32xf32, #tpu.memory_space<vmem>>[vector<16xi32>, vector<16xi32>, vector<16xi32>, vector<16xi32>], vector<16xf32>,
        %add3A_766 = arith.constant 30 : i32
        %add3A_767 = vector.broadcast %add3A_766 : i32 to vector<16xi32>
        %add3A_768 = arith.addi %broadcast_in_dim3A_3, %add3A_767 : vector<16xi32>
        %get3A_769 = arith.constant 30 : i32
        %get3A_770 = arith.index_cast %get3A_769 : i32 to index
        %get3A_771 = arith.index_cast %add3A_372 : i32 to index
        %get3A_772 = arith.constant 0 : index
        %get3A_773 = tpu.vector_load %arg7[%get3A_770, %get3A_771, %get3A_772] {strides = array<i32>} : memref<32x50x32xf32, #tpu.memory_space<vmem>>, vector<16xf32>,
        tpu.vector_store_idx %arg9[%select_n3A, %broadcast_in_dim3A_3, %rem3A_63, %add3A_768], %get3A_773 : memref<4x1x8x32xf32, #tpu.memory_space<vmem>>[vector<16xi32>, vector<16xi32>, vector<16xi32>, vector<16xi32>], vector<16xf32>,
        %get3A_774 = arith.constant 30 : i32
        %get3A_775 = arith.index_cast %get3A_774 : i32 to index
        %get3A_776 = arith.index_cast %add3A_372 : i32 to index
        %get3A_777 = arith.constant 16 : index
        %get3A_778 = tpu.vector_load %arg7[%get3A_775, %get3A_776, %get3A_777] {strides = array<i32>} : memref<32x50x32xf32, #tpu.memory_space<vmem>>, vector<16xf32>,
        tpu.vector_store_idx %arg9[%add3A_60, %broadcast_in_dim3A_3, %rem3A_63, %add3A_768], %get3A_778 : memref<4x1x8x32xf32, #tpu.memory_space<vmem>>[vector<16xi32>, vector<16xi32>, vector<16xi32>, vector<16xi32>], vector<16xf32>,
        %add3A_779 = arith.constant 31 : i32
        %add3A_780 = vector.broadcast %add3A_779 : i32 to vector<16xi32>
        %add3A_781 = arith.addi %broadcast_in_dim3A_3, %add3A_780 : vector<16xi32>
        %get3A_782 = arith.constant 31 : i32
        %get3A_783 = arith.index_cast %get3A_782 : i32 to index
        %get3A_784 = arith.index_cast %add3A_372 : i32 to index
        %get3A_785 = arith.constant 0 : index
        %get3A_786 = tpu.vector_load %arg7[%get3A_783, %get3A_784, %get3A_785] {strides = array<i32>} : memref<32x50x32xf32, #tpu.memory_space<vmem>>, vector<16xf32>,
        tpu.vector_store_idx %arg9[%select_n3A, %broadcast_in_dim3A_3, %rem3A_63, %add3A_781], %get3A_786 : memref<4x1x8x32xf32, #tpu.memory_space<vmem>>[vector<16xi32>, vector<16xi32>, vector<16xi32>, vector<16xi32>], vector<16xf32>,
        %get3A_787 = arith.constant 31 : i32
        %get3A_788 = arith.index_cast %get3A_787 : i32 to index
        %get3A_789 = arith.index_cast %add3A_372 : i32 to index
        %get3A_790 = arith.constant 16 : index
        %get3A_791 = tpu.vector_load %arg7[%get3A_788, %get3A_789, %get3A_790] {strides = array<i32>} : memref<32x50x32xf32, #tpu.memory_space<vmem>>, vector<16xf32>,
        tpu.vector_store_idx %arg9[%add3A_60, %broadcast_in_dim3A_3, %rem3A_63, %add3A_781], %get3A_791 : memref<4x1x8x32xf32, #tpu.memory_space<vmem>>[vector<16xi32>, vector<16xi32>, vector<16xi32>, vector<16xi32>], vector<16xf32>,
        %mul3A_792 = arith.constant 32 : i32
        %mul3A_793 = arith.muli %add3A_95, %mul3A_792 : i32
        %add3A_794 = arith.addi %mul3A_2, %mul3A_793 : i32
        %jit3A_795 = arith.constant 128 : i32
        %div3A_796 = arith.divsi %add3A_794, %jit3A_795 : i32
        %sign3A_797 = arith.constant 0 : i32
        %sign3A_798 = arith.cmpi sgt, %add3A_794, %sign3A_797 : i32
        %sign3A_799 = arith.extui %sign3A_798 : i1 to i32
        %sign3A_800 = arith.constant 0 : i32
        %sign3A_801 = arith.cmpi slt, %add3A_794, %sign3A_800 : i32
        %sign3A_802 = arith.extui %sign3A_801 : i1 to i32
        %sign3A_803 = arith.subi %sign3A_799, %sign3A_802 : i32
        %sign3A_804 = arith.constant 0 : i32
        %sign3A_805 = arith.cmpi sgt, %jit3A_795, %sign3A_804 : i32
        %sign3A_806 = arith.extui %sign3A_805 : i1 to i32
        %sign3A_807 = arith.constant 0 : i32
        %sign3A_808 = arith.cmpi slt, %jit3A_795, %sign3A_807 : i32
        %sign3A_809 = arith.extui %sign3A_808 : i1 to i32
        %sign3A_810 = arith.subi %sign3A_806, %sign3A_809 : i32
        %ne3A_811 = arith.cmpi ne, %sign3A_803, %sign3A_810 : i32
        %rem3A_812 = arith.remsi %add3A_794, %jit3A_795 : i32
        %ne3A_813 = arith.constant 0 : i32
        %ne3A_814 = arith.cmpi ne, %rem3A_812, %ne3A_813 : i32
        %and3A_815 = arith.andi %ne3A_811, %ne3A_814 : i1
        %sub3A_816 = arith.constant 1 : i32
        %sub3A_817 = arith.subi %div3A_796, %sub3A_816 : i32
        %select_n3A_818 = arith.select %and3A_815, %sub3A_817, %div3A_796 : i32
        %mul3A_819 = arith.constant 32 : i32
        %mul3A_820 = arith.muli %add3A_95, %mul3A_819 : i32
        %add3A_821 = arith.addi %mul3A_2, %mul3A_820 : i32
        %jit3A_822 = arith.constant 128 : i32
        %eq3A_823 = arith.constant 0 : i32
        %eq3A_824 = arith.cmpi eq, %jit3A_822, %eq3A_823 : i32
        %jit3A_825 = arith.constant 1 : i32
        %select_n3A_826 = arith.select %eq3A_824, %jit3A_825, %jit3A_822 : i32
        %rem3A_827 = arith.remsi %add3A_821, %select_n3A_826 : i32
        %ne3A_828 = arith.constant 0 : i32
        %ne3A_829 = arith.cmpi ne, %rem3A_827, %ne3A_828 : i32
        %lt3A_830 = arith.constant 0 : i32
        %lt3A_831 = arith.cmpi slt, %rem3A_827, %lt3A_830 : i32
        %lt3A_832 = arith.constant 0 : i32
        %lt3A_833 = arith.cmpi slt, %select_n3A_826, %lt3A_832 : i32
        %ne3A_834 = arith.xori %lt3A_831, %lt3A_833 : i1
        %and3A_835 = arith.andi %ne3A_834, %ne3A_829 : i1
        %add3A_836 = arith.addi %rem3A_827, %select_n3A_826 : i32
        %select_n3A_837 = arith.select %and3A_835, %add3A_836, %rem3A_827 : i32
        %dma_start3A_838 = arith.constant 0 : i32
        %dma_start3A_839 = arith.constant 0 : i32
        %dma_start3A_840 = tpu.memref_slice %arg4[%add3A_372, %dma_start3A_838, %select_n3A_818, %dma_start3A_839, %select_n3A_837] : memref<50x4x128x8x128xf32, #tpu.memory_space<hbm>> -> memref<1x4x1x8x32xf32, #tpu.memory_space<hbm>>
        %dma_start3A_841 = tpu.memref_squeeze %dma_start3A_840 : memref<1x4x1x8x32xf32, #tpu.memory_space<hbm>> -> memref<4x1x8x32xf32, #tpu.memory_space<hbm>>
        %dma_start3A_842 = arith.constant 0 : i32
        %dma_start3A_843 = arith.constant 0 : i32
        %dma_start3A_844 = tpu.memref_slice %arg4[%add3A_372, %dma_start3A_842, %select_n3A_818, %dma_start3A_843, %select_n3A_837] : memref<50x4x128x8x128xf32, #tpu.memory_space<hbm>> -> memref<1x4x1x8x32xf32, #tpu.memory_space<hbm>>
        %dma_start3A_845 = tpu.memref_squeeze %dma_start3A_844 : memref<1x4x1x8x32xf32, #tpu.memory_space<hbm>> -> memref<4x1x8x32xf32, #tpu.memory_space<hbm>>
        tpu.enqueue_dma source(%arg9 : memref<4x1x8x32xf32, #tpu.memory_space<vmem>>) target(%dma_start3A_845 : memref<4x1x8x32xf32, #tpu.memory_space<hbm>>) target_semaphore(%arg15 : memref<!tpu.dma_semaphore, #tpu.memory_space<semaphore_mem>>)
        %mul3A_846 = arith.constant 2 : i32
        %mul3A_847 = arith.muli %mul3A_846, %scan3A_368 : i32
        %add3A_848 = arith.constant 1 : i32
        %add3A_849 = arith.addi %mul3A_847, %add3A_848 : i32
        %ge3A_850 = arith.constant 2 : i32
        %ge3A_851 = arith.cmpi sge, %add3A_849, %ge3A_850 : i32
        %convert_element_type3A_852 = arith.extui %ge3A_851 : i1 to i32
        %cond3A_853 = arith.constant 0 : i32
        %cond3A_854 = arith.cmpi ne, %convert_element_type3A_852, %cond3A_853 : i32
        scf.if %cond3A_854 {
          %sub3A_1325 = arith.constant 2 : i32
          %sub3A_1326 = arith.subi %add3A_849, %sub3A_1325 : i32
          %mul3A_1327 = arith.constant 32 : i32
          %mul3A_1328 = arith.muli %add3A_95, %mul3A_1327 : i32
          %add3A_1329 = arith.addi %mul3A_2, %mul3A_1328 : i32
          %jit3A_1330 = arith.constant 128 : i32
          %div3A_1331 = arith.divsi %add3A_1329, %jit3A_1330 : i32
          %sign3A_1332 = arith.constant 0 : i32
          %sign3A_1333 = arith.cmpi sgt, %add3A_1329, %sign3A_1332 : i32
          %sign3A_1334 = arith.extui %sign3A_1333 : i1 to i32
          %sign3A_1335 = arith.constant 0 : i32
          %sign3A_1336 = arith.cmpi slt, %add3A_1329, %sign3A_1335 : i32
          %sign3A_1337 = arith.extui %sign3A_1336 : i1 to i32
          %sign3A_1338 = arith.subi %sign3A_1334, %sign3A_1337 : i32
          %sign3A_1339 = arith.constant 0 : i32
          %sign3A_1340 = arith.cmpi sgt, %jit3A_1330, %sign3A_1339 : i32
          %sign3A_1341 = arith.extui %sign3A_1340 : i1 to i32
          %sign3A_1342 = arith.constant 0 : i32
          %sign3A_1343 = arith.cmpi slt, %jit3A_1330, %sign3A_1342 : i32
          %sign3A_1344 = arith.extui %sign3A_1343 : i1 to i32
          %sign3A_1345 = arith.subi %sign3A_1341, %sign3A_1344 : i32
          %ne3A_1346 = arith.cmpi ne, %sign3A_1338, %sign3A_1345 : i32
          %rem3A_1347 = arith.remsi %add3A_1329, %jit3A_1330 : i32
          %ne3A_1348 = arith.constant 0 : i32
          %ne3A_1349 = arith.cmpi ne, %rem3A_1347, %ne3A_1348 : i32
          %and3A_1350 = arith.andi %ne3A_1346, %ne3A_1349 : i1
          %sub3A_1351 = arith.constant 1 : i32
          %sub3A_1352 = arith.subi %div3A_1331, %sub3A_1351 : i32
          %select_n3A_1353 = arith.select %and3A_1350, %sub3A_1352, %div3A_1331 : i32
          %mul3A_1354 = arith.constant 32 : i32
          %mul3A_1355 = arith.muli %add3A_95, %mul3A_1354 : i32
          %add3A_1356 = arith.addi %mul3A_2, %mul3A_1355 : i32
          %jit3A_1357 = arith.constant 128 : i32
          %eq3A_1358 = arith.constant 0 : i32
          %eq3A_1359 = arith.cmpi eq, %jit3A_1357, %eq3A_1358 : i32
          %jit3A_1360 = arith.constant 1 : i32
          %select_n3A_1361 = arith.select %eq3A_1359, %jit3A_1360, %jit3A_1357 : i32
          %rem3A_1362 = arith.remsi %add3A_1356, %select_n3A_1361 : i32
          %ne3A_1363 = arith.constant 0 : i32
          %ne3A_1364 = arith.cmpi ne, %rem3A_1362, %ne3A_1363 : i32
          %lt3A_1365 = arith.constant 0 : i32
          %lt3A_1366 = arith.cmpi slt, %rem3A_1362, %lt3A_1365 : i32
          %lt3A_1367 = arith.constant 0 : i32
          %lt3A_1368 = arith.cmpi slt, %select_n3A_1361, %lt3A_1367 : i32
          %ne3A_1369 = arith.xori %lt3A_1366, %lt3A_1368 : i1
          %and3A_1370 = arith.andi %ne3A_1369, %ne3A_1364 : i1
          %add3A_1371 = arith.addi %rem3A_1362, %select_n3A_1361 : i32
          %select_n3A_1372 = arith.select %and3A_1370, %add3A_1371, %rem3A_1362 : i32
          %dma_wait3A_1373 = arith.constant 0 : i32
          %dma_wait3A_1374 = arith.constant 0 : i32
          %dma_wait3A_1375 = tpu.memref_slice %arg4[%sub3A_1326, %dma_wait3A_1373, %select_n3A_1353, %dma_wait3A_1374, %select_n3A_1372] : memref<50x4x128x8x128xf32, #tpu.memory_space<hbm>> -> memref<1x4x1x8x32xf32, #tpu.memory_space<hbm>>
          %dma_wait3A_1376 = tpu.memref_squeeze %dma_wait3A_1375 : memref<1x4x1x8x32xf32, #tpu.memory_space<hbm>> -> memref<4x1x8x32xf32, #tpu.memory_space<hbm>>
          %dma_wait3A_1377 = arith.constant 0 : i32
          %dma_wait3A_1378 = arith.constant 0 : i32
          %dma_wait3A_1379 = tpu.memref_slice %arg4[%sub3A_1326, %dma_wait3A_1377, %select_n3A_1353, %dma_wait3A_1378, %select_n3A_1372] : memref<50x4x128x8x128xf32, #tpu.memory_space<hbm>> -> memref<1x4x1x8x32xf32, #tpu.memory_space<hbm>>
          %dma_wait3A_1380 = tpu.memref_squeeze %dma_wait3A_1379 : memref<1x4x1x8x32xf32, #tpu.memory_space<hbm>> -> memref<4x1x8x32xf32, #tpu.memory_space<hbm>>
          tpu.wait_dma2 semaphore(%arg16 : memref<!tpu.dma_semaphore, #tpu.memory_space<semaphore_mem>>) src(%arg10 : memref<4x1x8x32xf32, #tpu.memory_space<vmem>>) dst(%dma_wait3A_1380 : memref<4x1x8x32xf32, #tpu.memory_space<hbm>>)
        } else {
        }
        %add3A_855 = arith.constant 0 : i32
        %add3A_856 = vector.broadcast %add3A_855 : i32 to vector<16xi32>
        %add3A_857 = arith.addi %broadcast_in_dim3A_3, %add3A_856 : vector<16xi32>
        %get3A_858 = arith.constant 0 : i32
        %get3A_859 = arith.index_cast %get3A_858 : i32 to index
        %get3A_860 = arith.index_cast %add3A_849 : i32 to index
        %get3A_861 = arith.constant 0 : index
        %get3A_862 = tpu.vector_load %arg7[%get3A_859, %get3A_860, %get3A_861] {strides = array<i32>} : memref<32x50x32xf32, #tpu.memory_space<vmem>>, vector<16xf32>,
        tpu.vector_store_idx %arg10[%select_n3A, %broadcast_in_dim3A_3, %rem3A_63, %add3A_857], %get3A_862 : memref<4x1x8x32xf32, #tpu.memory_space<vmem>>[vector<16xi32>, vector<16xi32>, vector<16xi32>, vector<16xi32>], vector<16xf32>,
        %get3A_863 = arith.constant 0 : i32
        %get3A_864 = arith.index_cast %get3A_863 : i32 to index
        %get3A_865 = arith.index_cast %add3A_849 : i32 to index
        %get3A_866 = arith.constant 16 : index
        %get3A_867 = tpu.vector_load %arg7[%get3A_864, %get3A_865, %get3A_866] {strides = array<i32>} : memref<32x50x32xf32, #tpu.memory_space<vmem>>, vector<16xf32>,
        tpu.vector_store_idx %arg10[%add3A_60, %broadcast_in_dim3A_3, %rem3A_63, %add3A_857], %get3A_867 : memref<4x1x8x32xf32, #tpu.memory_space<vmem>>[vector<16xi32>, vector<16xi32>, vector<16xi32>, vector<16xi32>], vector<16xf32>,
        %add3A_868 = arith.constant 1 : i32
        %add3A_869 = vector.broadcast %add3A_868 : i32 to vector<16xi32>
        %add3A_870 = arith.addi %broadcast_in_dim3A_3, %add3A_869 : vector<16xi32>
        %get3A_871 = arith.constant 1 : i32
        %get3A_872 = arith.index_cast %get3A_871 : i32 to index
        %get3A_873 = arith.index_cast %add3A_849 : i32 to index
        %get3A_874 = arith.constant 0 : index
        %get3A_875 = tpu.vector_load %arg7[%get3A_872, %get3A_873, %get3A_874] {strides = array<i32>} : memref<32x50x32xf32, #tpu.memory_space<vmem>>, vector<16xf32>,
        tpu.vector_store_idx %arg10[%select_n3A, %broadcast_in_dim3A_3, %rem3A_63, %add3A_870], %get3A_875 : memref<4x1x8x32xf32, #tpu.memory_space<vmem>>[vector<16xi32>, vector<16xi32>, vector<16xi32>, vector<16xi32>], vector<16xf32>,
        %get3A_876 = arith.constant 1 : i32
        %get3A_877 = arith.index_cast %get3A_876 : i32 to index
        %get3A_878 = arith.index_cast %add3A_849 : i32 to index
        %get3A_879 = arith.constant 16 : index
        %get3A_880 = tpu.vector_load %arg7[%get3A_877, %get3A_878, %get3A_879] {strides = array<i32>} : memref<32x50x32xf32, #tpu.memory_space<vmem>>, vector<16xf32>,
        tpu.vector_store_idx %arg10[%add3A_60, %broadcast_in_dim3A_3, %rem3A_63, %add3A_870], %get3A_880 : memref<4x1x8x32xf32, #tpu.memory_space<vmem>>[vector<16xi32>, vector<16xi32>, vector<16xi32>, vector<16xi32>], vector<16xf32>,
        %add3A_881 = arith.constant 2 : i32
        %add3A_882 = vector.broadcast %add3A_881 : i32 to vector<16xi32>
        %add3A_883 = arith.addi %broadcast_in_dim3A_3, %add3A_882 : vector<16xi32>
        %get3A_884 = arith.constant 2 : i32
        %get3A_885 = arith.index_cast %get3A_884 : i32 to index
        %get3A_886 = arith.index_cast %add3A_849 : i32 to index
        %get3A_887 = arith.constant 0 : index
        %get3A_888 = tpu.vector_load %arg7[%get3A_885, %get3A_886, %get3A_887] {strides = array<i32>} : memref<32x50x32xf32, #tpu.memory_space<vmem>>, vector<16xf32>,
        tpu.vector_store_idx %arg10[%select_n3A, %broadcast_in_dim3A_3, %rem3A_63, %add3A_883], %get3A_888 : memref<4x1x8x32xf32, #tpu.memory_space<vmem>>[vector<16xi32>, vector<16xi32>, vector<16xi32>, vector<16xi32>], vector<16xf32>,
        %get3A_889 = arith.constant 2 : i32
        %get3A_890 = arith.index_cast %get3A_889 : i32 to index
        %get3A_891 = arith.index_cast %add3A_849 : i32 to index
        %get3A_892 = arith.constant 16 : index
        %get3A_893 = tpu.vector_load %arg7[%get3A_890, %get3A_891, %get3A_892] {strides = array<i32>} : memref<32x50x32xf32, #tpu.memory_space<vmem>>, vector<16xf32>,
        tpu.vector_store_idx %arg10[%add3A_60, %broadcast_in_dim3A_3, %rem3A_63, %add3A_883], %get3A_893 : memref<4x1x8x32xf32, #tpu.memory_space<vmem>>[vector<16xi32>, vector<16xi32>, vector<16xi32>, vector<16xi32>], vector<16xf32>,
        %add3A_894 = arith.constant 3 : i32
        %add3A_895 = vector.broadcast %add3A_894 : i32 to vector<16xi32>
        %add3A_896 = arith.addi %broadcast_in_dim3A_3, %add3A_895 : vector<16xi32>
        %get3A_897 = arith.constant 3 : i32
        %get3A_898 = arith.index_cast %get3A_897 : i32 to index
        %get3A_899 = arith.index_cast %add3A_849 : i32 to index
        %get3A_900 = arith.constant 0 : index
        %get3A_901 = tpu.vector_load %arg7[%get3A_898, %get3A_899, %get3A_900] {strides = array<i32>} : memref<32x50x32xf32, #tpu.memory_space<vmem>>, vector<16xf32>,
        tpu.vector_store_idx %arg10[%select_n3A, %broadcast_in_dim3A_3, %rem3A_63, %add3A_896], %get3A_901 : memref<4x1x8x32xf32, #tpu.memory_space<vmem>>[vector<16xi32>, vector<16xi32>, vector<16xi32>, vector<16xi32>], vector<16xf32>,
        %get3A_902 = arith.constant 3 : i32
        %get3A_903 = arith.index_cast %get3A_902 : i32 to index
        %get3A_904 = arith.index_cast %add3A_849 : i32 to index
        %get3A_905 = arith.constant 16 : index
        %get3A_906 = tpu.vector_load %arg7[%get3A_903, %get3A_904, %get3A_905] {strides = array<i32>} : memref<32x50x32xf32, #tpu.memory_space<vmem>>, vector<16xf32>,
        tpu.vector_store_idx %arg10[%add3A_60, %broadcast_in_dim3A_3, %rem3A_63, %add3A_896], %get3A_906 : memref<4x1x8x32xf32, #tpu.memory_space<vmem>>[vector<16xi32>, vector<16xi32>, vector<16xi32>, vector<16xi32>], vector<16xf32>,
        %add3A_907 = arith.constant 4 : i32
        %add3A_908 = vector.broadcast %add3A_907 : i32 to vector<16xi32>
        %add3A_909 = arith.addi %broadcast_in_dim3A_3, %add3A_908 : vector<16xi32>
        %get3A_910 = arith.constant 4 : i32
        %get3A_911 = arith.index_cast %get3A_910 : i32 to index
        %get3A_912 = arith.index_cast %add3A_849 : i32 to index
        %get3A_913 = arith.constant 0 : index
        %get3A_914 = tpu.vector_load %arg7[%get3A_911, %get3A_912, %get3A_913] {strides = array<i32>} : memref<32x50x32xf32, #tpu.memory_space<vmem>>, vector<16xf32>,
        tpu.vector_store_idx %arg10[%select_n3A, %broadcast_in_dim3A_3, %rem3A_63, %add3A_909], %get3A_914 : memref<4x1x8x32xf32, #tpu.memory_space<vmem>>[vector<16xi32>, vector<16xi32>, vector<16xi32>, vector<16xi32>], vector<16xf32>,
        %get3A_915 = arith.constant 4 : i32
        %get3A_916 = arith.index_cast %get3A_915 : i32 to index
        %get3A_917 = arith.index_cast %add3A_849 : i32 to index
        %get3A_918 = arith.constant 16 : index
        %get3A_919 = tpu.vector_load %arg7[%get3A_916, %get3A_917, %get3A_918] {strides = array<i32>} : memref<32x50x32xf32, #tpu.memory_space<vmem>>, vector<16xf32>,
        tpu.vector_store_idx %arg10[%add3A_60, %broadcast_in_dim3A_3, %rem3A_63, %add3A_909], %get3A_919 : memref<4x1x8x32xf32, #tpu.memory_space<vmem>>[vector<16xi32>, vector<16xi32>, vector<16xi32>, vector<16xi32>], vector<16xf32>,
        %add3A_920 = arith.constant 5 : i32
        %add3A_921 = vector.broadcast %add3A_920 : i32 to vector<16xi32>
        %add3A_922 = arith.addi %broadcast_in_dim3A_3, %add3A_921 : vector<16xi32>
        %get3A_923 = arith.constant 5 : i32
        %get3A_924 = arith.index_cast %get3A_923 : i32 to index
        %get3A_925 = arith.index_cast %add3A_849 : i32 to index
        %get3A_926 = arith.constant 0 : index
        %get3A_927 = tpu.vector_load %arg7[%get3A_924, %get3A_925, %get3A_926] {strides = array<i32>} : memref<32x50x32xf32, #tpu.memory_space<vmem>>, vector<16xf32>,
        tpu.vector_store_idx %arg10[%select_n3A, %broadcast_in_dim3A_3, %rem3A_63, %add3A_922], %get3A_927 : memref<4x1x8x32xf32, #tpu.memory_space<vmem>>[vector<16xi32>, vector<16xi32>, vector<16xi32>, vector<16xi32>], vector<16xf32>,
        %get3A_928 = arith.constant 5 : i32
        %get3A_929 = arith.index_cast %get3A_928 : i32 to index
        %get3A_930 = arith.index_cast %add3A_849 : i32 to index
        %get3A_931 = arith.constant 16 : index
        %get3A_932 = tpu.vector_load %arg7[%get3A_929, %get3A_930, %get3A_931] {strides = array<i32>} : memref<32x50x32xf32, #tpu.memory_space<vmem>>, vector<16xf32>,
        tpu.vector_store_idx %arg10[%add3A_60, %broadcast_in_dim3A_3, %rem3A_63, %add3A_922], %get3A_932 : memref<4x1x8x32xf32, #tpu.memory_space<vmem>>[vector<16xi32>, vector<16xi32>, vector<16xi32>, vector<16xi32>], vector<16xf32>,
        %add3A_933 = arith.constant 6 : i32
        %add3A_934 = vector.broadcast %add3A_933 : i32 to vector<16xi32>
        %add3A_935 = arith.addi %broadcast_in_dim3A_3, %add3A_934 : vector<16xi32>
        %get3A_936 = arith.constant 6 : i32
        %get3A_937 = arith.index_cast %get3A_936 : i32 to index
        %get3A_938 = arith.index_cast %add3A_849 : i32 to index
        %get3A_939 = arith.constant 0 : index
        %get3A_940 = tpu.vector_load %arg7[%get3A_937, %get3A_938, %get3A_939] {strides = array<i32>} : memref<32x50x32xf32, #tpu.memory_space<vmem>>, vector<16xf32>,
        tpu.vector_store_idx %arg10[%select_n3A, %broadcast_in_dim3A_3, %rem3A_63, %add3A_935], %get3A_940 : memref<4x1x8x32xf32, #tpu.memory_space<vmem>>[vector<16xi32>, vector<16xi32>, vector<16xi32>, vector<16xi32>], vector<16xf32>,
        %get3A_941 = arith.constant 6 : i32
        %get3A_942 = arith.index_cast %get3A_941 : i32 to index
        %get3A_943 = arith.index_cast %add3A_849 : i32 to index
        %get3A_944 = arith.constant 16 : index
        %get3A_945 = tpu.vector_load %arg7[%get3A_942, %get3A_943, %get3A_944] {strides = array<i32>} : memref<32x50x32xf32, #tpu.memory_space<vmem>>, vector<16xf32>,
        tpu.vector_store_idx %arg10[%add3A_60, %broadcast_in_dim3A_3, %rem3A_63, %add3A_935], %get3A_945 : memref<4x1x8x32xf32, #tpu.memory_space<vmem>>[vector<16xi32>, vector<16xi32>, vector<16xi32>, vector<16xi32>], vector<16xf32>,
        %add3A_946 = arith.constant 7 : i32
        %add3A_947 = vector.broadcast %add3A_946 : i32 to vector<16xi32>
        %add3A_948 = arith.addi %broadcast_in_dim3A_3, %add3A_947 : vector<16xi32>
        %get3A_949 = arith.constant 7 : i32
        %get3A_950 = arith.index_cast %get3A_949 : i32 to index
        %get3A_951 = arith.index_cast %add3A_849 : i32 to index
        %get3A_952 = arith.constant 0 : index
        %get3A_953 = tpu.vector_load %arg7[%get3A_950, %get3A_951, %get3A_952] {strides = array<i32>} : memref<32x50x32xf32, #tpu.memory_space<vmem>>, vector<16xf32>,
        tpu.vector_store_idx %arg10[%select_n3A, %broadcast_in_dim3A_3, %rem3A_63, %add3A_948], %get3A_953 : memref<4x1x8x32xf32, #tpu.memory_space<vmem>>[vector<16xi32>, vector<16xi32>, vector<16xi32>, vector<16xi32>], vector<16xf32>,
        %get3A_954 = arith.constant 7 : i32
        %get3A_955 = arith.index_cast %get3A_954 : i32 to index
        %get3A_956 = arith.index_cast %add3A_849 : i32 to index
        %get3A_957 = arith.constant 16 : index
        %get3A_958 = tpu.vector_load %arg7[%get3A_955, %get3A_956, %get3A_957] {strides = array<i32>} : memref<32x50x32xf32, #tpu.memory_space<vmem>>, vector<16xf32>,
        tpu.vector_store_idx %arg10[%add3A_60, %broadcast_in_dim3A_3, %rem3A_63, %add3A_948], %get3A_958 : memref<4x1x8x32xf32, #tpu.memory_space<vmem>>[vector<16xi32>, vector<16xi32>, vector<16xi32>, vector<16xi32>], vector<16xf32>,
        %add3A_959 = arith.constant 8 : i32
        %add3A_960 = vector.broadcast %add3A_959 : i32 to vector<16xi32>
        %add3A_961 = arith.addi %broadcast_in_dim3A_3, %add3A_960 : vector<16xi32>
        %get3A_962 = arith.constant 8 : i32
        %get3A_963 = arith.index_cast %get3A_962 : i32 to index
        %get3A_964 = arith.index_cast %add3A_849 : i32 to index
        %get3A_965 = arith.constant 0 : index
        %get3A_966 = tpu.vector_load %arg7[%get3A_963, %get3A_964, %get3A_965] {strides = array<i32>} : memref<32x50x32xf32, #tpu.memory_space<vmem>>, vector<16xf32>,
        tpu.vector_store_idx %arg10[%select_n3A, %broadcast_in_dim3A_3, %rem3A_63, %add3A_961], %get3A_966 : memref<4x1x8x32xf32, #tpu.memory_space<vmem>>[vector<16xi32>, vector<16xi32>, vector<16xi32>, vector<16xi32>], vector<16xf32>,
        %get3A_967 = arith.constant 8 : i32
        %get3A_968 = arith.index_cast %get3A_967 : i32 to index
        %get3A_969 = arith.index_cast %add3A_849 : i32 to index
        %get3A_970 = arith.constant 16 : index
        %get3A_971 = tpu.vector_load %arg7[%get3A_968, %get3A_969, %get3A_970] {strides = array<i32>} : memref<32x50x32xf32, #tpu.memory_space<vmem>>, vector<16xf32>,
        tpu.vector_store_idx %arg10[%add3A_60, %broadcast_in_dim3A_3, %rem3A_63, %add3A_961], %get3A_971 : memref<4x1x8x32xf32, #tpu.memory_space<vmem>>[vector<16xi32>, vector<16xi32>, vector<16xi32>, vector<16xi32>], vector<16xf32>,
        %add3A_972 = arith.constant 9 : i32
        %add3A_973 = vector.broadcast %add3A_972 : i32 to vector<16xi32>
        %add3A_974 = arith.addi %broadcast_in_dim3A_3, %add3A_973 : vector<16xi32>
        %get3A_975 = arith.constant 9 : i32
        %get3A_976 = arith.index_cast %get3A_975 : i32 to index
        %get3A_977 = arith.index_cast %add3A_849 : i32 to index
        %get3A_978 = arith.constant 0 : index
        %get3A_979 = tpu.vector_load %arg7[%get3A_976, %get3A_977, %get3A_978] {strides = array<i32>} : memref<32x50x32xf32, #tpu.memory_space<vmem>>, vector<16xf32>,
        tpu.vector_store_idx %arg10[%select_n3A, %broadcast_in_dim3A_3, %rem3A_63, %add3A_974], %get3A_979 : memref<4x1x8x32xf32, #tpu.memory_space<vmem>>[vector<16xi32>, vector<16xi32>, vector<16xi32>, vector<16xi32>], vector<16xf32>,
        %get3A_980 = arith.constant 9 : i32
        %get3A_981 = arith.index_cast %get3A_980 : i32 to index
        %get3A_982 = arith.index_cast %add3A_849 : i32 to index
        %get3A_983 = arith.constant 16 : index
        %get3A_984 = tpu.vector_load %arg7[%get3A_981, %get3A_982, %get3A_983] {strides = array<i32>} : memref<32x50x32xf32, #tpu.memory_space<vmem>>, vector<16xf32>,
        tpu.vector_store_idx %arg10[%add3A_60, %broadcast_in_dim3A_3, %rem3A_63, %add3A_974], %get3A_984 : memref<4x1x8x32xf32, #tpu.memory_space<vmem>>[vector<16xi32>, vector<16xi32>, vector<16xi32>, vector<16xi32>], vector<16xf32>,
        %add3A_985 = arith.constant 10 : i32
        %add3A_986 = vector.broadcast %add3A_985 : i32 to vector<16xi32>
        %add3A_987 = arith.addi %broadcast_in_dim3A_3, %add3A_986 : vector<16xi32>
        %get3A_988 = arith.constant 10 : i32
        %get3A_989 = arith.index_cast %get3A_988 : i32 to index
        %get3A_990 = arith.index_cast %add3A_849 : i32 to index
        %get3A_991 = arith.constant 0 : index
        %get3A_992 = tpu.vector_load %arg7[%get3A_989, %get3A_990, %get3A_991] {strides = array<i32>} : memref<32x50x32xf32, #tpu.memory_space<vmem>>, vector<16xf32>,
        tpu.vector_store_idx %arg10[%select_n3A, %broadcast_in_dim3A_3, %rem3A_63, %add3A_987], %get3A_992 : memref<4x1x8x32xf32, #tpu.memory_space<vmem>>[vector<16xi32>, vector<16xi32>, vector<16xi32>, vector<16xi32>], vector<16xf32>,
        %get3A_993 = arith.constant 10 : i32
        %get3A_994 = arith.index_cast %get3A_993 : i32 to index
        %get3A_995 = arith.index_cast %add3A_849 : i32 to index
        %get3A_996 = arith.constant 16 : index
        %get3A_997 = tpu.vector_load %arg7[%get3A_994, %get3A_995, %get3A_996] {strides = array<i32>} : memref<32x50x32xf32, #tpu.memory_space<vmem>>, vector<16xf32>,
        tpu.vector_store_idx %arg10[%add3A_60, %broadcast_in_dim3A_3, %rem3A_63, %add3A_987], %get3A_997 : memref<4x1x8x32xf32, #tpu.memory_space<vmem>>[vector<16xi32>, vector<16xi32>, vector<16xi32>, vector<16xi32>], vector<16xf32>,
        %add3A_998 = arith.constant 11 : i32
        %add3A_999 = vector.broadcast %add3A_998 : i32 to vector<16xi32>
        %add3A_1000 = arith.addi %broadcast_in_dim3A_3, %add3A_999 : vector<16xi32>
        %get3A_1001 = arith.constant 11 : i32
        %get3A_1002 = arith.index_cast %get3A_1001 : i32 to index
        %get3A_1003 = arith.index_cast %add3A_849 : i32 to index
        %get3A_1004 = arith.constant 0 : index
        %get3A_1005 = tpu.vector_load %arg7[%get3A_1002, %get3A_1003, %get3A_1004] {strides = array<i32>} : memref<32x50x32xf32, #tpu.memory_space<vmem>>, vector<16xf32>,
        tpu.vector_store_idx %arg10[%select_n3A, %broadcast_in_dim3A_3, %rem3A_63, %add3A_1000], %get3A_1005 : memref<4x1x8x32xf32, #tpu.memory_space<vmem>>[vector<16xi32>, vector<16xi32>, vector<16xi32>, vector<16xi32>], vector<16xf32>,
        %get3A_1006 = arith.constant 11 : i32
        %get3A_1007 = arith.index_cast %get3A_1006 : i32 to index
        %get3A_1008 = arith.index_cast %add3A_849 : i32 to index
        %get3A_1009 = arith.constant 16 : index
        %get3A_1010 = tpu.vector_load %arg7[%get3A_1007, %get3A_1008, %get3A_1009] {strides = array<i32>} : memref<32x50x32xf32, #tpu.memory_space<vmem>>, vector<16xf32>,
        tpu.vector_store_idx %arg10[%add3A_60, %broadcast_in_dim3A_3, %rem3A_63, %add3A_1000], %get3A_1010 : memref<4x1x8x32xf32, #tpu.memory_space<vmem>>[vector<16xi32>, vector<16xi32>, vector<16xi32>, vector<16xi32>], vector<16xf32>,
        %add3A_1011 = arith.constant 12 : i32
        %add3A_1012 = vector.broadcast %add3A_1011 : i32 to vector<16xi32>
        %add3A_1013 = arith.addi %broadcast_in_dim3A_3, %add3A_1012 : vector<16xi32>
        %get3A_1014 = arith.constant 12 : i32
        %get3A_1015 = arith.index_cast %get3A_1014 : i32 to index
        %get3A_1016 = arith.index_cast %add3A_849 : i32 to index
        %get3A_1017 = arith.constant 0 : index
        %get3A_1018 = tpu.vector_load %arg7[%get3A_1015, %get3A_1016, %get3A_1017] {strides = array<i32>} : memref<32x50x32xf32, #tpu.memory_space<vmem>>, vector<16xf32>,
        tpu.vector_store_idx %arg10[%select_n3A, %broadcast_in_dim3A_3, %rem3A_63, %add3A_1013], %get3A_1018 : memref<4x1x8x32xf32, #tpu.memory_space<vmem>>[vector<16xi32>, vector<16xi32>, vector<16xi32>, vector<16xi32>], vector<16xf32>,
        %get3A_1019 = arith.constant 12 : i32
        %get3A_1020 = arith.index_cast %get3A_1019 : i32 to index
        %get3A_1021 = arith.index_cast %add3A_849 : i32 to index
        %get3A_1022 = arith.constant 16 : index
        %get3A_1023 = tpu.vector_load %arg7[%get3A_1020, %get3A_1021, %get3A_1022] {strides = array<i32>} : memref<32x50x32xf32, #tpu.memory_space<vmem>>, vector<16xf32>,
        tpu.vector_store_idx %arg10[%add3A_60, %broadcast_in_dim3A_3, %rem3A_63, %add3A_1013], %get3A_1023 : memref<4x1x8x32xf32, #tpu.memory_space<vmem>>[vector<16xi32>, vector<16xi32>, vector<16xi32>, vector<16xi32>], vector<16xf32>,
        %add3A_1024 = arith.constant 13 : i32
        %add3A_1025 = vector.broadcast %add3A_1024 : i32 to vector<16xi32>
        %add3A_1026 = arith.addi %broadcast_in_dim3A_3, %add3A_1025 : vector<16xi32>
        %get3A_1027 = arith.constant 13 : i32
        %get3A_1028 = arith.index_cast %get3A_1027 : i32 to index
        %get3A_1029 = arith.index_cast %add3A_849 : i32 to index
        %get3A_1030 = arith.constant 0 : index
        %get3A_1031 = tpu.vector_load %arg7[%get3A_1028, %get3A_1029, %get3A_1030] {strides = array<i32>} : memref<32x50x32xf32, #tpu.memory_space<vmem>>, vector<16xf32>,
        tpu.vector_store_idx %arg10[%select_n3A, %broadcast_in_dim3A_3, %rem3A_63, %add3A_1026], %get3A_1031 : memref<4x1x8x32xf32, #tpu.memory_space<vmem>>[vector<16xi32>, vector<16xi32>, vector<16xi32>, vector<16xi32>], vector<16xf32>,
        %get3A_1032 = arith.constant 13 : i32
        %get3A_1033 = arith.index_cast %get3A_1032 : i32 to index
        %get3A_1034 = arith.index_cast %add3A_849 : i32 to index
        %get3A_1035 = arith.constant 16 : index
        %get3A_1036 = tpu.vector_load %arg7[%get3A_1033, %get3A_1034, %get3A_1035] {strides = array<i32>} : memref<32x50x32xf32, #tpu.memory_space<vmem>>, vector<16xf32>,
        tpu.vector_store_idx %arg10[%add3A_60, %broadcast_in_dim3A_3, %rem3A_63, %add3A_1026], %get3A_1036 : memref<4x1x8x32xf32, #tpu.memory_space<vmem>>[vector<16xi32>, vector<16xi32>, vector<16xi32>, vector<16xi32>], vector<16xf32>,
        %add3A_1037 = arith.constant 14 : i32
        %add3A_1038 = vector.broadcast %add3A_1037 : i32 to vector<16xi32>
        %add3A_1039 = arith.addi %broadcast_in_dim3A_3, %add3A_1038 : vector<16xi32>
        %get3A_1040 = arith.constant 14 : i32
        %get3A_1041 = arith.index_cast %get3A_1040 : i32 to index
        %get3A_1042 = arith.index_cast %add3A_849 : i32 to index
        %get3A_1043 = arith.constant 0 : index
        %get3A_1044 = tpu.vector_load %arg7[%get3A_1041, %get3A_1042, %get3A_1043] {strides = array<i32>} : memref<32x50x32xf32, #tpu.memory_space<vmem>>, vector<16xf32>,
        tpu.vector_store_idx %arg10[%select_n3A, %broadcast_in_dim3A_3, %rem3A_63, %add3A_1039], %get3A_1044 : memref<4x1x8x32xf32, #tpu.memory_space<vmem>>[vector<16xi32>, vector<16xi32>, vector<16xi32>, vector<16xi32>], vector<16xf32>,
        %get3A_1045 = arith.constant 14 : i32
        %get3A_1046 = arith.index_cast %get3A_1045 : i32 to index
        %get3A_1047 = arith.index_cast %add3A_849 : i32 to index
        %get3A_1048 = arith.constant 16 : index
        %get3A_1049 = tpu.vector_load %arg7[%get3A_1046, %get3A_1047, %get3A_1048] {strides = array<i32>} : memref<32x50x32xf32, #tpu.memory_space<vmem>>, vector<16xf32>,
        tpu.vector_store_idx %arg10[%add3A_60, %broadcast_in_dim3A_3, %rem3A_63, %add3A_1039], %get3A_1049 : memref<4x1x8x32xf32, #tpu.memory_space<vmem>>[vector<16xi32>, vector<16xi32>, vector<16xi32>, vector<16xi32>], vector<16xf32>,
        %add3A_1050 = arith.constant 15 : i32
        %add3A_1051 = vector.broadcast %add3A_1050 : i32 to vector<16xi32>
        %add3A_1052 = arith.addi %broadcast_in_dim3A_3, %add3A_1051 : vector<16xi32>
        %get3A_1053 = arith.constant 15 : i32
        %get3A_1054 = arith.index_cast %get3A_1053 : i32 to index
        %get3A_1055 = arith.index_cast %add3A_849 : i32 to index
        %get3A_1056 = arith.constant 0 : index
        %get3A_1057 = tpu.vector_load %arg7[%get3A_1054, %get3A_1055, %get3A_1056] {strides = array<i32>} : memref<32x50x32xf32, #tpu.memory_space<vmem>>, vector<16xf32>,
        tpu.vector_store_idx %arg10[%select_n3A, %broadcast_in_dim3A_3, %rem3A_63, %add3A_1052], %get3A_1057 : memref<4x1x8x32xf32, #tpu.memory_space<vmem>>[vector<16xi32>, vector<16xi32>, vector<16xi32>, vector<16xi32>], vector<16xf32>,
        %get3A_1058 = arith.constant 15 : i32
        %get3A_1059 = arith.index_cast %get3A_1058 : i32 to index
        %get3A_1060 = arith.index_cast %add3A_849 : i32 to index
        %get3A_1061 = arith.constant 16 : index
        %get3A_1062 = tpu.vector_load %arg7[%get3A_1059, %get3A_1060, %get3A_1061] {strides = array<i32>} : memref<32x50x32xf32, #tpu.memory_space<vmem>>, vector<16xf32>,
        tpu.vector_store_idx %arg10[%add3A_60, %broadcast_in_dim3A_3, %rem3A_63, %add3A_1052], %get3A_1062 : memref<4x1x8x32xf32, #tpu.memory_space<vmem>>[vector<16xi32>, vector<16xi32>, vector<16xi32>, vector<16xi32>], vector<16xf32>,
        %add3A_1063 = arith.constant 16 : i32
        %add3A_1064 = vector.broadcast %add3A_1063 : i32 to vector<16xi32>
        %add3A_1065 = arith.addi %broadcast_in_dim3A_3, %add3A_1064 : vector<16xi32>
        %get3A_1066 = arith.constant 16 : i32
        %get3A_1067 = arith.index_cast %get3A_1066 : i32 to index
        %get3A_1068 = arith.index_cast %add3A_849 : i32 to index
        %get3A_1069 = arith.constant 0 : index
        %get3A_1070 = tpu.vector_load %arg7[%get3A_1067, %get3A_1068, %get3A_1069] {strides = array<i32>} : memref<32x50x32xf32, #tpu.memory_space<vmem>>, vector<16xf32>,
        tpu.vector_store_idx %arg10[%select_n3A, %broadcast_in_dim3A_3, %rem3A_63, %add3A_1065], %get3A_1070 : memref<4x1x8x32xf32, #tpu.memory_space<vmem>>[vector<16xi32>, vector<16xi32>, vector<16xi32>, vector<16xi32>], vector<16xf32>,
        %get3A_1071 = arith.constant 16 : i32
        %get3A_1072 = arith.index_cast %get3A_1071 : i32 to index
        %get3A_1073 = arith.index_cast %add3A_849 : i32 to index
        %get3A_1074 = arith.constant 16 : index
        %get3A_1075 = tpu.vector_load %arg7[%get3A_1072, %get3A_1073, %get3A_1074] {strides = array<i32>} : memref<32x50x32xf32, #tpu.memory_space<vmem>>, vector<16xf32>,
        tpu.vector_store_idx %arg10[%add3A_60, %broadcast_in_dim3A_3, %rem3A_63, %add3A_1065], %get3A_1075 : memref<4x1x8x32xf32, #tpu.memory_space<vmem>>[vector<16xi32>, vector<16xi32>, vector<16xi32>, vector<16xi32>], vector<16xf32>,
        %add3A_1076 = arith.constant 17 : i32
        %add3A_1077 = vector.broadcast %add3A_1076 : i32 to vector<16xi32>
        %add3A_1078 = arith.addi %broadcast_in_dim3A_3, %add3A_1077 : vector<16xi32>
        %get3A_1079 = arith.constant 17 : i32
        %get3A_1080 = arith.index_cast %get3A_1079 : i32 to index
        %get3A_1081 = arith.index_cast %add3A_849 : i32 to index
        %get3A_1082 = arith.constant 0 : index
        %get3A_1083 = tpu.vector_load %arg7[%get3A_1080, %get3A_1081, %get3A_1082] {strides = array<i32>} : memref<32x50x32xf32, #tpu.memory_space<vmem>>, vector<16xf32>,
        tpu.vector_store_idx %arg10[%select_n3A, %broadcast_in_dim3A_3, %rem3A_63, %add3A_1078], %get3A_1083 : memref<4x1x8x32xf32, #tpu.memory_space<vmem>>[vector<16xi32>, vector<16xi32>, vector<16xi32>, vector<16xi32>], vector<16xf32>,
        %get3A_1084 = arith.constant 17 : i32
        %get3A_1085 = arith.index_cast %get3A_1084 : i32 to index
        %get3A_1086 = arith.index_cast %add3A_849 : i32 to index
        %get3A_1087 = arith.constant 16 : index
        %get3A_1088 = tpu.vector_load %arg7[%get3A_1085, %get3A_1086, %get3A_1087] {strides = array<i32>} : memref<32x50x32xf32, #tpu.memory_space<vmem>>, vector<16xf32>,
        tpu.vector_store_idx %arg10[%add3A_60, %broadcast_in_dim3A_3, %rem3A_63, %add3A_1078], %get3A_1088 : memref<4x1x8x32xf32, #tpu.memory_space<vmem>>[vector<16xi32>, vector<16xi32>, vector<16xi32>, vector<16xi32>], vector<16xf32>,
        %add3A_1089 = arith.constant 18 : i32
        %add3A_1090 = vector.broadcast %add3A_1089 : i32 to vector<16xi32>
        %add3A_1091 = arith.addi %broadcast_in_dim3A_3, %add3A_1090 : vector<16xi32>
        %get3A_1092 = arith.constant 18 : i32
        %get3A_1093 = arith.index_cast %get3A_1092 : i32 to index
        %get3A_1094 = arith.index_cast %add3A_849 : i32 to index
        %get3A_1095 = arith.constant 0 : index
        %get3A_1096 = tpu.vector_load %arg7[%get3A_1093, %get3A_1094, %get3A_1095] {strides = array<i32>} : memref<32x50x32xf32, #tpu.memory_space<vmem>>, vector<16xf32>,
        tpu.vector_store_idx %arg10[%select_n3A, %broadcast_in_dim3A_3, %rem3A_63, %add3A_1091], %get3A_1096 : memref<4x1x8x32xf32, #tpu.memory_space<vmem>>[vector<16xi32>, vector<16xi32>, vector<16xi32>, vector<16xi32>], vector<16xf32>,
        %get3A_1097 = arith.constant 18 : i32
        %get3A_1098 = arith.index_cast %get3A_1097 : i32 to index
        %get3A_1099 = arith.index_cast %add3A_849 : i32 to index
        %get3A_1100 = arith.constant 16 : index
        %get3A_1101 = tpu.vector_load %arg7[%get3A_1098, %get3A_1099, %get3A_1100] {strides = array<i32>} : memref<32x50x32xf32, #tpu.memory_space<vmem>>, vector<16xf32>,
        tpu.vector_store_idx %arg10[%add3A_60, %broadcast_in_dim3A_3, %rem3A_63, %add3A_1091], %get3A_1101 : memref<4x1x8x32xf32, #tpu.memory_space<vmem>>[vector<16xi32>, vector<16xi32>, vector<16xi32>, vector<16xi32>], vector<16xf32>,
        %add3A_1102 = arith.constant 19 : i32
        %add3A_1103 = vector.broadcast %add3A_1102 : i32 to vector<16xi32>
        %add3A_1104 = arith.addi %broadcast_in_dim3A_3, %add3A_1103 : vector<16xi32>
        %get3A_1105 = arith.constant 19 : i32
        %get3A_1106 = arith.index_cast %get3A_1105 : i32 to index
        %get3A_1107 = arith.index_cast %add3A_849 : i32 to index
        %get3A_1108 = arith.constant 0 : index
        %get3A_1109 = tpu.vector_load %arg7[%get3A_1106, %get3A_1107, %get3A_1108] {strides = array<i32>} : memref<32x50x32xf32, #tpu.memory_space<vmem>>, vector<16xf32>,
        tpu.vector_store_idx %arg10[%select_n3A, %broadcast_in_dim3A_3, %rem3A_63, %add3A_1104], %get3A_1109 : memref<4x1x8x32xf32, #tpu.memory_space<vmem>>[vector<16xi32>, vector<16xi32>, vector<16xi32>, vector<16xi32>], vector<16xf32>,
        %get3A_1110 = arith.constant 19 : i32
        %get3A_1111 = arith.index_cast %get3A_1110 : i32 to index
        %get3A_1112 = arith.index_cast %add3A_849 : i32 to index
        %get3A_1113 = arith.constant 16 : index
        %get3A_1114 = tpu.vector_load %arg7[%get3A_1111, %get3A_1112, %get3A_1113] {strides = array<i32>} : memref<32x50x32xf32, #tpu.memory_space<vmem>>, vector<16xf32>,
        tpu.vector_store_idx %arg10[%add3A_60, %broadcast_in_dim3A_3, %rem3A_63, %add3A_1104], %get3A_1114 : memref<4x1x8x32xf32, #tpu.memory_space<vmem>>[vector<16xi32>, vector<16xi32>, vector<16xi32>, vector<16xi32>], vector<16xf32>,
        %add3A_1115 = arith.constant 20 : i32
        %add3A_1116 = vector.broadcast %add3A_1115 : i32 to vector<16xi32>
        %add3A_1117 = arith.addi %broadcast_in_dim3A_3, %add3A_1116 : vector<16xi32>
        %get3A_1118 = arith.constant 20 : i32
        %get3A_1119 = arith.index_cast %get3A_1118 : i32 to index
        %get3A_1120 = arith.index_cast %add3A_849 : i32 to index
        %get3A_1121 = arith.constant 0 : index
        %get3A_1122 = tpu.vector_load %arg7[%get3A_1119, %get3A_1120, %get3A_1121] {strides = array<i32>} : memref<32x50x32xf32, #tpu.memory_space<vmem>>, vector<16xf32>,
        tpu.vector_store_idx %arg10[%select_n3A, %broadcast_in_dim3A_3, %rem3A_63, %add3A_1117], %get3A_1122 : memref<4x1x8x32xf32, #tpu.memory_space<vmem>>[vector<16xi32>, vector<16xi32>, vector<16xi32>, vector<16xi32>], vector<16xf32>,
        %get3A_1123 = arith.constant 20 : i32
        %get3A_1124 = arith.index_cast %get3A_1123 : i32 to index
        %get3A_1125 = arith.index_cast %add3A_849 : i32 to index
        %get3A_1126 = arith.constant 16 : index
        %get3A_1127 = tpu.vector_load %arg7[%get3A_1124, %get3A_1125, %get3A_1126] {strides = array<i32>} : memref<32x50x32xf32, #tpu.memory_space<vmem>>, vector<16xf32>,
        tpu.vector_store_idx %arg10[%add3A_60, %broadcast_in_dim3A_3, %rem3A_63, %add3A_1117], %get3A_1127 : memref<4x1x8x32xf32, #tpu.memory_space<vmem>>[vector<16xi32>, vector<16xi32>, vector<16xi32>, vector<16xi32>], vector<16xf32>,
        %add3A_1128 = arith.constant 21 : i32
        %add3A_1129 = vector.broadcast %add3A_1128 : i32 to vector<16xi32>
        %add3A_1130 = arith.addi %broadcast_in_dim3A_3, %add3A_1129 : vector<16xi32>
        %get3A_1131 = arith.constant 21 : i32
        %get3A_1132 = arith.index_cast %get3A_1131 : i32 to index
        %get3A_1133 = arith.index_cast %add3A_849 : i32 to index
        %get3A_1134 = arith.constant 0 : index
        %get3A_1135 = tpu.vector_load %arg7[%get3A_1132, %get3A_1133, %get3A_1134] {strides = array<i32>} : memref<32x50x32xf32, #tpu.memory_space<vmem>>, vector<16xf32>,
        tpu.vector_store_idx %arg10[%select_n3A, %broadcast_in_dim3A_3, %rem3A_63, %add3A_1130], %get3A_1135 : memref<4x1x8x32xf32, #tpu.memory_space<vmem>>[vector<16xi32>, vector<16xi32>, vector<16xi32>, vector<16xi32>], vector<16xf32>,
        %get3A_1136 = arith.constant 21 : i32
        %get3A_1137 = arith.index_cast %get3A_1136 : i32 to index
        %get3A_1138 = arith.index_cast %add3A_849 : i32 to index
        %get3A_1139 = arith.constant 16 : index
        %get3A_1140 = tpu.vector_load %arg7[%get3A_1137, %get3A_1138, %get3A_1139] {strides = array<i32>} : memref<32x50x32xf32, #tpu.memory_space<vmem>>, vector<16xf32>,
        tpu.vector_store_idx %arg10[%add3A_60, %broadcast_in_dim3A_3, %rem3A_63, %add3A_1130], %get3A_1140 : memref<4x1x8x32xf32, #tpu.memory_space<vmem>>[vector<16xi32>, vector<16xi32>, vector<16xi32>, vector<16xi32>], vector<16xf32>,
        %add3A_1141 = arith.constant 22 : i32
        %add3A_1142 = vector.broadcast %add3A_1141 : i32 to vector<16xi32>
        %add3A_1143 = arith.addi %broadcast_in_dim3A_3, %add3A_1142 : vector<16xi32>
        %get3A_1144 = arith.constant 22 : i32
        %get3A_1145 = arith.index_cast %get3A_1144 : i32 to index
        %get3A_1146 = arith.index_cast %add3A_849 : i32 to index
        %get3A_1147 = arith.constant 0 : index
        %get3A_1148 = tpu.vector_load %arg7[%get3A_1145, %get3A_1146, %get3A_1147] {strides = array<i32>} : memref<32x50x32xf32, #tpu.memory_space<vmem>>, vector<16xf32>,
        tpu.vector_store_idx %arg10[%select_n3A, %broadcast_in_dim3A_3, %rem3A_63, %add3A_1143], %get3A_1148 : memref<4x1x8x32xf32, #tpu.memory_space<vmem>>[vector<16xi32>, vector<16xi32>, vector<16xi32>, vector<16xi32>], vector<16xf32>,
        %get3A_1149 = arith.constant 22 : i32
        %get3A_1150 = arith.index_cast %get3A_1149 : i32 to index
        %get3A_1151 = arith.index_cast %add3A_849 : i32 to index
        %get3A_1152 = arith.constant 16 : index
        %get3A_1153 = tpu.vector_load %arg7[%get3A_1150, %get3A_1151, %get3A_1152] {strides = array<i32>} : memref<32x50x32xf32, #tpu.memory_space<vmem>>, vector<16xf32>,
        tpu.vector_store_idx %arg10[%add3A_60, %broadcast_in_dim3A_3, %rem3A_63, %add3A_1143], %get3A_1153 : memref<4x1x8x32xf32, #tpu.memory_space<vmem>>[vector<16xi32>, vector<16xi32>, vector<16xi32>, vector<16xi32>], vector<16xf32>,
        %add3A_1154 = arith.constant 23 : i32
        %add3A_1155 = vector.broadcast %add3A_1154 : i32 to vector<16xi32>
        %add3A_1156 = arith.addi %broadcast_in_dim3A_3, %add3A_1155 : vector<16xi32>
        %get3A_1157 = arith.constant 23 : i32
        %get3A_1158 = arith.index_cast %get3A_1157 : i32 to index
        %get3A_1159 = arith.index_cast %add3A_849 : i32 to index
        %get3A_1160 = arith.constant 0 : index
        %get3A_1161 = tpu.vector_load %arg7[%get3A_1158, %get3A_1159, %get3A_1160] {strides = array<i32>} : memref<32x50x32xf32, #tpu.memory_space<vmem>>, vector<16xf32>,
        tpu.vector_store_idx %arg10[%select_n3A, %broadcast_in_dim3A_3, %rem3A_63, %add3A_1156], %get3A_1161 : memref<4x1x8x32xf32, #tpu.memory_space<vmem>>[vector<16xi32>, vector<16xi32>, vector<16xi32>, vector<16xi32>], vector<16xf32>,
        %get3A_1162 = arith.constant 23 : i32
        %get3A_1163 = arith.index_cast %get3A_1162 : i32 to index
        %get3A_1164 = arith.index_cast %add3A_849 : i32 to index
        %get3A_1165 = arith.constant 16 : index
        %get3A_1166 = tpu.vector_load %arg7[%get3A_1163, %get3A_1164, %get3A_1165] {strides = array<i32>} : memref<32x50x32xf32, #tpu.memory_space<vmem>>, vector<16xf32>,
        tpu.vector_store_idx %arg10[%add3A_60, %broadcast_in_dim3A_3, %rem3A_63, %add3A_1156], %get3A_1166 : memref<4x1x8x32xf32, #tpu.memory_space<vmem>>[vector<16xi32>, vector<16xi32>, vector<16xi32>, vector<16xi32>], vector<16xf32>,
        %add3A_1167 = arith.constant 24 : i32
        %add3A_1168 = vector.broadcast %add3A_1167 : i32 to vector<16xi32>
        %add3A_1169 = arith.addi %broadcast_in_dim3A_3, %add3A_1168 : vector<16xi32>
        %get3A_1170 = arith.constant 24 : i32
        %get3A_1171 = arith.index_cast %get3A_1170 : i32 to index
        %get3A_1172 = arith.index_cast %add3A_849 : i32 to index
        %get3A_1173 = arith.constant 0 : index
        %get3A_1174 = tpu.vector_load %arg7[%get3A_1171, %get3A_1172, %get3A_1173] {strides = array<i32>} : memref<32x50x32xf32, #tpu.memory_space<vmem>>, vector<16xf32>,
        tpu.vector_store_idx %arg10[%select_n3A, %broadcast_in_dim3A_3, %rem3A_63, %add3A_1169], %get3A_1174 : memref<4x1x8x32xf32, #tpu.memory_space<vmem>>[vector<16xi32>, vector<16xi32>, vector<16xi32>, vector<16xi32>], vector<16xf32>,
        %get3A_1175 = arith.constant 24 : i32
        %get3A_1176 = arith.index_cast %get3A_1175 : i32 to index
        %get3A_1177 = arith.index_cast %add3A_849 : i32 to index
        %get3A_1178 = arith.constant 16 : index
        %get3A_1179 = tpu.vector_load %arg7[%get3A_1176, %get3A_1177, %get3A_1178] {strides = array<i32>} : memref<32x50x32xf32, #tpu.memory_space<vmem>>, vector<16xf32>,
        tpu.vector_store_idx %arg10[%add3A_60, %broadcast_in_dim3A_3, %rem3A_63, %add3A_1169], %get3A_1179 : memref<4x1x8x32xf32, #tpu.memory_space<vmem>>[vector<16xi32>, vector<16xi32>, vector<16xi32>, vector<16xi32>], vector<16xf32>,
        %add3A_1180 = arith.constant 25 : i32
        %add3A_1181 = vector.broadcast %add3A_1180 : i32 to vector<16xi32>
        %add3A_1182 = arith.addi %broadcast_in_dim3A_3, %add3A_1181 : vector<16xi32>
        %get3A_1183 = arith.constant 25 : i32
        %get3A_1184 = arith.index_cast %get3A_1183 : i32 to index
        %get3A_1185 = arith.index_cast %add3A_849 : i32 to index
        %get3A_1186 = arith.constant 0 : index
        %get3A_1187 = tpu.vector_load %arg7[%get3A_1184, %get3A_1185, %get3A_1186] {strides = array<i32>} : memref<32x50x32xf32, #tpu.memory_space<vmem>>, vector<16xf32>,
        tpu.vector_store_idx %arg10[%select_n3A, %broadcast_in_dim3A_3, %rem3A_63, %add3A_1182], %get3A_1187 : memref<4x1x8x32xf32, #tpu.memory_space<vmem>>[vector<16xi32>, vector<16xi32>, vector<16xi32>, vector<16xi32>], vector<16xf32>,
        %get3A_1188 = arith.constant 25 : i32
        %get3A_1189 = arith.index_cast %get3A_1188 : i32 to index
        %get3A_1190 = arith.index_cast %add3A_849 : i32 to index
        %get3A_1191 = arith.constant 16 : index
        %get3A_1192 = tpu.vector_load %arg7[%get3A_1189, %get3A_1190, %get3A_1191] {strides = array<i32>} : memref<32x50x32xf32, #tpu.memory_space<vmem>>, vector<16xf32>,
        tpu.vector_store_idx %arg10[%add3A_60, %broadcast_in_dim3A_3, %rem3A_63, %add3A_1182], %get3A_1192 : memref<4x1x8x32xf32, #tpu.memory_space<vmem>>[vector<16xi32>, vector<16xi32>, vector<16xi32>, vector<16xi32>], vector<16xf32>,
        %add3A_1193 = arith.constant 26 : i32
        %add3A_1194 = vector.broadcast %add3A_1193 : i32 to vector<16xi32>
        %add3A_1195 = arith.addi %broadcast_in_dim3A_3, %add3A_1194 : vector<16xi32>
        %get3A_1196 = arith.constant 26 : i32
        %get3A_1197 = arith.index_cast %get3A_1196 : i32 to index
        %get3A_1198 = arith.index_cast %add3A_849 : i32 to index
        %get3A_1199 = arith.constant 0 : index
        %get3A_1200 = tpu.vector_load %arg7[%get3A_1197, %get3A_1198, %get3A_1199] {strides = array<i32>} : memref<32x50x32xf32, #tpu.memory_space<vmem>>, vector<16xf32>,
        tpu.vector_store_idx %arg10[%select_n3A, %broadcast_in_dim3A_3, %rem3A_63, %add3A_1195], %get3A_1200 : memref<4x1x8x32xf32, #tpu.memory_space<vmem>>[vector<16xi32>, vector<16xi32>, vector<16xi32>, vector<16xi32>], vector<16xf32>,
        %get3A_1201 = arith.constant 26 : i32
        %get3A_1202 = arith.index_cast %get3A_1201 : i32 to index
        %get3A_1203 = arith.index_cast %add3A_849 : i32 to index
        %get3A_1204 = arith.constant 16 : index
        %get3A_1205 = tpu.vector_load %arg7[%get3A_1202, %get3A_1203, %get3A_1204] {strides = array<i32>} : memref<32x50x32xf32, #tpu.memory_space<vmem>>, vector<16xf32>,
        tpu.vector_store_idx %arg10[%add3A_60, %broadcast_in_dim3A_3, %rem3A_63, %add3A_1195], %get3A_1205 : memref<4x1x8x32xf32, #tpu.memory_space<vmem>>[vector<16xi32>, vector<16xi32>, vector<16xi32>, vector<16xi32>], vector<16xf32>,
        %add3A_1206 = arith.constant 27 : i32
        %add3A_1207 = vector.broadcast %add3A_1206 : i32 to vector<16xi32>
        %add3A_1208 = arith.addi %broadcast_in_dim3A_3, %add3A_1207 : vector<16xi32>
        %get3A_1209 = arith.constant 27 : i32
        %get3A_1210 = arith.index_cast %get3A_1209 : i32 to index
        %get3A_1211 = arith.index_cast %add3A_849 : i32 to index
        %get3A_1212 = arith.constant 0 : index
        %get3A_1213 = tpu.vector_load %arg7[%get3A_1210, %get3A_1211, %get3A_1212] {strides = array<i32>} : memref<32x50x32xf32, #tpu.memory_space<vmem>>, vector<16xf32>,
        tpu.vector_store_idx %arg10[%select_n3A, %broadcast_in_dim3A_3, %rem3A_63, %add3A_1208], %get3A_1213 : memref<4x1x8x32xf32, #tpu.memory_space<vmem>>[vector<16xi32>, vector<16xi32>, vector<16xi32>, vector<16xi32>], vector<16xf32>,
        %get3A_1214 = arith.constant 27 : i32
        %get3A_1215 = arith.index_cast %get3A_1214 : i32 to index
        %get3A_1216 = arith.index_cast %add3A_849 : i32 to index
        %get3A_1217 = arith.constant 16 : index
        %get3A_1218 = tpu.vector_load %arg7[%get3A_1215, %get3A_1216, %get3A_1217] {strides = array<i32>} : memref<32x50x32xf32, #tpu.memory_space<vmem>>, vector<16xf32>,
        tpu.vector_store_idx %arg10[%add3A_60, %broadcast_in_dim3A_3, %rem3A_63, %add3A_1208], %get3A_1218 : memref<4x1x8x32xf32, #tpu.memory_space<vmem>>[vector<16xi32>, vector<16xi32>, vector<16xi32>, vector<16xi32>], vector<16xf32>,
        %add3A_1219 = arith.constant 28 : i32
        %add3A_1220 = vector.broadcast %add3A_1219 : i32 to vector<16xi32>
        %add3A_1221 = arith.addi %broadcast_in_dim3A_3, %add3A_1220 : vector<16xi32>
        %get3A_1222 = arith.constant 28 : i32
        %get3A_1223 = arith.index_cast %get3A_1222 : i32 to index
        %get3A_1224 = arith.index_cast %add3A_849 : i32 to index
        %get3A_1225 = arith.constant 0 : index
        %get3A_1226 = tpu.vector_load %arg7[%get3A_1223, %get3A_1224, %get3A_1225] {strides = array<i32>} : memref<32x50x32xf32, #tpu.memory_space<vmem>>, vector<16xf32>,
        tpu.vector_store_idx %arg10[%select_n3A, %broadcast_in_dim3A_3, %rem3A_63, %add3A_1221], %get3A_1226 : memref<4x1x8x32xf32, #tpu.memory_space<vmem>>[vector<16xi32>, vector<16xi32>, vector<16xi32>, vector<16xi32>], vector<16xf32>,
        %get3A_1227 = arith.constant 28 : i32
        %get3A_1228 = arith.index_cast %get3A_1227 : i32 to index
        %get3A_1229 = arith.index_cast %add3A_849 : i32 to index
        %get3A_1230 = arith.constant 16 : index
        %get3A_1231 = tpu.vector_load %arg7[%get3A_1228, %get3A_1229, %get3A_1230] {strides = array<i32>} : memref<32x50x32xf32, #tpu.memory_space<vmem>>, vector<16xf32>,
        tpu.vector_store_idx %arg10[%add3A_60, %broadcast_in_dim3A_3, %rem3A_63, %add3A_1221], %get3A_1231 : memref<4x1x8x32xf32, #tpu.memory_space<vmem>>[vector<16xi32>, vector<16xi32>, vector<16xi32>, vector<16xi32>], vector<16xf32>,
        %add3A_1232 = arith.constant 29 : i32
        %add3A_1233 = vector.broadcast %add3A_1232 : i32 to vector<16xi32>
        %add3A_1234 = arith.addi %broadcast_in_dim3A_3, %add3A_1233 : vector<16xi32>
        %get3A_1235 = arith.constant 29 : i32
        %get3A_1236 = arith.index_cast %get3A_1235 : i32 to index
        %get3A_1237 = arith.index_cast %add3A_849 : i32 to index
        %get3A_1238 = arith.constant 0 : index
        %get3A_1239 = tpu.vector_load %arg7[%get3A_1236, %get3A_1237, %get3A_1238] {strides = array<i32>} : memref<32x50x32xf32, #tpu.memory_space<vmem>>, vector<16xf32>,
        tpu.vector_store_idx %arg10[%select_n3A, %broadcast_in_dim3A_3, %rem3A_63, %add3A_1234], %get3A_1239 : memref<4x1x8x32xf32, #tpu.memory_space<vmem>>[vector<16xi32>, vector<16xi32>, vector<16xi32>, vector<16xi32>], vector<16xf32>,
        %get3A_1240 = arith.constant 29 : i32
        %get3A_1241 = arith.index_cast %get3A_1240 : i32 to index
        %get3A_1242 = arith.index_cast %add3A_849 : i32 to index
        %get3A_1243 = arith.constant 16 : index
        %get3A_1244 = tpu.vector_load %arg7[%get3A_1241, %get3A_1242, %get3A_1243] {strides = array<i32>} : memref<32x50x32xf32, #tpu.memory_space<vmem>>, vector<16xf32>,
        tpu.vector_store_idx %arg10[%add3A_60, %broadcast_in_dim3A_3, %rem3A_63, %add3A_1234], %get3A_1244 : memref<4x1x8x32xf32, #tpu.memory_space<vmem>>[vector<16xi32>, vector<16xi32>, vector<16xi32>, vector<16xi32>], vector<16xf32>,
        %add3A_1245 = arith.constant 30 : i32
        %add3A_1246 = vector.broadcast %add3A_1245 : i32 to vector<16xi32>
        %add3A_1247 = arith.addi %broadcast_in_dim3A_3, %add3A_1246 : vector<16xi32>
        %get3A_1248 = arith.constant 30 : i32
        %get3A_1249 = arith.index_cast %get3A_1248 : i32 to index
        %get3A_1250 = arith.index_cast %add3A_849 : i32 to index
        %get3A_1251 = arith.constant 0 : index
        %get3A_1252 = tpu.vector_load %arg7[%get3A_1249, %get3A_1250, %get3A_1251] {strides = array<i32>} : memref<32x50x32xf32, #tpu.memory_space<vmem>>, vector<16xf32>,
        tpu.vector_store_idx %arg10[%select_n3A, %broadcast_in_dim3A_3, %rem3A_63, %add3A_1247], %get3A_1252 : memref<4x1x8x32xf32, #tpu.memory_space<vmem>>[vector<16xi32>, vector<16xi32>, vector<16xi32>, vector<16xi32>], vector<16xf32>,
        %get3A_1253 = arith.constant 30 : i32
        %get3A_1254 = arith.index_cast %get3A_1253 : i32 to index
        %get3A_1255 = arith.index_cast %add3A_849 : i32 to index
        %get3A_1256 = arith.constant 16 : index
        %get3A_1257 = tpu.vector_load %arg7[%get3A_1254, %get3A_1255, %get3A_1256] {strides = array<i32>} : memref<32x50x32xf32, #tpu.memory_space<vmem>>, vector<16xf32>,
        tpu.vector_store_idx %arg10[%add3A_60, %broadcast_in_dim3A_3, %rem3A_63, %add3A_1247], %get3A_1257 : memref<4x1x8x32xf32, #tpu.memory_space<vmem>>[vector<16xi32>, vector<16xi32>, vector<16xi32>, vector<16xi32>], vector<16xf32>,
        %add3A_1258 = arith.constant 31 : i32
        %add3A_1259 = vector.broadcast %add3A_1258 : i32 to vector<16xi32>
        %add3A_1260 = arith.addi %broadcast_in_dim3A_3, %add3A_1259 : vector<16xi32>
        %get3A_1261 = arith.constant 31 : i32
        %get3A_1262 = arith.index_cast %get3A_1261 : i32 to index
        %get3A_1263 = arith.index_cast %add3A_849 : i32 to index
        %get3A_1264 = arith.constant 0 : index
        %get3A_1265 = tpu.vector_load %arg7[%get3A_1262, %get3A_1263, %get3A_1264] {strides = array<i32>} : memref<32x50x32xf32, #tpu.memory_space<vmem>>, vector<16xf32>,
        tpu.vector_store_idx %arg10[%select_n3A, %broadcast_in_dim3A_3, %rem3A_63, %add3A_1260], %get3A_1265 : memref<4x1x8x32xf32, #tpu.memory_space<vmem>>[vector<16xi32>, vector<16xi32>, vector<16xi32>, vector<16xi32>], vector<16xf32>,
        %get3A_1266 = arith.constant 31 : i32
        %get3A_1267 = arith.index_cast %get3A_1266 : i32 to index
        %get3A_1268 = arith.index_cast %add3A_849 : i32 to index
        %get3A_1269 = arith.constant 16 : index
        %get3A_1270 = tpu.vector_load %arg7[%get3A_1267, %get3A_1268, %get3A_1269] {strides = array<i32>} : memref<32x50x32xf32, #tpu.memory_space<vmem>>, vector<16xf32>,
        tpu.vector_store_idx %arg10[%add3A_60, %broadcast_in_dim3A_3, %rem3A_63, %add3A_1260], %get3A_1270 : memref<4x1x8x32xf32, #tpu.memory_space<vmem>>[vector<16xi32>, vector<16xi32>, vector<16xi32>, vector<16xi32>], vector<16xf32>,
        %mul3A_1271 = arith.constant 32 : i32
        %mul3A_1272 = arith.muli %add3A_95, %mul3A_1271 : i32
        %add3A_1273 = arith.addi %mul3A_2, %mul3A_1272 : i32
        %jit3A_1274 = arith.constant 128 : i32
        %div3A_1275 = arith.divsi %add3A_1273, %jit3A_1274 : i32
        %sign3A_1276 = arith.constant 0 : i32
        %sign3A_1277 = arith.cmpi sgt, %add3A_1273, %sign3A_1276 : i32
        %sign3A_1278 = arith.extui %sign3A_1277 : i1 to i32
        %sign3A_1279 = arith.constant 0 : i32
        %sign3A_1280 = arith.cmpi slt, %add3A_1273, %sign3A_1279 : i32
        %sign3A_1281 = arith.extui %sign3A_1280 : i1 to i32
        %sign3A_1282 = arith.subi %sign3A_1278, %sign3A_1281 : i32
        %sign3A_1283 = arith.constant 0 : i32
        %sign3A_1284 = arith.cmpi sgt, %jit3A_1274, %sign3A_1283 : i32
        %sign3A_1285 = arith.extui %sign3A_1284 : i1 to i32
        %sign3A_1286 = arith.constant 0 : i32
        %sign3A_1287 = arith.cmpi slt, %jit3A_1274, %sign3A_1286 : i32
        %sign3A_1288 = arith.extui %sign3A_1287 : i1 to i32
        %sign3A_1289 = arith.subi %sign3A_1285, %sign3A_1288 : i32
        %ne3A_1290 = arith.cmpi ne, %sign3A_1282, %sign3A_1289 : i32
        %rem3A_1291 = arith.remsi %add3A_1273, %jit3A_1274 : i32
        %ne3A_1292 = arith.constant 0 : i32
        %ne3A_1293 = arith.cmpi ne, %rem3A_1291, %ne3A_1292 : i32
        %and3A_1294 = arith.andi %ne3A_1290, %ne3A_1293 : i1
        %sub3A_1295 = arith.constant 1 : i32
        %sub3A_1296 = arith.subi %div3A_1275, %sub3A_1295 : i32
        %select_n3A_1297 = arith.select %and3A_1294, %sub3A_1296, %div3A_1275 : i32
        %mul3A_1298 = arith.constant 32 : i32
        %mul3A_1299 = arith.muli %add3A_95, %mul3A_1298 : i32
        %add3A_1300 = arith.addi %mul3A_2, %mul3A_1299 : i32
        %jit3A_1301 = arith.constant 128 : i32
        %eq3A_1302 = arith.constant 0 : i32
        %eq3A_1303 = arith.cmpi eq, %jit3A_1301, %eq3A_1302 : i32
        %jit3A_1304 = arith.constant 1 : i32
        %select_n3A_1305 = arith.select %eq3A_1303, %jit3A_1304, %jit3A_1301 : i32
        %rem3A_1306 = arith.remsi %add3A_1300, %select_n3A_1305 : i32
        %ne3A_1307 = arith.constant 0 : i32
        %ne3A_1308 = arith.cmpi ne, %rem3A_1306, %ne3A_1307 : i32
        %lt3A_1309 = arith.constant 0 : i32
        %lt3A_1310 = arith.cmpi slt, %rem3A_1306, %lt3A_1309 : i32
        %lt3A_1311 = arith.constant 0 : i32
        %lt3A_1312 = arith.cmpi slt, %select_n3A_1305, %lt3A_1311 : i32
        %ne3A_1313 = arith.xori %lt3A_1310, %lt3A_1312 : i1
        %and3A_1314 = arith.andi %ne3A_1313, %ne3A_1308 : i1
        %add3A_1315 = arith.addi %rem3A_1306, %select_n3A_1305 : i32
        %select_n3A_1316 = arith.select %and3A_1314, %add3A_1315, %rem3A_1306 : i32
        %dma_start3A_1317 = arith.constant 0 : i32
        %dma_start3A_1318 = arith.constant 0 : i32
        %dma_start3A_1319 = tpu.memref_slice %arg4[%add3A_849, %dma_start3A_1317, %select_n3A_1297, %dma_start3A_1318, %select_n3A_1316] : memref<50x4x128x8x128xf32, #tpu.memory_space<hbm>> -> memref<1x4x1x8x32xf32, #tpu.memory_space<hbm>>
        %dma_start3A_1320 = tpu.memref_squeeze %dma_start3A_1319 : memref<1x4x1x8x32xf32, #tpu.memory_space<hbm>> -> memref<4x1x8x32xf32, #tpu.memory_space<hbm>>
        %dma_start3A_1321 = arith.constant 0 : i32
        %dma_start3A_1322 = arith.constant 0 : i32
        %dma_start3A_1323 = tpu.memref_slice %arg4[%add3A_849, %dma_start3A_1321, %select_n3A_1297, %dma_start3A_1322, %select_n3A_1316] : memref<50x4x128x8x128xf32, #tpu.memory_space<hbm>> -> memref<1x4x1x8x32xf32, #tpu.memory_space<hbm>>
        %dma_start3A_1324 = tpu.memref_squeeze %dma_start3A_1323 : memref<1x4x1x8x32xf32, #tpu.memory_space<hbm>> -> memref<4x1x8x32xf32, #tpu.memory_space<hbm>>
        tpu.enqueue_dma source(%arg10 : memref<4x1x8x32xf32, #tpu.memory_space<vmem>>) target(%dma_start3A_1324 : memref<4x1x8x32xf32, #tpu.memory_space<hbm>>) target_semaphore(%arg16 : memref<!tpu.dma_semaphore, #tpu.memory_space<semaphore_mem>>)
      }
      %scan3A_118 = arith.constant 25 : i32
      %mul3A_119 = arith.constant 32 : i32
      %mul3A_120 = arith.muli %add3A_95, %mul3A_119 : i32
      %add3A_121 = arith.addi %mul3A_2, %mul3A_120 : i32
      %jit3A_122 = arith.constant 128 : i32
      %div3A_123 = arith.divsi %add3A_121, %jit3A_122 : i32
      %sign3A_124 = arith.constant 0 : i32
      %sign3A_125 = arith.cmpi sgt, %add3A_121, %sign3A_124 : i32
      %sign3A_126 = arith.extui %sign3A_125 : i1 to i32
      %sign3A_127 = arith.constant 0 : i32
      %sign3A_128 = arith.cmpi slt, %add3A_121, %sign3A_127 : i32
      %sign3A_129 = arith.extui %sign3A_128 : i1 to i32
      %sign3A_130 = arith.subi %sign3A_126, %sign3A_129 : i32
      %sign3A_131 = arith.constant 0 : i32
      %sign3A_132 = arith.cmpi sgt, %jit3A_122, %sign3A_131 : i32
      %sign3A_133 = arith.extui %sign3A_132 : i1 to i32
      %sign3A_134 = arith.constant 0 : i32
      %sign3A_135 = arith.cmpi slt, %jit3A_122, %sign3A_134 : i32
      %sign3A_136 = arith.extui %sign3A_135 : i1 to i32
      %sign3A_137 = arith.subi %sign3A_133, %sign3A_136 : i32
      %ne3A_138 = arith.cmpi ne, %sign3A_130, %sign3A_137 : i32
      %rem3A_139 = arith.remsi %add3A_121, %jit3A_122 : i32
      %ne3A_140 = arith.constant 0 : i32
      %ne3A_141 = arith.cmpi ne, %rem3A_139, %ne3A_140 : i32
      %and3A_142 = arith.andi %ne3A_138, %ne3A_141 : i1
      %sub3A_143 = arith.constant 1 : i32
      %sub3A_144 = arith.subi %div3A_123, %sub3A_143 : i32
      %select_n3A_145 = arith.select %and3A_142, %sub3A_144, %div3A_123 : i32
      %mul3A_146 = arith.constant 32 : i32
      %mul3A_147 = arith.muli %add3A_95, %mul3A_146 : i32
      %add3A_148 = arith.addi %mul3A_2, %mul3A_147 : i32
      %jit3A_149 = arith.constant 128 : i32
      %eq3A = arith.constant 0 : i32
      %eq3A_150 = arith.cmpi eq, %jit3A_149, %eq3A : i32
      %jit3A_151 = arith.constant 1 : i32
      %select_n3A_152 = arith.select %eq3A_150, %jit3A_151, %jit3A_149 : i32
      %rem3A_153 = arith.remsi %add3A_148, %select_n3A_152 : i32
      %ne3A_154 = arith.constant 0 : i32
      %ne3A_155 = arith.cmpi ne, %rem3A_153, %ne3A_154 : i32
      %lt3A_156 = arith.constant 0 : i32
      %lt3A_157 = arith.cmpi slt, %rem3A_153, %lt3A_156 : i32
      %lt3A_158 = arith.constant 0 : i32
      %lt3A_159 = arith.cmpi slt, %select_n3A_152, %lt3A_158 : i32
      %ne3A_160 = arith.xori %lt3A_157, %lt3A_159 : i1
      %and3A_161 = arith.andi %ne3A_160, %ne3A_155 : i1
      %add3A_162 = arith.addi %rem3A_153, %select_n3A_152 : i32
      %select_n3A_163 = arith.select %and3A_161, %add3A_162, %rem3A_153 : i32
      %dma_wait3A_164 = arith.constant 48 : i32
      %dma_wait3A_165 = arith.constant 0 : i32
      %dma_wait3A_166 = arith.constant 0 : i32
      %dma_wait3A_167 = tpu.memref_slice %arg4[%dma_wait3A_164, %dma_wait3A_165, %select_n3A_145, %dma_wait3A_166, %select_n3A_163] : memref<50x4x128x8x128xf32, #tpu.memory_space<hbm>> -> memref<1x4x1x8x32xf32, #tpu.memory_space<hbm>>
      %dma_wait3A_168 = tpu.memref_squeeze %dma_wait3A_167 : memref<1x4x1x8x32xf32, #tpu.memory_space<hbm>> -> memref<4x1x8x32xf32, #tpu.memory_space<hbm>>
      %dma_wait3A_169 = arith.constant 0 : i32
      %dma_wait3A_170 = arith.constant 0 : i32
      %dma_wait3A_171 = tpu.memref_slice %arg4[%dma_wait3A_164, %dma_wait3A_169, %select_n3A_145, %dma_wait3A_170, %select_n3A_163] : memref<50x4x128x8x128xf32, #tpu.memory_space<hbm>> -> memref<1x4x1x8x32xf32, #tpu.memory_space<hbm>>
      %dma_wait3A_172 = tpu.memref_squeeze %dma_wait3A_171 : memref<1x4x1x8x32xf32, #tpu.memory_space<hbm>> -> memref<4x1x8x32xf32, #tpu.memory_space<hbm>>
      tpu.wait_dma2 semaphore(%arg15 : memref<!tpu.dma_semaphore, #tpu.memory_space<semaphore_mem>>) src(%arg9 : memref<4x1x8x32xf32, #tpu.memory_space<vmem>>) dst(%dma_wait3A_172 : memref<4x1x8x32xf32, #tpu.memory_space<hbm>>)
      %mul3A_173 = arith.constant 32 : i32
      %mul3A_174 = arith.muli %add3A_95, %mul3A_173 : i32
      %add3A_175 = arith.addi %mul3A_2, %mul3A_174 : i32
      %jit3A_176 = arith.constant 128 : i32
      %div3A_177 = arith.divsi %add3A_175, %jit3A_176 : i32
      %sign3A_178 = arith.constant 0 : i32
      %sign3A_179 = arith.cmpi sgt, %add3A_175, %sign3A_178 : i32
      %sign3A_180 = arith.extui %sign3A_179 : i1 to i32
      %sign3A_181 = arith.constant 0 : i32
      %sign3A_182 = arith.cmpi slt, %add3A_175, %sign3A_181 : i32
      %sign3A_183 = arith.extui %sign3A_182 : i1 to i32
      %sign3A_184 = arith.subi %sign3A_180, %sign3A_183 : i32
      %sign3A_185 = arith.constant 0 : i32
      %sign3A_186 = arith.cmpi sgt, %jit3A_176, %sign3A_185 : i32
      %sign3A_187 = arith.extui %sign3A_186 : i1 to i32
      %sign3A_188 = arith.constant 0 : i32
      %sign3A_189 = arith.cmpi slt, %jit3A_176, %sign3A_188 : i32
      %sign3A_190 = arith.extui %sign3A_189 : i1 to i32
      %sign3A_191 = arith.subi %sign3A_187, %sign3A_190 : i32
      %ne3A_192 = arith.cmpi ne, %sign3A_184, %sign3A_191 : i32
      %rem3A_193 = arith.remsi %add3A_175, %jit3A_176 : i32
      %ne3A_194 = arith.constant 0 : i32
      %ne3A_195 = arith.cmpi ne, %rem3A_193, %ne3A_194 : i32
      %and3A_196 = arith.andi %ne3A_192, %ne3A_195 : i1
      %sub3A_197 = arith.constant 1 : i32
      %sub3A_198 = arith.subi %div3A_177, %sub3A_197 : i32
      %select_n3A_199 = arith.select %and3A_196, %sub3A_198, %div3A_177 : i32
      %mul3A_200 = arith.constant 32 : i32
      %mul3A_201 = arith.muli %add3A_95, %mul3A_200 : i32
      %add3A_202 = arith.addi %mul3A_2, %mul3A_201 : i32
      %jit3A_203 = arith.constant 128 : i32
      %eq3A_204 = arith.constant 0 : i32
      %eq3A_205 = arith.cmpi eq, %jit3A_203, %eq3A_204 : i32
      %jit3A_206 = arith.constant 1 : i32
      %select_n3A_207 = arith.select %eq3A_205, %jit3A_206, %jit3A_203 : i32
      %rem3A_208 = arith.remsi %add3A_202, %select_n3A_207 : i32
      %ne3A_209 = arith.constant 0 : i32
      %ne3A_210 = arith.cmpi ne, %rem3A_208, %ne3A_209 : i32
      %lt3A_211 = arith.constant 0 : i32
      %lt3A_212 = arith.cmpi slt, %rem3A_208, %lt3A_211 : i32
      %lt3A_213 = arith.constant 0 : i32
      %lt3A_214 = arith.cmpi slt, %select_n3A_207, %lt3A_213 : i32
      %ne3A_215 = arith.xori %lt3A_212, %lt3A_214 : i1
      %and3A_216 = arith.andi %ne3A_215, %ne3A_210 : i1
      %add3A_217 = arith.addi %rem3A_208, %select_n3A_207 : i32
      %select_n3A_218 = arith.select %and3A_216, %add3A_217, %rem3A_208 : i32
      %dma_wait3A_219 = arith.constant 49 : i32
      %dma_wait3A_220 = arith.constant 0 : i32
      %dma_wait3A_221 = arith.constant 0 : i32
      %dma_wait3A_222 = tpu.memref_slice %arg4[%dma_wait3A_219, %dma_wait3A_220, %select_n3A_199, %dma_wait3A_221, %select_n3A_218] : memref<50x4x128x8x128xf32, #tpu.memory_space<hbm>> -> memref<1x4x1x8x32xf32, #tpu.memory_space<hbm>>
      %dma_wait3A_223 = tpu.memref_squeeze %dma_wait3A_222 : memref<1x4x1x8x32xf32, #tpu.memory_space<hbm>> -> memref<4x1x8x32xf32, #tpu.memory_space<hbm>>
      %dma_wait3A_224 = arith.constant 0 : i32
      %dma_wait3A_225 = arith.constant 0 : i32
      %dma_wait3A_226 = tpu.memref_slice %arg4[%dma_wait3A_219, %dma_wait3A_224, %select_n3A_199, %dma_wait3A_225, %select_n3A_218] : memref<50x4x128x8x128xf32, #tpu.memory_space<hbm>> -> memref<1x4x1x8x32xf32, #tpu.memory_space<hbm>>
      %dma_wait3A_227 = tpu.memref_squeeze %dma_wait3A_226 : memref<1x4x1x8x32xf32, #tpu.memory_space<hbm>> -> memref<4x1x8x32xf32, #tpu.memory_space<hbm>>
      tpu.wait_dma2 semaphore(%arg16 : memref<!tpu.dma_semaphore, #tpu.memory_space<semaphore_mem>>) src(%arg10 : memref<4x1x8x32xf32, #tpu.memory_space<vmem>>) dst(%dma_wait3A_227 : memref<4x1x8x32xf32, #tpu.memory_space<hbm>>)
      %mul3A_228 = arith.constant 2 : i32
      %mul3A_229 = arith.muli %mul3A_228, %scan3A_91 : i32
      %add3A_230 = arith.constant 1 : i32
      %add3A_231 = arith.addi %mul3A_229, %add3A_230 : i32
      %add3A_232 = arith.constant 1 : i32
      %add3A_233 = arith.addi %add3A_231, %add3A_232 : i32
      %lt3A_234 = arith.constant 16 : i32
      %lt3A_235 = arith.cmpi slt, %add3A_233, %lt3A_234 : i32
      %convert_element_type3A_236 = arith.extui %lt3A_235 : i1 to i32
      %cond3A_237 = arith.constant 0 : i32
      %cond3A_238 = arith.cmpi ne, %convert_element_type3A_236, %cond3A_237 : i32
      scf.if %cond3A_238 {
        %add3A_368 = arith.constant 1 : i32
        %add3A_369 = arith.addi %add3A_231, %add3A_368 : i32
        %mul3A_370 = arith.constant 32 : i32
        %mul3A_371 = arith.muli %add3A_369, %mul3A_370 : i32
        %add3A_372 = arith.addi %mul3A_2, %mul3A_371 : i32
        %dma_wait3A_373 = arith.constant 0 : i32
        %dma_wait3A_374 = tpu.memref_slice %arg2[%add3A_372, %dma_wait3A_373] : memref<16384x50xi32, #tpu.memory_space<hbm>> -> memref<32x50xi32, #tpu.memory_space<hbm>>
        %dma_wait3A_375 = arith.constant 0 : i32
        %dma_wait3A_376 = tpu.memref_slice %arg2[%add3A_372, %dma_wait3A_375] : memref<16384x50xi32, #tpu.memory_space<hbm>> -> memref<32x50xi32, #tpu.memory_space<hbm>>
        tpu.wait_dma2 semaphore(%arg11 : memref<!tpu.dma_semaphore, #tpu.memory_space<semaphore_mem>>) src(%dma_wait3A_376 : memref<32x50xi32, #tpu.memory_space<hbm>>) dst(%arg5 : memref<32x50xi32, #tpu.memory_space<vmem>>)
        %scan3A_377 = arith.constant 0 : i32
        %scan3A_378 = arith.constant 0 : i32
        %scan3A_379 = arith.constant 32 : i32
        %scan3A_380 = arith.addi %scan3A_378, %scan3A_379 : i32
        %scan3A_381 = arith.constant 1 : i32
        scf.for %scan3A_383 = %scan3A_378 to %scan3A_380 step %scan3A_381  : i32 {
          %dma_start3A_384 = arith.constant 0 : i32
          %dma_start3A_385 = arith.constant 0 : i32
          %dma_start3A_386 = tpu.memref_slice %arg7[%scan3A_383, %dma_start3A_384, %dma_start3A_385] : memref<32x50x32xf32, #tpu.memory_space<vmem>> -> memref<1x50x32xf32, #tpu.memory_space<vmem>>
          %dma_start3A_387 = tpu.memref_squeeze %dma_start3A_386 : memref<1x50x32xf32, #tpu.memory_space<vmem>> -> memref<50x32xf32, #tpu.memory_space<vmem>>
          %dma_start3A_388 = arith.constant 0 : i32
          %dma_start3A_389 = tpu.memref_slice %arg5[%scan3A_383, %dma_start3A_388] : memref<32x50xi32, #tpu.memory_space<vmem>> -> memref<1x50xi32, #tpu.memory_space<vmem>>
          %dma_start3A_390 = tpu.memref_squeeze %dma_start3A_389 : memref<1x50xi32, #tpu.memory_space<vmem>> -> memref<50xi32, #tpu.memory_space<vmem>>
          %dma_start3A_391 = arith.constant 0 : i32
          %dma_start3A_392 = arith.constant 0 : i32
          %dma_start3A_393 = tpu.memref_slice %arg3[%dma_start3A_391, %dma_start3A_392] : memref<1000000x32xf32, #tpu.memory_space<hbm>> -> memref<1000000x32xf32, #tpu.memory_space<hbm>>
          tpu.enqueue_indirect_dma source(%dma_start3A_393 : memref<1000000x32xf32, #tpu.memory_space<hbm>>) target(%dma_start3A_387 : memref<50x32xf32, #tpu.memory_space<vmem>>) offsets(%dma_start3A_390 : memref<50xi32, #tpu.memory_space<vmem>>) semaphore(%arg13 : memref<!tpu.dma_semaphore, #tpu.memory_space<semaphore_mem>>)
        }
        %scan3A_382 = arith.constant 32 : i32
      } else {
      }
      %scan3A_239 = arith.constant 0 : i32
      %scan3A_240 = arith.constant 0 : i32
      %scan3A_241 = arith.constant 32 : i32
      %scan3A_242 = arith.addi %scan3A_240, %scan3A_241 : i32
      %scan3A_243 = arith.constant 1 : i32
      scf.for %scan3A_368 = %scan3A_240 to %scan3A_242 step %scan3A_243  : i32 {
        %dma_wait3A_369 = arith.constant 0 : i32
        %dma_wait3A_370 = arith.constant 0 : i32
        %dma_wait3A_371 = tpu.memref_slice %arg8[%scan3A_368, %dma_wait3A_369, %dma_wait3A_370] : memref<32x50x32xf32, #tpu.memory_space<vmem>> -> memref<1x50x32xf32, #tpu.memory_space<vmem>>
        %dma_wait3A_372 = tpu.memref_squeeze %dma_wait3A_371 : memref<1x50x32xf32, #tpu.memory_space<vmem>> -> memref<50x32xf32, #tpu.memory_space<vmem>>
        %dma_wait3A_373 = arith.constant 0 : i32
        %dma_wait3A_374 = tpu.memref_slice %arg6[%scan3A_368, %dma_wait3A_373] : memref<32x50xi32, #tpu.memory_space<vmem>> -> memref<1x50xi32, #tpu.memory_space<vmem>>
        %dma_wait3A_375 = tpu.memref_squeeze %dma_wait3A_374 : memref<1x50xi32, #tpu.memory_space<vmem>> -> memref<50xi32, #tpu.memory_space<vmem>>
        %dma_wait3A_376 = arith.constant 0 : i32
        %dma_wait3A_377 = arith.constant 0 : i32
        %dma_wait3A_378 = tpu.memref_slice %arg3[%dma_wait3A_376, %dma_wait3A_377] : memref<1000000x32xf32, #tpu.memory_space<hbm>> -> memref<1000000x32xf32, #tpu.memory_space<hbm>>
        tpu.wait_indirect_dma semaphore(%arg14 : memref<!tpu.dma_semaphore, #tpu.memory_space<semaphore_mem>>) src(%dma_wait3A_378 : memref<1000000x32xf32, #tpu.memory_space<hbm>>) dst(%dma_wait3A_372 : memref<50x32xf32, #tpu.memory_space<vmem>>)
      }
      %scan3A_244 = arith.constant 32 : i32
      %add3A_245 = arith.constant 2 : i32
      %add3A_246 = arith.addi %add3A_231, %add3A_245 : i32
      %lt3A_247 = arith.constant 16 : i32
      %lt3A_248 = arith.cmpi slt, %add3A_246, %lt3A_247 : i32
      %convert_element_type3A_249 = arith.extui %lt3A_248 : i1 to i32
      %cond3A_250 = arith.constant 0 : i32
      %cond3A_251 = arith.cmpi ne, %convert_element_type3A_249, %cond3A_250 : i32
      scf.if %cond3A_251 {
        %add3A_368 = arith.constant 2 : i32
        %add3A_369 = arith.addi %add3A_231, %add3A_368 : i32
        %mul3A_370 = arith.constant 32 : i32
        %mul3A_371 = arith.muli %add3A_369, %mul3A_370 : i32
        %add3A_372 = arith.addi %mul3A_2, %mul3A_371 : i32
        %dma_start3A_373 = arith.constant 0 : i32
        %dma_start3A_374 = tpu.memref_slice %arg2[%add3A_372, %dma_start3A_373] : memref<16384x50xi32, #tpu.memory_space<hbm>> -> memref<32x50xi32, #tpu.memory_space<hbm>>
        %dma_start3A_375 = arith.constant 0 : i32
        %dma_start3A_376 = tpu.memref_slice %arg2[%add3A_372, %dma_start3A_375] : memref<16384x50xi32, #tpu.memory_space<hbm>> -> memref<32x50xi32, #tpu.memory_space<hbm>>
        tpu.enqueue_dma source(%dma_start3A_376 : memref<32x50xi32, #tpu.memory_space<hbm>>) target(%arg6 : memref<32x50xi32, #tpu.memory_space<vmem>>) target_semaphore(%arg12 : memref<!tpu.dma_semaphore, #tpu.memory_space<semaphore_mem>>)
      } else {
      }
      %scan3A_252 = arith.constant 0 : i32
      %scan3A_253 = arith.constant 0 : i32
      %scan3A_254 = arith.constant 25 : i32
      %scan3A_255 = arith.addi %scan3A_253, %scan3A_254 : i32
      %scan3A_256 = arith.constant 1 : i32
      scf.for %scan3A_368 = %scan3A_253 to %scan3A_255 step %scan3A_256  : i32 {
        %mul3A_369 = arith.constant 2 : i32
        %mul3A_370 = arith.muli %mul3A_369, %scan3A_368 : i32
        %add3A_371 = arith.constant 0 : i32
        %add3A_372 = arith.addi %mul3A_370, %add3A_371 : i32
        %ge3A = arith.constant 2 : i32
        %ge3A_373 = arith.cmpi sge, %add3A_372, %ge3A : i32
        %convert_element_type3A_374 = arith.extui %ge3A_373 : i1 to i32
        %cond3A_375 = arith.constant 0 : i32
        %cond3A_376 = arith.cmpi ne, %convert_element_type3A_374, %cond3A_375 : i32
        scf.if %cond3A_376 {
          %sub3A_1325 = arith.constant 2 : i32
          %sub3A_1326 = arith.subi %add3A_372, %sub3A_1325 : i32
          %mul3A_1327 = arith.constant 32 : i32
          %mul3A_1328 = arith.muli %add3A_231, %mul3A_1327 : i32
          %add3A_1329 = arith.addi %mul3A_2, %mul3A_1328 : i32
          %jit3A_1330 = arith.constant 128 : i32
          %div3A_1331 = arith.divsi %add3A_1329, %jit3A_1330 : i32
          %sign3A_1332 = arith.constant 0 : i32
          %sign3A_1333 = arith.cmpi sgt, %add3A_1329, %sign3A_1332 : i32
          %sign3A_1334 = arith.extui %sign3A_1333 : i1 to i32
          %sign3A_1335 = arith.constant 0 : i32
          %sign3A_1336 = arith.cmpi slt, %add3A_1329, %sign3A_1335 : i32
          %sign3A_1337 = arith.extui %sign3A_1336 : i1 to i32
          %sign3A_1338 = arith.subi %sign3A_1334, %sign3A_1337 : i32
          %sign3A_1339 = arith.constant 0 : i32
          %sign3A_1340 = arith.cmpi sgt, %jit3A_1330, %sign3A_1339 : i32
          %sign3A_1341 = arith.extui %sign3A_1340 : i1 to i32
          %sign3A_1342 = arith.constant 0 : i32
          %sign3A_1343 = arith.cmpi slt, %jit3A_1330, %sign3A_1342 : i32
          %sign3A_1344 = arith.extui %sign3A_1343 : i1 to i32
          %sign3A_1345 = arith.subi %sign3A_1341, %sign3A_1344 : i32
          %ne3A_1346 = arith.cmpi ne, %sign3A_1338, %sign3A_1345 : i32
          %rem3A_1347 = arith.remsi %add3A_1329, %jit3A_1330 : i32
          %ne3A_1348 = arith.constant 0 : i32
          %ne3A_1349 = arith.cmpi ne, %rem3A_1347, %ne3A_1348 : i32
          %and3A_1350 = arith.andi %ne3A_1346, %ne3A_1349 : i1
          %sub3A_1351 = arith.constant 1 : i32
          %sub3A_1352 = arith.subi %div3A_1331, %sub3A_1351 : i32
          %select_n3A_1353 = arith.select %and3A_1350, %sub3A_1352, %div3A_1331 : i32
          %mul3A_1354 = arith.constant 32 : i32
          %mul3A_1355 = arith.muli %add3A_231, %mul3A_1354 : i32
          %add3A_1356 = arith.addi %mul3A_2, %mul3A_1355 : i32
          %jit3A_1357 = arith.constant 128 : i32
          %eq3A_1358 = arith.constant 0 : i32
          %eq3A_1359 = arith.cmpi eq, %jit3A_1357, %eq3A_1358 : i32
          %jit3A_1360 = arith.constant 1 : i32
          %select_n3A_1361 = arith.select %eq3A_1359, %jit3A_1360, %jit3A_1357 : i32
          %rem3A_1362 = arith.remsi %add3A_1356, %select_n3A_1361 : i32
          %ne3A_1363 = arith.constant 0 : i32
          %ne3A_1364 = arith.cmpi ne, %rem3A_1362, %ne3A_1363 : i32
          %lt3A_1365 = arith.constant 0 : i32
          %lt3A_1366 = arith.cmpi slt, %rem3A_1362, %lt3A_1365 : i32
          %lt3A_1367 = arith.constant 0 : i32
          %lt3A_1368 = arith.cmpi slt, %select_n3A_1361, %lt3A_1367 : i32
          %ne3A_1369 = arith.xori %lt3A_1366, %lt3A_1368 : i1
          %and3A_1370 = arith.andi %ne3A_1369, %ne3A_1364 : i1
          %add3A_1371 = arith.addi %rem3A_1362, %select_n3A_1361 : i32
          %select_n3A_1372 = arith.select %and3A_1370, %add3A_1371, %rem3A_1362 : i32
          %dma_wait3A_1373 = arith.constant 0 : i32
          %dma_wait3A_1374 = arith.constant 0 : i32
          %dma_wait3A_1375 = tpu.memref_slice %arg4[%sub3A_1326, %dma_wait3A_1373, %select_n3A_1353, %dma_wait3A_1374, %select_n3A_1372] : memref<50x4x128x8x128xf32, #tpu.memory_space<hbm>> -> memref<1x4x1x8x32xf32, #tpu.memory_space<hbm>>
          %dma_wait3A_1376 = tpu.memref_squeeze %dma_wait3A_1375 : memref<1x4x1x8x32xf32, #tpu.memory_space<hbm>> -> memref<4x1x8x32xf32, #tpu.memory_space<hbm>>
          %dma_wait3A_1377 = arith.constant 0 : i32
          %dma_wait3A_1378 = arith.constant 0 : i32
          %dma_wait3A_1379 = tpu.memref_slice %arg4[%sub3A_1326, %dma_wait3A_1377, %select_n3A_1353, %dma_wait3A_1378, %select_n3A_1372] : memref<50x4x128x8x128xf32, #tpu.memory_space<hbm>> -> memref<1x4x1x8x32xf32, #tpu.memory_space<hbm>>
          %dma_wait3A_1380 = tpu.memref_squeeze %dma_wait3A_1379 : memref<1x4x1x8x32xf32, #tpu.memory_space<hbm>> -> memref<4x1x8x32xf32, #tpu.memory_space<hbm>>
          tpu.wait_dma2 semaphore(%arg15 : memref<!tpu.dma_semaphore, #tpu.memory_space<semaphore_mem>>) src(%arg9 : memref<4x1x8x32xf32, #tpu.memory_space<vmem>>) dst(%dma_wait3A_1380 : memref<4x1x8x32xf32, #tpu.memory_space<hbm>>)
        } else {
        }
        %add3A_377 = arith.constant 0 : i32
        %add3A_378 = vector.broadcast %add3A_377 : i32 to vector<16xi32>
        %add3A_379 = arith.addi %broadcast_in_dim3A_3, %add3A_378 : vector<16xi32>
        %get3A = arith.constant 0 : i32
        %get3A_380 = arith.index_cast %get3A : i32 to index
        %get3A_381 = arith.index_cast %add3A_372 : i32 to index
        %get3A_382 = arith.constant 0 : index
        %get3A_383 = tpu.vector_load %arg8[%get3A_380, %get3A_381, %get3A_382] {strides = array<i32>} : memref<32x50x32xf32, #tpu.memory_space<vmem>>, vector<16xf32>,
        tpu.vector_store_idx %arg9[%select_n3A, %broadcast_in_dim3A_3, %rem3A_63, %add3A_379], %get3A_383 : memref<4x1x8x32xf32, #tpu.memory_space<vmem>>[vector<16xi32>, vector<16xi32>, vector<16xi32>, vector<16xi32>], vector<16xf32>,
        %get3A_384 = arith.constant 0 : i32
        %get3A_385 = arith.index_cast %get3A_384 : i32 to index
        %get3A_386 = arith.index_cast %add3A_372 : i32 to index
        %get3A_387 = arith.constant 16 : index
        %get3A_388 = tpu.vector_load %arg8[%get3A_385, %get3A_386, %get3A_387] {strides = array<i32>} : memref<32x50x32xf32, #tpu.memory_space<vmem>>, vector<16xf32>,
        tpu.vector_store_idx %arg9[%add3A_60, %broadcast_in_dim3A_3, %rem3A_63, %add3A_379], %get3A_388 : memref<4x1x8x32xf32, #tpu.memory_space<vmem>>[vector<16xi32>, vector<16xi32>, vector<16xi32>, vector<16xi32>], vector<16xf32>,
        %add3A_389 = arith.constant 1 : i32
        %add3A_390 = vector.broadcast %add3A_389 : i32 to vector<16xi32>
        %add3A_391 = arith.addi %broadcast_in_dim3A_3, %add3A_390 : vector<16xi32>
        %get3A_392 = arith.constant 1 : i32
        %get3A_393 = arith.index_cast %get3A_392 : i32 to index
        %get3A_394 = arith.index_cast %add3A_372 : i32 to index
        %get3A_395 = arith.constant 0 : index
        %get3A_396 = tpu.vector_load %arg8[%get3A_393, %get3A_394, %get3A_395] {strides = array<i32>} : memref<32x50x32xf32, #tpu.memory_space<vmem>>, vector<16xf32>,
        tpu.vector_store_idx %arg9[%select_n3A, %broadcast_in_dim3A_3, %rem3A_63, %add3A_391], %get3A_396 : memref<4x1x8x32xf32, #tpu.memory_space<vmem>>[vector<16xi32>, vector<16xi32>, vector<16xi32>, vector<16xi32>], vector<16xf32>,
        %get3A_397 = arith.constant 1 : i32
        %get3A_398 = arith.index_cast %get3A_397 : i32 to index
        %get3A_399 = arith.index_cast %add3A_372 : i32 to index
        %get3A_400 = arith.constant 16 : index
        %get3A_401 = tpu.vector_load %arg8[%get3A_398, %get3A_399, %get3A_400] {strides = array<i32>} : memref<32x50x32xf32, #tpu.memory_space<vmem>>, vector<16xf32>,
        tpu.vector_store_idx %arg9[%add3A_60, %broadcast_in_dim3A_3, %rem3A_63, %add3A_391], %get3A_401 : memref<4x1x8x32xf32, #tpu.memory_space<vmem>>[vector<16xi32>, vector<16xi32>, vector<16xi32>, vector<16xi32>], vector<16xf32>,
        %add3A_402 = arith.constant 2 : i32
        %add3A_403 = vector.broadcast %add3A_402 : i32 to vector<16xi32>
        %add3A_404 = arith.addi %broadcast_in_dim3A_3, %add3A_403 : vector<16xi32>
        %get3A_405 = arith.constant 2 : i32
        %get3A_406 = arith.index_cast %get3A_405 : i32 to index
        %get3A_407 = arith.index_cast %add3A_372 : i32 to index
        %get3A_408 = arith.constant 0 : index
        %get3A_409 = tpu.vector_load %arg8[%get3A_406, %get3A_407, %get3A_408] {strides = array<i32>} : memref<32x50x32xf32, #tpu.memory_space<vmem>>, vector<16xf32>,
        tpu.vector_store_idx %arg9[%select_n3A, %broadcast_in_dim3A_3, %rem3A_63, %add3A_404], %get3A_409 : memref<4x1x8x32xf32, #tpu.memory_space<vmem>>[vector<16xi32>, vector<16xi32>, vector<16xi32>, vector<16xi32>], vector<16xf32>,
        %get3A_410 = arith.constant 2 : i32
        %get3A_411 = arith.index_cast %get3A_410 : i32 to index
        %get3A_412 = arith.index_cast %add3A_372 : i32 to index
        %get3A_413 = arith.constant 16 : index
        %get3A_414 = tpu.vector_load %arg8[%get3A_411, %get3A_412, %get3A_413] {strides = array<i32>} : memref<32x50x32xf32, #tpu.memory_space<vmem>>, vector<16xf32>,
        tpu.vector_store_idx %arg9[%add3A_60, %broadcast_in_dim3A_3, %rem3A_63, %add3A_404], %get3A_414 : memref<4x1x8x32xf32, #tpu.memory_space<vmem>>[vector<16xi32>, vector<16xi32>, vector<16xi32>, vector<16xi32>], vector<16xf32>,
        %add3A_415 = arith.constant 3 : i32
        %add3A_416 = vector.broadcast %add3A_415 : i32 to vector<16xi32>
        %add3A_417 = arith.addi %broadcast_in_dim3A_3, %add3A_416 : vector<16xi32>
        %get3A_418 = arith.constant 3 : i32
        %get3A_419 = arith.index_cast %get3A_418 : i32 to index
        %get3A_420 = arith.index_cast %add3A_372 : i32 to index
        %get3A_421 = arith.constant 0 : index
        %get3A_422 = tpu.vector_load %arg8[%get3A_419, %get3A_420, %get3A_421] {strides = array<i32>} : memref<32x50x32xf32, #tpu.memory_space<vmem>>, vector<16xf32>,
        tpu.vector_store_idx %arg9[%select_n3A, %broadcast_in_dim3A_3, %rem3A_63, %add3A_417], %get3A_422 : memref<4x1x8x32xf32, #tpu.memory_space<vmem>>[vector<16xi32>, vector<16xi32>, vector<16xi32>, vector<16xi32>], vector<16xf32>,
        %get3A_423 = arith.constant 3 : i32
        %get3A_424 = arith.index_cast %get3A_423 : i32 to index
        %get3A_425 = arith.index_cast %add3A_372 : i32 to index
        %get3A_426 = arith.constant 16 : index
        %get3A_427 = tpu.vector_load %arg8[%get3A_424, %get3A_425, %get3A_426] {strides = array<i32>} : memref<32x50x32xf32, #tpu.memory_space<vmem>>, vector<16xf32>,
        tpu.vector_store_idx %arg9[%add3A_60, %broadcast_in_dim3A_3, %rem3A_63, %add3A_417], %get3A_427 : memref<4x1x8x32xf32, #tpu.memory_space<vmem>>[vector<16xi32>, vector<16xi32>, vector<16xi32>, vector<16xi32>], vector<16xf32>,
        %add3A_428 = arith.constant 4 : i32
        %add3A_429 = vector.broadcast %add3A_428 : i32 to vector<16xi32>
        %add3A_430 = arith.addi %broadcast_in_dim3A_3, %add3A_429 : vector<16xi32>
        %get3A_431 = arith.constant 4 : i32
        %get3A_432 = arith.index_cast %get3A_431 : i32 to index
        %get3A_433 = arith.index_cast %add3A_372 : i32 to index
        %get3A_434 = arith.constant 0 : index
        %get3A_435 = tpu.vector_load %arg8[%get3A_432, %get3A_433, %get3A_434] {strides = array<i32>} : memref<32x50x32xf32, #tpu.memory_space<vmem>>, vector<16xf32>,
        tpu.vector_store_idx %arg9[%select_n3A, %broadcast_in_dim3A_3, %rem3A_63, %add3A_430], %get3A_435 : memref<4x1x8x32xf32, #tpu.memory_space<vmem>>[vector<16xi32>, vector<16xi32>, vector<16xi32>, vector<16xi32>], vector<16xf32>,
        %get3A_436 = arith.constant 4 : i32
        %get3A_437 = arith.index_cast %get3A_436 : i32 to index
        %get3A_438 = arith.index_cast %add3A_372 : i32 to index
        %get3A_439 = arith.constant 16 : index
        %get3A_440 = tpu.vector_load %arg8[%get3A_437, %get3A_438, %get3A_439] {strides = array<i32>} : memref<32x50x32xf32, #tpu.memory_space<vmem>>, vector<16xf32>,
        tpu.vector_store_idx %arg9[%add3A_60, %broadcast_in_dim3A_3, %rem3A_63, %add3A_430], %get3A_440 : memref<4x1x8x32xf32, #tpu.memory_space<vmem>>[vector<16xi32>, vector<16xi32>, vector<16xi32>, vector<16xi32>], vector<16xf32>,
        %add3A_441 = arith.constant 5 : i32
        %add3A_442 = vector.broadcast %add3A_441 : i32 to vector<16xi32>
        %add3A_443 = arith.addi %broadcast_in_dim3A_3, %add3A_442 : vector<16xi32>
        %get3A_444 = arith.constant 5 : i32
        %get3A_445 = arith.index_cast %get3A_444 : i32 to index
        %get3A_446 = arith.index_cast %add3A_372 : i32 to index
        %get3A_447 = arith.constant 0 : index
        %get3A_448 = tpu.vector_load %arg8[%get3A_445, %get3A_446, %get3A_447] {strides = array<i32>} : memref<32x50x32xf32, #tpu.memory_space<vmem>>, vector<16xf32>,
        tpu.vector_store_idx %arg9[%select_n3A, %broadcast_in_dim3A_3, %rem3A_63, %add3A_443], %get3A_448 : memref<4x1x8x32xf32, #tpu.memory_space<vmem>>[vector<16xi32>, vector<16xi32>, vector<16xi32>, vector<16xi32>], vector<16xf32>,
        %get3A_449 = arith.constant 5 : i32
        %get3A_450 = arith.index_cast %get3A_449 : i32 to index
        %get3A_451 = arith.index_cast %add3A_372 : i32 to index
        %get3A_452 = arith.constant 16 : index
        %get3A_453 = tpu.vector_load %arg8[%get3A_450, %get3A_451, %get3A_452] {strides = array<i32>} : memref<32x50x32xf32, #tpu.memory_space<vmem>>, vector<16xf32>,
        tpu.vector_store_idx %arg9[%add3A_60, %broadcast_in_dim3A_3, %rem3A_63, %add3A_443], %get3A_453 : memref<4x1x8x32xf32, #tpu.memory_space<vmem>>[vector<16xi32>, vector<16xi32>, vector<16xi32>, vector<16xi32>], vector<16xf32>,
        %add3A_454 = arith.constant 6 : i32
        %add3A_455 = vector.broadcast %add3A_454 : i32 to vector<16xi32>
        %add3A_456 = arith.addi %broadcast_in_dim3A_3, %add3A_455 : vector<16xi32>
        %get3A_457 = arith.constant 6 : i32
        %get3A_458 = arith.index_cast %get3A_457 : i32 to index
        %get3A_459 = arith.index_cast %add3A_372 : i32 to index
        %get3A_460 = arith.constant 0 : index
        %get3A_461 = tpu.vector_load %arg8[%get3A_458, %get3A_459, %get3A_460] {strides = array<i32>} : memref<32x50x32xf32, #tpu.memory_space<vmem>>, vector<16xf32>,
        tpu.vector_store_idx %arg9[%select_n3A, %broadcast_in_dim3A_3, %rem3A_63, %add3A_456], %get3A_461 : memref<4x1x8x32xf32, #tpu.memory_space<vmem>>[vector<16xi32>, vector<16xi32>, vector<16xi32>, vector<16xi32>], vector<16xf32>,
        %get3A_462 = arith.constant 6 : i32
        %get3A_463 = arith.index_cast %get3A_462 : i32 to index
        %get3A_464 = arith.index_cast %add3A_372 : i32 to index
        %get3A_465 = arith.constant 16 : index
        %get3A_466 = tpu.vector_load %arg8[%get3A_463, %get3A_464, %get3A_465] {strides = array<i32>} : memref<32x50x32xf32, #tpu.memory_space<vmem>>, vector<16xf32>,
        tpu.vector_store_idx %arg9[%add3A_60, %broadcast_in_dim3A_3, %rem3A_63, %add3A_456], %get3A_466 : memref<4x1x8x32xf32, #tpu.memory_space<vmem>>[vector<16xi32>, vector<16xi32>, vector<16xi32>, vector<16xi32>], vector<16xf32>,
        %add3A_467 = arith.constant 7 : i32
        %add3A_468 = vector.broadcast %add3A_467 : i32 to vector<16xi32>
        %add3A_469 = arith.addi %broadcast_in_dim3A_3, %add3A_468 : vector<16xi32>
        %get3A_470 = arith.constant 7 : i32
        %get3A_471 = arith.index_cast %get3A_470 : i32 to index
        %get3A_472 = arith.index_cast %add3A_372 : i32 to index
        %get3A_473 = arith.constant 0 : index
        %get3A_474 = tpu.vector_load %arg8[%get3A_471, %get3A_472, %get3A_473] {strides = array<i32>} : memref<32x50x32xf32, #tpu.memory_space<vmem>>, vector<16xf32>,
        tpu.vector_store_idx %arg9[%select_n3A, %broadcast_in_dim3A_3, %rem3A_63, %add3A_469], %get3A_474 : memref<4x1x8x32xf32, #tpu.memory_space<vmem>>[vector<16xi32>, vector<16xi32>, vector<16xi32>, vector<16xi32>], vector<16xf32>,
        %get3A_475 = arith.constant 7 : i32
        %get3A_476 = arith.index_cast %get3A_475 : i32 to index
        %get3A_477 = arith.index_cast %add3A_372 : i32 to index
        %get3A_478 = arith.constant 16 : index
        %get3A_479 = tpu.vector_load %arg8[%get3A_476, %get3A_477, %get3A_478] {strides = array<i32>} : memref<32x50x32xf32, #tpu.memory_space<vmem>>, vector<16xf32>,
        tpu.vector_store_idx %arg9[%add3A_60, %broadcast_in_dim3A_3, %rem3A_63, %add3A_469], %get3A_479 : memref<4x1x8x32xf32, #tpu.memory_space<vmem>>[vector<16xi32>, vector<16xi32>, vector<16xi32>, vector<16xi32>], vector<16xf32>,
        %add3A_480 = arith.constant 8 : i32
        %add3A_481 = vector.broadcast %add3A_480 : i32 to vector<16xi32>
        %add3A_482 = arith.addi %broadcast_in_dim3A_3, %add3A_481 : vector<16xi32>
        %get3A_483 = arith.constant 8 : i32
        %get3A_484 = arith.index_cast %get3A_483 : i32 to index
        %get3A_485 = arith.index_cast %add3A_372 : i32 to index
        %get3A_486 = arith.constant 0 : index
        %get3A_487 = tpu.vector_load %arg8[%get3A_484, %get3A_485, %get3A_486] {strides = array<i32>} : memref<32x50x32xf32, #tpu.memory_space<vmem>>, vector<16xf32>,
        tpu.vector_store_idx %arg9[%select_n3A, %broadcast_in_dim3A_3, %rem3A_63, %add3A_482], %get3A_487 : memref<4x1x8x32xf32, #tpu.memory_space<vmem>>[vector<16xi32>, vector<16xi32>, vector<16xi32>, vector<16xi32>], vector<16xf32>,
        %get3A_488 = arith.constant 8 : i32
        %get3A_489 = arith.index_cast %get3A_488 : i32 to index
        %get3A_490 = arith.index_cast %add3A_372 : i32 to index
        %get3A_491 = arith.constant 16 : index
        %get3A_492 = tpu.vector_load %arg8[%get3A_489, %get3A_490, %get3A_491] {strides = array<i32>} : memref<32x50x32xf32, #tpu.memory_space<vmem>>, vector<16xf32>,
        tpu.vector_store_idx %arg9[%add3A_60, %broadcast_in_dim3A_3, %rem3A_63, %add3A_482], %get3A_492 : memref<4x1x8x32xf32, #tpu.memory_space<vmem>>[vector<16xi32>, vector<16xi32>, vector<16xi32>, vector<16xi32>], vector<16xf32>,
        %add3A_493 = arith.constant 9 : i32
        %add3A_494 = vector.broadcast %add3A_493 : i32 to vector<16xi32>
        %add3A_495 = arith.addi %broadcast_in_dim3A_3, %add3A_494 : vector<16xi32>
        %get3A_496 = arith.constant 9 : i32
        %get3A_497 = arith.index_cast %get3A_496 : i32 to index
        %get3A_498 = arith.index_cast %add3A_372 : i32 to index
        %get3A_499 = arith.constant 0 : index
        %get3A_500 = tpu.vector_load %arg8[%get3A_497, %get3A_498, %get3A_499] {strides = array<i32>} : memref<32x50x32xf32, #tpu.memory_space<vmem>>, vector<16xf32>,
        tpu.vector_store_idx %arg9[%select_n3A, %broadcast_in_dim3A_3, %rem3A_63, %add3A_495], %get3A_500 : memref<4x1x8x32xf32, #tpu.memory_space<vmem>>[vector<16xi32>, vector<16xi32>, vector<16xi32>, vector<16xi32>], vector<16xf32>,
        %get3A_501 = arith.constant 9 : i32
        %get3A_502 = arith.index_cast %get3A_501 : i32 to index
        %get3A_503 = arith.index_cast %add3A_372 : i32 to index
        %get3A_504 = arith.constant 16 : index
        %get3A_505 = tpu.vector_load %arg8[%get3A_502, %get3A_503, %get3A_504] {strides = array<i32>} : memref<32x50x32xf32, #tpu.memory_space<vmem>>, vector<16xf32>,
        tpu.vector_store_idx %arg9[%add3A_60, %broadcast_in_dim3A_3, %rem3A_63, %add3A_495], %get3A_505 : memref<4x1x8x32xf32, #tpu.memory_space<vmem>>[vector<16xi32>, vector<16xi32>, vector<16xi32>, vector<16xi32>], vector<16xf32>,
        %add3A_506 = arith.constant 10 : i32
        %add3A_507 = vector.broadcast %add3A_506 : i32 to vector<16xi32>
        %add3A_508 = arith.addi %broadcast_in_dim3A_3, %add3A_507 : vector<16xi32>
        %get3A_509 = arith.constant 10 : i32
        %get3A_510 = arith.index_cast %get3A_509 : i32 to index
        %get3A_511 = arith.index_cast %add3A_372 : i32 to index
        %get3A_512 = arith.constant 0 : index
        %get3A_513 = tpu.vector_load %arg8[%get3A_510, %get3A_511, %get3A_512] {strides = array<i32>} : memref<32x50x32xf32, #tpu.memory_space<vmem>>, vector<16xf32>,
        tpu.vector_store_idx %arg9[%select_n3A, %broadcast_in_dim3A_3, %rem3A_63, %add3A_508], %get3A_513 : memref<4x1x8x32xf32, #tpu.memory_space<vmem>>[vector<16xi32>, vector<16xi32>, vector<16xi32>, vector<16xi32>], vector<16xf32>,
        %get3A_514 = arith.constant 10 : i32
        %get3A_515 = arith.index_cast %get3A_514 : i32 to index
        %get3A_516 = arith.index_cast %add3A_372 : i32 to index
        %get3A_517 = arith.constant 16 : index
        %get3A_518 = tpu.vector_load %arg8[%get3A_515, %get3A_516, %get3A_517] {strides = array<i32>} : memref<32x50x32xf32, #tpu.memory_space<vmem>>, vector<16xf32>,
        tpu.vector_store_idx %arg9[%add3A_60, %broadcast_in_dim3A_3, %rem3A_63, %add3A_508], %get3A_518 : memref<4x1x8x32xf32, #tpu.memory_space<vmem>>[vector<16xi32>, vector<16xi32>, vector<16xi32>, vector<16xi32>], vector<16xf32>,
        %add3A_519 = arith.constant 11 : i32
        %add3A_520 = vector.broadcast %add3A_519 : i32 to vector<16xi32>
        %add3A_521 = arith.addi %broadcast_in_dim3A_3, %add3A_520 : vector<16xi32>
        %get3A_522 = arith.constant 11 : i32
        %get3A_523 = arith.index_cast %get3A_522 : i32 to index
        %get3A_524 = arith.index_cast %add3A_372 : i32 to index
        %get3A_525 = arith.constant 0 : index
        %get3A_526 = tpu.vector_load %arg8[%get3A_523, %get3A_524, %get3A_525] {strides = array<i32>} : memref<32x50x32xf32, #tpu.memory_space<vmem>>, vector<16xf32>,
        tpu.vector_store_idx %arg9[%select_n3A, %broadcast_in_dim3A_3, %rem3A_63, %add3A_521], %get3A_526 : memref<4x1x8x32xf32, #tpu.memory_space<vmem>>[vector<16xi32>, vector<16xi32>, vector<16xi32>, vector<16xi32>], vector<16xf32>,
        %get3A_527 = arith.constant 11 : i32
        %get3A_528 = arith.index_cast %get3A_527 : i32 to index
        %get3A_529 = arith.index_cast %add3A_372 : i32 to index
        %get3A_530 = arith.constant 16 : index
        %get3A_531 = tpu.vector_load %arg8[%get3A_528, %get3A_529, %get3A_530] {strides = array<i32>} : memref<32x50x32xf32, #tpu.memory_space<vmem>>, vector<16xf32>,
        tpu.vector_store_idx %arg9[%add3A_60, %broadcast_in_dim3A_3, %rem3A_63, %add3A_521], %get3A_531 : memref<4x1x8x32xf32, #tpu.memory_space<vmem>>[vector<16xi32>, vector<16xi32>, vector<16xi32>, vector<16xi32>], vector<16xf32>,
        %add3A_532 = arith.constant 12 : i32
        %add3A_533 = vector.broadcast %add3A_532 : i32 to vector<16xi32>
        %add3A_534 = arith.addi %broadcast_in_dim3A_3, %add3A_533 : vector<16xi32>
        %get3A_535 = arith.constant 12 : i32
        %get3A_536 = arith.index_cast %get3A_535 : i32 to index
        %get3A_537 = arith.index_cast %add3A_372 : i32 to index
        %get3A_538 = arith.constant 0 : index
        %get3A_539 = tpu.vector_load %arg8[%get3A_536, %get3A_537, %get3A_538] {strides = array<i32>} : memref<32x50x32xf32, #tpu.memory_space<vmem>>, vector<16xf32>,
        tpu.vector_store_idx %arg9[%select_n3A, %broadcast_in_dim3A_3, %rem3A_63, %add3A_534], %get3A_539 : memref<4x1x8x32xf32, #tpu.memory_space<vmem>>[vector<16xi32>, vector<16xi32>, vector<16xi32>, vector<16xi32>], vector<16xf32>,
        %get3A_540 = arith.constant 12 : i32
        %get3A_541 = arith.index_cast %get3A_540 : i32 to index
        %get3A_542 = arith.index_cast %add3A_372 : i32 to index
        %get3A_543 = arith.constant 16 : index
        %get3A_544 = tpu.vector_load %arg8[%get3A_541, %get3A_542, %get3A_543] {strides = array<i32>} : memref<32x50x32xf32, #tpu.memory_space<vmem>>, vector<16xf32>,
        tpu.vector_store_idx %arg9[%add3A_60, %broadcast_in_dim3A_3, %rem3A_63, %add3A_534], %get3A_544 : memref<4x1x8x32xf32, #tpu.memory_space<vmem>>[vector<16xi32>, vector<16xi32>, vector<16xi32>, vector<16xi32>], vector<16xf32>,
        %add3A_545 = arith.constant 13 : i32
        %add3A_546 = vector.broadcast %add3A_545 : i32 to vector<16xi32>
        %add3A_547 = arith.addi %broadcast_in_dim3A_3, %add3A_546 : vector<16xi32>
        %get3A_548 = arith.constant 13 : i32
        %get3A_549 = arith.index_cast %get3A_548 : i32 to index
        %get3A_550 = arith.index_cast %add3A_372 : i32 to index
        %get3A_551 = arith.constant 0 : index
        %get3A_552 = tpu.vector_load %arg8[%get3A_549, %get3A_550, %get3A_551] {strides = array<i32>} : memref<32x50x32xf32, #tpu.memory_space<vmem>>, vector<16xf32>,
        tpu.vector_store_idx %arg9[%select_n3A, %broadcast_in_dim3A_3, %rem3A_63, %add3A_547], %get3A_552 : memref<4x1x8x32xf32, #tpu.memory_space<vmem>>[vector<16xi32>, vector<16xi32>, vector<16xi32>, vector<16xi32>], vector<16xf32>,
        %get3A_553 = arith.constant 13 : i32
        %get3A_554 = arith.index_cast %get3A_553 : i32 to index
        %get3A_555 = arith.index_cast %add3A_372 : i32 to index
        %get3A_556 = arith.constant 16 : index
        %get3A_557 = tpu.vector_load %arg8[%get3A_554, %get3A_555, %get3A_556] {strides = array<i32>} : memref<32x50x32xf32, #tpu.memory_space<vmem>>, vector<16xf32>,
        tpu.vector_store_idx %arg9[%add3A_60, %broadcast_in_dim3A_3, %rem3A_63, %add3A_547], %get3A_557 : memref<4x1x8x32xf32, #tpu.memory_space<vmem>>[vector<16xi32>, vector<16xi32>, vector<16xi32>, vector<16xi32>], vector<16xf32>,
        %add3A_558 = arith.constant 14 : i32
        %add3A_559 = vector.broadcast %add3A_558 : i32 to vector<16xi32>
        %add3A_560 = arith.addi %broadcast_in_dim3A_3, %add3A_559 : vector<16xi32>
        %get3A_561 = arith.constant 14 : i32
        %get3A_562 = arith.index_cast %get3A_561 : i32 to index
        %get3A_563 = arith.index_cast %add3A_372 : i32 to index
        %get3A_564 = arith.constant 0 : index
        %get3A_565 = tpu.vector_load %arg8[%get3A_562, %get3A_563, %get3A_564] {strides = array<i32>} : memref<32x50x32xf32, #tpu.memory_space<vmem>>, vector<16xf32>,
        tpu.vector_store_idx %arg9[%select_n3A, %broadcast_in_dim3A_3, %rem3A_63, %add3A_560], %get3A_565 : memref<4x1x8x32xf32, #tpu.memory_space<vmem>>[vector<16xi32>, vector<16xi32>, vector<16xi32>, vector<16xi32>], vector<16xf32>,
        %get3A_566 = arith.constant 14 : i32
        %get3A_567 = arith.index_cast %get3A_566 : i32 to index
        %get3A_568 = arith.index_cast %add3A_372 : i32 to index
        %get3A_569 = arith.constant 16 : index
        %get3A_570 = tpu.vector_load %arg8[%get3A_567, %get3A_568, %get3A_569] {strides = array<i32>} : memref<32x50x32xf32, #tpu.memory_space<vmem>>, vector<16xf32>,
        tpu.vector_store_idx %arg9[%add3A_60, %broadcast_in_dim3A_3, %rem3A_63, %add3A_560], %get3A_570 : memref<4x1x8x32xf32, #tpu.memory_space<vmem>>[vector<16xi32>, vector<16xi32>, vector<16xi32>, vector<16xi32>], vector<16xf32>,
        %add3A_571 = arith.constant 15 : i32
        %add3A_572 = vector.broadcast %add3A_571 : i32 to vector<16xi32>
        %add3A_573 = arith.addi %broadcast_in_dim3A_3, %add3A_572 : vector<16xi32>
        %get3A_574 = arith.constant 15 : i32
        %get3A_575 = arith.index_cast %get3A_574 : i32 to index
        %get3A_576 = arith.index_cast %add3A_372 : i32 to index
        %get3A_577 = arith.constant 0 : index
        %get3A_578 = tpu.vector_load %arg8[%get3A_575, %get3A_576, %get3A_577] {strides = array<i32>} : memref<32x50x32xf32, #tpu.memory_space<vmem>>, vector<16xf32>,
        tpu.vector_store_idx %arg9[%select_n3A, %broadcast_in_dim3A_3, %rem3A_63, %add3A_573], %get3A_578 : memref<4x1x8x32xf32, #tpu.memory_space<vmem>>[vector<16xi32>, vector<16xi32>, vector<16xi32>, vector<16xi32>], vector<16xf32>,
        %get3A_579 = arith.constant 15 : i32
        %get3A_580 = arith.index_cast %get3A_579 : i32 to index
        %get3A_581 = arith.index_cast %add3A_372 : i32 to index
        %get3A_582 = arith.constant 16 : index
        %get3A_583 = tpu.vector_load %arg8[%get3A_580, %get3A_581, %get3A_582] {strides = array<i32>} : memref<32x50x32xf32, #tpu.memory_space<vmem>>, vector<16xf32>,
        tpu.vector_store_idx %arg9[%add3A_60, %broadcast_in_dim3A_3, %rem3A_63, %add3A_573], %get3A_583 : memref<4x1x8x32xf32, #tpu.memory_space<vmem>>[vector<16xi32>, vector<16xi32>, vector<16xi32>, vector<16xi32>], vector<16xf32>,
        %add3A_584 = arith.constant 16 : i32
        %add3A_585 = vector.broadcast %add3A_584 : i32 to vector<16xi32>
        %add3A_586 = arith.addi %broadcast_in_dim3A_3, %add3A_585 : vector<16xi32>
        %get3A_587 = arith.constant 16 : i32
        %get3A_588 = arith.index_cast %get3A_587 : i32 to index
        %get3A_589 = arith.index_cast %add3A_372 : i32 to index
        %get3A_590 = arith.constant 0 : index
        %get3A_591 = tpu.vector_load %arg8[%get3A_588, %get3A_589, %get3A_590] {strides = array<i32>} : memref<32x50x32xf32, #tpu.memory_space<vmem>>, vector<16xf32>,
        tpu.vector_store_idx %arg9[%select_n3A, %broadcast_in_dim3A_3, %rem3A_63, %add3A_586], %get3A_591 : memref<4x1x8x32xf32, #tpu.memory_space<vmem>>[vector<16xi32>, vector<16xi32>, vector<16xi32>, vector<16xi32>], vector<16xf32>,
        %get3A_592 = arith.constant 16 : i32
        %get3A_593 = arith.index_cast %get3A_592 : i32 to index
        %get3A_594 = arith.index_cast %add3A_372 : i32 to index
        %get3A_595 = arith.constant 16 : index
        %get3A_596 = tpu.vector_load %arg8[%get3A_593, %get3A_594, %get3A_595] {strides = array<i32>} : memref<32x50x32xf32, #tpu.memory_space<vmem>>, vector<16xf32>,
        tpu.vector_store_idx %arg9[%add3A_60, %broadcast_in_dim3A_3, %rem3A_63, %add3A_586], %get3A_596 : memref<4x1x8x32xf32, #tpu.memory_space<vmem>>[vector<16xi32>, vector<16xi32>, vector<16xi32>, vector<16xi32>], vector<16xf32>,
        %add3A_597 = arith.constant 17 : i32
        %add3A_598 = vector.broadcast %add3A_597 : i32 to vector<16xi32>
        %add3A_599 = arith.addi %broadcast_in_dim3A_3, %add3A_598 : vector<16xi32>
        %get3A_600 = arith.constant 17 : i32
        %get3A_601 = arith.index_cast %get3A_600 : i32 to index
        %get3A_602 = arith.index_cast %add3A_372 : i32 to index
        %get3A_603 = arith.constant 0 : index
        %get3A_604 = tpu.vector_load %arg8[%get3A_601, %get3A_602, %get3A_603] {strides = array<i32>} : memref<32x50x32xf32, #tpu.memory_space<vmem>>, vector<16xf32>,
        tpu.vector_store_idx %arg9[%select_n3A, %broadcast_in_dim3A_3, %rem3A_63, %add3A_599], %get3A_604 : memref<4x1x8x32xf32, #tpu.memory_space<vmem>>[vector<16xi32>, vector<16xi32>, vector<16xi32>, vector<16xi32>], vector<16xf32>,
        %get3A_605 = arith.constant 17 : i32
        %get3A_606 = arith.index_cast %get3A_605 : i32 to index
        %get3A_607 = arith.index_cast %add3A_372 : i32 to index
        %get3A_608 = arith.constant 16 : index
        %get3A_609 = tpu.vector_load %arg8[%get3A_606, %get3A_607, %get3A_608] {strides = array<i32>} : memref<32x50x32xf32, #tpu.memory_space<vmem>>, vector<16xf32>,
        tpu.vector_store_idx %arg9[%add3A_60, %broadcast_in_dim3A_3, %rem3A_63, %add3A_599], %get3A_609 : memref<4x1x8x32xf32, #tpu.memory_space<vmem>>[vector<16xi32>, vector<16xi32>, vector<16xi32>, vector<16xi32>], vector<16xf32>,
        %add3A_610 = arith.constant 18 : i32
        %add3A_611 = vector.broadcast %add3A_610 : i32 to vector<16xi32>
        %add3A_612 = arith.addi %broadcast_in_dim3A_3, %add3A_611 : vector<16xi32>
        %get3A_613 = arith.constant 18 : i32
        %get3A_614 = arith.index_cast %get3A_613 : i32 to index
        %get3A_615 = arith.index_cast %add3A_372 : i32 to index
        %get3A_616 = arith.constant 0 : index
        %get3A_617 = tpu.vector_load %arg8[%get3A_614, %get3A_615, %get3A_616] {strides = array<i32>} : memref<32x50x32xf32, #tpu.memory_space<vmem>>, vector<16xf32>,
        tpu.vector_store_idx %arg9[%select_n3A, %broadcast_in_dim3A_3, %rem3A_63, %add3A_612], %get3A_617 : memref<4x1x8x32xf32, #tpu.memory_space<vmem>>[vector<16xi32>, vector<16xi32>, vector<16xi32>, vector<16xi32>], vector<16xf32>,
        %get3A_618 = arith.constant 18 : i32
        %get3A_619 = arith.index_cast %get3A_618 : i32 to index
        %get3A_620 = arith.index_cast %add3A_372 : i32 to index
        %get3A_621 = arith.constant 16 : index
        %get3A_622 = tpu.vector_load %arg8[%get3A_619, %get3A_620, %get3A_621] {strides = array<i32>} : memref<32x50x32xf32, #tpu.memory_space<vmem>>, vector<16xf32>,
        tpu.vector_store_idx %arg9[%add3A_60, %broadcast_in_dim3A_3, %rem3A_63, %add3A_612], %get3A_622 : memref<4x1x8x32xf32, #tpu.memory_space<vmem>>[vector<16xi32>, vector<16xi32>, vector<16xi32>, vector<16xi32>], vector<16xf32>,
        %add3A_623 = arith.constant 19 : i32
        %add3A_624 = vector.broadcast %add3A_623 : i32 to vector<16xi32>
        %add3A_625 = arith.addi %broadcast_in_dim3A_3, %add3A_624 : vector<16xi32>
        %get3A_626 = arith.constant 19 : i32
        %get3A_627 = arith.index_cast %get3A_626 : i32 to index
        %get3A_628 = arith.index_cast %add3A_372 : i32 to index
        %get3A_629 = arith.constant 0 : index
        %get3A_630 = tpu.vector_load %arg8[%get3A_627, %get3A_628, %get3A_629] {strides = array<i32>} : memref<32x50x32xf32, #tpu.memory_space<vmem>>, vector<16xf32>,
        tpu.vector_store_idx %arg9[%select_n3A, %broadcast_in_dim3A_3, %rem3A_63, %add3A_625], %get3A_630 : memref<4x1x8x32xf32, #tpu.memory_space<vmem>>[vector<16xi32>, vector<16xi32>, vector<16xi32>, vector<16xi32>], vector<16xf32>,
        %get3A_631 = arith.constant 19 : i32
        %get3A_632 = arith.index_cast %get3A_631 : i32 to index
        %get3A_633 = arith.index_cast %add3A_372 : i32 to index
        %get3A_634 = arith.constant 16 : index
        %get3A_635 = tpu.vector_load %arg8[%get3A_632, %get3A_633, %get3A_634] {strides = array<i32>} : memref<32x50x32xf32, #tpu.memory_space<vmem>>, vector<16xf32>,
        tpu.vector_store_idx %arg9[%add3A_60, %broadcast_in_dim3A_3, %rem3A_63, %add3A_625], %get3A_635 : memref<4x1x8x32xf32, #tpu.memory_space<vmem>>[vector<16xi32>, vector<16xi32>, vector<16xi32>, vector<16xi32>], vector<16xf32>,
        %add3A_636 = arith.constant 20 : i32
        %add3A_637 = vector.broadcast %add3A_636 : i32 to vector<16xi32>
        %add3A_638 = arith.addi %broadcast_in_dim3A_3, %add3A_637 : vector<16xi32>
        %get3A_639 = arith.constant 20 : i32
        %get3A_640 = arith.index_cast %get3A_639 : i32 to index
        %get3A_641 = arith.index_cast %add3A_372 : i32 to index
        %get3A_642 = arith.constant 0 : index
        %get3A_643 = tpu.vector_load %arg8[%get3A_640, %get3A_641, %get3A_642] {strides = array<i32>} : memref<32x50x32xf32, #tpu.memory_space<vmem>>, vector<16xf32>,
        tpu.vector_store_idx %arg9[%select_n3A, %broadcast_in_dim3A_3, %rem3A_63, %add3A_638], %get3A_643 : memref<4x1x8x32xf32, #tpu.memory_space<vmem>>[vector<16xi32>, vector<16xi32>, vector<16xi32>, vector<16xi32>], vector<16xf32>,
        %get3A_644 = arith.constant 20 : i32
        %get3A_645 = arith.index_cast %get3A_644 : i32 to index
        %get3A_646 = arith.index_cast %add3A_372 : i32 to index
        %get3A_647 = arith.constant 16 : index
        %get3A_648 = tpu.vector_load %arg8[%get3A_645, %get3A_646, %get3A_647] {strides = array<i32>} : memref<32x50x32xf32, #tpu.memory_space<vmem>>, vector<16xf32>,
        tpu.vector_store_idx %arg9[%add3A_60, %broadcast_in_dim3A_3, %rem3A_63, %add3A_638], %get3A_648 : memref<4x1x8x32xf32, #tpu.memory_space<vmem>>[vector<16xi32>, vector<16xi32>, vector<16xi32>, vector<16xi32>], vector<16xf32>,
        %add3A_649 = arith.constant 21 : i32
        %add3A_650 = vector.broadcast %add3A_649 : i32 to vector<16xi32>
        %add3A_651 = arith.addi %broadcast_in_dim3A_3, %add3A_650 : vector<16xi32>
        %get3A_652 = arith.constant 21 : i32
        %get3A_653 = arith.index_cast %get3A_652 : i32 to index
        %get3A_654 = arith.index_cast %add3A_372 : i32 to index
        %get3A_655 = arith.constant 0 : index
        %get3A_656 = tpu.vector_load %arg8[%get3A_653, %get3A_654, %get3A_655] {strides = array<i32>} : memref<32x50x32xf32, #tpu.memory_space<vmem>>, vector<16xf32>,
        tpu.vector_store_idx %arg9[%select_n3A, %broadcast_in_dim3A_3, %rem3A_63, %add3A_651], %get3A_656 : memref<4x1x8x32xf32, #tpu.memory_space<vmem>>[vector<16xi32>, vector<16xi32>, vector<16xi32>, vector<16xi32>], vector<16xf32>,
        %get3A_657 = arith.constant 21 : i32
        %get3A_658 = arith.index_cast %get3A_657 : i32 to index
        %get3A_659 = arith.index_cast %add3A_372 : i32 to index
        %get3A_660 = arith.constant 16 : index
        %get3A_661 = tpu.vector_load %arg8[%get3A_658, %get3A_659, %get3A_660] {strides = array<i32>} : memref<32x50x32xf32, #tpu.memory_space<vmem>>, vector<16xf32>,
        tpu.vector_store_idx %arg9[%add3A_60, %broadcast_in_dim3A_3, %rem3A_63, %add3A_651], %get3A_661 : memref<4x1x8x32xf32, #tpu.memory_space<vmem>>[vector<16xi32>, vector<16xi32>, vector<16xi32>, vector<16xi32>], vector<16xf32>,
        %add3A_662 = arith.constant 22 : i32
        %add3A_663 = vector.broadcast %add3A_662 : i32 to vector<16xi32>
        %add3A_664 = arith.addi %broadcast_in_dim3A_3, %add3A_663 : vector<16xi32>
        %get3A_665 = arith.constant 22 : i32
        %get3A_666 = arith.index_cast %get3A_665 : i32 to index
        %get3A_667 = arith.index_cast %add3A_372 : i32 to index
        %get3A_668 = arith.constant 0 : index
        %get3A_669 = tpu.vector_load %arg8[%get3A_666, %get3A_667, %get3A_668] {strides = array<i32>} : memref<32x50x32xf32, #tpu.memory_space<vmem>>, vector<16xf32>,
        tpu.vector_store_idx %arg9[%select_n3A, %broadcast_in_dim3A_3, %rem3A_63, %add3A_664], %get3A_669 : memref<4x1x8x32xf32, #tpu.memory_space<vmem>>[vector<16xi32>, vector<16xi32>, vector<16xi32>, vector<16xi32>], vector<16xf32>,
        %get3A_670 = arith.constant 22 : i32
        %get3A_671 = arith.index_cast %get3A_670 : i32 to index
        %get3A_672 = arith.index_cast %add3A_372 : i32 to index
        %get3A_673 = arith.constant 16 : index
        %get3A_674 = tpu.vector_load %arg8[%get3A_671, %get3A_672, %get3A_673] {strides = array<i32>} : memref<32x50x32xf32, #tpu.memory_space<vmem>>, vector<16xf32>,
        tpu.vector_store_idx %arg9[%add3A_60, %broadcast_in_dim3A_3, %rem3A_63, %add3A_664], %get3A_674 : memref<4x1x8x32xf32, #tpu.memory_space<vmem>>[vector<16xi32>, vector<16xi32>, vector<16xi32>, vector<16xi32>], vector<16xf32>,
        %add3A_675 = arith.constant 23 : i32
        %add3A_676 = vector.broadcast %add3A_675 : i32 to vector<16xi32>
        %add3A_677 = arith.addi %broadcast_in_dim3A_3, %add3A_676 : vector<16xi32>
        %get3A_678 = arith.constant 23 : i32
        %get3A_679 = arith.index_cast %get3A_678 : i32 to index
        %get3A_680 = arith.index_cast %add3A_372 : i32 to index
        %get3A_681 = arith.constant 0 : index
        %get3A_682 = tpu.vector_load %arg8[%get3A_679, %get3A_680, %get3A_681] {strides = array<i32>} : memref<32x50x32xf32, #tpu.memory_space<vmem>>, vector<16xf32>,
        tpu.vector_store_idx %arg9[%select_n3A, %broadcast_in_dim3A_3, %rem3A_63, %add3A_677], %get3A_682 : memref<4x1x8x32xf32, #tpu.memory_space<vmem>>[vector<16xi32>, vector<16xi32>, vector<16xi32>, vector<16xi32>], vector<16xf32>,
        %get3A_683 = arith.constant 23 : i32
        %get3A_684 = arith.index_cast %get3A_683 : i32 to index
        %get3A_685 = arith.index_cast %add3A_372 : i32 to index
        %get3A_686 = arith.constant 16 : index
        %get3A_687 = tpu.vector_load %arg8[%get3A_684, %get3A_685, %get3A_686] {strides = array<i32>} : memref<32x50x32xf32, #tpu.memory_space<vmem>>, vector<16xf32>,
        tpu.vector_store_idx %arg9[%add3A_60, %broadcast_in_dim3A_3, %rem3A_63, %add3A_677], %get3A_687 : memref<4x1x8x32xf32, #tpu.memory_space<vmem>>[vector<16xi32>, vector<16xi32>, vector<16xi32>, vector<16xi32>], vector<16xf32>,
        %add3A_688 = arith.constant 24 : i32
        %add3A_689 = vector.broadcast %add3A_688 : i32 to vector<16xi32>
        %add3A_690 = arith.addi %broadcast_in_dim3A_3, %add3A_689 : vector<16xi32>
        %get3A_691 = arith.constant 24 : i32
        %get3A_692 = arith.index_cast %get3A_691 : i32 to index
        %get3A_693 = arith.index_cast %add3A_372 : i32 to index
        %get3A_694 = arith.constant 0 : index
        %get3A_695 = tpu.vector_load %arg8[%get3A_692, %get3A_693, %get3A_694] {strides = array<i32>} : memref<32x50x32xf32, #tpu.memory_space<vmem>>, vector<16xf32>,
        tpu.vector_store_idx %arg9[%select_n3A, %broadcast_in_dim3A_3, %rem3A_63, %add3A_690], %get3A_695 : memref<4x1x8x32xf32, #tpu.memory_space<vmem>>[vector<16xi32>, vector<16xi32>, vector<16xi32>, vector<16xi32>], vector<16xf32>,
        %get3A_696 = arith.constant 24 : i32
        %get3A_697 = arith.index_cast %get3A_696 : i32 to index
        %get3A_698 = arith.index_cast %add3A_372 : i32 to index
        %get3A_699 = arith.constant 16 : index
        %get3A_700 = tpu.vector_load %arg8[%get3A_697, %get3A_698, %get3A_699] {strides = array<i32>} : memref<32x50x32xf32, #tpu.memory_space<vmem>>, vector<16xf32>,
        tpu.vector_store_idx %arg9[%add3A_60, %broadcast_in_dim3A_3, %rem3A_63, %add3A_690], %get3A_700 : memref<4x1x8x32xf32, #tpu.memory_space<vmem>>[vector<16xi32>, vector<16xi32>, vector<16xi32>, vector<16xi32>], vector<16xf32>,
        %add3A_701 = arith.constant 25 : i32
        %add3A_702 = vector.broadcast %add3A_701 : i32 to vector<16xi32>
        %add3A_703 = arith.addi %broadcast_in_dim3A_3, %add3A_702 : vector<16xi32>
        %get3A_704 = arith.constant 25 : i32
        %get3A_705 = arith.index_cast %get3A_704 : i32 to index
        %get3A_706 = arith.index_cast %add3A_372 : i32 to index
        %get3A_707 = arith.constant 0 : index
        %get3A_708 = tpu.vector_load %arg8[%get3A_705, %get3A_706, %get3A_707] {strides = array<i32>} : memref<32x50x32xf32, #tpu.memory_space<vmem>>, vector<16xf32>,
        tpu.vector_store_idx %arg9[%select_n3A, %broadcast_in_dim3A_3, %rem3A_63, %add3A_703], %get3A_708 : memref<4x1x8x32xf32, #tpu.memory_space<vmem>>[vector<16xi32>, vector<16xi32>, vector<16xi32>, vector<16xi32>], vector<16xf32>,
        %get3A_709 = arith.constant 25 : i32
        %get3A_710 = arith.index_cast %get3A_709 : i32 to index
        %get3A_711 = arith.index_cast %add3A_372 : i32 to index
        %get3A_712 = arith.constant 16 : index
        %get3A_713 = tpu.vector_load %arg8[%get3A_710, %get3A_711, %get3A_712] {strides = array<i32>} : memref<32x50x32xf32, #tpu.memory_space<vmem>>, vector<16xf32>,
        tpu.vector_store_idx %arg9[%add3A_60, %broadcast_in_dim3A_3, %rem3A_63, %add3A_703], %get3A_713 : memref<4x1x8x32xf32, #tpu.memory_space<vmem>>[vector<16xi32>, vector<16xi32>, vector<16xi32>, vector<16xi32>], vector<16xf32>,
        %add3A_714 = arith.constant 26 : i32
        %add3A_715 = vector.broadcast %add3A_714 : i32 to vector<16xi32>
        %add3A_716 = arith.addi %broadcast_in_dim3A_3, %add3A_715 : vector<16xi32>
        %get3A_717 = arith.constant 26 : i32
        %get3A_718 = arith.index_cast %get3A_717 : i32 to index
        %get3A_719 = arith.index_cast %add3A_372 : i32 to index
        %get3A_720 = arith.constant 0 : index
        %get3A_721 = tpu.vector_load %arg8[%get3A_718, %get3A_719, %get3A_720] {strides = array<i32>} : memref<32x50x32xf32, #tpu.memory_space<vmem>>, vector<16xf32>,
        tpu.vector_store_idx %arg9[%select_n3A, %broadcast_in_dim3A_3, %rem3A_63, %add3A_716], %get3A_721 : memref<4x1x8x32xf32, #tpu.memory_space<vmem>>[vector<16xi32>, vector<16xi32>, vector<16xi32>, vector<16xi32>], vector<16xf32>,
        %get3A_722 = arith.constant 26 : i32
        %get3A_723 = arith.index_cast %get3A_722 : i32 to index
        %get3A_724 = arith.index_cast %add3A_372 : i32 to index
        %get3A_725 = arith.constant 16 : index
        %get3A_726 = tpu.vector_load %arg8[%get3A_723, %get3A_724, %get3A_725] {strides = array<i32>} : memref<32x50x32xf32, #tpu.memory_space<vmem>>, vector<16xf32>,
        tpu.vector_store_idx %arg9[%add3A_60, %broadcast_in_dim3A_3, %rem3A_63, %add3A_716], %get3A_726 : memref<4x1x8x32xf32, #tpu.memory_space<vmem>>[vector<16xi32>, vector<16xi32>, vector<16xi32>, vector<16xi32>], vector<16xf32>,
        %add3A_727 = arith.constant 27 : i32
        %add3A_728 = vector.broadcast %add3A_727 : i32 to vector<16xi32>
        %add3A_729 = arith.addi %broadcast_in_dim3A_3, %add3A_728 : vector<16xi32>
        %get3A_730 = arith.constant 27 : i32
        %get3A_731 = arith.index_cast %get3A_730 : i32 to index
        %get3A_732 = arith.index_cast %add3A_372 : i32 to index
        %get3A_733 = arith.constant 0 : index
        %get3A_734 = tpu.vector_load %arg8[%get3A_731, %get3A_732, %get3A_733] {strides = array<i32>} : memref<32x50x32xf32, #tpu.memory_space<vmem>>, vector<16xf32>,
        tpu.vector_store_idx %arg9[%select_n3A, %broadcast_in_dim3A_3, %rem3A_63, %add3A_729], %get3A_734 : memref<4x1x8x32xf32, #tpu.memory_space<vmem>>[vector<16xi32>, vector<16xi32>, vector<16xi32>, vector<16xi32>], vector<16xf32>,
        %get3A_735 = arith.constant 27 : i32
        %get3A_736 = arith.index_cast %get3A_735 : i32 to index
        %get3A_737 = arith.index_cast %add3A_372 : i32 to index
        %get3A_738 = arith.constant 16 : index
        %get3A_739 = tpu.vector_load %arg8[%get3A_736, %get3A_737, %get3A_738] {strides = array<i32>} : memref<32x50x32xf32, #tpu.memory_space<vmem>>, vector<16xf32>,
        tpu.vector_store_idx %arg9[%add3A_60, %broadcast_in_dim3A_3, %rem3A_63, %add3A_729], %get3A_739 : memref<4x1x8x32xf32, #tpu.memory_space<vmem>>[vector<16xi32>, vector<16xi32>, vector<16xi32>, vector<16xi32>], vector<16xf32>,
        %add3A_740 = arith.constant 28 : i32
        %add3A_741 = vector.broadcast %add3A_740 : i32 to vector<16xi32>
        %add3A_742 = arith.addi %broadcast_in_dim3A_3, %add3A_741 : vector<16xi32>
        %get3A_743 = arith.constant 28 : i32
        %get3A_744 = arith.index_cast %get3A_743 : i32 to index
        %get3A_745 = arith.index_cast %add3A_372 : i32 to index
        %get3A_746 = arith.constant 0 : index
        %get3A_747 = tpu.vector_load %arg8[%get3A_744, %get3A_745, %get3A_746] {strides = array<i32>} : memref<32x50x32xf32, #tpu.memory_space<vmem>>, vector<16xf32>,
        tpu.vector_store_idx %arg9[%select_n3A, %broadcast_in_dim3A_3, %rem3A_63, %add3A_742], %get3A_747 : memref<4x1x8x32xf32, #tpu.memory_space<vmem>>[vector<16xi32>, vector<16xi32>, vector<16xi32>, vector<16xi32>], vector<16xf32>,
        %get3A_748 = arith.constant 28 : i32
        %get3A_749 = arith.index_cast %get3A_748 : i32 to index
        %get3A_750 = arith.index_cast %add3A_372 : i32 to index
        %get3A_751 = arith.constant 16 : index
        %get3A_752 = tpu.vector_load %arg8[%get3A_749, %get3A_750, %get3A_751] {strides = array<i32>} : memref<32x50x32xf32, #tpu.memory_space<vmem>>, vector<16xf32>,
        tpu.vector_store_idx %arg9[%add3A_60, %broadcast_in_dim3A_3, %rem3A_63, %add3A_742], %get3A_752 : memref<4x1x8x32xf32, #tpu.memory_space<vmem>>[vector<16xi32>, vector<16xi32>, vector<16xi32>, vector<16xi32>], vector<16xf32>,
        %add3A_753 = arith.constant 29 : i32
        %add3A_754 = vector.broadcast %add3A_753 : i32 to vector<16xi32>
        %add3A_755 = arith.addi %broadcast_in_dim3A_3, %add3A_754 : vector<16xi32>
        %get3A_756 = arith.constant 29 : i32
        %get3A_757 = arith.index_cast %get3A_756 : i32 to index
        %get3A_758 = arith.index_cast %add3A_372 : i32 to index
        %get3A_759 = arith.constant 0 : index
        %get3A_760 = tpu.vector_load %arg8[%get3A_757, %get3A_758, %get3A_759] {strides = array<i32>} : memref<32x50x32xf32, #tpu.memory_space<vmem>>, vector<16xf32>,
        tpu.vector_store_idx %arg9[%select_n3A, %broadcast_in_dim3A_3, %rem3A_63, %add3A_755], %get3A_760 : memref<4x1x8x32xf32, #tpu.memory_space<vmem>>[vector<16xi32>, vector<16xi32>, vector<16xi32>, vector<16xi32>], vector<16xf32>,
        %get3A_761 = arith.constant 29 : i32
        %get3A_762 = arith.index_cast %get3A_761 : i32 to index
        %get3A_763 = arith.index_cast %add3A_372 : i32 to index
        %get3A_764 = arith.constant 16 : index
        %get3A_765 = tpu.vector_load %arg8[%get3A_762, %get3A_763, %get3A_764] {strides = array<i32>} : memref<32x50x32xf32, #tpu.memory_space<vmem>>, vector<16xf32>,
        tpu.vector_store_idx %arg9[%add3A_60, %broadcast_in_dim3A_3, %rem3A_63, %add3A_755], %get3A_765 : memref<4x1x8x32xf32, #tpu.memory_space<vmem>>[vector<16xi32>, vector<16xi32>, vector<16xi32>, vector<16xi32>], vector<16xf32>,
        %add3A_766 = arith.constant 30 : i32
        %add3A_767 = vector.broadcast %add3A_766 : i32 to vector<16xi32>
        %add3A_768 = arith.addi %broadcast_in_dim3A_3, %add3A_767 : vector<16xi32>
        %get3A_769 = arith.constant 30 : i32
        %get3A_770 = arith.index_cast %get3A_769 : i32 to index
        %get3A_771 = arith.index_cast %add3A_372 : i32 to index
        %get3A_772 = arith.constant 0 : index
        %get3A_773 = tpu.vector_load %arg8[%get3A_770, %get3A_771, %get3A_772] {strides = array<i32>} : memref<32x50x32xf32, #tpu.memory_space<vmem>>, vector<16xf32>,
        tpu.vector_store_idx %arg9[%select_n3A, %broadcast_in_dim3A_3, %rem3A_63, %add3A_768], %get3A_773 : memref<4x1x8x32xf32, #tpu.memory_space<vmem>>[vector<16xi32>, vector<16xi32>, vector<16xi32>, vector<16xi32>], vector<16xf32>,
        %get3A_774 = arith.constant 30 : i32
        %get3A_775 = arith.index_cast %get3A_774 : i32 to index
        %get3A_776 = arith.index_cast %add3A_372 : i32 to index
        %get3A_777 = arith.constant 16 : index
        %get3A_778 = tpu.vector_load %arg8[%get3A_775, %get3A_776, %get3A_777] {strides = array<i32>} : memref<32x50x32xf32, #tpu.memory_space<vmem>>, vector<16xf32>,
        tpu.vector_store_idx %arg9[%add3A_60, %broadcast_in_dim3A_3, %rem3A_63, %add3A_768], %get3A_778 : memref<4x1x8x32xf32, #tpu.memory_space<vmem>>[vector<16xi32>, vector<16xi32>, vector<16xi32>, vector<16xi32>], vector<16xf32>,
        %add3A_779 = arith.constant 31 : i32
        %add3A_780 = vector.broadcast %add3A_779 : i32 to vector<16xi32>
        %add3A_781 = arith.addi %broadcast_in_dim3A_3, %add3A_780 : vector<16xi32>
        %get3A_782 = arith.constant 31 : i32
        %get3A_783 = arith.index_cast %get3A_782 : i32 to index
        %get3A_784 = arith.index_cast %add3A_372 : i32 to index
        %get3A_785 = arith.constant 0 : index
        %get3A_786 = tpu.vector_load %arg8[%get3A_783, %get3A_784, %get3A_785] {strides = array<i32>} : memref<32x50x32xf32, #tpu.memory_space<vmem>>, vector<16xf32>,
        tpu.vector_store_idx %arg9[%select_n3A, %broadcast_in_dim3A_3, %rem3A_63, %add3A_781], %get3A_786 : memref<4x1x8x32xf32, #tpu.memory_space<vmem>>[vector<16xi32>, vector<16xi32>, vector<16xi32>, vector<16xi32>], vector<16xf32>,
        %get3A_787 = arith.constant 31 : i32
        %get3A_788 = arith.index_cast %get3A_787 : i32 to index
        %get3A_789 = arith.index_cast %add3A_372 : i32 to index
        %get3A_790 = arith.constant 16 : index
        %get3A_791 = tpu.vector_load %arg8[%get3A_788, %get3A_789, %get3A_790] {strides = array<i32>} : memref<32x50x32xf32, #tpu.memory_space<vmem>>, vector<16xf32>,
        tpu.vector_store_idx %arg9[%add3A_60, %broadcast_in_dim3A_3, %rem3A_63, %add3A_781], %get3A_791 : memref<4x1x8x32xf32, #tpu.memory_space<vmem>>[vector<16xi32>, vector<16xi32>, vector<16xi32>, vector<16xi32>], vector<16xf32>,
        %mul3A_792 = arith.constant 32 : i32
        %mul3A_793 = arith.muli %add3A_231, %mul3A_792 : i32
        %add3A_794 = arith.addi %mul3A_2, %mul3A_793 : i32
        %jit3A_795 = arith.constant 128 : i32
        %div3A_796 = arith.divsi %add3A_794, %jit3A_795 : i32
        %sign3A_797 = arith.constant 0 : i32
        %sign3A_798 = arith.cmpi sgt, %add3A_794, %sign3A_797 : i32
        %sign3A_799 = arith.extui %sign3A_798 : i1 to i32
        %sign3A_800 = arith.constant 0 : i32
        %sign3A_801 = arith.cmpi slt, %add3A_794, %sign3A_800 : i32
        %sign3A_802 = arith.extui %sign3A_801 : i1 to i32
        %sign3A_803 = arith.subi %sign3A_799, %sign3A_802 : i32
        %sign3A_804 = arith.constant 0 : i32
        %sign3A_805 = arith.cmpi sgt, %jit3A_795, %sign3A_804 : i32
        %sign3A_806 = arith.extui %sign3A_805 : i1 to i32
        %sign3A_807 = arith.constant 0 : i32
        %sign3A_808 = arith.cmpi slt, %jit3A_795, %sign3A_807 : i32
        %sign3A_809 = arith.extui %sign3A_808 : i1 to i32
        %sign3A_810 = arith.subi %sign3A_806, %sign3A_809 : i32
        %ne3A_811 = arith.cmpi ne, %sign3A_803, %sign3A_810 : i32
        %rem3A_812 = arith.remsi %add3A_794, %jit3A_795 : i32
        %ne3A_813 = arith.constant 0 : i32
        %ne3A_814 = arith.cmpi ne, %rem3A_812, %ne3A_813 : i32
        %and3A_815 = arith.andi %ne3A_811, %ne3A_814 : i1
        %sub3A_816 = arith.constant 1 : i32
        %sub3A_817 = arith.subi %div3A_796, %sub3A_816 : i32
        %select_n3A_818 = arith.select %and3A_815, %sub3A_817, %div3A_796 : i32
        %mul3A_819 = arith.constant 32 : i32
        %mul3A_820 = arith.muli %add3A_231, %mul3A_819 : i32
        %add3A_821 = arith.addi %mul3A_2, %mul3A_820 : i32
        %jit3A_822 = arith.constant 128 : i32
        %eq3A_823 = arith.constant 0 : i32
        %eq3A_824 = arith.cmpi eq, %jit3A_822, %eq3A_823 : i32
        %jit3A_825 = arith.constant 1 : i32
        %select_n3A_826 = arith.select %eq3A_824, %jit3A_825, %jit3A_822 : i32
        %rem3A_827 = arith.remsi %add3A_821, %select_n3A_826 : i32
        %ne3A_828 = arith.constant 0 : i32
        %ne3A_829 = arith.cmpi ne, %rem3A_827, %ne3A_828 : i32
        %lt3A_830 = arith.constant 0 : i32
        %lt3A_831 = arith.cmpi slt, %rem3A_827, %lt3A_830 : i32
        %lt3A_832 = arith.constant 0 : i32
        %lt3A_833 = arith.cmpi slt, %select_n3A_826, %lt3A_832 : i32
        %ne3A_834 = arith.xori %lt3A_831, %lt3A_833 : i1
        %and3A_835 = arith.andi %ne3A_834, %ne3A_829 : i1
        %add3A_836 = arith.addi %rem3A_827, %select_n3A_826 : i32
        %select_n3A_837 = arith.select %and3A_835, %add3A_836, %rem3A_827 : i32
        %dma_start3A_838 = arith.constant 0 : i32
        %dma_start3A_839 = arith.constant 0 : i32
        %dma_start3A_840 = tpu.memref_slice %arg4[%add3A_372, %dma_start3A_838, %select_n3A_818, %dma_start3A_839, %select_n3A_837] : memref<50x4x128x8x128xf32, #tpu.memory_space<hbm>> -> memref<1x4x1x8x32xf32, #tpu.memory_space<hbm>>
        %dma_start3A_841 = tpu.memref_squeeze %dma_start3A_840 : memref<1x4x1x8x32xf32, #tpu.memory_space<hbm>> -> memref<4x1x8x32xf32, #tpu.memory_space<hbm>>
        %dma_start3A_842 = arith.constant 0 : i32
        %dma_start3A_843 = arith.constant 0 : i32
        %dma_start3A_844 = tpu.memref_slice %arg4[%add3A_372, %dma_start3A_842, %select_n3A_818, %dma_start3A_843, %select_n3A_837] : memref<50x4x128x8x128xf32, #tpu.memory_space<hbm>> -> memref<1x4x1x8x32xf32, #tpu.memory_space<hbm>>
        %dma_start3A_845 = tpu.memref_squeeze %dma_start3A_844 : memref<1x4x1x8x32xf32, #tpu.memory_space<hbm>> -> memref<4x1x8x32xf32, #tpu.memory_space<hbm>>
        tpu.enqueue_dma source(%arg9 : memref<4x1x8x32xf32, #tpu.memory_space<vmem>>) target(%dma_start3A_845 : memref<4x1x8x32xf32, #tpu.memory_space<hbm>>) target_semaphore(%arg15 : memref<!tpu.dma_semaphore, #tpu.memory_space<semaphore_mem>>)
        %mul3A_846 = arith.constant 2 : i32
        %mul3A_847 = arith.muli %mul3A_846, %scan3A_368 : i32
        %add3A_848 = arith.constant 1 : i32
        %add3A_849 = arith.addi %mul3A_847, %add3A_848 : i32
        %ge3A_850 = arith.constant 2 : i32
        %ge3A_851 = arith.cmpi sge, %add3A_849, %ge3A_850 : i32
        %convert_element_type3A_852 = arith.extui %ge3A_851 : i1 to i32
        %cond3A_853 = arith.constant 0 : i32
        %cond3A_854 = arith.cmpi ne, %convert_element_type3A_852, %cond3A_853 : i32
        scf.if %cond3A_854 {
          %sub3A_1325 = arith.constant 2 : i32
          %sub3A_1326 = arith.subi %add3A_849, %sub3A_1325 : i32
          %mul3A_1327 = arith.constant 32 : i32
          %mul3A_1328 = arith.muli %add3A_231, %mul3A_1327 : i32
          %add3A_1329 = arith.addi %mul3A_2, %mul3A_1328 : i32
          %jit3A_1330 = arith.constant 128 : i32
          %div3A_1331 = arith.divsi %add3A_1329, %jit3A_1330 : i32
          %sign3A_1332 = arith.constant 0 : i32
          %sign3A_1333 = arith.cmpi sgt, %add3A_1329, %sign3A_1332 : i32
          %sign3A_1334 = arith.extui %sign3A_1333 : i1 to i32
          %sign3A_1335 = arith.constant 0 : i32
          %sign3A_1336 = arith.cmpi slt, %add3A_1329, %sign3A_1335 : i32
          %sign3A_1337 = arith.extui %sign3A_1336 : i1 to i32
          %sign3A_1338 = arith.subi %sign3A_1334, %sign3A_1337 : i32
          %sign3A_1339 = arith.constant 0 : i32
          %sign3A_1340 = arith.cmpi sgt, %jit3A_1330, %sign3A_1339 : i32
          %sign3A_1341 = arith.extui %sign3A_1340 : i1 to i32
          %sign3A_1342 = arith.constant 0 : i32
          %sign3A_1343 = arith.cmpi slt, %jit3A_1330, %sign3A_1342 : i32
          %sign3A_1344 = arith.extui %sign3A_1343 : i1 to i32
          %sign3A_1345 = arith.subi %sign3A_1341, %sign3A_1344 : i32
          %ne3A_1346 = arith.cmpi ne, %sign3A_1338, %sign3A_1345 : i32
          %rem3A_1347 = arith.remsi %add3A_1329, %jit3A_1330 : i32
          %ne3A_1348 = arith.constant 0 : i32
          %ne3A_1349 = arith.cmpi ne, %rem3A_1347, %ne3A_1348 : i32
          %and3A_1350 = arith.andi %ne3A_1346, %ne3A_1349 : i1
          %sub3A_1351 = arith.constant 1 : i32
          %sub3A_1352 = arith.subi %div3A_1331, %sub3A_1351 : i32
          %select_n3A_1353 = arith.select %and3A_1350, %sub3A_1352, %div3A_1331 : i32
          %mul3A_1354 = arith.constant 32 : i32
          %mul3A_1355 = arith.muli %add3A_231, %mul3A_1354 : i32
          %add3A_1356 = arith.addi %mul3A_2, %mul3A_1355 : i32
          %jit3A_1357 = arith.constant 128 : i32
          %eq3A_1358 = arith.constant 0 : i32
          %eq3A_1359 = arith.cmpi eq, %jit3A_1357, %eq3A_1358 : i32
          %jit3A_1360 = arith.constant 1 : i32
          %select_n3A_1361 = arith.select %eq3A_1359, %jit3A_1360, %jit3A_1357 : i32
          %rem3A_1362 = arith.remsi %add3A_1356, %select_n3A_1361 : i32
          %ne3A_1363 = arith.constant 0 : i32
          %ne3A_1364 = arith.cmpi ne, %rem3A_1362, %ne3A_1363 : i32
          %lt3A_1365 = arith.constant 0 : i32
          %lt3A_1366 = arith.cmpi slt, %rem3A_1362, %lt3A_1365 : i32
          %lt3A_1367 = arith.constant 0 : i32
          %lt3A_1368 = arith.cmpi slt, %select_n3A_1361, %lt3A_1367 : i32
          %ne3A_1369 = arith.xori %lt3A_1366, %lt3A_1368 : i1
          %and3A_1370 = arith.andi %ne3A_1369, %ne3A_1364 : i1
          %add3A_1371 = arith.addi %rem3A_1362, %select_n3A_1361 : i32
          %select_n3A_1372 = arith.select %and3A_1370, %add3A_1371, %rem3A_1362 : i32
          %dma_wait3A_1373 = arith.constant 0 : i32
          %dma_wait3A_1374 = arith.constant 0 : i32
          %dma_wait3A_1375 = tpu.memref_slice %arg4[%sub3A_1326, %dma_wait3A_1373, %select_n3A_1353, %dma_wait3A_1374, %select_n3A_1372] : memref<50x4x128x8x128xf32, #tpu.memory_space<hbm>> -> memref<1x4x1x8x32xf32, #tpu.memory_space<hbm>>
          %dma_wait3A_1376 = tpu.memref_squeeze %dma_wait3A_1375 : memref<1x4x1x8x32xf32, #tpu.memory_space<hbm>> -> memref<4x1x8x32xf32, #tpu.memory_space<hbm>>
          %dma_wait3A_1377 = arith.constant 0 : i32
          %dma_wait3A_1378 = arith.constant 0 : i32
          %dma_wait3A_1379 = tpu.memref_slice %arg4[%sub3A_1326, %dma_wait3A_1377, %select_n3A_1353, %dma_wait3A_1378, %select_n3A_1372] : memref<50x4x128x8x128xf32, #tpu.memory_space<hbm>> -> memref<1x4x1x8x32xf32, #tpu.memory_space<hbm>>
          %dma_wait3A_1380 = tpu.memref_squeeze %dma_wait3A_1379 : memref<1x4x1x8x32xf32, #tpu.memory_space<hbm>> -> memref<4x1x8x32xf32, #tpu.memory_space<hbm>>
          tpu.wait_dma2 semaphore(%arg16 : memref<!tpu.dma_semaphore, #tpu.memory_space<semaphore_mem>>) src(%arg10 : memref<4x1x8x32xf32, #tpu.memory_space<vmem>>) dst(%dma_wait3A_1380 : memref<4x1x8x32xf32, #tpu.memory_space<hbm>>)
        } else {
        }
        %add3A_855 = arith.constant 0 : i32
        %add3A_856 = vector.broadcast %add3A_855 : i32 to vector<16xi32>
        %add3A_857 = arith.addi %broadcast_in_dim3A_3, %add3A_856 : vector<16xi32>
        %get3A_858 = arith.constant 0 : i32
        %get3A_859 = arith.index_cast %get3A_858 : i32 to index
        %get3A_860 = arith.index_cast %add3A_849 : i32 to index
        %get3A_861 = arith.constant 0 : index
        %get3A_862 = tpu.vector_load %arg8[%get3A_859, %get3A_860, %get3A_861] {strides = array<i32>} : memref<32x50x32xf32, #tpu.memory_space<vmem>>, vector<16xf32>,
        tpu.vector_store_idx %arg10[%select_n3A, %broadcast_in_dim3A_3, %rem3A_63, %add3A_857], %get3A_862 : memref<4x1x8x32xf32, #tpu.memory_space<vmem>>[vector<16xi32>, vector<16xi32>, vector<16xi32>, vector<16xi32>], vector<16xf32>,
        %get3A_863 = arith.constant 0 : i32
        %get3A_864 = arith.index_cast %get3A_863 : i32 to index
        %get3A_865 = arith.index_cast %add3A_849 : i32 to index
        %get3A_866 = arith.constant 16 : index
        %get3A_867 = tpu.vector_load %arg8[%get3A_864, %get3A_865, %get3A_866] {strides = array<i32>} : memref<32x50x32xf32, #tpu.memory_space<vmem>>, vector<16xf32>,
        tpu.vector_store_idx %arg10[%add3A_60, %broadcast_in_dim3A_3, %rem3A_63, %add3A_857], %get3A_867 : memref<4x1x8x32xf32, #tpu.memory_space<vmem>>[vector<16xi32>, vector<16xi32>, vector<16xi32>, vector<16xi32>], vector<16xf32>,
        %add3A_868 = arith.constant 1 : i32
        %add3A_869 = vector.broadcast %add3A_868 : i32 to vector<16xi32>
        %add3A_870 = arith.addi %broadcast_in_dim3A_3, %add3A_869 : vector<16xi32>
        %get3A_871 = arith.constant 1 : i32
        %get3A_872 = arith.index_cast %get3A_871 : i32 to index
        %get3A_873 = arith.index_cast %add3A_849 : i32 to index
        %get3A_874 = arith.constant 0 : index
        %get3A_875 = tpu.vector_load %arg8[%get3A_872, %get3A_873, %get3A_874] {strides = array<i32>} : memref<32x50x32xf32, #tpu.memory_space<vmem>>, vector<16xf32>,
        tpu.vector_store_idx %arg10[%select_n3A, %broadcast_in_dim3A_3, %rem3A_63, %add3A_870], %get3A_875 : memref<4x1x8x32xf32, #tpu.memory_space<vmem>>[vector<16xi32>, vector<16xi32>, vector<16xi32>, vector<16xi32>], vector<16xf32>,
        %get3A_876 = arith.constant 1 : i32
        %get3A_877 = arith.index_cast %get3A_876 : i32 to index
        %get3A_878 = arith.index_cast %add3A_849 : i32 to index
        %get3A_879 = arith.constant 16 : index
        %get3A_880 = tpu.vector_load %arg8[%get3A_877, %get3A_878, %get3A_879] {strides = array<i32>} : memref<32x50x32xf32, #tpu.memory_space<vmem>>, vector<16xf32>,
        tpu.vector_store_idx %arg10[%add3A_60, %broadcast_in_dim3A_3, %rem3A_63, %add3A_870], %get3A_880 : memref<4x1x8x32xf32, #tpu.memory_space<vmem>>[vector<16xi32>, vector<16xi32>, vector<16xi32>, vector<16xi32>], vector<16xf32>,
        %add3A_881 = arith.constant 2 : i32
        %add3A_882 = vector.broadcast %add3A_881 : i32 to vector<16xi32>
        %add3A_883 = arith.addi %broadcast_in_dim3A_3, %add3A_882 : vector<16xi32>
        %get3A_884 = arith.constant 2 : i32
        %get3A_885 = arith.index_cast %get3A_884 : i32 to index
        %get3A_886 = arith.index_cast %add3A_849 : i32 to index
        %get3A_887 = arith.constant 0 : index
        %get3A_888 = tpu.vector_load %arg8[%get3A_885, %get3A_886, %get3A_887] {strides = array<i32>} : memref<32x50x32xf32, #tpu.memory_space<vmem>>, vector<16xf32>,
        tpu.vector_store_idx %arg10[%select_n3A, %broadcast_in_dim3A_3, %rem3A_63, %add3A_883], %get3A_888 : memref<4x1x8x32xf32, #tpu.memory_space<vmem>>[vector<16xi32>, vector<16xi32>, vector<16xi32>, vector<16xi32>], vector<16xf32>,
        %get3A_889 = arith.constant 2 : i32
        %get3A_890 = arith.index_cast %get3A_889 : i32 to index
        %get3A_891 = arith.index_cast %add3A_849 : i32 to index
        %get3A_892 = arith.constant 16 : index
        %get3A_893 = tpu.vector_load %arg8[%get3A_890, %get3A_891, %get3A_892] {strides = array<i32>} : memref<32x50x32xf32, #tpu.memory_space<vmem>>, vector<16xf32>,
        tpu.vector_store_idx %arg10[%add3A_60, %broadcast_in_dim3A_3, %rem3A_63, %add3A_883], %get3A_893 : memref<4x1x8x32xf32, #tpu.memory_space<vmem>>[vector<16xi32>, vector<16xi32>, vector<16xi32>, vector<16xi32>], vector<16xf32>,
        %add3A_894 = arith.constant 3 : i32
        %add3A_895 = vector.broadcast %add3A_894 : i32 to vector<16xi32>
        %add3A_896 = arith.addi %broadcast_in_dim3A_3, %add3A_895 : vector<16xi32>
        %get3A_897 = arith.constant 3 : i32
        %get3A_898 = arith.index_cast %get3A_897 : i32 to index
        %get3A_899 = arith.index_cast %add3A_849 : i32 to index
        %get3A_900 = arith.constant 0 : index
        %get3A_901 = tpu.vector_load %arg8[%get3A_898, %get3A_899, %get3A_900] {strides = array<i32>} : memref<32x50x32xf32, #tpu.memory_space<vmem>>, vector<16xf32>,
        tpu.vector_store_idx %arg10[%select_n3A, %broadcast_in_dim3A_3, %rem3A_63, %add3A_896], %get3A_901 : memref<4x1x8x32xf32, #tpu.memory_space<vmem>>[vector<16xi32>, vector<16xi32>, vector<16xi32>, vector<16xi32>], vector<16xf32>,
        %get3A_902 = arith.constant 3 : i32
        %get3A_903 = arith.index_cast %get3A_902 : i32 to index
        %get3A_904 = arith.index_cast %add3A_849 : i32 to index
        %get3A_905 = arith.constant 16 : index
        %get3A_906 = tpu.vector_load %arg8[%get3A_903, %get3A_904, %get3A_905] {strides = array<i32>} : memref<32x50x32xf32, #tpu.memory_space<vmem>>, vector<16xf32>,
        tpu.vector_store_idx %arg10[%add3A_60, %broadcast_in_dim3A_3, %rem3A_63, %add3A_896], %get3A_906 : memref<4x1x8x32xf32, #tpu.memory_space<vmem>>[vector<16xi32>, vector<16xi32>, vector<16xi32>, vector<16xi32>], vector<16xf32>,
        %add3A_907 = arith.constant 4 : i32
        %add3A_908 = vector.broadcast %add3A_907 : i32 to vector<16xi32>
        %add3A_909 = arith.addi %broadcast_in_dim3A_3, %add3A_908 : vector<16xi32>
        %get3A_910 = arith.constant 4 : i32
        %get3A_911 = arith.index_cast %get3A_910 : i32 to index
        %get3A_912 = arith.index_cast %add3A_849 : i32 to index
        %get3A_913 = arith.constant 0 : index
        %get3A_914 = tpu.vector_load %arg8[%get3A_911, %get3A_912, %get3A_913] {strides = array<i32>} : memref<32x50x32xf32, #tpu.memory_space<vmem>>, vector<16xf32>,
        tpu.vector_store_idx %arg10[%select_n3A, %broadcast_in_dim3A_3, %rem3A_63, %add3A_909], %get3A_914 : memref<4x1x8x32xf32, #tpu.memory_space<vmem>>[vector<16xi32>, vector<16xi32>, vector<16xi32>, vector<16xi32>], vector<16xf32>,
        %get3A_915 = arith.constant 4 : i32
        %get3A_916 = arith.index_cast %get3A_915 : i32 to index
        %get3A_917 = arith.index_cast %add3A_849 : i32 to index
        %get3A_918 = arith.constant 16 : index
        %get3A_919 = tpu.vector_load %arg8[%get3A_916, %get3A_917, %get3A_918] {strides = array<i32>} : memref<32x50x32xf32, #tpu.memory_space<vmem>>, vector<16xf32>,
        tpu.vector_store_idx %arg10[%add3A_60, %broadcast_in_dim3A_3, %rem3A_63, %add3A_909], %get3A_919 : memref<4x1x8x32xf32, #tpu.memory_space<vmem>>[vector<16xi32>, vector<16xi32>, vector<16xi32>, vector<16xi32>], vector<16xf32>,
        %add3A_920 = arith.constant 5 : i32
        %add3A_921 = vector.broadcast %add3A_920 : i32 to vector<16xi32>
        %add3A_922 = arith.addi %broadcast_in_dim3A_3, %add3A_921 : vector<16xi32>
        %get3A_923 = arith.constant 5 : i32
        %get3A_924 = arith.index_cast %get3A_923 : i32 to index
        %get3A_925 = arith.index_cast %add3A_849 : i32 to index
        %get3A_926 = arith.constant 0 : index
        %get3A_927 = tpu.vector_load %arg8[%get3A_924, %get3A_925, %get3A_926] {strides = array<i32>} : memref<32x50x32xf32, #tpu.memory_space<vmem>>, vector<16xf32>,
        tpu.vector_store_idx %arg10[%select_n3A, %broadcast_in_dim3A_3, %rem3A_63, %add3A_922], %get3A_927 : memref<4x1x8x32xf32, #tpu.memory_space<vmem>>[vector<16xi32>, vector<16xi32>, vector<16xi32>, vector<16xi32>], vector<16xf32>,
        %get3A_928 = arith.constant 5 : i32
        %get3A_929 = arith.index_cast %get3A_928 : i32 to index
        %get3A_930 = arith.index_cast %add3A_849 : i32 to index
        %get3A_931 = arith.constant 16 : index
        %get3A_932 = tpu.vector_load %arg8[%get3A_929, %get3A_930, %get3A_931] {strides = array<i32>} : memref<32x50x32xf32, #tpu.memory_space<vmem>>, vector<16xf32>,
        tpu.vector_store_idx %arg10[%add3A_60, %broadcast_in_dim3A_3, %rem3A_63, %add3A_922], %get3A_932 : memref<4x1x8x32xf32, #tpu.memory_space<vmem>>[vector<16xi32>, vector<16xi32>, vector<16xi32>, vector<16xi32>], vector<16xf32>,
        %add3A_933 = arith.constant 6 : i32
        %add3A_934 = vector.broadcast %add3A_933 : i32 to vector<16xi32>
        %add3A_935 = arith.addi %broadcast_in_dim3A_3, %add3A_934 : vector<16xi32>
        %get3A_936 = arith.constant 6 : i32
        %get3A_937 = arith.index_cast %get3A_936 : i32 to index
        %get3A_938 = arith.index_cast %add3A_849 : i32 to index
        %get3A_939 = arith.constant 0 : index
        %get3A_940 = tpu.vector_load %arg8[%get3A_937, %get3A_938, %get3A_939] {strides = array<i32>} : memref<32x50x32xf32, #tpu.memory_space<vmem>>, vector<16xf32>,
        tpu.vector_store_idx %arg10[%select_n3A, %broadcast_in_dim3A_3, %rem3A_63, %add3A_935], %get3A_940 : memref<4x1x8x32xf32, #tpu.memory_space<vmem>>[vector<16xi32>, vector<16xi32>, vector<16xi32>, vector<16xi32>], vector<16xf32>,
        %get3A_941 = arith.constant 6 : i32
        %get3A_942 = arith.index_cast %get3A_941 : i32 to index
        %get3A_943 = arith.index_cast %add3A_849 : i32 to index
        %get3A_944 = arith.constant 16 : index
        %get3A_945 = tpu.vector_load %arg8[%get3A_942, %get3A_943, %get3A_944] {strides = array<i32>} : memref<32x50x32xf32, #tpu.memory_space<vmem>>, vector<16xf32>,
        tpu.vector_store_idx %arg10[%add3A_60, %broadcast_in_dim3A_3, %rem3A_63, %add3A_935], %get3A_945 : memref<4x1x8x32xf32, #tpu.memory_space<vmem>>[vector<16xi32>, vector<16xi32>, vector<16xi32>, vector<16xi32>], vector<16xf32>,
        %add3A_946 = arith.constant 7 : i32
        %add3A_947 = vector.broadcast %add3A_946 : i32 to vector<16xi32>
        %add3A_948 = arith.addi %broadcast_in_dim3A_3, %add3A_947 : vector<16xi32>
        %get3A_949 = arith.constant 7 : i32
        %get3A_950 = arith.index_cast %get3A_949 : i32 to index
        %get3A_951 = arith.index_cast %add3A_849 : i32 to index
        %get3A_952 = arith.constant 0 : index
        %get3A_953 = tpu.vector_load %arg8[%get3A_950, %get3A_951, %get3A_952] {strides = array<i32>} : memref<32x50x32xf32, #tpu.memory_space<vmem>>, vector<16xf32>,
        tpu.vector_store_idx %arg10[%select_n3A, %broadcast_in_dim3A_3, %rem3A_63, %add3A_948], %get3A_953 : memref<4x1x8x32xf32, #tpu.memory_space<vmem>>[vector<16xi32>, vector<16xi32>, vector<16xi32>, vector<16xi32>], vector<16xf32>,
        %get3A_954 = arith.constant 7 : i32
        %get3A_955 = arith.index_cast %get3A_954 : i32 to index
        %get3A_956 = arith.index_cast %add3A_849 : i32 to index
        %get3A_957 = arith.constant 16 : index
        %get3A_958 = tpu.vector_load %arg8[%get3A_955, %get3A_956, %get3A_957] {strides = array<i32>} : memref<32x50x32xf32, #tpu.memory_space<vmem>>, vector<16xf32>,
        tpu.vector_store_idx %arg10[%add3A_60, %broadcast_in_dim3A_3, %rem3A_63, %add3A_948], %get3A_958 : memref<4x1x8x32xf32, #tpu.memory_space<vmem>>[vector<16xi32>, vector<16xi32>, vector<16xi32>, vector<16xi32>], vector<16xf32>,
        %add3A_959 = arith.constant 8 : i32
        %add3A_960 = vector.broadcast %add3A_959 : i32 to vector<16xi32>
        %add3A_961 = arith.addi %broadcast_in_dim3A_3, %add3A_960 : vector<16xi32>
        %get3A_962 = arith.constant 8 : i32
        %get3A_963 = arith.index_cast %get3A_962 : i32 to index
        %get3A_964 = arith.index_cast %add3A_849 : i32 to index
        %get3A_965 = arith.constant 0 : index
        %get3A_966 = tpu.vector_load %arg8[%get3A_963, %get3A_964, %get3A_965] {strides = array<i32>} : memref<32x50x32xf32, #tpu.memory_space<vmem>>, vector<16xf32>,
        tpu.vector_store_idx %arg10[%select_n3A, %broadcast_in_dim3A_3, %rem3A_63, %add3A_961], %get3A_966 : memref<4x1x8x32xf32, #tpu.memory_space<vmem>>[vector<16xi32>, vector<16xi32>, vector<16xi32>, vector<16xi32>], vector<16xf32>,
        %get3A_967 = arith.constant 8 : i32
        %get3A_968 = arith.index_cast %get3A_967 : i32 to index
        %get3A_969 = arith.index_cast %add3A_849 : i32 to index
        %get3A_970 = arith.constant 16 : index
        %get3A_971 = tpu.vector_load %arg8[%get3A_968, %get3A_969, %get3A_970] {strides = array<i32>} : memref<32x50x32xf32, #tpu.memory_space<vmem>>, vector<16xf32>,
        tpu.vector_store_idx %arg10[%add3A_60, %broadcast_in_dim3A_3, %rem3A_63, %add3A_961], %get3A_971 : memref<4x1x8x32xf32, #tpu.memory_space<vmem>>[vector<16xi32>, vector<16xi32>, vector<16xi32>, vector<16xi32>], vector<16xf32>,
        %add3A_972 = arith.constant 9 : i32
        %add3A_973 = vector.broadcast %add3A_972 : i32 to vector<16xi32>
        %add3A_974 = arith.addi %broadcast_in_dim3A_3, %add3A_973 : vector<16xi32>
        %get3A_975 = arith.constant 9 : i32
        %get3A_976 = arith.index_cast %get3A_975 : i32 to index
        %get3A_977 = arith.index_cast %add3A_849 : i32 to index
        %get3A_978 = arith.constant 0 : index
        %get3A_979 = tpu.vector_load %arg8[%get3A_976, %get3A_977, %get3A_978] {strides = array<i32>} : memref<32x50x32xf32, #tpu.memory_space<vmem>>, vector<16xf32>,
        tpu.vector_store_idx %arg10[%select_n3A, %broadcast_in_dim3A_3, %rem3A_63, %add3A_974], %get3A_979 : memref<4x1x8x32xf32, #tpu.memory_space<vmem>>[vector<16xi32>, vector<16xi32>, vector<16xi32>, vector<16xi32>], vector<16xf32>,
        %get3A_980 = arith.constant 9 : i32
        %get3A_981 = arith.index_cast %get3A_980 : i32 to index
        %get3A_982 = arith.index_cast %add3A_849 : i32 to index
        %get3A_983 = arith.constant 16 : index
        %get3A_984 = tpu.vector_load %arg8[%get3A_981, %get3A_982, %get3A_983] {strides = array<i32>} : memref<32x50x32xf32, #tpu.memory_space<vmem>>, vector<16xf32>,
        tpu.vector_store_idx %arg10[%add3A_60, %broadcast_in_dim3A_3, %rem3A_63, %add3A_974], %get3A_984 : memref<4x1x8x32xf32, #tpu.memory_space<vmem>>[vector<16xi32>, vector<16xi32>, vector<16xi32>, vector<16xi32>], vector<16xf32>,
        %add3A_985 = arith.constant 10 : i32
        %add3A_986 = vector.broadcast %add3A_985 : i32 to vector<16xi32>
        %add3A_987 = arith.addi %broadcast_in_dim3A_3, %add3A_986 : vector<16xi32>
        %get3A_988 = arith.constant 10 : i32
        %get3A_989 = arith.index_cast %get3A_988 : i32 to index
        %get3A_990 = arith.index_cast %add3A_849 : i32 to index
        %get3A_991 = arith.constant 0 : index
        %get3A_992 = tpu.vector_load %arg8[%get3A_989, %get3A_990, %get3A_991] {strides = array<i32>} : memref<32x50x32xf32, #tpu.memory_space<vmem>>, vector<16xf32>,
        tpu.vector_store_idx %arg10[%select_n3A, %broadcast_in_dim3A_3, %rem3A_63, %add3A_987], %get3A_992 : memref<4x1x8x32xf32, #tpu.memory_space<vmem>>[vector<16xi32>, vector<16xi32>, vector<16xi32>, vector<16xi32>], vector<16xf32>,
        %get3A_993 = arith.constant 10 : i32
        %get3A_994 = arith.index_cast %get3A_993 : i32 to index
        %get3A_995 = arith.index_cast %add3A_849 : i32 to index
        %get3A_996 = arith.constant 16 : index
        %get3A_997 = tpu.vector_load %arg8[%get3A_994, %get3A_995, %get3A_996] {strides = array<i32>} : memref<32x50x32xf32, #tpu.memory_space<vmem>>, vector<16xf32>,
        tpu.vector_store_idx %arg10[%add3A_60, %broadcast_in_dim3A_3, %rem3A_63, %add3A_987], %get3A_997 : memref<4x1x8x32xf32, #tpu.memory_space<vmem>>[vector<16xi32>, vector<16xi32>, vector<16xi32>, vector<16xi32>], vector<16xf32>,
        %add3A_998 = arith.constant 11 : i32
        %add3A_999 = vector.broadcast %add3A_998 : i32 to vector<16xi32>
        %add3A_1000 = arith.addi %broadcast_in_dim3A_3, %add3A_999 : vector<16xi32>
        %get3A_1001 = arith.constant 11 : i32
        %get3A_1002 = arith.index_cast %get3A_1001 : i32 to index
        %get3A_1003 = arith.index_cast %add3A_849 : i32 to index
        %get3A_1004 = arith.constant 0 : index
        %get3A_1005 = tpu.vector_load %arg8[%get3A_1002, %get3A_1003, %get3A_1004] {strides = array<i32>} : memref<32x50x32xf32, #tpu.memory_space<vmem>>, vector<16xf32>,
        tpu.vector_store_idx %arg10[%select_n3A, %broadcast_in_dim3A_3, %rem3A_63, %add3A_1000], %get3A_1005 : memref<4x1x8x32xf32, #tpu.memory_space<vmem>>[vector<16xi32>, vector<16xi32>, vector<16xi32>, vector<16xi32>], vector<16xf32>,
        %get3A_1006 = arith.constant 11 : i32
        %get3A_1007 = arith.index_cast %get3A_1006 : i32 to index
        %get3A_1008 = arith.index_cast %add3A_849 : i32 to index
        %get3A_1009 = arith.constant 16 : index
        %get3A_1010 = tpu.vector_load %arg8[%get3A_1007, %get3A_1008, %get3A_1009] {strides = array<i32>} : memref<32x50x32xf32, #tpu.memory_space<vmem>>, vector<16xf32>,
        tpu.vector_store_idx %arg10[%add3A_60, %broadcast_in_dim3A_3, %rem3A_63, %add3A_1000], %get3A_1010 : memref<4x1x8x32xf32, #tpu.memory_space<vmem>>[vector<16xi32>, vector<16xi32>, vector<16xi32>, vector<16xi32>], vector<16xf32>,
        %add3A_1011 = arith.constant 12 : i32
        %add3A_1012 = vector.broadcast %add3A_1011 : i32 to vector<16xi32>
        %add3A_1013 = arith.addi %broadcast_in_dim3A_3, %add3A_1012 : vector<16xi32>
        %get3A_1014 = arith.constant 12 : i32
        %get3A_1015 = arith.index_cast %get3A_1014 : i32 to index
        %get3A_1016 = arith.index_cast %add3A_849 : i32 to index
        %get3A_1017 = arith.constant 0 : index
        %get3A_1018 = tpu.vector_load %arg8[%get3A_1015, %get3A_1016, %get3A_1017] {strides = array<i32>} : memref<32x50x32xf32, #tpu.memory_space<vmem>>, vector<16xf32>,
        tpu.vector_store_idx %arg10[%select_n3A, %broadcast_in_dim3A_3, %rem3A_63, %add3A_1013], %get3A_1018 : memref<4x1x8x32xf32, #tpu.memory_space<vmem>>[vector<16xi32>, vector<16xi32>, vector<16xi32>, vector<16xi32>], vector<16xf32>,
        %get3A_1019 = arith.constant 12 : i32
        %get3A_1020 = arith.index_cast %get3A_1019 : i32 to index
        %get3A_1021 = arith.index_cast %add3A_849 : i32 to index
        %get3A_1022 = arith.constant 16 : index
        %get3A_1023 = tpu.vector_load %arg8[%get3A_1020, %get3A_1021, %get3A_1022] {strides = array<i32>} : memref<32x50x32xf32, #tpu.memory_space<vmem>>, vector<16xf32>,
        tpu.vector_store_idx %arg10[%add3A_60, %broadcast_in_dim3A_3, %rem3A_63, %add3A_1013], %get3A_1023 : memref<4x1x8x32xf32, #tpu.memory_space<vmem>>[vector<16xi32>, vector<16xi32>, vector<16xi32>, vector<16xi32>], vector<16xf32>,
        %add3A_1024 = arith.constant 13 : i32
        %add3A_1025 = vector.broadcast %add3A_1024 : i32 to vector<16xi32>
        %add3A_1026 = arith.addi %broadcast_in_dim3A_3, %add3A_1025 : vector<16xi32>
        %get3A_1027 = arith.constant 13 : i32
        %get3A_1028 = arith.index_cast %get3A_1027 : i32 to index
        %get3A_1029 = arith.index_cast %add3A_849 : i32 to index
        %get3A_1030 = arith.constant 0 : index
        %get3A_1031 = tpu.vector_load %arg8[%get3A_1028, %get3A_1029, %get3A_1030] {strides = array<i32>} : memref<32x50x32xf32, #tpu.memory_space<vmem>>, vector<16xf32>,
        tpu.vector_store_idx %arg10[%select_n3A, %broadcast_in_dim3A_3, %rem3A_63, %add3A_1026], %get3A_1031 : memref<4x1x8x32xf32, #tpu.memory_space<vmem>>[vector<16xi32>, vector<16xi32>, vector<16xi32>, vector<16xi32>], vector<16xf32>,
        %get3A_1032 = arith.constant 13 : i32
        %get3A_1033 = arith.index_cast %get3A_1032 : i32 to index
        %get3A_1034 = arith.index_cast %add3A_849 : i32 to index
        %get3A_1035 = arith.constant 16 : index
        %get3A_1036 = tpu.vector_load %arg8[%get3A_1033, %get3A_1034, %get3A_1035] {strides = array<i32>} : memref<32x50x32xf32, #tpu.memory_space<vmem>>, vector<16xf32>,
        tpu.vector_store_idx %arg10[%add3A_60, %broadcast_in_dim3A_3, %rem3A_63, %add3A_1026], %get3A_1036 : memref<4x1x8x32xf32, #tpu.memory_space<vmem>>[vector<16xi32>, vector<16xi32>, vector<16xi32>, vector<16xi32>], vector<16xf32>,
        %add3A_1037 = arith.constant 14 : i32
        %add3A_1038 = vector.broadcast %add3A_1037 : i32 to vector<16xi32>
        %add3A_1039 = arith.addi %broadcast_in_dim3A_3, %add3A_1038 : vector<16xi32>
        %get3A_1040 = arith.constant 14 : i32
        %get3A_1041 = arith.index_cast %get3A_1040 : i32 to index
        %get3A_1042 = arith.index_cast %add3A_849 : i32 to index
        %get3A_1043 = arith.constant 0 : index
        %get3A_1044 = tpu.vector_load %arg8[%get3A_1041, %get3A_1042, %get3A_1043] {strides = array<i32>} : memref<32x50x32xf32, #tpu.memory_space<vmem>>, vector<16xf32>,
        tpu.vector_store_idx %arg10[%select_n3A, %broadcast_in_dim3A_3, %rem3A_63, %add3A_1039], %get3A_1044 : memref<4x1x8x32xf32, #tpu.memory_space<vmem>>[vector<16xi32>, vector<16xi32>, vector<16xi32>, vector<16xi32>], vector<16xf32>,
        %get3A_1045 = arith.constant 14 : i32
        %get3A_1046 = arith.index_cast %get3A_1045 : i32 to index
        %get3A_1047 = arith.index_cast %add3A_849 : i32 to index
        %get3A_1048 = arith.constant 16 : index
        %get3A_1049 = tpu.vector_load %arg8[%get3A_1046, %get3A_1047, %get3A_1048] {strides = array<i32>} : memref<32x50x32xf32, #tpu.memory_space<vmem>>, vector<16xf32>,
        tpu.vector_store_idx %arg10[%add3A_60, %broadcast_in_dim3A_3, %rem3A_63, %add3A_1039], %get3A_1049 : memref<4x1x8x32xf32, #tpu.memory_space<vmem>>[vector<16xi32>, vector<16xi32>, vector<16xi32>, vector<16xi32>], vector<16xf32>,
        %add3A_1050 = arith.constant 15 : i32
        %add3A_1051 = vector.broadcast %add3A_1050 : i32 to vector<16xi32>
        %add3A_1052 = arith.addi %broadcast_in_dim3A_3, %add3A_1051 : vector<16xi32>
        %get3A_1053 = arith.constant 15 : i32
        %get3A_1054 = arith.index_cast %get3A_1053 : i32 to index
        %get3A_1055 = arith.index_cast %add3A_849 : i32 to index
        %get3A_1056 = arith.constant 0 : index
        %get3A_1057 = tpu.vector_load %arg8[%get3A_1054, %get3A_1055, %get3A_1056] {strides = array<i32>} : memref<32x50x32xf32, #tpu.memory_space<vmem>>, vector<16xf32>,
        tpu.vector_store_idx %arg10[%select_n3A, %broadcast_in_dim3A_3, %rem3A_63, %add3A_1052], %get3A_1057 : memref<4x1x8x32xf32, #tpu.memory_space<vmem>>[vector<16xi32>, vector<16xi32>, vector<16xi32>, vector<16xi32>], vector<16xf32>,
        %get3A_1058 = arith.constant 15 : i32
        %get3A_1059 = arith.index_cast %get3A_1058 : i32 to index
        %get3A_1060 = arith.index_cast %add3A_849 : i32 to index
        %get3A_1061 = arith.constant 16 : index
        %get3A_1062 = tpu.vector_load %arg8[%get3A_1059, %get3A_1060, %get3A_1061] {strides = array<i32>} : memref<32x50x32xf32, #tpu.memory_space<vmem>>, vector<16xf32>,
        tpu.vector_store_idx %arg10[%add3A_60, %broadcast_in_dim3A_3, %rem3A_63, %add3A_1052], %get3A_1062 : memref<4x1x8x32xf32, #tpu.memory_space<vmem>>[vector<16xi32>, vector<16xi32>, vector<16xi32>, vector<16xi32>], vector<16xf32>,
        %add3A_1063 = arith.constant 16 : i32
        %add3A_1064 = vector.broadcast %add3A_1063 : i32 to vector<16xi32>
        %add3A_1065 = arith.addi %broadcast_in_dim3A_3, %add3A_1064 : vector<16xi32>
        %get3A_1066 = arith.constant 16 : i32
        %get3A_1067 = arith.index_cast %get3A_1066 : i32 to index
        %get3A_1068 = arith.index_cast %add3A_849 : i32 to index
        %get3A_1069 = arith.constant 0 : index
        %get3A_1070 = tpu.vector_load %arg8[%get3A_1067, %get3A_1068, %get3A_1069] {strides = array<i32>} : memref<32x50x32xf32, #tpu.memory_space<vmem>>, vector<16xf32>,
        tpu.vector_store_idx %arg10[%select_n3A, %broadcast_in_dim3A_3, %rem3A_63, %add3A_1065], %get3A_1070 : memref<4x1x8x32xf32, #tpu.memory_space<vmem>>[vector<16xi32>, vector<16xi32>, vector<16xi32>, vector<16xi32>], vector<16xf32>,
        %get3A_1071 = arith.constant 16 : i32
        %get3A_1072 = arith.index_cast %get3A_1071 : i32 to index
        %get3A_1073 = arith.index_cast %add3A_849 : i32 to index
        %get3A_1074 = arith.constant 16 : index
        %get3A_1075 = tpu.vector_load %arg8[%get3A_1072, %get3A_1073, %get3A_1074] {strides = array<i32>} : memref<32x50x32xf32, #tpu.memory_space<vmem>>, vector<16xf32>,
        tpu.vector_store_idx %arg10[%add3A_60, %broadcast_in_dim3A_3, %rem3A_63, %add3A_1065], %get3A_1075 : memref<4x1x8x32xf32, #tpu.memory_space<vmem>>[vector<16xi32>, vector<16xi32>, vector<16xi32>, vector<16xi32>], vector<16xf32>,
        %add3A_1076 = arith.constant 17 : i32
        %add3A_1077 = vector.broadcast %add3A_1076 : i32 to vector<16xi32>
        %add3A_1078 = arith.addi %broadcast_in_dim3A_3, %add3A_1077 : vector<16xi32>
        %get3A_1079 = arith.constant 17 : i32
        %get3A_1080 = arith.index_cast %get3A_1079 : i32 to index
        %get3A_1081 = arith.index_cast %add3A_849 : i32 to index
        %get3A_1082 = arith.constant 0 : index
        %get3A_1083 = tpu.vector_load %arg8[%get3A_1080, %get3A_1081, %get3A_1082] {strides = array<i32>} : memref<32x50x32xf32, #tpu.memory_space<vmem>>, vector<16xf32>,
        tpu.vector_store_idx %arg10[%select_n3A, %broadcast_in_dim3A_3, %rem3A_63, %add3A_1078], %get3A_1083 : memref<4x1x8x32xf32, #tpu.memory_space<vmem>>[vector<16xi32>, vector<16xi32>, vector<16xi32>, vector<16xi32>], vector<16xf32>,
        %get3A_1084 = arith.constant 17 : i32
        %get3A_1085 = arith.index_cast %get3A_1084 : i32 to index
        %get3A_1086 = arith.index_cast %add3A_849 : i32 to index
        %get3A_1087 = arith.constant 16 : index
        %get3A_1088 = tpu.vector_load %arg8[%get3A_1085, %get3A_1086, %get3A_1087] {strides = array<i32>} : memref<32x50x32xf32, #tpu.memory_space<vmem>>, vector<16xf32>,
        tpu.vector_store_idx %arg10[%add3A_60, %broadcast_in_dim3A_3, %rem3A_63, %add3A_1078], %get3A_1088 : memref<4x1x8x32xf32, #tpu.memory_space<vmem>>[vector<16xi32>, vector<16xi32>, vector<16xi32>, vector<16xi32>], vector<16xf32>,
        %add3A_1089 = arith.constant 18 : i32
        %add3A_1090 = vector.broadcast %add3A_1089 : i32 to vector<16xi32>
        %add3A_1091 = arith.addi %broadcast_in_dim3A_3, %add3A_1090 : vector<16xi32>
        %get3A_1092 = arith.constant 18 : i32
        %get3A_1093 = arith.index_cast %get3A_1092 : i32 to index
        %get3A_1094 = arith.index_cast %add3A_849 : i32 to index
        %get3A_1095 = arith.constant 0 : index
        %get3A_1096 = tpu.vector_load %arg8[%get3A_1093, %get3A_1094, %get3A_1095] {strides = array<i32>} : memref<32x50x32xf32, #tpu.memory_space<vmem>>, vector<16xf32>,
        tpu.vector_store_idx %arg10[%select_n3A, %broadcast_in_dim3A_3, %rem3A_63, %add3A_1091], %get3A_1096 : memref<4x1x8x32xf32, #tpu.memory_space<vmem>>[vector<16xi32>, vector<16xi32>, vector<16xi32>, vector<16xi32>], vector<16xf32>,
        %get3A_1097 = arith.constant 18 : i32
        %get3A_1098 = arith.index_cast %get3A_1097 : i32 to index
        %get3A_1099 = arith.index_cast %add3A_849 : i32 to index
        %get3A_1100 = arith.constant 16 : index
        %get3A_1101 = tpu.vector_load %arg8[%get3A_1098, %get3A_1099, %get3A_1100] {strides = array<i32>} : memref<32x50x32xf32, #tpu.memory_space<vmem>>, vector<16xf32>,
        tpu.vector_store_idx %arg10[%add3A_60, %broadcast_in_dim3A_3, %rem3A_63, %add3A_1091], %get3A_1101 : memref<4x1x8x32xf32, #tpu.memory_space<vmem>>[vector<16xi32>, vector<16xi32>, vector<16xi32>, vector<16xi32>], vector<16xf32>,
        %add3A_1102 = arith.constant 19 : i32
        %add3A_1103 = vector.broadcast %add3A_1102 : i32 to vector<16xi32>
        %add3A_1104 = arith.addi %broadcast_in_dim3A_3, %add3A_1103 : vector<16xi32>
        %get3A_1105 = arith.constant 19 : i32
        %get3A_1106 = arith.index_cast %get3A_1105 : i32 to index
        %get3A_1107 = arith.index_cast %add3A_849 : i32 to index
        %get3A_1108 = arith.constant 0 : index
        %get3A_1109 = tpu.vector_load %arg8[%get3A_1106, %get3A_1107, %get3A_1108] {strides = array<i32>} : memref<32x50x32xf32, #tpu.memory_space<vmem>>, vector<16xf32>,
        tpu.vector_store_idx %arg10[%select_n3A, %broadcast_in_dim3A_3, %rem3A_63, %add3A_1104], %get3A_1109 : memref<4x1x8x32xf32, #tpu.memory_space<vmem>>[vector<16xi32>, vector<16xi32>, vector<16xi32>, vector<16xi32>], vector<16xf32>,
        %get3A_1110 = arith.constant 19 : i32
        %get3A_1111 = arith.index_cast %get3A_1110 : i32 to index
        %get3A_1112 = arith.index_cast %add3A_849 : i32 to index
        %get3A_1113 = arith.constant 16 : index
        %get3A_1114 = tpu.vector_load %arg8[%get3A_1111, %get3A_1112, %get3A_1113] {strides = array<i32>} : memref<32x50x32xf32, #tpu.memory_space<vmem>>, vector<16xf32>,
        tpu.vector_store_idx %arg10[%add3A_60, %broadcast_in_dim3A_3, %rem3A_63, %add3A_1104], %get3A_1114 : memref<4x1x8x32xf32, #tpu.memory_space<vmem>>[vector<16xi32>, vector<16xi32>, vector<16xi32>, vector<16xi32>], vector<16xf32>,
        %add3A_1115 = arith.constant 20 : i32
        %add3A_1116 = vector.broadcast %add3A_1115 : i32 to vector<16xi32>
        %add3A_1117 = arith.addi %broadcast_in_dim3A_3, %add3A_1116 : vector<16xi32>
        %get3A_1118 = arith.constant 20 : i32
        %get3A_1119 = arith.index_cast %get3A_1118 : i32 to index
        %get3A_1120 = arith.index_cast %add3A_849 : i32 to index
        %get3A_1121 = arith.constant 0 : index
        %get3A_1122 = tpu.vector_load %arg8[%get3A_1119, %get3A_1120, %get3A_1121] {strides = array<i32>} : memref<32x50x32xf32, #tpu.memory_space<vmem>>, vector<16xf32>,
        tpu.vector_store_idx %arg10[%select_n3A, %broadcast_in_dim3A_3, %rem3A_63, %add3A_1117], %get3A_1122 : memref<4x1x8x32xf32, #tpu.memory_space<vmem>>[vector<16xi32>, vector<16xi32>, vector<16xi32>, vector<16xi32>], vector<16xf32>,
        %get3A_1123 = arith.constant 20 : i32
        %get3A_1124 = arith.index_cast %get3A_1123 : i32 to index
        %get3A_1125 = arith.index_cast %add3A_849 : i32 to index
        %get3A_1126 = arith.constant 16 : index
        %get3A_1127 = tpu.vector_load %arg8[%get3A_1124, %get3A_1125, %get3A_1126] {strides = array<i32>} : memref<32x50x32xf32, #tpu.memory_space<vmem>>, vector<16xf32>,
        tpu.vector_store_idx %arg10[%add3A_60, %broadcast_in_dim3A_3, %rem3A_63, %add3A_1117], %get3A_1127 : memref<4x1x8x32xf32, #tpu.memory_space<vmem>>[vector<16xi32>, vector<16xi32>, vector<16xi32>, vector<16xi32>], vector<16xf32>,
        %add3A_1128 = arith.constant 21 : i32
        %add3A_1129 = vector.broadcast %add3A_1128 : i32 to vector<16xi32>
        %add3A_1130 = arith.addi %broadcast_in_dim3A_3, %add3A_1129 : vector<16xi32>
        %get3A_1131 = arith.constant 21 : i32
        %get3A_1132 = arith.index_cast %get3A_1131 : i32 to index
        %get3A_1133 = arith.index_cast %add3A_849 : i32 to index
        %get3A_1134 = arith.constant 0 : index
        %get3A_1135 = tpu.vector_load %arg8[%get3A_1132, %get3A_1133, %get3A_1134] {strides = array<i32>} : memref<32x50x32xf32, #tpu.memory_space<vmem>>, vector<16xf32>,
        tpu.vector_store_idx %arg10[%select_n3A, %broadcast_in_dim3A_3, %rem3A_63, %add3A_1130], %get3A_1135 : memref<4x1x8x32xf32, #tpu.memory_space<vmem>>[vector<16xi32>, vector<16xi32>, vector<16xi32>, vector<16xi32>], vector<16xf32>,
        %get3A_1136 = arith.constant 21 : i32
        %get3A_1137 = arith.index_cast %get3A_1136 : i32 to index
        %get3A_1138 = arith.index_cast %add3A_849 : i32 to index
        %get3A_1139 = arith.constant 16 : index
        %get3A_1140 = tpu.vector_load %arg8[%get3A_1137, %get3A_1138, %get3A_1139] {strides = array<i32>} : memref<32x50x32xf32, #tpu.memory_space<vmem>>, vector<16xf32>,
        tpu.vector_store_idx %arg10[%add3A_60, %broadcast_in_dim3A_3, %rem3A_63, %add3A_1130], %get3A_1140 : memref<4x1x8x32xf32, #tpu.memory_space<vmem>>[vector<16xi32>, vector<16xi32>, vector<16xi32>, vector<16xi32>], vector<16xf32>,
        %add3A_1141 = arith.constant 22 : i32
        %add3A_1142 = vector.broadcast %add3A_1141 : i32 to vector<16xi32>
        %add3A_1143 = arith.addi %broadcast_in_dim3A_3, %add3A_1142 : vector<16xi32>
        %get3A_1144 = arith.constant 22 : i32
        %get3A_1145 = arith.index_cast %get3A_1144 : i32 to index
        %get3A_1146 = arith.index_cast %add3A_849 : i32 to index
        %get3A_1147 = arith.constant 0 : index
        %get3A_1148 = tpu.vector_load %arg8[%get3A_1145, %get3A_1146, %get3A_1147] {strides = array<i32>} : memref<32x50x32xf32, #tpu.memory_space<vmem>>, vector<16xf32>,
        tpu.vector_store_idx %arg10[%select_n3A, %broadcast_in_dim3A_3, %rem3A_63, %add3A_1143], %get3A_1148 : memref<4x1x8x32xf32, #tpu.memory_space<vmem>>[vector<16xi32>, vector<16xi32>, vector<16xi32>, vector<16xi32>], vector<16xf32>,
        %get3A_1149 = arith.constant 22 : i32
        %get3A_1150 = arith.index_cast %get3A_1149 : i32 to index
        %get3A_1151 = arith.index_cast %add3A_849 : i32 to index
        %get3A_1152 = arith.constant 16 : index
        %get3A_1153 = tpu.vector_load %arg8[%get3A_1150, %get3A_1151, %get3A_1152] {strides = array<i32>} : memref<32x50x32xf32, #tpu.memory_space<vmem>>, vector<16xf32>,
        tpu.vector_store_idx %arg10[%add3A_60, %broadcast_in_dim3A_3, %rem3A_63, %add3A_1143], %get3A_1153 : memref<4x1x8x32xf32, #tpu.memory_space<vmem>>[vector<16xi32>, vector<16xi32>, vector<16xi32>, vector<16xi32>], vector<16xf32>,
        %add3A_1154 = arith.constant 23 : i32
        %add3A_1155 = vector.broadcast %add3A_1154 : i32 to vector<16xi32>
        %add3A_1156 = arith.addi %broadcast_in_dim3A_3, %add3A_1155 : vector<16xi32>
        %get3A_1157 = arith.constant 23 : i32
        %get3A_1158 = arith.index_cast %get3A_1157 : i32 to index
        %get3A_1159 = arith.index_cast %add3A_849 : i32 to index
        %get3A_1160 = arith.constant 0 : index
        %get3A_1161 = tpu.vector_load %arg8[%get3A_1158, %get3A_1159, %get3A_1160] {strides = array<i32>} : memref<32x50x32xf32, #tpu.memory_space<vmem>>, vector<16xf32>,
        tpu.vector_store_idx %arg10[%select_n3A, %broadcast_in_dim3A_3, %rem3A_63, %add3A_1156], %get3A_1161 : memref<4x1x8x32xf32, #tpu.memory_space<vmem>>[vector<16xi32>, vector<16xi32>, vector<16xi32>, vector<16xi32>], vector<16xf32>,
        %get3A_1162 = arith.constant 23 : i32
        %get3A_1163 = arith.index_cast %get3A_1162 : i32 to index
        %get3A_1164 = arith.index_cast %add3A_849 : i32 to index
        %get3A_1165 = arith.constant 16 : index
        %get3A_1166 = tpu.vector_load %arg8[%get3A_1163, %get3A_1164, %get3A_1165] {strides = array<i32>} : memref<32x50x32xf32, #tpu.memory_space<vmem>>, vector<16xf32>,
        tpu.vector_store_idx %arg10[%add3A_60, %broadcast_in_dim3A_3, %rem3A_63, %add3A_1156], %get3A_1166 : memref<4x1x8x32xf32, #tpu.memory_space<vmem>>[vector<16xi32>, vector<16xi32>, vector<16xi32>, vector<16xi32>], vector<16xf32>,
        %add3A_1167 = arith.constant 24 : i32
        %add3A_1168 = vector.broadcast %add3A_1167 : i32 to vector<16xi32>
        %add3A_1169 = arith.addi %broadcast_in_dim3A_3, %add3A_1168 : vector<16xi32>
        %get3A_1170 = arith.constant 24 : i32
        %get3A_1171 = arith.index_cast %get3A_1170 : i32 to index
        %get3A_1172 = arith.index_cast %add3A_849 : i32 to index
        %get3A_1173 = arith.constant 0 : index
        %get3A_1174 = tpu.vector_load %arg8[%get3A_1171, %get3A_1172, %get3A_1173] {strides = array<i32>} : memref<32x50x32xf32, #tpu.memory_space<vmem>>, vector<16xf32>,
        tpu.vector_store_idx %arg10[%select_n3A, %broadcast_in_dim3A_3, %rem3A_63, %add3A_1169], %get3A_1174 : memref<4x1x8x32xf32, #tpu.memory_space<vmem>>[vector<16xi32>, vector<16xi32>, vector<16xi32>, vector<16xi32>], vector<16xf32>,
        %get3A_1175 = arith.constant 24 : i32
        %get3A_1176 = arith.index_cast %get3A_1175 : i32 to index
        %get3A_1177 = arith.index_cast %add3A_849 : i32 to index
        %get3A_1178 = arith.constant 16 : index
        %get3A_1179 = tpu.vector_load %arg8[%get3A_1176, %get3A_1177, %get3A_1178] {strides = array<i32>} : memref<32x50x32xf32, #tpu.memory_space<vmem>>, vector<16xf32>,
        tpu.vector_store_idx %arg10[%add3A_60, %broadcast_in_dim3A_3, %rem3A_63, %add3A_1169], %get3A_1179 : memref<4x1x8x32xf32, #tpu.memory_space<vmem>>[vector<16xi32>, vector<16xi32>, vector<16xi32>, vector<16xi32>], vector<16xf32>,
        %add3A_1180 = arith.constant 25 : i32
        %add3A_1181 = vector.broadcast %add3A_1180 : i32 to vector<16xi32>
        %add3A_1182 = arith.addi %broadcast_in_dim3A_3, %add3A_1181 : vector<16xi32>
        %get3A_1183 = arith.constant 25 : i32
        %get3A_1184 = arith.index_cast %get3A_1183 : i32 to index
        %get3A_1185 = arith.index_cast %add3A_849 : i32 to index
        %get3A_1186 = arith.constant 0 : index
        %get3A_1187 = tpu.vector_load %arg8[%get3A_1184, %get3A_1185, %get3A_1186] {strides = array<i32>} : memref<32x50x32xf32, #tpu.memory_space<vmem>>, vector<16xf32>,
        tpu.vector_store_idx %arg10[%select_n3A, %broadcast_in_dim3A_3, %rem3A_63, %add3A_1182], %get3A_1187 : memref<4x1x8x32xf32, #tpu.memory_space<vmem>>[vector<16xi32>, vector<16xi32>, vector<16xi32>, vector<16xi32>], vector<16xf32>,
        %get3A_1188 = arith.constant 25 : i32
        %get3A_1189 = arith.index_cast %get3A_1188 : i32 to index
        %get3A_1190 = arith.index_cast %add3A_849 : i32 to index
        %get3A_1191 = arith.constant 16 : index
        %get3A_1192 = tpu.vector_load %arg8[%get3A_1189, %get3A_1190, %get3A_1191] {strides = array<i32>} : memref<32x50x32xf32, #tpu.memory_space<vmem>>, vector<16xf32>,
        tpu.vector_store_idx %arg10[%add3A_60, %broadcast_in_dim3A_3, %rem3A_63, %add3A_1182], %get3A_1192 : memref<4x1x8x32xf32, #tpu.memory_space<vmem>>[vector<16xi32>, vector<16xi32>, vector<16xi32>, vector<16xi32>], vector<16xf32>,
        %add3A_1193 = arith.constant 26 : i32
        %add3A_1194 = vector.broadcast %add3A_1193 : i32 to vector<16xi32>
        %add3A_1195 = arith.addi %broadcast_in_dim3A_3, %add3A_1194 : vector<16xi32>
        %get3A_1196 = arith.constant 26 : i32
        %get3A_1197 = arith.index_cast %get3A_1196 : i32 to index
        %get3A_1198 = arith.index_cast %add3A_849 : i32 to index
        %get3A_1199 = arith.constant 0 : index
        %get3A_1200 = tpu.vector_load %arg8[%get3A_1197, %get3A_1198, %get3A_1199] {strides = array<i32>} : memref<32x50x32xf32, #tpu.memory_space<vmem>>, vector<16xf32>,
        tpu.vector_store_idx %arg10[%select_n3A, %broadcast_in_dim3A_3, %rem3A_63, %add3A_1195], %get3A_1200 : memref<4x1x8x32xf32, #tpu.memory_space<vmem>>[vector<16xi32>, vector<16xi32>, vector<16xi32>, vector<16xi32>], vector<16xf32>,
        %get3A_1201 = arith.constant 26 : i32
        %get3A_1202 = arith.index_cast %get3A_1201 : i32 to index
        %get3A_1203 = arith.index_cast %add3A_849 : i32 to index
        %get3A_1204 = arith.constant 16 : index
        %get3A_1205 = tpu.vector_load %arg8[%get3A_1202, %get3A_1203, %get3A_1204] {strides = array<i32>} : memref<32x50x32xf32, #tpu.memory_space<vmem>>, vector<16xf32>,
        tpu.vector_store_idx %arg10[%add3A_60, %broadcast_in_dim3A_3, %rem3A_63, %add3A_1195], %get3A_1205 : memref<4x1x8x32xf32, #tpu.memory_space<vmem>>[vector<16xi32>, vector<16xi32>, vector<16xi32>, vector<16xi32>], vector<16xf32>,
        %add3A_1206 = arith.constant 27 : i32
        %add3A_1207 = vector.broadcast %add3A_1206 : i32 to vector<16xi32>
        %add3A_1208 = arith.addi %broadcast_in_dim3A_3, %add3A_1207 : vector<16xi32>
        %get3A_1209 = arith.constant 27 : i32
        %get3A_1210 = arith.index_cast %get3A_1209 : i32 to index
        %get3A_1211 = arith.index_cast %add3A_849 : i32 to index
        %get3A_1212 = arith.constant 0 : index
        %get3A_1213 = tpu.vector_load %arg8[%get3A_1210, %get3A_1211, %get3A_1212] {strides = array<i32>} : memref<32x50x32xf32, #tpu.memory_space<vmem>>, vector<16xf32>,
        tpu.vector_store_idx %arg10[%select_n3A, %broadcast_in_dim3A_3, %rem3A_63, %add3A_1208], %get3A_1213 : memref<4x1x8x32xf32, #tpu.memory_space<vmem>>[vector<16xi32>, vector<16xi32>, vector<16xi32>, vector<16xi32>], vector<16xf32>,
        %get3A_1214 = arith.constant 27 : i32
        %get3A_1215 = arith.index_cast %get3A_1214 : i32 to index
        %get3A_1216 = arith.index_cast %add3A_849 : i32 to index
        %get3A_1217 = arith.constant 16 : index
        %get3A_1218 = tpu.vector_load %arg8[%get3A_1215, %get3A_1216, %get3A_1217] {strides = array<i32>} : memref<32x50x32xf32, #tpu.memory_space<vmem>>, vector<16xf32>,
        tpu.vector_store_idx %arg10[%add3A_60, %broadcast_in_dim3A_3, %rem3A_63, %add3A_1208], %get3A_1218 : memref<4x1x8x32xf32, #tpu.memory_space<vmem>>[vector<16xi32>, vector<16xi32>, vector<16xi32>, vector<16xi32>], vector<16xf32>,
        %add3A_1219 = arith.constant 28 : i32
        %add3A_1220 = vector.broadcast %add3A_1219 : i32 to vector<16xi32>
        %add3A_1221 = arith.addi %broadcast_in_dim3A_3, %add3A_1220 : vector<16xi32>
        %get3A_1222 = arith.constant 28 : i32
        %get3A_1223 = arith.index_cast %get3A_1222 : i32 to index
        %get3A_1224 = arith.index_cast %add3A_849 : i32 to index
        %get3A_1225 = arith.constant 0 : index
        %get3A_1226 = tpu.vector_load %arg8[%get3A_1223, %get3A_1224, %get3A_1225] {strides = array<i32>} : memref<32x50x32xf32, #tpu.memory_space<vmem>>, vector<16xf32>,
        tpu.vector_store_idx %arg10[%select_n3A, %broadcast_in_dim3A_3, %rem3A_63, %add3A_1221], %get3A_1226 : memref<4x1x8x32xf32, #tpu.memory_space<vmem>>[vector<16xi32>, vector<16xi32>, vector<16xi32>, vector<16xi32>], vector<16xf32>,
        %get3A_1227 = arith.constant 28 : i32
        %get3A_1228 = arith.index_cast %get3A_1227 : i32 to index
        %get3A_1229 = arith.index_cast %add3A_849 : i32 to index
        %get3A_1230 = arith.constant 16 : index
        %get3A_1231 = tpu.vector_load %arg8[%get3A_1228, %get3A_1229, %get3A_1230] {strides = array<i32>} : memref<32x50x32xf32, #tpu.memory_space<vmem>>, vector<16xf32>,
        tpu.vector_store_idx %arg10[%add3A_60, %broadcast_in_dim3A_3, %rem3A_63, %add3A_1221], %get3A_1231 : memref<4x1x8x32xf32, #tpu.memory_space<vmem>>[vector<16xi32>, vector<16xi32>, vector<16xi32>, vector<16xi32>], vector<16xf32>,
        %add3A_1232 = arith.constant 29 : i32
        %add3A_1233 = vector.broadcast %add3A_1232 : i32 to vector<16xi32>
        %add3A_1234 = arith.addi %broadcast_in_dim3A_3, %add3A_1233 : vector<16xi32>
        %get3A_1235 = arith.constant 29 : i32
        %get3A_1236 = arith.index_cast %get3A_1235 : i32 to index
        %get3A_1237 = arith.index_cast %add3A_849 : i32 to index
        %get3A_1238 = arith.constant 0 : index
        %get3A_1239 = tpu.vector_load %arg8[%get3A_1236, %get3A_1237, %get3A_1238] {strides = array<i32>} : memref<32x50x32xf32, #tpu.memory_space<vmem>>, vector<16xf32>,
        tpu.vector_store_idx %arg10[%select_n3A, %broadcast_in_dim3A_3, %rem3A_63, %add3A_1234], %get3A_1239 : memref<4x1x8x32xf32, #tpu.memory_space<vmem>>[vector<16xi32>, vector<16xi32>, vector<16xi32>, vector<16xi32>], vector<16xf32>,
        %get3A_1240 = arith.constant 29 : i32
        %get3A_1241 = arith.index_cast %get3A_1240 : i32 to index
        %get3A_1242 = arith.index_cast %add3A_849 : i32 to index
        %get3A_1243 = arith.constant 16 : index
        %get3A_1244 = tpu.vector_load %arg8[%get3A_1241, %get3A_1242, %get3A_1243] {strides = array<i32>} : memref<32x50x32xf32, #tpu.memory_space<vmem>>, vector<16xf32>,
        tpu.vector_store_idx %arg10[%add3A_60, %broadcast_in_dim3A_3, %rem3A_63, %add3A_1234], %get3A_1244 : memref<4x1x8x32xf32, #tpu.memory_space<vmem>>[vector<16xi32>, vector<16xi32>, vector<16xi32>, vector<16xi32>], vector<16xf32>,
        %add3A_1245 = arith.constant 30 : i32
        %add3A_1246 = vector.broadcast %add3A_1245 : i32 to vector<16xi32>
        %add3A_1247 = arith.addi %broadcast_in_dim3A_3, %add3A_1246 : vector<16xi32>
        %get3A_1248 = arith.constant 30 : i32
        %get3A_1249 = arith.index_cast %get3A_1248 : i32 to index
        %get3A_1250 = arith.index_cast %add3A_849 : i32 to index
        %get3A_1251 = arith.constant 0 : index
        %get3A_1252 = tpu.vector_load %arg8[%get3A_1249, %get3A_1250, %get3A_1251] {strides = array<i32>} : memref<32x50x32xf32, #tpu.memory_space<vmem>>, vector<16xf32>,
        tpu.vector_store_idx %arg10[%select_n3A, %broadcast_in_dim3A_3, %rem3A_63, %add3A_1247], %get3A_1252 : memref<4x1x8x32xf32, #tpu.memory_space<vmem>>[vector<16xi32>, vector<16xi32>, vector<16xi32>, vector<16xi32>], vector<16xf32>,
        %get3A_1253 = arith.constant 30 : i32
        %get3A_1254 = arith.index_cast %get3A_1253 : i32 to index
        %get3A_1255 = arith.index_cast %add3A_849 : i32 to index
        %get3A_1256 = arith.constant 16 : index
        %get3A_1257 = tpu.vector_load %arg8[%get3A_1254, %get3A_1255, %get3A_1256] {strides = array<i32>} : memref<32x50x32xf32, #tpu.memory_space<vmem>>, vector<16xf32>,
        tpu.vector_store_idx %arg10[%add3A_60, %broadcast_in_dim3A_3, %rem3A_63, %add3A_1247], %get3A_1257 : memref<4x1x8x32xf32, #tpu.memory_space<vmem>>[vector<16xi32>, vector<16xi32>, vector<16xi32>, vector<16xi32>], vector<16xf32>,
        %add3A_1258 = arith.constant 31 : i32
        %add3A_1259 = vector.broadcast %add3A_1258 : i32 to vector<16xi32>
        %add3A_1260 = arith.addi %broadcast_in_dim3A_3, %add3A_1259 : vector<16xi32>
        %get3A_1261 = arith.constant 31 : i32
        %get3A_1262 = arith.index_cast %get3A_1261 : i32 to index
        %get3A_1263 = arith.index_cast %add3A_849 : i32 to index
        %get3A_1264 = arith.constant 0 : index
        %get3A_1265 = tpu.vector_load %arg8[%get3A_1262, %get3A_1263, %get3A_1264] {strides = array<i32>} : memref<32x50x32xf32, #tpu.memory_space<vmem>>, vector<16xf32>,
        tpu.vector_store_idx %arg10[%select_n3A, %broadcast_in_dim3A_3, %rem3A_63, %add3A_1260], %get3A_1265 : memref<4x1x8x32xf32, #tpu.memory_space<vmem>>[vector<16xi32>, vector<16xi32>, vector<16xi32>, vector<16xi32>], vector<16xf32>,
        %get3A_1266 = arith.constant 31 : i32
        %get3A_1267 = arith.index_cast %get3A_1266 : i32 to index
        %get3A_1268 = arith.index_cast %add3A_849 : i32 to index
        %get3A_1269 = arith.constant 16 : index
        %get3A_1270 = tpu.vector_load %arg8[%get3A_1267, %get3A_1268, %get3A_1269] {strides = array<i32>} : memref<32x50x32xf32, #tpu.memory_space<vmem>>, vector<16xf32>,
        tpu.vector_store_idx %arg10[%add3A_60, %broadcast_in_dim3A_3, %rem3A_63, %add3A_1260], %get3A_1270 : memref<4x1x8x32xf32, #tpu.memory_space<vmem>>[vector<16xi32>, vector<16xi32>, vector<16xi32>, vector<16xi32>], vector<16xf32>,
        %mul3A_1271 = arith.constant 32 : i32
        %mul3A_1272 = arith.muli %add3A_231, %mul3A_1271 : i32
        %add3A_1273 = arith.addi %mul3A_2, %mul3A_1272 : i32
        %jit3A_1274 = arith.constant 128 : i32
        %div3A_1275 = arith.divsi %add3A_1273, %jit3A_1274 : i32
        %sign3A_1276 = arith.constant 0 : i32
        %sign3A_1277 = arith.cmpi sgt, %add3A_1273, %sign3A_1276 : i32
        %sign3A_1278 = arith.extui %sign3A_1277 : i1 to i32
        %sign3A_1279 = arith.constant 0 : i32
        %sign3A_1280 = arith.cmpi slt, %add3A_1273, %sign3A_1279 : i32
        %sign3A_1281 = arith.extui %sign3A_1280 : i1 to i32
        %sign3A_1282 = arith.subi %sign3A_1278, %sign3A_1281 : i32
        %sign3A_1283 = arith.constant 0 : i32
        %sign3A_1284 = arith.cmpi sgt, %jit3A_1274, %sign3A_1283 : i32
        %sign3A_1285 = arith.extui %sign3A_1284 : i1 to i32
        %sign3A_1286 = arith.constant 0 : i32
        %sign3A_1287 = arith.cmpi slt, %jit3A_1274, %sign3A_1286 : i32
        %sign3A_1288 = arith.extui %sign3A_1287 : i1 to i32
        %sign3A_1289 = arith.subi %sign3A_1285, %sign3A_1288 : i32
        %ne3A_1290 = arith.cmpi ne, %sign3A_1282, %sign3A_1289 : i32
        %rem3A_1291 = arith.remsi %add3A_1273, %jit3A_1274 : i32
        %ne3A_1292 = arith.constant 0 : i32
        %ne3A_1293 = arith.cmpi ne, %rem3A_1291, %ne3A_1292 : i32
        %and3A_1294 = arith.andi %ne3A_1290, %ne3A_1293 : i1
        %sub3A_1295 = arith.constant 1 : i32
        %sub3A_1296 = arith.subi %div3A_1275, %sub3A_1295 : i32
        %select_n3A_1297 = arith.select %and3A_1294, %sub3A_1296, %div3A_1275 : i32
        %mul3A_1298 = arith.constant 32 : i32
        %mul3A_1299 = arith.muli %add3A_231, %mul3A_1298 : i32
        %add3A_1300 = arith.addi %mul3A_2, %mul3A_1299 : i32
        %jit3A_1301 = arith.constant 128 : i32
        %eq3A_1302 = arith.constant 0 : i32
        %eq3A_1303 = arith.cmpi eq, %jit3A_1301, %eq3A_1302 : i32
        %jit3A_1304 = arith.constant 1 : i32
        %select_n3A_1305 = arith.select %eq3A_1303, %jit3A_1304, %jit3A_1301 : i32
        %rem3A_1306 = arith.remsi %add3A_1300, %select_n3A_1305 : i32
        %ne3A_1307 = arith.constant 0 : i32
        %ne3A_1308 = arith.cmpi ne, %rem3A_1306, %ne3A_1307 : i32
        %lt3A_1309 = arith.constant 0 : i32
        %lt3A_1310 = arith.cmpi slt, %rem3A_1306, %lt3A_1309 : i32
        %lt3A_1311 = arith.constant 0 : i32
        %lt3A_1312 = arith.cmpi slt, %select_n3A_1305, %lt3A_1311 : i32
        %ne3A_1313 = arith.xori %lt3A_1310, %lt3A_1312 : i1
        %and3A_1314 = arith.andi %ne3A_1313, %ne3A_1308 : i1
        %add3A_1315 = arith.addi %rem3A_1306, %select_n3A_1305 : i32
        %select_n3A_1316 = arith.select %and3A_1314, %add3A_1315, %rem3A_1306 : i32
        %dma_start3A_1317 = arith.constant 0 : i32
        %dma_start3A_1318 = arith.constant 0 : i32
        %dma_start3A_1319 = tpu.memref_slice %arg4[%add3A_849, %dma_start3A_1317, %select_n3A_1297, %dma_start3A_1318, %select_n3A_1316] : memref<50x4x128x8x128xf32, #tpu.memory_space<hbm>> -> memref<1x4x1x8x32xf32, #tpu.memory_space<hbm>>
        %dma_start3A_1320 = tpu.memref_squeeze %dma_start3A_1319 : memref<1x4x1x8x32xf32, #tpu.memory_space<hbm>> -> memref<4x1x8x32xf32, #tpu.memory_space<hbm>>
        %dma_start3A_1321 = arith.constant 0 : i32
        %dma_start3A_1322 = arith.constant 0 : i32
        %dma_start3A_1323 = tpu.memref_slice %arg4[%add3A_849, %dma_start3A_1321, %select_n3A_1297, %dma_start3A_1322, %select_n3A_1316] : memref<50x4x128x8x128xf32, #tpu.memory_space<hbm>> -> memref<1x4x1x8x32xf32, #tpu.memory_space<hbm>>
        %dma_start3A_1324 = tpu.memref_squeeze %dma_start3A_1323 : memref<1x4x1x8x32xf32, #tpu.memory_space<hbm>> -> memref<4x1x8x32xf32, #tpu.memory_space<hbm>>
        tpu.enqueue_dma source(%arg10 : memref<4x1x8x32xf32, #tpu.memory_space<vmem>>) target(%dma_start3A_1324 : memref<4x1x8x32xf32, #tpu.memory_space<hbm>>) target_semaphore(%arg16 : memref<!tpu.dma_semaphore, #tpu.memory_space<semaphore_mem>>)
      }
      %scan3A_257 = arith.constant 25 : i32
      %mul3A_258 = arith.constant 32 : i32
      %mul3A_259 = arith.muli %add3A_231, %mul3A_258 : i32
      %add3A_260 = arith.addi %mul3A_2, %mul3A_259 : i32
      %jit3A_261 = arith.constant 128 : i32
      %div3A_262 = arith.divsi %add3A_260, %jit3A_261 : i32
      %sign3A_263 = arith.constant 0 : i32
      %sign3A_264 = arith.cmpi sgt, %add3A_260, %sign3A_263 : i32
      %sign3A_265 = arith.extui %sign3A_264 : i1 to i32
      %sign3A_266 = arith.constant 0 : i32
      %sign3A_267 = arith.cmpi slt, %add3A_260, %sign3A_266 : i32
      %sign3A_268 = arith.extui %sign3A_267 : i1 to i32
      %sign3A_269 = arith.subi %sign3A_265, %sign3A_268 : i32
      %sign3A_270 = arith.constant 0 : i32
      %sign3A_271 = arith.cmpi sgt, %jit3A_261, %sign3A_270 : i32
      %sign3A_272 = arith.extui %sign3A_271 : i1 to i32
      %sign3A_273 = arith.constant 0 : i32
      %sign3A_274 = arith.cmpi slt, %jit3A_261, %sign3A_273 : i32
      %sign3A_275 = arith.extui %sign3A_274 : i1 to i32
      %sign3A_276 = arith.subi %sign3A_272, %sign3A_275 : i32
      %ne3A_277 = arith.cmpi ne, %sign3A_269, %sign3A_276 : i32
      %rem3A_278 = arith.remsi %add3A_260, %jit3A_261 : i32
      %ne3A_279 = arith.constant 0 : i32
      %ne3A_280 = arith.cmpi ne, %rem3A_278, %ne3A_279 : i32
      %and3A_281 = arith.andi %ne3A_277, %ne3A_280 : i1
      %sub3A_282 = arith.constant 1 : i32
      %sub3A_283 = arith.subi %div3A_262, %sub3A_282 : i32
      %select_n3A_284 = arith.select %and3A_281, %sub3A_283, %div3A_262 : i32
      %mul3A_285 = arith.constant 32 : i32
      %mul3A_286 = arith.muli %add3A_231, %mul3A_285 : i32
      %add3A_287 = arith.addi %mul3A_2, %mul3A_286 : i32
      %jit3A_288 = arith.constant 128 : i32
      %eq3A_289 = arith.constant 0 : i32
      %eq3A_290 = arith.cmpi eq, %jit3A_288, %eq3A_289 : i32
      %jit3A_291 = arith.constant 1 : i32
      %select_n3A_292 = arith.select %eq3A_290, %jit3A_291, %jit3A_288 : i32
      %rem3A_293 = arith.remsi %add3A_287, %select_n3A_292 : i32
      %ne3A_294 = arith.constant 0 : i32
      %ne3A_295 = arith.cmpi ne, %rem3A_293, %ne3A_294 : i32
      %lt3A_296 = arith.constant 0 : i32
      %lt3A_297 = arith.cmpi slt, %rem3A_293, %lt3A_296 : i32
      %lt3A_298 = arith.constant 0 : i32
      %lt3A_299 = arith.cmpi slt, %select_n3A_292, %lt3A_298 : i32
      %ne3A_300 = arith.xori %lt3A_297, %lt3A_299 : i1
      %and3A_301 = arith.andi %ne3A_300, %ne3A_295 : i1
      %add3A_302 = arith.addi %rem3A_293, %select_n3A_292 : i32
      %select_n3A_303 = arith.select %and3A_301, %add3A_302, %rem3A_293 : i32
      %dma_wait3A_304 = arith.constant 48 : i32
      %dma_wait3A_305 = arith.constant 0 : i32
      %dma_wait3A_306 = arith.constant 0 : i32
      %dma_wait3A_307 = tpu.memref_slice %arg4[%dma_wait3A_304, %dma_wait3A_305, %select_n3A_284, %dma_wait3A_306, %select_n3A_303] : memref<50x4x128x8x128xf32, #tpu.memory_space<hbm>> -> memref<1x4x1x8x32xf32, #tpu.memory_space<hbm>>
      %dma_wait3A_308 = tpu.memref_squeeze %dma_wait3A_307 : memref<1x4x1x8x32xf32, #tpu.memory_space<hbm>> -> memref<4x1x8x32xf32, #tpu.memory_space<hbm>>
      %dma_wait3A_309 = arith.constant 0 : i32
      %dma_wait3A_310 = arith.constant 0 : i32
      %dma_wait3A_311 = tpu.memref_slice %arg4[%dma_wait3A_304, %dma_wait3A_309, %select_n3A_284, %dma_wait3A_310, %select_n3A_303] : memref<50x4x128x8x128xf32, #tpu.memory_space<hbm>> -> memref<1x4x1x8x32xf32, #tpu.memory_space<hbm>>
      %dma_wait3A_312 = tpu.memref_squeeze %dma_wait3A_311 : memref<1x4x1x8x32xf32, #tpu.memory_space<hbm>> -> memref<4x1x8x32xf32, #tpu.memory_space<hbm>>
      tpu.wait_dma2 semaphore(%arg15 : memref<!tpu.dma_semaphore, #tpu.memory_space<semaphore_mem>>) src(%arg9 : memref<4x1x8x32xf32, #tpu.memory_space<vmem>>) dst(%dma_wait3A_312 : memref<4x1x8x32xf32, #tpu.memory_space<hbm>>)
      %mul3A_313 = arith.constant 32 : i32
      %mul3A_314 = arith.muli %add3A_231, %mul3A_313 : i32
      %add3A_315 = arith.addi %mul3A_2, %mul3A_314 : i32
      %jit3A_316 = arith.constant 128 : i32
      %div3A_317 = arith.divsi %add3A_315, %jit3A_316 : i32
      %sign3A_318 = arith.constant 0 : i32
      %sign3A_319 = arith.cmpi sgt, %add3A_315, %sign3A_318 : i32
      %sign3A_320 = arith.extui %sign3A_319 : i1 to i32
      %sign3A_321 = arith.constant 0 : i32
      %sign3A_322 = arith.cmpi slt, %add3A_315, %sign3A_321 : i32
      %sign3A_323 = arith.extui %sign3A_322 : i1 to i32
      %sign3A_324 = arith.subi %sign3A_320, %sign3A_323 : i32
      %sign3A_325 = arith.constant 0 : i32
      %sign3A_326 = arith.cmpi sgt, %jit3A_316, %sign3A_325 : i32
      %sign3A_327 = arith.extui %sign3A_326 : i1 to i32
      %sign3A_328 = arith.constant 0 : i32
      %sign3A_329 = arith.cmpi slt, %jit3A_316, %sign3A_328 : i32
      %sign3A_330 = arith.extui %sign3A_329 : i1 to i32
      %sign3A_331 = arith.subi %sign3A_327, %sign3A_330 : i32
      %ne3A_332 = arith.cmpi ne, %sign3A_324, %sign3A_331 : i32
      %rem3A_333 = arith.remsi %add3A_315, %jit3A_316 : i32
      %ne3A_334 = arith.constant 0 : i32
      %ne3A_335 = arith.cmpi ne, %rem3A_333, %ne3A_334 : i32
      %and3A_336 = arith.andi %ne3A_332, %ne3A_335 : i1
      %sub3A_337 = arith.constant 1 : i32
      %sub3A_338 = arith.subi %div3A_317, %sub3A_337 : i32
      %select_n3A_339 = arith.select %and3A_336, %sub3A_338, %div3A_317 : i32
      %mul3A_340 = arith.constant 32 : i32
      %mul3A_341 = arith.muli %add3A_231, %mul3A_340 : i32
      %add3A_342 = arith.addi %mul3A_2, %mul3A_341 : i32
      %jit3A_343 = arith.constant 128 : i32
      %eq3A_344 = arith.constant 0 : i32
      %eq3A_345 = arith.cmpi eq, %jit3A_343, %eq3A_344 : i32
      %jit3A_346 = arith.constant 1 : i32
      %select_n3A_347 = arith.select %eq3A_345, %jit3A_346, %jit3A_343 : i32
      %rem3A_348 = arith.remsi %add3A_342, %select_n3A_347 : i32
      %ne3A_349 = arith.constant 0 : i32
      %ne3A_350 = arith.cmpi ne, %rem3A_348, %ne3A_349 : i32
      %lt3A_351 = arith.constant 0 : i32
      %lt3A_352 = arith.cmpi slt, %rem3A_348, %lt3A_351 : i32
      %lt3A_353 = arith.constant 0 : i32
      %lt3A_354 = arith.cmpi slt, %select_n3A_347, %lt3A_353 : i32
      %ne3A_355 = arith.xori %lt3A_352, %lt3A_354 : i1
      %and3A_356 = arith.andi %ne3A_355, %ne3A_350 : i1
      %add3A_357 = arith.addi %rem3A_348, %select_n3A_347 : i32
      %select_n3A_358 = arith.select %and3A_356, %add3A_357, %rem3A_348 : i32
      %dma_wait3A_359 = arith.constant 49 : i32
      %dma_wait3A_360 = arith.constant 0 : i32
      %dma_wait3A_361 = arith.constant 0 : i32
      %dma_wait3A_362 = tpu.memref_slice %arg4[%dma_wait3A_359, %dma_wait3A_360, %select_n3A_339, %dma_wait3A_361, %select_n3A_358] : memref<50x4x128x8x128xf32, #tpu.memory_space<hbm>> -> memref<1x4x1x8x32xf32, #tpu.memory_space<hbm>>
      %dma_wait3A_363 = tpu.memref_squeeze %dma_wait3A_362 : memref<1x4x1x8x32xf32, #tpu.memory_space<hbm>> -> memref<4x1x8x32xf32, #tpu.memory_space<hbm>>
      %dma_wait3A_364 = arith.constant 0 : i32
      %dma_wait3A_365 = arith.constant 0 : i32
      %dma_wait3A_366 = tpu.memref_slice %arg4[%dma_wait3A_359, %dma_wait3A_364, %select_n3A_339, %dma_wait3A_365, %select_n3A_358] : memref<50x4x128x8x128xf32, #tpu.memory_space<hbm>> -> memref<1x4x1x8x32xf32, #tpu.memory_space<hbm>>
      %dma_wait3A_367 = tpu.memref_squeeze %dma_wait3A_366 : memref<1x4x1x8x32xf32, #tpu.memory_space<hbm>> -> memref<4x1x8x32xf32, #tpu.memory_space<hbm>>
      tpu.wait_dma2 semaphore(%arg16 : memref<!tpu.dma_semaphore, #tpu.memory_space<semaphore_mem>>) src(%arg10 : memref<4x1x8x32xf32, #tpu.memory_space<vmem>>) dst(%dma_wait3A_367 : memref<4x1x8x32xf32, #tpu.memory_space<hbm>>)
    }
    %scan3A_90 = arith.constant 8 : i32
    return
  }
}

</mosaic_0001>

<sc_bundles>
// kernel: kernel.3.cloned.1.call-start
scs
__scs_entry_jumppad:
0x0: {  	(pc) =	sbr.rel $0x88, $3  }
0x1: {  	(tag) =	ssettag $0x0;
	lr =	simm.s32 $0x1  }
0x2: {  	[smem:$0x3F9F] =	sst lr;
	_ =	strace $0xD0000000  }
0x3: {  	_ = 	snop  }
0x4: {  	_ = 	snop  }
0x5: {  	_ = 	snop  }
0x6: {  	_ = 	snop  }
0x7: {  	_ = 	snop  }
__scs_overlays_trampoline_lowered:
0x8: {  	[smem:$0x3FAE] =	sst s0  }
0x9: {  	[smem:$0x3FAF] =	sst s1  }
0xa: {  	[smem:$0x3FB0] =	sst s2  }
0xb: {  	[smem:$0x3FB1] =	sst s3  }
0xc: {  	[smem:$0x3FB2] =	sst s4  }
0xd: {  	[smem:$0x3FB3] =	sst s5  }
0xe: {  	[smem:$0x3FB4] =	sst s6  }
0xf: {  	[smem:$0x3FB5] =	sst s7  }
0x10: {  	[smem:$0x3FB6] =	sst s8  }
0x11: {  	[smem:$0x3FB7] =	sst s9;
	s0 =	simm.s32 @!p0 $0x0  }
0x12: {  	s1 =	sld [smem:$0x3F9D];
	s0 =	simm.s32 @p0 $0x1  }
0x13: {  	[smem:$0x3FB8] =	sst s0;
	s0 =	simm.s32 @!p1 $0x0  }
0x14: {  	s2 =	sld [smem:$0x3F9C];
	s0 =	simm.s32 @p1 $0x1  }
0x15: {  	[smem:$0x3FB9] =	sst s0;
	s0 =	simm.s32 @!p2 $0x0  }
0x16: {  	s3 =	sld [smem:$0x3FDB];
	s0 =	simm.s32 @p2 $0x1  }
0x17: {  	s4 =	simm.s32 $0x1BF5;
	[smem:$0x3FBB] =	sst s0  }
0x18: {  	s0 =	sld [smem:$0x3F9E];
	_ =	swait.ge [sflag:s4], $0x0  }
0x19: {  	s7 =	sld [smem:$0x3F9F]  }
0x1a: {  	s8 =	sadd.s32 $0xFFFFE003, lr  }
0x1b: {  	s9 =	sadd.s32 $0xFFFFFEF7, lr;
	s5 =	simm.s32 $0xFFFFFFFF;
	p2 =	slt.u32 s8, $0xFFFFF086  }
0x1c: {  	p1 =	slt.u32 s9, $0xF7A;
	s5 =	simm.s32 @!p2 $0x0  }
0x1d: {  	s5 =	simm.s32 @p1 $0x1;
	p0 =	seq.s32 s7, s2  }
0x1e: {  	s7 =	smul.u32 @!p0 $0xF7A, s2;
	p2 =	seq.s32 @!p0 s5, $0x0  }
0x1f: {  	s9 =	smul.u32 $0xF7A, s1;
	s8 =	simm.s32 @!p0 $0x1BF5;
	p2 =	por !p2, p0  }
0x20: {  	[sflag:s8] =	ssyncset.s32 @!p0 $0xFFFFF086;
	s6 =	sadd.s32 @!p0 s3, s7;
	s7 =	simm.s32 @!p0 $0x108  }
0x21: {  	s3 =	sadd.s32 s3, s9;
	s6 =	sadd.s32 @!p0 $0x88, s6;
	s7 =	simm.s32 @p2 $0x1082  }
0x22: {  	[simem:s7], [sflag:s8] =	dma.local @!p0 [hbm:s6], $0xF7A  }
0x23: {  	s9 =	sor.u32 $0xD0000000, s2;
	s6 =	simm.s32 $0x108;
	_ =	swait.ge @!p0 [sflag:s8], $0x0  }
0x24: {  	s3 =	sadd.s32 $0x88, s3;
	s6 =	simm.s32 @!p1 $0x1082;
	[sflag:s4] =	ssyncset.s32 $0xFFFFF086  }
0x25: {  	[simem:s6], [sflag:s4] =	dma.local [hbm:s3], $0xF7A  }
0x26: {  	[smem:$0x3F9F] =	sst s1;
	(tag) =	ssettag s2;
	_ =	strace s9  }
0x27: {  	s1 =	sld [smem:$0x3FAF]  }
0x28: {  	s2 =	sld [smem:$0x3FB0]  }
0x29: {  	s4 =	sld [smem:$0x3FB2]  }
0x2a: {  	p0 =	seq.s32 s5, $0x0;
	s5 =	sld [smem:$0x3FB3]  }
0x2b: {  	s6 =	sld [smem:$0x3FB4]  }
0x2c: {  	s7 =	sld [smem:$0x3FB5]  }
0x2d: {  	s3 =	simm.s32 $0x108;
	s8 =	sld [smem:$0x3FB6]  }
0x2e: {  	s3 =	simm.s32 @!p0 $0x1082;
	s9 =	sld [smem:$0x3FB7]  }
0x2f: {  	lr =	sadd.s32 s0, s3;
	s0 =	sld [smem:$0x3FAE]  }
0x30: {  	s3 =	sld [smem:$0x3FB1]  }
0x31: {  	[smem:$0x3FBA] =	sst s10  }
0x32: {  	s10 =	sld [smem:$0x3FB8];
	_ =	sdelay $0x3  }
0x33: {  	p0 =	seq.s32 s10, $0x1;
	s10 =	sld [smem:$0x3FBA];
	_ =	sdelay $0x3  }
0x34: {  	[smem:$0x3FBA] =	sst s10  }
0x35: {  	s10 =	sld [smem:$0x3FB9];
	_ =	sdelay $0x3  }
0x36: {  	p1 =	seq.s32 s10, $0x1;
	s10 =	sld [smem:$0x3FBA];
	_ =	sdelay $0x3  }
0x37: {  	[smem:$0x3FBA] =	sst s10  }
0x38: {  	s10 =	sld [smem:$0x3FBB]  }
0x39: {  	_ = 	snop;
	(pc) =	sbr.ind lr, $3  }
0x3a: {  	_ = 	snop  }
0x3b: {  	_ = 	snop  }
0x3c: {  	p2 =	seq.s32 s10, $0x1;
	s10 =	sld [smem:$0x3FBA]  }
0x3d: {  	_ =	shalt  }
0x3e: {  	_ =	shalt  }
0x3f: {  	_ =	shalt  }
0x40: {  	_ =	shalt  }
0x41: {  	_ =	shalt  }
0x42: {  	_ =	shalt  }
0x43: {  	_ =	shalt  }
0x44: {  	_ =	shalt  }
0x45: {  	_ =	shalt  }
0x46: {  	_ =	shalt  }
0x47: {  	_ =	shalt  }
0x48: {  	_ =	shalt  }
0x49: {  	_ =	shalt  }
0x4a: {  	_ =	shalt  }
0x4b: {  	_ =	shalt  }
0x4c: {  	_ =	shalt  }
0x4d: {  	_ =	shalt  }
0x4e: {  	_ =	shalt  }
0x4f: {  	_ =	shalt  }
0x50: {  	_ =	shalt  }
0x51: {  	_ =	shalt  }
0x52: {  	_ =	shalt  }
0x53: {  	_ =	shalt  }
0x54: {  	_ =	shalt  }
0x55: {  	_ =	shalt  }
0x56: {  	_ =	shalt  }
0x57: {  	_ =	shalt  }
0x58: {  	_ =	shalt  }
0x59: {  	_ =	shalt  }
0x5a: {  	_ =	shalt  }
0x5b: {  	_ =	shalt  }
0x5c: {  	_ =	shalt  }
0x5d: {  	_ =	shalt  }
0x5e: {  	_ =	shalt  }
0x5f: {  	_ =	shalt  }
0x60: {  	_ =	shalt  }
0x61: {  	_ =	shalt  }
0x62: {  	_ =	shalt  }
0x63: {  	_ =	shalt  }
0x64: {  	_ =	shalt  }
0x65: {  	_ =	shalt  }
0x66: {  	_ =	shalt  }
0x67: {  	_ =	shalt  }
0x68: {  	_ =	shalt  }
0x69: {  	_ =	shalt  }
0x6a: {  	_ =	shalt  }
0x6b: {  	_ =	shalt  }
0x6c: {  	_ =	shalt  }
0x6d: {  	_ =	shalt  }
0x6e: {  	_ =	shalt  }
0x6f: {  	_ =	shalt  }
0x70: {  	_ =	shalt  }
0x71: {  	_ =	shalt  }
0x72: {  	_ =	shalt  }
0x73: {  	_ =	shalt  }
0x74: {  	_ =	shalt  }
0x75: {  	_ =	shalt  }
0x76: {  	_ =	shalt  }
0x77: {  	_ =	shalt  }
0x78: {  	_ =	shalt  }
0x79: {  	_ =	shalt  }
0x7a: {  	_ =	shalt  }
0x7b: {  	_ =	shalt  }
0x7c: {  	_ =	shalt  }
0x7d: {  	_ =	shalt  }
0x7e: {  	_ =	shalt  }
0x7f: {  	_ =	shalt  }
0x80: {  	_ =	shalt  }
0x81: {  	_ =	shalt  }
0x82: {  	_ =	shalt  }
0x83: {  	_ =	shalt  }
0x84: {  	_ =	shalt  }
0x85: {  	_ =	shalt  }
0x86: {  	_ =	shalt  }
0x87: {  	_ =	shalt  }
.Lfunc_end0:
.L_simem_size_0:
called_computation_lowered:
.L_overlay_start_0:
0x88: {  	s2 =	sld [smem:$0x3FD9]  }
0x89: {  	s3 =	sld [smem:$0x3FFE];
	_ =	sdelay $0x1  }
0x8a: {  	s1 =	srdreg.scid  }
0x8b: {  	s0 =	sand.u32 $0x1, s1  }
0x8c: {  	s17 =	sshll.u32 s0, $0xA;
	s2 =	sadd.s32 s3, s2  }
0x8d: {  	s2 =	sadd.s32 s2, s17  }
0x8e: {  	[smem:$0x3FC6] =	sst s2  }
0x8f: {  	_ = 	snop  }
0x90: {  	s2 =	sld [smem:$0x3FD0];
	(tm) =	ssettm $0x1  }
0x91: {  	s18 =	sld [smem:$0x3FFB];
	_ =	sdelay $0x3  }
0x92: {  	_ =	strace s18  }
0x93: {  	s3 =	sld [smem:$0x3FFC];
	_ =	sdelay $0x3  }
0x94: {  	_ =	strace s3  }
0x95: {  	s3 =	sld [smem:$0x3FFD];
	_ =	sdelay $0x3  }
0x96: {  	_ =	strace s3  }
0x97: {  	_ =	strace $0x8FFFFFFF  }
0x98: {  	s19 =	sld [smem:$0x3FDB];
	_ =	sdelay $0x1  }
0x99: {  	s4 =	simm.s32 $_scs_section_size  }
0x9a: {  	s5 =	simm.s32 $_size__tile_overlayer_lowered;
	s6 =	simm.s32 $_tile_overlayer_lowered  }
0x9b: {  	s22 =	simm.s32 $0x1BFF;
	s21 =	sshll.u32 s6, $0x1;
	s3 =	sadd.s32 s4, s19  }
0x9c: {  	s7 =	simm.s32 $0x0;
	s20 =	sshll.u32 s5, $0x1;
	s5 =	sadd.s32 s21, s3  }
0x9d: {  	[timem:s7], [sflag:s22] =	dma.local [hbm:s5], s20  }
0x9e: {  	_ =	swait.ge [sflag:s22], s20  }
0x9f: {  	s4 =	ssub.s32 $0x0, s20;
	[sflag:s22] =	ssyncset.done $0x0  }
0xa0: {  	[sflag:s22] =	ssyncadd.s32 s4;
	_ =	sdelay $0x1  }
0xa1: {  	s23 =	simm.s32 $0x1B8B  }
0xa2: {  	_ =	swait.ge [sflag:s23], $0x1  }
0xa3: {  	[sflag:s23] =	ssyncset.done $0x0  }
0xa4: {  	s25 =	simm.s32 $0x1B8E;
	s24 =	sld [smem:$0x3FFE];
	[sflag:s23] =	ssyncadd.s32 $0xFFFFFFFF  }
0xa5: {  	s26 =	simm.s32 $execute0_lowered;
	[smem:$0x3FD2] =	sst s25  }
0xa6: {  	s5 =	sshll.u32 s26, $0x1;
	_ =	strace $0x80000046;
	[dreg:$0x1] =	wrdreg $0xFFFFFFFF  }
0xa7: {  	s28 =	simm.s32 $_size_execute0_lowered;
	s3 =	sadd.s32 s3, s5;
	[dreg:$0x0] =	wrdreg $0x0  }
0xa8: {  	s5 =	sshll.u32 s28, $0x1;
	[dreg:$0x2] =	wrdreg s3  }
0xa9: {  	[dreg:$0x3] =	wrdreg s5  }
0xaa: {  	[dreg:$0x4] =	wrdreg $0xC0  }
0xab: {  	_ =	task [dreg:s7], $0x5FFFF  }
0xac: {  	[dreg:$0x1] =	wrdreg $0xFFFFFFFF  }
0xad: {  	[dreg:$0x0] =	wrdreg $0x60  }
0xae: {  	[dreg:$0x2] =	wrdreg s24  }
0xaf: {  	[dreg:$0x3] =	wrdreg s2  }
0xb0: {  	[dreg:$0x4] =	wrdreg $0x9  }
0xb1: {  	_ =	task.clear_ibuf [dreg:s7], $0x5FFFF;
	_ =	strace $0x90000046  }
0xb2: {  	s29 =	simm.s32 $0x9;
	_ =	strace $0x80000048  }
0xb3: {  	_ =	swait.ge [sflag:s29], $0x1  }
0xb4: {  	[sflag:s29] =	ssyncadd.s32 $0xFFFFFFFF  }
0xb5: {  	_ =	strace $0x90000048  }
0xb6: {  	_ =	sfence  }
0xb7: {  	s30 =	sld [smem:$0x0];
	_ =	sdelay $0x2  }
0xb8: {  	s31 =	sshll.u32 s1, $0xD;
	s1 =	sshrl.u32 s1, $0x2  }
0xb9: {  	s3 =	sand.u32 $0x4000, s31;
	s1 =	sadd.s32 s1, s30  }
0xba: {  	s0 =	sor.u32 s3, s0;
	s1 =	sshll.u32 s1, $0x11  }
0xbb: {  	s0 =	sor.u32 s1, s0  }
0xbc: {  	s0 =	sadd.s32 $0x8F2B, s0  }
0xbd: {  	[sflag:s0] =	ssyncadd.remote.s32 $0x1  }
0xbe: {  	_ =	sfence.sel $0xFFFF  }
0xbf: {  	[dreg:$0x0] =	wrdreg $0xFFFFFFFF;
	(pc) =	sbr.abs _section_cstart, $3  }
0xc0: {  	[dreg:$0x1] =	wrdreg $0xFFFFFFFF  }
0xc1: {  	_ =	task.clear_ibuf [dreg:s7], $0x2FFFF;
	_ =	strace $0x9FFFFFFF  }
0xc2: {  	(tm) =	ssettm $0x7FFFFFFF  }
0xc3: {  	_ =	shalt  }
tec
execute0_lowered:
.L_overlay_start_1:
0x0: {  	(tag) =	ssettag $0x1  }
0x1: {  	v0 =	vlaneseq.u32  }
0x2: {  	s1 =	rddreg [dreg:$0x0];
	s5 =	simm.s32 $0x0;
	v0 =	vmul.u32 $0x20, v0  }
0x3: {  	[smem:$0x7FF] =	sst s5  }
0x4: {  	s2 =	rddreg [dreg:$0x1];
	_ =	strace $0x80000047;
	v1 =	vor.u32 $0x200, v0;
	[tilespmem:$0x1FFE0] =	vst v0  }
0x5: {  	v63 =	vor.u32 $0x1, v0;
	[tilespmem:$0x1FC00] =	vst v1  }
0x6: {  	v4 =	vor.u32 $0x201, v0;
	[tilespmem:$0x1FC10] =	vst v63  }
0x7: {  	v5 =	vor.u32 $0x2, v0;
	[tilespmem:$0x1FC20] =	vst v4  }
0x8: {  	v6 =	vor.u32 $0x202, v0;
	[tilespmem:$0x1FC30] =	vst v5  }
0x9: {  	v7 =	vor.u32 $0x3, v0;
	[tilespmem:$0x1FC40] =	vst v6  }
0xa: {  	v8 =	vor.u32 $0x203, v0;
	[tilespmem:$0x1FC50] =	vst v7  }
0xb: {  	v9 =	vor.u32 $0x4, v0;
	[tilespmem:$0x1FC60] =	vst v8  }
0xc: {  	v10 =	vor.u32 $0x204, v0;
	[tilespmem:$0x1FC70] =	vst v9  }
0xd: {  	v11 =	vor.u32 $0x5, v0;
	[tilespmem:$0x1FC80] =	vst v10  }
0xe: {  	v12 =	vor.u32 $0x205, v0;
	[tilespmem:$0x1FC90] =	vst v11  }
0xf: {  	v13 =	vor.u32 $0x6, v0;
	[tilespmem:$0x1FCA0] =	vst v12  }
0x10: {  	v14 =	vor.u32 $0x206, v0;
	[tilespmem:$0x1FCB0] =	vst v13  }
0x11: {  	v15 =	vor.u32 $0x7, v0;
	[tilespmem:$0x1FCC0] =	vst v14  }
0x12: {  	v16 =	vor.u32 $0x207, v0;
	[tilespmem:$0x1FCD0] =	vst v15  }
0x13: {  	v17 =	vor.u32 $0x8, v0;
	[tilespmem:$0x1FCE0] =	vst v16  }
0x14: {  	v18 =	vor.u32 $0x208, v0;
	[tilespmem:$0x1FCF0] =	vst v17  }
0x15: {  	v19 =	vor.u32 $0x9, v0;
	[tilespmem:$0x1FD00] =	vst v18  }
0x16: {  	v20 =	vor.u32 $0x209, v0;
	[tilespmem:$0x1FD10] =	vst v19  }
0x17: {  	v21 =	vor.u32 $0xA, v0;
	[tilespmem:$0x1FD20] =	vst v20  }
0x18: {  	v22 =	vor.u32 $0x20A, v0;
	[tilespmem:$0x1FD30] =	vst v21  }
0x19: {  	v23 =	vor.u32 $0xB, v0;
	[tilespmem:$0x1FD40] =	vst v22  }
0x1a: {  	v24 =	vor.u32 $0x20B, v0;
	[tilespmem:$0x1FD50] =	vst v23  }
0x1b: {  	v25 =	vor.u32 $0xC, v0;
	[tilespmem:$0x1FD60] =	vst v24  }
0x1c: {  	v26 =	vor.u32 $0x20C, v0;
	[tilespmem:$0x1FD70] =	vst v25  }
0x1d: {  	v27 =	vor.u32 $0xD, v0;
	[tilespmem:$0x1FD80] =	vst v26  }
0x1e: {  	v28 =	vor.u32 $0x20D, v0;
	[tilespmem:$0x1FD90] =	vst v27  }
0x1f: {  	v29 =	vor.u32 $0xE, v0;
	[tilespmem:$0x1FDA0] =	vst v28  }
0x20: {  	v30 =	vor.u32 $0x20E, v0;
	[tilespmem:$0x1FDB0] =	vst v29  }
0x21: {  	v31 =	vor.u32 $0xF, v0;
	[tilespmem:$0x1FDC0] =	vst v30  }
0x22: {  	v32 =	vor.u32 $0x20F, v0;
	[tilespmem:$0x1FDD0] =	vst v31  }
0x23: {  	v33 =	vor.u32 $0x10, v0;
	[tilespmem:$0x1FDE0] =	vst v32  }
0x24: {  	v34 =	vor.u32 $0x210, v0;
	[tilespmem:$0x1FDF0] =	vst v33  }
0x25: {  	v35 =	vor.u32 $0x11, v0;
	[tilespmem:$0x1FE00] =	vst v34  }
0x26: {  	v36 =	vor.u32 $0x211, v0;
	[tilespmem:$0x1FE10] =	vst v35  }
0x27: {  	v37 =	vor.u32 $0x12, v0;
	[tilespmem:$0x1FE20] =	vst v36  }
0x28: {  	v38 =	vor.u32 $0x212, v0;
	[tilespmem:$0x1FE30] =	vst v37  }
0x29: {  	v39 =	vor.u32 $0x13, v0;
	[tilespmem:$0x1FE40] =	vst v38  }
0x2a: {  	v40 =	vor.u32 $0x213, v0;
	[tilespmem:$0x1FE50] =	vst v39  }
0x2b: {  	v41 =	vor.u32 $0x14, v0;
	[tilespmem:$0x1FE60] =	vst v40  }
0x2c: {  	v42 =	vor.u32 $0x214, v0;
	[tilespmem:$0x1FE70] =	vst v41  }
0x2d: {  	v43 =	vor.u32 $0x15, v0;
	[tilespmem:$0x1FE80] =	vst v42  }
0x2e: {  	v44 =	vor.u32 $0x215, v0;
	[tilespmem:$0x1FE90] =	vst v43  }
0x2f: {  	v45 =	vor.u32 $0x16, v0;
	[tilespmem:$0x1FEA0] =	vst v44  }
0x30: {  	v46 =	vor.u32 $0x216, v0;
	[tilespmem:$0x1FEB0] =	vst v45  }
0x31: {  	v47 =	vor.u32 $0x17, v0;
	[tilespmem:$0x1FEC0] =	vst v46  }
0x32: {  	v48 =	vor.u32 $0x217, v0;
	[tilespmem:$0x1FED0] =	vst v47  }
0x33: {  	v49 =	vor.u32 $0x18, v0;
	[tilespmem:$0x1FEE0] =	vst v48  }
0x34: {  	v50 =	vor.u32 $0x218, v0;
	[tilespmem:$0x1FEF0] =	vst v49  }
0x35: {  	s0 =	srdreg.scid;
	s7 =	stileid.u32;
	v51 =	vor.u32 $0x19, v0;
	[tilespmem:$0x1FF00] =	vst v50  }
0x36: {  	s15 =	simm.s32 $0x32;
	s16 =	simm.s32 $0x2;
	s13 =	simm.s32 $0x20;
	v52 =	vor.u32 $0x219, v0;
	[tilespmem:$0x1FF10] =	vst v51  }
0x37: {  	s17 =	simm.s32 $0x80;
	s18 =	simm.s32 $0x19F00;
	s19 =	simm.s32 $0x1A000;
	v53 =	vor.u32 $0x1A, v0;
	[tilespmem:$0x1FF20] =	vst v52  }
0x38: {  	s20 =	simm.s32 $0x1A100;
	s21 =	simm.s32 $0x1A200;
	s22 =	simm.s32 $0x1A300;
	v54 =	vor.u32 $0x21A, v0;
	[tilespmem:$0x1FF30] =	vst v53  }
0x39: {  	s23 =	simm.s32 $0x1A400;
	s24 =	simm.s32 $0x1A500;
	s28 =	simm.s32 $0x4;
	v55 =	vor.u32 $0x1B, v0;
	[tilespmem:$0x1FF40] =	vst v54  }
0x3a: {  	s0 =	sand.u32 $0x1, s0;
	s3 =	sshll.u32 s7, $0xA;
	s5 =	sadd.s32 $0x600, s1;
	v56 =	vor.u32 $0x21B, v0;
	[tilespmem:$0x1FF50] =	vst v55  }
0x3b: {  	s6 =	sadd.s32 $0xF42A00, s1;
	s31 =	sshll.u32 s7, $0xD;
	s4 =	sshll.u32 s0, $0x9;
	v57 =	vor.u32 $0x1C, v0;
	[tilespmem:$0x1FF60] =	vst v56  }
0x3c: {  	s25 =	ssub.s32 $0x2, s0;
	s0 =	sshll.u32 s0, $0xC;
	s8 =	sor.u32 s4, s3;
	v58 =	vor.u32 $0x21C, v0;
	[tilespmem:$0x1FF70] =	vst v57  }
0x3d: {  	s26 =	sshrl.u32 s25, $0x1;
	s0 =	sor.u32 s0, s31;
	v59 =	vor.u32 $0x1D, v0;
	[dreg:$0x3] =	wrdreg s8;
	[tilespmem:$0x1FF80] =	vst v58  }
0x3e: {  	v60 =	vor.u32 $0x21D, v0;
	s3 =	smul.u32 $0x7, s8;
	s29 =	sor.u32 $0x40, s8;
	[dreg:$0x9] =	wrdreg s0;
	[tilespmem:$0x1FF90] =	vst v59  }
0x3f: {  	v61 =	vor.u32 $0x1E, v0;
	s1 =	ssub.s32 s25, s26;
	s30 =	sor.u32 $0x60, s8;
	[tilespmem:$0x1FFA0] =	vst v60;
	[dreg:$0x6] =	wrdreg s29  }
0x40: {  	s7 =	simm.s32 $0x3;
	v62 =	vor.u32 $0x21E, v0;
	[tilespmem:$0x1FFB0] =	vst v61;
	[dreg:$0x7] =	wrdreg s30;
	s1 =	smax.u32 s1, $0x1  }
0x41: {  	s25 =	simm.s32 $0x5;
	[tilespmem:$0x1FFC0] =	vst v62;
	v63 =	vor.u32 $0x1F, v0;
	s3 =	sadd.s32 s5, s3;
	[dreg:$0x8] =	wrdreg s1  }
0x42: {  	v0 =	vor.u32 $0x21F, v0;
	s26 =	simm.s32 $0x6;
	[tilespmem:$0x1FFD0] =	vst v63;
	[dreg:$0x4] =	wrdreg s3;
	s3 =	sadd.s32 $0xE0, s3  }
0x43: {  	[tilespmem:$0x1FFF0] =	vst v0;
	s1 =	simm.s32 $0x0;
	[dreg:$0x5] =	wrdreg s3;
	s3 =	simm.s32 $0x19E00  }
.LBB2_1:
0x44: {  	s0 =	simm.s32 $0x0;
	s14 =	rddreg [dreg:$0x4]  }
0x45: {  	[tilespmem:s0], [sflag:$0x1] =	stream.linear.gather [hbm4b:s14+s0], $0x700, $0x38;
	[tilespmem:$0x1A600] =	vst v63  }
0x46: {  	s30 =	rddreg [dreg:$0x5];
	s4 =	simm.s32 $0x700  }
0x47: {  	[tilespmem:s4], [sflag:$0x2] =	stream.linear.gather [hbm4b:s30+s0], $0x700, $0x38;
	[tilespmem:$0x1A600] =	vst v63  }
0x48: {  	[dreg:$0xa] =	wrdreg s1;
	s4 =	simm.s32 $0x1  }
0x49: {  	_ =	swait.ge [sflag:s4], $0x700  }
0x4a: {  	[sflag:s4] =	ssyncset.done $0x0  }
0x4b: {  	s8 =	simm.s32 $0xE00;
	[sflag:s4] =	ssyncadd.s32 $0xFFFFF900  }
0x4c: {  	[tilespmem:s8], [sflag:$0x3] =	stream.indirect.gather [hbm4b:s6+s15], $0x20, s0, s15, $0xb8;
	[tilespmem:$0x1A600] =	vst v63  }
0x4d: {  	s9 =	simm.s32 $0x38;
	s10 =	simm.s32 $0x1440  }
0x4e: {  	[tilespmem:s10], [sflag:$0x3] =	stream.indirect.gather [hbm4b:s6+s15], $0x20, s9, s15, $0xb8;
	[tilespmem:$0x1A600] =	vst v63  }
0x4f: {  	s11 =	simm.s32 $0x70;
	s12 =	simm.s32 $0x1A80  }
0x50: {  	[tilespmem:s12], [sflag:$0x3] =	stream.indirect.gather [hbm4b:s6+s15], $0x20, s11, s15, $0xb8;
	[tilespmem:$0x1A600] =	vst v63  }
0x51: {  	s14 =	simm.s32 $0xA8;
	s30 =	simm.s32 $0x20C0  }
0x52: {  	[tilespmem:s30], [sflag:$0x3] =	stream.indirect.gather [hbm4b:s6+s15], $0x20, s14, s15, $0xb8;
	[tilespmem:$0x1A600] =	vst v63  }
0x53: {  	s4 =	simm.s32 $0xE0;
	s8 =	simm.s32 $0x2700  }
0x54: {  	[tilespmem:s8], [sflag:$0x3] =	stream.indirect.gather [hbm4b:s6+s15], $0x20, s4, s15, $0xb8;
	[tilespmem:$0x1A600] =	vst v63  }
0x55: {  	s9 =	simm.s32 $0x118;
	s10 =	simm.s32 $0x2D40  }
0x56: {  	[tilespmem:s10], [sflag:$0x3] =	stream.indirect.gather [hbm4b:s6+s15], $0x20, s9, s15, $0xb8;
	[tilespmem:$0x1A600] =	vst v63  }
0x57: {  	s11 =	simm.s32 $0x150;
	s12 =	simm.s32 $0x3380  }
0x58: {  	[tilespmem:s12], [sflag:$0x3] =	stream.indirect.gather [hbm4b:s6+s15], $0x20, s11, s15, $0xb8;
	[tilespmem:$0x1A600] =	vst v63  }
0x59: {  	s14 =	simm.s32 $0x188;
	s30 =	simm.s32 $0x39C0  }
0x5a: {  	[tilespmem:s30], [sflag:$0x3] =	stream.indirect.gather [hbm4b:s6+s15], $0x20, s14, s15, $0xb8;
	[tilespmem:$0x1A600] =	vst v63  }
0x5b: {  	s4 =	simm.s32 $0x1C0;
	s8 =	simm.s32 $0x4000  }
0x5c: {  	[tilespmem:s8], [sflag:$0x3] =	stream.indirect.gather [hbm4b:s6+s15], $0x20, s4, s15, $0xb8;
	[tilespmem:$0x1A600] =	vst v63  }
0x5d: {  	s9 =	simm.s32 $0x1F8;
	s10 =	simm.s32 $0x4640  }
0x5e: {  	[tilespmem:s10], [sflag:$0x3] =	stream.indirect.gather [hbm4b:s6+s15], $0x20, s9, s15, $0xb8;
	[tilespmem:$0x1A600] =	vst v63  }
0x5f: {  	s11 =	simm.s32 $0x230;
	s12 =	simm.s32 $0x4C80  }
0x60: {  	[tilespmem:s12], [sflag:$0x3] =	stream.indirect.gather [hbm4b:s6+s15], $0x20, s11, s15, $0xb8;
	[tilespmem:$0x1A600] =	vst v63  }
0x61: {  	s14 =	simm.s32 $0x268;
	s30 =	simm.s32 $0x52C0  }
0x62: {  	[tilespmem:s30], [sflag:$0x3] =	stream.indirect.gather [hbm4b:s6+s15], $0x20, s14, s15, $0xb8;
	[tilespmem:$0x1A600] =	vst v63  }
0x63: {  	s4 =	simm.s32 $0x2A0;
	s8 =	simm.s32 $0x5900  }
0x64: {  	[tilespmem:s8], [sflag:$0x3] =	stream.indirect.gather [hbm4b:s6+s15], $0x20, s4, s15, $0xb8;
	[tilespmem:$0x1A600] =	vst v63  }
0x65: {  	s9 =	simm.s32 $0x2D8;
	s10 =	simm.s32 $0x5F40  }
0x66: {  	[tilespmem:s10], [sflag:$0x3] =	stream.indirect.gather [hbm4b:s6+s15], $0x20, s9, s15, $0xb8;
	[tilespmem:$0x1A600] =	vst v63  }
0x67: {  	s11 =	simm.s32 $0x310;
	s12 =	simm.s32 $0x6580  }
0x68: {  	[tilespmem:s12], [sflag:$0x3] =	stream.indirect.gather [hbm4b:s6+s15], $0x20, s11, s15, $0xb8;
	[tilespmem:$0x1A600] =	vst v63  }
0x69: {  	s14 =	simm.s32 $0x348;
	s30 =	simm.s32 $0x6BC0  }
0x6a: {  	[tilespmem:s30], [sflag:$0x3] =	stream.indirect.gather [hbm4b:s6+s15], $0x20, s14, s15, $0xb8;
	[tilespmem:$0x1A600] =	vst v63  }
0x6b: {  	s4 =	simm.s32 $0x380;
	s8 =	simm.s32 $0x7200  }
0x6c: {  	[tilespmem:s8], [sflag:$0x3] =	stream.indirect.gather [hbm4b:s6+s15], $0x20, s4, s15, $0xb8;
	[tilespmem:$0x1A600] =	vst v63  }
0x6d: {  	s9 =	simm.s32 $0x3B8;
	s10 =	simm.s32 $0x7840  }
0x6e: {  	[tilespmem:s10], [sflag:$0x3] =	stream.indirect.gather [hbm4b:s6+s15], $0x20, s9, s15, $0xb8;
	[tilespmem:$0x1A600] =	vst v63  }
0x6f: {  	s11 =	simm.s32 $0x3F0;
	s12 =	simm.s32 $0x7E80  }
0x70: {  	[tilespmem:s12], [sflag:$0x3] =	stream.indirect.gather [hbm4b:s6+s15], $0x20, s11, s15, $0xb8;
	[tilespmem:$0x1A600] =	vst v63  }
0x71: {  	s14 =	simm.s32 $0x428;
	s30 =	simm.s32 $0x84C0  }
0x72: {  	[tilespmem:s30], [sflag:$0x3] =	stream.indirect.gather [hbm4b:s6+s15], $0x20, s14, s15, $0xb8;
	[tilespmem:$0x1A600] =	vst v63  }
0x73: {  	s4 =	simm.s32 $0x460;
	s8 =	simm.s32 $0x8B00  }
0x74: {  	[tilespmem:s8], [sflag:$0x3] =	stream.indirect.gather [hbm4b:s6+s15], $0x20, s4, s15, $0xb8;
	[tilespmem:$0x1A600] =	vst v63  }
0x75: {  	s9 =	simm.s32 $0x498;
	s10 =	simm.s32 $0x9140  }
0x76: {  	[tilespmem:s10], [sflag:$0x3] =	stream.indirect.gather [hbm4b:s6+s15], $0x20, s9, s15, $0xb8;
	[tilespmem:$0x1A600] =	vst v63  }
0x77: {  	s11 =	simm.s32 $0x4D0;
	s12 =	simm.s32 $0x9780  }
0x78: {  	[tilespmem:s12], [sflag:$0x3] =	stream.indirect.gather [hbm4b:s6+s15], $0x20, s11, s15, $0xb8;
	[tilespmem:$0x1A600] =	vst v63  }
0x79: {  	s14 =	simm.s32 $0x508;
	s30 =	simm.s32 $0x9DC0  }
0x7a: {  	[tilespmem:s30], [sflag:$0x3] =	stream.indirect.gather [hbm4b:s6+s15], $0x20, s14, s15, $0xb8;
	[tilespmem:$0x1A600] =	vst v63  }
0x7b: {  	s4 =	simm.s32 $0x540;
	s8 =	simm.s32 $0xA400  }
0x7c: {  	[tilespmem:s8], [sflag:$0x3] =	stream.indirect.gather [hbm4b:s6+s15], $0x20, s4, s15, $0xb8;
	[tilespmem:$0x1A600] =	vst v63  }
0x7d: {  	s9 =	simm.s32 $0x578;
	s10 =	simm.s32 $0xAA40  }
0x7e: {  	[tilespmem:s10], [sflag:$0x3] =	stream.indirect.gather [hbm4b:s6+s15], $0x20, s9, s15, $0xb8;
	[tilespmem:$0x1A600] =	vst v63  }
0x7f: {  	s11 =	simm.s32 $0x5B0;
	s12 =	simm.s32 $0xB080  }
0x80: {  	[tilespmem:s12], [sflag:$0x3] =	stream.indirect.gather [hbm4b:s6+s15], $0x20, s11, s15, $0xb8;
	[tilespmem:$0x1A600] =	vst v63  }
0x81: {  	s14 =	simm.s32 $0x5E8;
	s30 =	simm.s32 $0xB6C0  }
0x82: {  	[tilespmem:s30], [sflag:$0x3] =	stream.indirect.gather [hbm4b:s6+s15], $0x20, s14, s15, $0xb8;
	[tilespmem:$0x1A600] =	vst v63  }
0x83: {  	p0 =	por $0x0, $0x0;
	s4 =	simm.s32 $0x620;
	s8 =	simm.s32 $0xBD00  }
0x84: {  	[tilespmem:s8], [sflag:$0x3] =	stream.indirect.gather [hbm4b:s6+s15], $0x20, s4, s15, $0xb8;
	[tilespmem:$0x1A600] =	vst v63  }
0x85: {  	s31 =	simm.s32 $0x0;
	s9 =	simm.s32 $0x658;
	s10 =	simm.s32 $0xC340  }
0x86: {  	[tilespmem:s10], [sflag:$0x3] =	stream.indirect.gather [hbm4b:s6+s15], $0x20, s9, s15, $0xb8;
	[tilespmem:$0x1A600] =	vst v63  }
0x87: {  	s29 =	rddreg [dreg:$0x9];
	s11 =	simm.s32 $0x690;
	s12 =	simm.s32 $0xC980  }
0x88: {  	[tilespmem:s12], [sflag:$0x3] =	stream.indirect.gather [hbm4b:s6+s15], $0x20, s11, s15, $0xb8;
	[tilespmem:$0x1A600] =	vst v63  }
0x89: {  	s14 =	simm.s32 $0x6C8;
	s30 =	simm.s32 $0xCFC0;
	s4 =	rddreg [dreg:$0x3]  }
0x8a: {  	[tilespmem:s30], [sflag:$0x3] =	stream.indirect.gather [hbm4b:s6+s15], $0x20, s14, s15, $0xb8;
	[tilespmem:$0x1A600] =	vst v63  }
.LBB2_2:
0x8b: {  	_ =	swait.ge [sflag:s16], $0x700  }
0x8c: {  	[sflag:s16] =	ssyncset.done $0x0  }
0x8d: {  	s0 =	simm.s32 $0x700;
	s1 =	simm.s32 $0xD600;
	[sflag:s16] =	ssyncadd.s32 $0xFFFFF900  }
0x8e: {  	[tilespmem:s1], [sflag:$0x4] =	stream.indirect.gather [hbm4b:s6+s15], $0x20, s0, s15, $0xb8;
	[tilespmem:$0x1A600] =	vst v63  }
0x8f: {  	s14 =	simm.s32 $0x738;
	s30 =	simm.s32 $0xDC40  }
0x90: {  	[tilespmem:s30], [sflag:$0x4] =	stream.indirect.gather [hbm4b:s6+s15], $0x20, s14, s15, $0xb8;
	[tilespmem:$0x1A600] =	vst v63  }
0x91: {  	s8 =	simm.s32 $0xE280;
	s1 =	simm.s32 $0x770  }
0x92: {  	[tilespmem:s8], [sflag:$0x4] =	stream.indirect.gather [hbm4b:s6+s15], $0x20, s1, s15, $0xb8;
	[tilespmem:$0x1A600] =	vst v63  }
0x93: {  	s9 =	simm.s32 $0x7A8;
	s10 =	simm.s32 $0xE8C0  }
0x94: {  	[tilespmem:s10], [sflag:$0x4] =	stream.indirect.gather [hbm4b:s6+s15], $0x20, s9, s15, $0xb8;
	[tilespmem:$0x1A600] =	vst v63  }
0x95: {  	s11 =	simm.s32 $0x7E0;
	s12 =	simm.s32 $0xEF00  }
0x96: {  	[tilespmem:s12], [sflag:$0x4] =	stream.indirect.gather [hbm4b:s6+s15], $0x20, s11, s15, $0xb8;
	[tilespmem:$0x1A600] =	vst v63  }
0x97: {  	s14 =	simm.s32 $0x818;
	s30 =	simm.s32 $0xF540  }
0x98: {  	[tilespmem:s30], [sflag:$0x4] =	stream.indirect.gather [hbm4b:s6+s15], $0x20, s14, s15, $0xb8;
	[tilespmem:$0x1A600] =	vst v63  }
0x99: {  	s1 =	simm.s32 $0x850;
	s8 =	simm.s32 $0xFB80  }
0x9a: {  	[tilespmem:s8], [sflag:$0x4] =	stream.indirect.gather [hbm4b:s6+s15], $0x20, s1, s15, $0xb8;
	[tilespmem:$0x1A600] =	vst v63  }
0x9b: {  	s9 =	simm.s32 $0x888;
	s10 =	simm.s32 $0x101C0  }
0x9c: {  	[tilespmem:s10], [sflag:$0x4] =	stream.indirect.gather [hbm4b:s6+s15], $0x20, s9, s15, $0xb8;
	[tilespmem:$0x1A600] =	vst v63  }
0x9d: {  	s11 =	simm.s32 $0x8C0;
	s12 =	simm.s32 $0x10800  }
0x9e: {  	[tilespmem:s12], [sflag:$0x4] =	stream.indirect.gather [hbm4b:s6+s15], $0x20, s11, s15, $0xb8;
	[tilespmem:$0x1A600] =	vst v63  }
0x9f: {  	s14 =	simm.s32 $0x8F8;
	s30 =	simm.s32 $0x10E40  }
0xa0: {  	[tilespmem:s30], [sflag:$0x4] =	stream.indirect.gather [hbm4b:s6+s15], $0x20, s14, s15, $0xb8;
	[tilespmem:$0x1A600] =	vst v63  }
0xa1: {  	s1 =	simm.s32 $0x930;
	s8 =	simm.s32 $0x11480  }
0xa2: {  	[tilespmem:s8], [sflag:$0x4] =	stream.indirect.gather [hbm4b:s6+s15], $0x20, s1, s15, $0xb8;
	[tilespmem:$0x1A600] =	vst v63  }
0xa3: {  	s9 =	simm.s32 $0x968;
	s10 =	simm.s32 $0x11AC0  }
0xa4: {  	[tilespmem:s10], [sflag:$0x4] =	stream.indirect.gather [hbm4b:s6+s15], $0x20, s9, s15, $0xb8;
	[tilespmem:$0x1A600] =	vst v63  }
0xa5: {  	s11 =	simm.s32 $0x9A0;
	s12 =	simm.s32 $0x12100  }
0xa6: {  	[tilespmem:s12], [sflag:$0x4] =	stream.indirect.gather [hbm4b:s6+s15], $0x20, s11, s15, $0xb8;
	[tilespmem:$0x1A600] =	vst v63  }
0xa7: {  	s14 =	simm.s32 $0x9D8;
	s30 =	simm.s32 $0x12740  }
0xa8: {  	[tilespmem:s30], [sflag:$0x4] =	stream.indirect.gather [hbm4b:s6+s15], $0x20, s14, s15, $0xb8;
	[tilespmem:$0x1A600] =	vst v63  }
0xa9: {  	s1 =	simm.s32 $0xA10;
	s8 =	simm.s32 $0x12D80  }
0xaa: {  	[tilespmem:s8], [sflag:$0x4] =	stream.indirect.gather [hbm4b:s6+s15], $0x20, s1, s15, $0xb8;
	[tilespmem:$0x1A600] =	vst v63  }
0xab: {  	s9 =	simm.s32 $0xA48;
	s10 =	simm.s32 $0x133C0  }
0xac: {  	[tilespmem:s10], [sflag:$0x4] =	stream.indirect.gather [hbm4b:s6+s15], $0x20, s9, s15, $0xb8;
	[tilespmem:$0x1A600] =	vst v63  }
0xad: {  	s11 =	simm.s32 $0xA80;
	s12 =	simm.s32 $0x13A00  }
0xae: {  	[tilespmem:s12], [sflag:$0x4] =	stream.indirect.gather [hbm4b:s6+s15], $0x20, s11, s15, $0xb8;
	[tilespmem:$0x1A600] =	vst v63  }
0xaf: {  	s14 =	simm.s32 $0xAB8;
	s30 =	simm.s32 $0x14040  }
0xb0: {  	[tilespmem:s30], [sflag:$0x4] =	stream.indirect.gather [hbm4b:s6+s15], $0x20, s14, s15, $0xb8;
	[tilespmem:$0x1A600] =	vst v63  }
0xb1: {  	s1 =	simm.s32 $0xAF0;
	s8 =	simm.s32 $0x14680  }
0xb2: {  	[tilespmem:s8], [sflag:$0x4] =	stream.indirect.gather [hbm4b:s6+s15], $0x20, s1, s15, $0xb8;
	[tilespmem:$0x1A600] =	vst v63  }
0xb3: {  	s9 =	simm.s32 $0xB28;
	s10 =	simm.s32 $0x14CC0  }
0xb4: {  	[tilespmem:s10], [sflag:$0x4] =	stream.indirect.gather [hbm4b:s6+s15], $0x20, s9, s15, $0xb8;
	[tilespmem:$0x1A600] =	vst v63  }
0xb5: {  	s11 =	simm.s32 $0xB60;
	s12 =	simm.s32 $0x15300  }
0xb6: {  	[tilespmem:s12], [sflag:$0x4] =	stream.indirect.gather [hbm4b:s6+s15], $0x20, s11, s15, $0xb8;
	[tilespmem:$0x1A600] =	vst v63  }
0xb7: {  	s14 =	simm.s32 $0xB98;
	s30 =	simm.s32 $0x15940  }
0xb8: {  	[tilespmem:s30], [sflag:$0x4] =	stream.indirect.gather [hbm4b:s6+s15], $0x20, s14, s15, $0xb8;
	[tilespmem:$0x1A600] =	vst v63  }
0xb9: {  	s1 =	simm.s32 $0xBD0;
	s8 =	simm.s32 $0x15F80  }
0xba: {  	[tilespmem:s8], [sflag:$0x4] =	stream.indirect.gather [hbm4b:s6+s15], $0x20, s1, s15, $0xb8;
	[tilespmem:$0x1A600] =	vst v63  }
0xbb: {  	s9 =	simm.s32 $0xC08;
	s10 =	simm.s32 $0x165C0  }
0xbc: {  	[tilespmem:s10], [sflag:$0x4] =	stream.indirect.gather [hbm4b:s6+s15], $0x20, s9, s15, $0xb8;
	[tilespmem:$0x1A600] =	vst v63  }
0xbd: {  	s11 =	simm.s32 $0xC40;
	s12 =	simm.s32 $0x16C00  }
0xbe: {  	[tilespmem:s12], [sflag:$0x4] =	stream.indirect.gather [hbm4b:s6+s15], $0x20, s11, s15, $0xb8;
	[tilespmem:$0x1A600] =	vst v63  }
0xbf: {  	s14 =	simm.s32 $0xC78;
	s30 =	simm.s32 $0x17240  }
0xc0: {  	[tilespmem:s30], [sflag:$0x4] =	stream.indirect.gather [hbm4b:s6+s15], $0x20, s14, s15, $0xb8;
	[tilespmem:$0x1A600] =	vst v63  }
0xc1: {  	s1 =	simm.s32 $0xCB0;
	s8 =	simm.s32 $0x17880  }
0xc2: {  	[tilespmem:s8], [sflag:$0x4] =	stream.indirect.gather [hbm4b:s6+s15], $0x20, s1, s15, $0xb8;
	[tilespmem:$0x1A600] =	vst v63  }
0xc3: {  	s9 =	simm.s32 $0xCE8;
	s10 =	simm.s32 $0x17EC0  }
0xc4: {  	[tilespmem:s10], [sflag:$0x4] =	stream.indirect.gather [hbm4b:s6+s15], $0x20, s9, s15, $0xb8;
	[tilespmem:$0x1A600] =	vst v63  }
0xc5: {  	s11 =	simm.s32 $0xD20;
	s12 =	simm.s32 $0x18500  }
0xc6: {  	[tilespmem:s12], [sflag:$0x4] =	stream.indirect.gather [hbm4b:s6+s15], $0x20, s11, s15, $0xb8;
	[tilespmem:$0x1A600] =	vst v63  }
0xc7: {  	s14 =	simm.s32 $0xD58;
	s30 =	simm.s32 $0x18B40  }
0xc8: {  	[tilespmem:s30], [sflag:$0x4] =	stream.indirect.gather [hbm4b:s6+s15], $0x20, s14, s15, $0xb8;
	[tilespmem:$0x1A600] =	vst v63  }
0xc9: {  	s8 =	simm.s32 $0xD90;
	s9 =	simm.s32 $0x19180  }
0xca: {  	[tilespmem:s9], [sflag:$0x4] =	stream.indirect.gather [hbm4b:s6+s15], $0x20, s8, s15, $0xb8;
	[tilespmem:$0x1A600] =	vst v63  }
0xcb: {  	s10 =	simm.s32 $0xDC8;
	s11 =	simm.s32 $0x197C0  }
0xcc: {  	[tilespmem:s11], [sflag:$0x4] =	stream.indirect.gather [hbm4b:s6+s15], $0x20, s10, s15, $0xb8;
	[tilespmem:$0x1A600] =	vst v63  }
0xcd: {  	_ =	swait.ge [sflag:s7], $0x640  }
0xce: {  	[sflag:s7] =	ssyncset.done $0x0  }
0xcf: {  	[sflag:s7] =	ssyncadd.s32 $0xFFFFF9C0  }
0xd0: {  	_ =	swait.ge [sflag:s7], $0x640  }
0xd1: {  	[sflag:s7] =	ssyncset.done $0x0  }
0xd2: {  	[sflag:s7] =	ssyncadd.s32 $0xFFFFF9C0  }
0xd3: {  	_ =	swait.ge [sflag:s7], $0x640  }
0xd4: {  	[sflag:s7] =	ssyncset.done $0x0  }
0xd5: {  	[sflag:s7] =	ssyncadd.s32 $0xFFFFF9C0  }
0xd6: {  	_ =	swait.ge [sflag:s7], $0x640  }
0xd7: {  	[sflag:s7] =	ssyncset.done $0x0  }
0xd8: {  	[sflag:s7] =	ssyncadd.s32 $0xFFFFF9C0  }
0xd9: {  	_ =	swait.ge [sflag:s7], $0x640  }
0xda: {  	[sflag:s7] =	ssyncset.done $0x0  }
0xdb: {  	[sflag:s7] =	ssyncadd.s32 $0xFFFFF9C0  }
0xdc: {  	_ =	swait.ge [sflag:s7], $0x640  }
0xdd: {  	[sflag:s7] =	ssyncset.done $0x0  }
0xde: {  	[sflag:s7] =	ssyncadd.s32 $0xFFFFF9C0  }
0xdf: {  	_ =	swait.ge [sflag:s7], $0x640  }
0xe0: {  	[sflag:s7] =	ssyncset.done $0x0  }
0xe1: {  	[sflag:s7] =	ssyncadd.s32 $0xFFFFF9C0  }
0xe2: {  	_ =	swait.ge [sflag:s7], $0x640  }
0xe3: {  	[sflag:s7] =	ssyncset.done $0x0  }
0xe4: {  	[sflag:s7] =	ssyncadd.s32 $0xFFFFF9C0  }
0xe5: {  	_ =	swait.ge [sflag:s7], $0x640  }
0xe6: {  	[sflag:s7] =	ssyncset.done $0x0  }
0xe7: {  	[sflag:s7] =	ssyncadd.s32 $0xFFFFF9C0  }
0xe8: {  	_ =	swait.ge [sflag:s7], $0x640  }
0xe9: {  	[sflag:s7] =	ssyncset.done $0x0  }
0xea: {  	[sflag:s7] =	ssyncadd.s32 $0xFFFFF9C0  }
0xeb: {  	_ =	swait.ge [sflag:s7], $0x640  }
0xec: {  	[sflag:s7] =	ssyncset.done $0x0  }
0xed: {  	[sflag:s7] =	ssyncadd.s32 $0xFFFFF9C0  }
0xee: {  	_ =	swait.ge [sflag:s7], $0x640  }
0xef: {  	[sflag:s7] =	ssyncset.done $0x0  }
0xf0: {  	[sflag:s7] =	ssyncadd.s32 $0xFFFFF9C0  }
0xf1: {  	_ =	swait.ge [sflag:s7], $0x640  }
0xf2: {  	[sflag:s7] =	ssyncset.done $0x0  }
0xf3: {  	[sflag:s7] =	ssyncadd.s32 $0xFFFFF9C0  }
0xf4: {  	_ =	swait.ge [sflag:s7], $0x640  }
0xf5: {  	[sflag:s7] =	ssyncset.done $0x0  }
0xf6: {  	[sflag:s7] =	ssyncadd.s32 $0xFFFFF9C0  }
0xf7: {  	_ =	swait.ge [sflag:s7], $0x640  }
0xf8: {  	[sflag:s7] =	ssyncset.done $0x0  }
0xf9: {  	[sflag:s7] =	ssyncadd.s32 $0xFFFFF9C0  }
0xfa: {  	_ =	swait.ge [sflag:s7], $0x640  }
0xfb: {  	[sflag:s7] =	ssyncset.done $0x0  }
0xfc: {  	[sflag:s7] =	ssyncadd.s32 $0xFFFFF9C0  }
0xfd: {  	_ =	swait.ge [sflag:s7], $0x640  }
0xfe: {  	[sflag:s7] =	ssyncset.done $0x0  }
0xff: {  	[sflag:s7] =	ssyncadd.s32 $0xFFFFF9C0  }
0x100: {  	_ =	swait.ge [sflag:s7], $0x640  }
0x101: {  	[sflag:s7] =	ssyncset.done $0x0  }
0x102: {  	[sflag:s7] =	ssyncadd.s32 $0xFFFFF9C0  }
0x103: {  	_ =	swait.ge [sflag:s7], $0x640  }
0x104: {  	[sflag:s7] =	ssyncset.done $0x0  }
0x105: {  	[sflag:s7] =	ssyncadd.s32 $0xFFFFF9C0  }
0x106: {  	_ =	swait.ge [sflag:s7], $0x640  }
0x107: {  	[sflag:s7] =	ssyncset.done $0x0  }
0x108: {  	[sflag:s7] =	ssyncadd.s32 $0xFFFFF9C0  }
0x109: {  	_ =	swait.ge [sflag:s7], $0x640  }
0x10a: {  	[sflag:s7] =	ssyncset.done $0x0  }
0x10b: {  	[sflag:s7] =	ssyncadd.s32 $0xFFFFF9C0  }
0x10c: {  	_ =	swait.ge [sflag:s7], $0x640  }
0x10d: {  	[sflag:s7] =	ssyncset.done $0x0  }
0x10e: {  	[sflag:s7] =	ssyncadd.s32 $0xFFFFF9C0  }
0x10f: {  	_ =	swait.ge [sflag:s7], $0x640  }
0x110: {  	[sflag:s7] =	ssyncset.done $0x0  }
0x111: {  	[sflag:s7] =	ssyncadd.s32 $0xFFFFF9C0  }
0x112: {  	_ =	swait.ge [sflag:s7], $0x640  }
0x113: {  	[sflag:s7] =	ssyncset.done $0x0  }
0x114: {  	[sflag:s7] =	ssyncadd.s32 $0xFFFFF9C0  }
0x115: {  	_ =	swait.ge [sflag:s7], $0x640  }
0x116: {  	[sflag:s7] =	ssyncset.done $0x0  }
0x117: {  	[sflag:s7] =	ssyncadd.s32 $0xFFFFF9C0  }
0x118: {  	_ =	swait.ge [sflag:s7], $0x640  }
0x119: {  	[sflag:s7] =	ssyncset.done $0x0  }
0x11a: {  	[sflag:s7] =	ssyncadd.s32 $0xFFFFF9C0  }
0x11b: {  	_ =	swait.ge [sflag:s7], $0x640  }
0x11c: {  	[sflag:s7] =	ssyncset.done $0x0  }
0x11d: {  	[sflag:s7] =	ssyncadd.s32 $0xFFFFF9C0  }
0x11e: {  	_ =	swait.ge [sflag:s7], $0x640  }
0x11f: {  	[sflag:s7] =	ssyncset.done $0x0  }
0x120: {  	[sflag:s7] =	ssyncadd.s32 $0xFFFFF9C0  }
0x121: {  	_ =	swait.ge [sflag:s7], $0x640  }
0x122: {  	[sflag:s7] =	ssyncset.done $0x0  }
0x123: {  	[sflag:s7] =	ssyncadd.s32 $0xFFFFF9C0  }
0x124: {  	_ =	swait.ge [sflag:s7], $0x640  }
0x125: {  	[sflag:s7] =	ssyncset.done $0x0  }
0x126: {  	[sflag:s7] =	ssyncadd.s32 $0xFFFFF9C0  }
0x127: {  	p1 =	seq.s32 s31, $0x7;
	_ =	swait.ge [sflag:s7], $0x640  }
0x128: {  	s8 =	sshll.u32 s31, $0x6;
	[sflag:s7] =	ssyncset.done $0x0;
	s0 =	rddreg [dreg:$0x6]  }
0x129: {  	[sflag:s7] =	ssyncadd.s32 $0xFFFFF9C0;
	s0 =	sadd.s32 @!p1 s8, s0  }
0x12a: {  	_ =	swait.ge [sflag:s7], $0x640;
	s0 =	smul.u32 @!p1 $0x7, s0  }
0x12b: {  	s1 =	simm.s32 @!p1 $0x0;
	s12 =	sshrl.u32 s8, $0x6;
	[sflag:s7] =	ssyncset.done $0x0  }
0x12c: {  	s14 =	rddreg [dreg:$0x3];
	[sflag:s7] =	ssyncadd.s32 $0xFFFFF9C0;
	s0 =	sadd.s32 @!p1 s5, s0  }
0x12d: {  	[tilespmem:s1], [sflag:$0x1] =	stream.linear.gather @!p1 [hbm4b:s0+s1], $0x700, $0x38;
	[tilespmem:$0x1A600] =	vst v63  }
0x12e: {  	s1 =	sor.u32 s14, s8;
	s0 =	sand.u32 $0x1, s12  }
0x12f: {  	p2 =	seq.s32 s1, $0x0;
	p3 =	seq.s32 s0, $0x1  }
0x130: {  	p2 =	por !p2, !p3  }
0x131: {  	s0 =	simm.s32 $0x1;
	s1 =	simm.s32 $0x1;
	p2 =	por !p2, !p2  }
0x132: {  	s9 =	sshrl.u32 s4, $0x7;
	s0 =	simm.s32 @!p0 $0x0;
	s1 =	simm.s32 @!p2 $0x0  }
0x133: {  	s11 =	sand.u32 $0xFFFFFC00, s29;
	s0 =	sshll.u32 s0, $0x6;
	s1 =	ssub.s32 s9, s1  }
0x134: {  	s30 =	sor.u32 s0, s11;
	s1 =	sshll.u32 s1, $0xA  }
0x135: {  	s9 =	sadd.s32 $0x80020, s30;
	s11 =	sor.u32 s0, s1  }
0x136: {  	s12 =	sor.u32 $0x20, s30;
	s14 =	sshrl.u32 s9, $0x3;
	s10 =	sadd.s32 $0x80000, s11  }
0x137: {  	s1 =	sshrl.u32 s12, $0x3;
	s0 =	sadd.s32 s14, s2;
	s30 =	sshrl.u32 s10, $0x3  }
0x138: {  	s14 =	simm.s32 $0x0;
	s1 =	sadd.s32 s1, s2;
	s12 =	sadd.s32 s30, s2  }
.LBB2_3:
0x139: {  	p2 =	seq.s32 s14, $0x0  }
0x13a: {  	s9 =	simm.s32 @!p2 $0x5  }
0x13b: {  	_ =	swait.ge @!p2 [sflag:s9], $0x400  }
0x13c: {  	v2 =	vld [tilespmem:$0x1FFE0]  }
0x13d: {  	[sflag:s9] =	ssyncset.done @!p2 $0x0  }
0x13e: {  	[sflag:s9] =	ssyncadd.s32 @!p2 $0xFFFFFC00;
	s9 =	sshra.s32 s14, $0x2  }
0x13f: {  	v0 =	vld [tilespmem:s9+$0xE00];
	_ =	sdelay $0x2  }
0x140: {  	v3 =	vld [tilespmem:$0x1FC00];
	_ =	sdelay $0x1  }
0x141: {  	[tilespmem:v2+s3+$0x0] =	vst.idx.msk $0xffff, v0  }
0x142: {  	v0 =	vld [tilespmem:s9+$0xE10];
	_ =	sdelay $0x2  }
0x143: {  	v4 =	vld [tilespmem:$0x1FC10];
	_ =	sdelay $0x1  }
0x144: {  	[tilespmem:v3+s3+$0x0] =	vst.idx.msk $0xffff, v0  }
0x145: {  	v0 =	vld [tilespmem:s9+$0x1440];
	_ =	sdelay $0x2  }
0x146: {  	v5 =	vld [tilespmem:$0x1FC20];
	_ =	sdelay $0x1  }
0x147: {  	[tilespmem:v4+s3+$0x0] =	vst.idx.msk $0xffff, v0  }
0x148: {  	v0 =	vld [tilespmem:s9+$0x1450];
	_ =	sdelay $0x2  }
0x149: {  	v6 =	vld [tilespmem:$0x1FC30];
	_ =	sdelay $0x1  }
0x14a: {  	[tilespmem:v5+s3+$0x0] =	vst.idx.msk $0xffff, v0  }
0x14b: {  	v0 =	vld [tilespmem:s9+$0x1A80];
	_ =	sdelay $0x2  }
0x14c: {  	v7 =	vld [tilespmem:$0x1FC40];
	_ =	sdelay $0x1  }
0x14d: {  	[tilespmem:v6+s3+$0x0] =	vst.idx.msk $0xffff, v0  }
0x14e: {  	v0 =	vld [tilespmem:s9+$0x1A90];
	_ =	sdelay $0x2  }
0x14f: {  	v8 =	vld [tilespmem:$0x1FC50];
	_ =	sdelay $0x1  }
0x150: {  	[tilespmem:v7+s3+$0x0] =	vst.idx.msk $0xffff, v0  }
0x151: {  	v0 =	vld [tilespmem:s9+$0x20C0];
	_ =	sdelay $0x2  }
0x152: {  	v9 =	vld [tilespmem:$0x1FC60];
	_ =	sdelay $0x1  }
0x153: {  	[tilespmem:v8+s3+$0x0] =	vst.idx.msk $0xffff, v0  }
0x154: {  	v0 =	vld [tilespmem:s9+$0x20D0];
	_ =	sdelay $0x2  }
0x155: {  	v10 =	vld [tilespmem:$0x1FC70];
	_ =	sdelay $0x1  }
0x156: {  	[tilespmem:v9+s3+$0x0] =	vst.idx.msk $0xffff, v0  }
0x157: {  	v0 =	vld [tilespmem:s9+$0x2700];
	_ =	sdelay $0x2  }
0x158: {  	v11 =	vld [tilespmem:$0x1FC80];
	_ =	sdelay $0x1  }
0x159: {  	[tilespmem:v10+s3+$0x0] =	vst.idx.msk $0xffff, v0  }
0x15a: {  	v0 =	vld [tilespmem:s9+$0x2710];
	_ =	sdelay $0x2  }
0x15b: {  	v12 =	vld [tilespmem:$0x1FC90];
	_ =	sdelay $0x1  }
0x15c: {  	[tilespmem:v11+s3+$0x0] =	vst.idx.msk $0xffff, v0  }
0x15d: {  	v0 =	vld [tilespmem:s9+$0x2D40];
	_ =	sdelay $0x2  }
0x15e: {  	v13 =	vld [tilespmem:$0x1FCA0];
	_ =	sdelay $0x1  }
0x15f: {  	[tilespmem:v12+s3+$0x0] =	vst.idx.msk $0xffff, v0  }
0x160: {  	v0 =	vld [tilespmem:s9+$0x2D50];
	_ =	sdelay $0x2  }
0x161: {  	v14 =	vld [tilespmem:$0x1FCB0];
	_ =	sdelay $0x1  }
0x162: {  	[tilespmem:v13+s3+$0x0] =	vst.idx.msk $0xffff, v0  }
0x163: {  	v0 =	vld [tilespmem:s9+$0x3380];
	_ =	sdelay $0x2  }
0x164: {  	v15 =	vld [tilespmem:$0x1FCC0];
	_ =	sdelay $0x1  }
0x165: {  	[tilespmem:v14+s3+$0x0] =	vst.idx.msk $0xffff, v0  }
0x166: {  	v0 =	vld [tilespmem:s9+$0x3390];
	_ =	sdelay $0x2  }
0x167: {  	v16 =	vld [tilespmem:$0x1FCD0];
	_ =	sdelay $0x1  }
0x168: {  	[tilespmem:v15+s3+$0x0] =	vst.idx.msk $0xffff, v0  }
0x169: {  	v0 =	vld [tilespmem:s9+$0x39C0];
	_ =	sdelay $0x2  }
0x16a: {  	v17 =	vld [tilespmem:$0x1FCE0];
	_ =	sdelay $0x1  }
0x16b: {  	[tilespmem:v16+s3+$0x0] =	vst.idx.msk $0xffff, v0  }
0x16c: {  	v0 =	vld [tilespmem:s9+$0x39D0];
	_ =	sdelay $0x2  }
0x16d: {  	v18 =	vld [tilespmem:$0x1FCF0];
	_ =	sdelay $0x1  }
0x16e: {  	[tilespmem:v17+s3+$0x0] =	vst.idx.msk $0xffff, v0  }
0x16f: {  	v0 =	vld [tilespmem:s9+$0x4000];
	_ =	sdelay $0x2  }
0x170: {  	v19 =	vld [tilespmem:$0x1FD00];
	_ =	sdelay $0x1  }
0x171: {  	[tilespmem:v18+s3+$0x0] =	vst.idx.msk $0xffff, v0  }
0x172: {  	v0 =	vld [tilespmem:s9+$0x4010];
	_ =	sdelay $0x2  }
0x173: {  	v20 =	vld [tilespmem:$0x1FD10];
	_ =	sdelay $0x1  }
0x174: {  	[tilespmem:v19+s3+$0x0] =	vst.idx.msk $0xffff, v0  }
0x175: {  	v0 =	vld [tilespmem:s9+$0x4640];
	_ =	sdelay $0x2  }
0x176: {  	v21 =	vld [tilespmem:$0x1FD20];
	_ =	sdelay $0x1  }
0x177: {  	[tilespmem:v20+s3+$0x0] =	vst.idx.msk $0xffff, v0  }
0x178: {  	v0 =	vld [tilespmem:s9+$0x4650];
	_ =	sdelay $0x2  }
0x179: {  	v22 =	vld [tilespmem:$0x1FD30];
	_ =	sdelay $0x1  }
0x17a: {  	[tilespmem:v21+s3+$0x0] =	vst.idx.msk $0xffff, v0  }
0x17b: {  	v0 =	vld [tilespmem:s9+$0x4C80];
	_ =	sdelay $0x2  }
0x17c: {  	v23 =	vld [tilespmem:$0x1FD40];
	_ =	sdelay $0x1  }
0x17d: {  	[tilespmem:v22+s3+$0x0] =	vst.idx.msk $0xffff, v0  }
0x17e: {  	v0 =	vld [tilespmem:s9+$0x4C90];
	_ =	sdelay $0x2  }
0x17f: {  	v24 =	vld [tilespmem:$0x1FD50];
	_ =	sdelay $0x1  }
0x180: {  	[tilespmem:v23+s3+$0x0] =	vst.idx.msk $0xffff, v0  }
0x181: {  	v0 =	vld [tilespmem:s9+$0x52C0];
	_ =	sdelay $0x2  }
0x182: {  	v25 =	vld [tilespmem:$0x1FD60];
	_ =	sdelay $0x1  }
0x183: {  	[tilespmem:v24+s3+$0x0] =	vst.idx.msk $0xffff, v0  }
0x184: {  	v0 =	vld [tilespmem:s9+$0x52D0];
	_ =	sdelay $0x2  }
0x185: {  	v26 =	vld [tilespmem:$0x1FD70];
	_ =	sdelay $0x1  }
0x186: {  	[tilespmem:v25+s3+$0x0] =	vst.idx.msk $0xffff, v0  }
0x187: {  	v0 =	vld [tilespmem:s9+$0x5900];
	_ =	sdelay $0x2  }
0x188: {  	v27 =	vld [tilespmem:$0x1FD80];
	_ =	sdelay $0x1  }
0x189: {  	[tilespmem:v26+s3+$0x0] =	vst.idx.msk $0xffff, v0  }
0x18a: {  	v0 =	vld [tilespmem:s9+$0x5910];
	_ =	sdelay $0x2  }
0x18b: {  	v28 =	vld [tilespmem:$0x1FD90];
	_ =	sdelay $0x1  }
0x18c: {  	[tilespmem:v27+s3+$0x0] =	vst.idx.msk $0xffff, v0  }
0x18d: {  	v0 =	vld [tilespmem:s9+$0x5F40];
	_ =	sdelay $0x2  }
0x18e: {  	v29 =	vld [tilespmem:$0x1FDA0];
	_ =	sdelay $0x1  }
0x18f: {  	[tilespmem:v28+s3+$0x0] =	vst.idx.msk $0xffff, v0  }
0x190: {  	v0 =	vld [tilespmem:s9+$0x5F50];
	_ =	sdelay $0x2  }
0x191: {  	v30 =	vld [tilespmem:$0x1FDB0];
	_ =	sdelay $0x1  }
0x192: {  	[tilespmem:v29+s3+$0x0] =	vst.idx.msk $0xffff, v0  }
0x193: {  	v0 =	vld [tilespmem:s9+$0x6580];
	_ =	sdelay $0x2  }
0x194: {  	v31 =	vld [tilespmem:$0x1FDC0];
	_ =	sdelay $0x1  }
0x195: {  	[tilespmem:v30+s3+$0x0] =	vst.idx.msk $0xffff, v0  }
0x196: {  	v0 =	vld [tilespmem:s9+$0x6590];
	_ =	sdelay $0x2  }
0x197: {  	v32 =	vld [tilespmem:$0x1FDD0];
	_ =	sdelay $0x1  }
0x198: {  	[tilespmem:v31+s3+$0x0] =	vst.idx.msk $0xffff, v0  }
0x199: {  	v0 =	vld [tilespmem:s9+$0x6BC0];
	_ =	sdelay $0x2  }
0x19a: {  	v33 =	vld [tilespmem:$0x1FDE0];
	_ =	sdelay $0x1  }
0x19b: {  	[tilespmem:v32+s3+$0x0] =	vst.idx.msk $0xffff, v0  }
0x19c: {  	v0 =	vld [tilespmem:s9+$0x6BD0];
	_ =	sdelay $0x2  }
0x19d: {  	v34 =	vld [tilespmem:$0x1FDF0];
	_ =	sdelay $0x1  }
0x19e: {  	[tilespmem:v33+s3+$0x0] =	vst.idx.msk $0xffff, v0  }
0x19f: {  	v0 =	vld [tilespmem:s9+$0x7200];
	_ =	sdelay $0x2  }
0x1a0: {  	v35 =	vld [tilespmem:$0x1FE00];
	_ =	sdelay $0x1  }
0x1a1: {  	[tilespmem:v34+s3+$0x0] =	vst.idx.msk $0xffff, v0  }
0x1a2: {  	v0 =	vld [tilespmem:s9+$0x7210];
	_ =	sdelay $0x2  }
0x1a3: {  	v36 =	vld [tilespmem:$0x1FE10];
	_ =	sdelay $0x1  }
0x1a4: {  	[tilespmem:v35+s3+$0x0] =	vst.idx.msk $0xffff, v0  }
0x1a5: {  	v0 =	vld [tilespmem:s9+$0x7840];
	_ =	sdelay $0x2  }
0x1a6: {  	v37 =	vld [tilespmem:$0x1FE20];
	_ =	sdelay $0x1  }
0x1a7: {  	[tilespmem:v36+s3+$0x0] =	vst.idx.msk $0xffff, v0  }
0x1a8: {  	v0 =	vld [tilespmem:s9+$0x7850];
	_ =	sdelay $0x2  }
0x1a9: {  	v38 =	vld [tilespmem:$0x1FE30];
	_ =	sdelay $0x1  }
0x1aa: {  	[tilespmem:v37+s3+$0x0] =	vst.idx.msk $0xffff, v0  }
0x1ab: {  	v0 =	vld [tilespmem:s9+$0x7E80];
	_ =	sdelay $0x2  }
0x1ac: {  	v39 =	vld [tilespmem:$0x1FE40];
	_ =	sdelay $0x1  }
0x1ad: {  	[tilespmem:v38+s3+$0x0] =	vst.idx.msk $0xffff, v0  }
0x1ae: {  	v0 =	vld [tilespmem:s9+$0x7E90];
	_ =	sdelay $0x2  }
0x1af: {  	v40 =	vld [tilespmem:$0x1FE50];
	_ =	sdelay $0x1  }
0x1b0: {  	[tilespmem:v39+s3+$0x0] =	vst.idx.msk $0xffff, v0  }
0x1b1: {  	v0 =	vld [tilespmem:s9+$0x84C0];
	_ =	sdelay $0x2  }
0x1b2: {  	v41 =	vld [tilespmem:$0x1FE60];
	_ =	sdelay $0x1  }
0x1b3: {  	[tilespmem:v40+s3+$0x0] =	vst.idx.msk $0xffff, v0  }
0x1b4: {  	v0 =	vld [tilespmem:s9+$0x84D0];
	_ =	sdelay $0x2  }
0x1b5: {  	v42 =	vld [tilespmem:$0x1FE70];
	_ =	sdelay $0x1  }
0x1b6: {  	[tilespmem:v41+s3+$0x0] =	vst.idx.msk $0xffff, v0  }
0x1b7: {  	v0 =	vld [tilespmem:s9+$0x8B00];
	_ =	sdelay $0x2  }
0x1b8: {  	v43 =	vld [tilespmem:$0x1FE80];
	_ =	sdelay $0x1  }
0x1b9: {  	[tilespmem:v42+s3+$0x0] =	vst.idx.msk $0xffff, v0  }
0x1ba: {  	v0 =	vld [tilespmem:s9+$0x8B10];
	_ =	sdelay $0x2  }
0x1bb: {  	v44 =	vld [tilespmem:$0x1FE90];
	_ =	sdelay $0x1  }
0x1bc: {  	[tilespmem:v43+s3+$0x0] =	vst.idx.msk $0xffff, v0  }
0x1bd: {  	v0 =	vld [tilespmem:s9+$0x9140];
	_ =	sdelay $0x2  }
0x1be: {  	v45 =	vld [tilespmem:$0x1FEA0];
	_ =	sdelay $0x1  }
0x1bf: {  	[tilespmem:v44+s3+$0x0] =	vst.idx.msk $0xffff, v0  }
0x1c0: {  	v0 =	vld [tilespmem:s9+$0x9150];
	_ =	sdelay $0x2  }
0x1c1: {  	v46 =	vld [tilespmem:$0x1FEB0];
	_ =	sdelay $0x1  }
0x1c2: {  	[tilespmem:v45+s3+$0x0] =	vst.idx.msk $0xffff, v0  }
0x1c3: {  	v0 =	vld [tilespmem:s9+$0x9780];
	_ =	sdelay $0x2  }
0x1c4: {  	v47 =	vld [tilespmem:$0x1FEC0];
	_ =	sdelay $0x1  }
0x1c5: {  	[tilespmem:v46+s3+$0x0] =	vst.idx.msk $0xffff, v0  }
0x1c6: {  	v0 =	vld [tilespmem:s9+$0x9790];
	_ =	sdelay $0x2  }
0x1c7: {  	v48 =	vld [tilespmem:$0x1FED0];
	_ =	sdelay $0x1  }
0x1c8: {  	[tilespmem:v47+s3+$0x0] =	vst.idx.msk $0xffff, v0  }
0x1c9: {  	v0 =	vld [tilespmem:s9+$0x9DC0];
	_ =	sdelay $0x2  }
0x1ca: {  	v49 =	vld [tilespmem:$0x1FEE0];
	_ =	sdelay $0x1  }
0x1cb: {  	[tilespmem:v48+s3+$0x0] =	vst.idx.msk $0xffff, v0  }
0x1cc: {  	v0 =	vld [tilespmem:s9+$0x9DD0];
	_ =	sdelay $0x2  }
0x1cd: {  	v50 =	vld [tilespmem:$0x1FEF0];
	_ =	sdelay $0x1  }
0x1ce: {  	[tilespmem:v49+s3+$0x0] =	vst.idx.msk $0xffff, v0  }
0x1cf: {  	v0 =	vld [tilespmem:s9+$0xA400];
	_ =	sdelay $0x2  }
0x1d0: {  	v51 =	vld [tilespmem:$0x1FF00];
	_ =	sdelay $0x1  }
0x1d1: {  	[tilespmem:v50+s3+$0x0] =	vst.idx.msk $0xffff, v0  }
0x1d2: {  	v0 =	vld [tilespmem:s9+$0xA410];
	_ =	sdelay $0x2  }
0x1d3: {  	v52 =	vld [tilespmem:$0x1FF10];
	_ =	sdelay $0x1  }
0x1d4: {  	[tilespmem:v51+s3+$0x0] =	vst.idx.msk $0xffff, v0  }
0x1d5: {  	v0 =	vld [tilespmem:s9+$0xAA40];
	_ =	sdelay $0x2  }
0x1d6: {  	v53 =	vld [tilespmem:$0x1FF20];
	_ =	sdelay $0x1  }
0x1d7: {  	[tilespmem:v52+s3+$0x0] =	vst.idx.msk $0xffff, v0  }
0x1d8: {  	v0 =	vld [tilespmem:s9+$0xAA50];
	_ =	sdelay $0x2  }
0x1d9: {  	v54 =	vld [tilespmem:$0x1FF30];
	_ =	sdelay $0x1  }
0x1da: {  	[tilespmem:v53+s3+$0x0] =	vst.idx.msk $0xffff, v0  }
0x1db: {  	v0 =	vld [tilespmem:s9+$0xB080];
	_ =	sdelay $0x2  }
0x1dc: {  	v55 =	vld [tilespmem:$0x1FF40];
	_ =	sdelay $0x1  }
0x1dd: {  	[tilespmem:v54+s3+$0x0] =	vst.idx.msk $0xffff, v0  }
0x1de: {  	v0 =	vld [tilespmem:s9+$0xB090];
	_ =	sdelay $0x2  }
0x1df: {  	v56 =	vld [tilespmem:$0x1FF50];
	_ =	sdelay $0x1  }
0x1e0: {  	[tilespmem:v55+s3+$0x0] =	vst.idx.msk $0xffff, v0  }
0x1e1: {  	v0 =	vld [tilespmem:s9+$0xB6C0];
	_ =	sdelay $0x2  }
0x1e2: {  	v57 =	vld [tilespmem:$0x1FF60];
	_ =	sdelay $0x1  }
0x1e3: {  	[tilespmem:v56+s3+$0x0] =	vst.idx.msk $0xffff, v0  }
0x1e4: {  	v0 =	vld [tilespmem:s9+$0xB6D0];
	_ =	sdelay $0x2  }
0x1e5: {  	v58 =	vld [tilespmem:$0x1FF70];
	_ =	sdelay $0x1  }
0x1e6: {  	[tilespmem:v57+s3+$0x0] =	vst.idx.msk $0xffff, v0  }
0x1e7: {  	v0 =	vld [tilespmem:s9+$0xBD00];
	_ =	sdelay $0x2  }
0x1e8: {  	v59 =	vld [tilespmem:$0x1FF80];
	_ =	sdelay $0x1  }
0x1e9: {  	[tilespmem:v58+s3+$0x0] =	vst.idx.msk $0xffff, v0  }
0x1ea: {  	v0 =	vld [tilespmem:s9+$0xBD10];
	_ =	sdelay $0x2  }
0x1eb: {  	v60 =	vld [tilespmem:$0x1FF90];
	_ =	sdelay $0x1  }
0x1ec: {  	[tilespmem:v59+s3+$0x0] =	vst.idx.msk $0xffff, v0  }
0x1ed: {  	v0 =	vld [tilespmem:s9+$0xC340];
	_ =	sdelay $0x2  }
0x1ee: {  	v61 =	vld [tilespmem:$0x1FFA0];
	_ =	sdelay $0x1  }
0x1ef: {  	[tilespmem:v60+s3+$0x0] =	vst.idx.msk $0xffff, v0  }
0x1f0: {  	v0 =	vld [tilespmem:s9+$0xC350];
	_ =	sdelay $0x2  }
0x1f1: {  	v62 =	vld [tilespmem:$0x1FFB0];
	_ =	sdelay $0x1  }
0x1f2: {  	[tilespmem:v61+s3+$0x0] =	vst.idx.msk $0xffff, v0  }
0x1f3: {  	v0 =	vld [tilespmem:s9+$0xC980];
	_ =	sdelay $0x2  }
0x1f4: {  	v63 =	vld [tilespmem:$0x1FFC0];
	_ =	sdelay $0x1  }
0x1f5: {  	[tilespmem:v62+s3+$0x0] =	vst.idx.msk $0xffff, v0  }
0x1f6: {  	v0 =	vld [tilespmem:s9+$0xC990];
	_ =	sdelay $0x2  }
0x1f7: {  	v1 =	vld [tilespmem:$0x1FFD0];
	_ =	sdelay $0x1  }
0x1f8: {  	[tilespmem:v63+s3+$0x0] =	vst.idx.msk $0xffff, v0  }
0x1f9: {  	v0 =	vld [tilespmem:s9+$0xCFC0];
	_ =	sdelay $0x4  }
0x1fa: {  	[tilespmem:v1+s3+$0x0] =	vst.idx.msk $0xffff, v0;
	v1 =	vld [tilespmem:$0x1FFF0];
	_ =	sdelay $0x2  }
0x1fb: {  	v0 =	vld [tilespmem:s9+$0xCFD0];
	_ =	sdelay $0x3  }
0x1fc: {  	s10 =	sshrl.u32 s11, $0x3  }
0x1fd: {  	s10 =	sadd.s32 s2, s10;
	[tilespmem:v1+s3+$0x0] =	vst.idx.msk $0xffff, v0  }
0x1fe: {  	[hbm4b:s10+s13] =	stream.strided.scatter [tilespmem:s3], [sflag:$0x5], $0x100, s17, s13, $0x38;
	[tilespmem:$0x1A600] =	vst v63  }
0x1ff: {  	s30 =	sadd.s32 $0x4000, s10  }
0x200: {  	[hbm4b:s30+s13] =	stream.strided.scatter [tilespmem:s18], [sflag:$0x5], $0x100, s17, s13, $0x38;
	[tilespmem:$0x1A600] =	vst v63  }
0x201: {  	s30 =	sadd.s32 $0x8000, s10  }
0x202: {  	[hbm4b:s30+s13] =	stream.strided.scatter [tilespmem:s19], [sflag:$0x5], $0x100, s17, s13, $0x38;
	[tilespmem:$0x1A600] =	vst v63  }
0x203: {  	s10 =	sadd.s32 $0xC000, s10  }
0x204: {  	[hbm4b:s10+s13] =	stream.strided.scatter [tilespmem:s20], [sflag:$0x5], $0x100, s17, s13, $0x38;
	[tilespmem:$0x1A600] =	vst v63  }
0x205: {  	s10 =	simm.s32 @!p2 $0x6  }
0x206: {  	_ =	swait.ge @!p2 [sflag:s10], $0x400  }
0x207: {  	[sflag:s10] =	ssyncset.done @!p2 $0x0  }
0x208: {  	[sflag:s10] =	ssyncadd.s32 @!p2 $0xFFFFFC00  }
0x209: {  	v0 =	vld [tilespmem:s9+$0xE20];
	_ =	sdelay $0x4  }
0x20a: {  	[tilespmem:v2+s21+$0x0] =	vst.idx.msk $0xffff, v0  }
0x20b: {  	v0 =	vld [tilespmem:s9+$0xE30];
	_ =	sdelay $0x4  }
0x20c: {  	[tilespmem:v3+s21+$0x0] =	vst.idx.msk $0xffff, v0  }
0x20d: {  	v0 =	vld [tilespmem:s9+$0x1460];
	_ =	sdelay $0x4  }
0x20e: {  	[tilespmem:v4+s21+$0x0] =	vst.idx.msk $0xffff, v0  }
0x20f: {  	v0 =	vld [tilespmem:s9+$0x1470];
	_ =	sdelay $0x4  }
0x210: {  	[tilespmem:v5+s21+$0x0] =	vst.idx.msk $0xffff, v0  }
0x211: {  	v0 =	vld [tilespmem:s9+$0x1AA0];
	_ =	sdelay $0x4  }
0x212: {  	[tilespmem:v6+s21+$0x0] =	vst.idx.msk $0xffff, v0  }
0x213: {  	v0 =	vld [tilespmem:s9+$0x1AB0];
	_ =	sdelay $0x4  }
0x214: {  	[tilespmem:v7+s21+$0x0] =	vst.idx.msk $0xffff, v0  }
0x215: {  	v0 =	vld [tilespmem:s9+$0x20E0];
	_ =	sdelay $0x4  }
0x216: {  	[tilespmem:v8+s21+$0x0] =	vst.idx.msk $0xffff, v0  }
0x217: {  	v0 =	vld [tilespmem:s9+$0x20F0];
	_ =	sdelay $0x4  }
0x218: {  	[tilespmem:v9+s21+$0x0] =	vst.idx.msk $0xffff, v0  }
0x219: {  	v0 =	vld [tilespmem:s9+$0x2720];
	_ =	sdelay $0x4  }
0x21a: {  	[tilespmem:v10+s21+$0x0] =	vst.idx.msk $0xffff, v0  }
0x21b: {  	v0 =	vld [tilespmem:s9+$0x2730];
	_ =	sdelay $0x4  }
0x21c: {  	[tilespmem:v11+s21+$0x0] =	vst.idx.msk $0xffff, v0  }
0x21d: {  	v0 =	vld [tilespmem:s9+$0x2D60];
	_ =	sdelay $0x4  }
0x21e: {  	[tilespmem:v12+s21+$0x0] =	vst.idx.msk $0xffff, v0  }
0x21f: {  	v0 =	vld [tilespmem:s9+$0x2D70];
	_ =	sdelay $0x4  }
0x220: {  	[tilespmem:v13+s21+$0x0] =	vst.idx.msk $0xffff, v0  }
0x221: {  	v0 =	vld [tilespmem:s9+$0x33A0];
	_ =	sdelay $0x4  }
0x222: {  	[tilespmem:v14+s21+$0x0] =	vst.idx.msk $0xffff, v0  }
0x223: {  	v0 =	vld [tilespmem:s9+$0x33B0];
	_ =	sdelay $0x4  }
0x224: {  	[tilespmem:v15+s21+$0x0] =	vst.idx.msk $0xffff, v0  }
0x225: {  	v0 =	vld [tilespmem:s9+$0x39E0];
	_ =	sdelay $0x4  }
0x226: {  	[tilespmem:v16+s21+$0x0] =	vst.idx.msk $0xffff, v0  }
0x227: {  	v0 =	vld [tilespmem:s9+$0x39F0];
	_ =	sdelay $0x4  }
0x228: {  	[tilespmem:v17+s21+$0x0] =	vst.idx.msk $0xffff, v0  }
0x229: {  	v0 =	vld [tilespmem:s9+$0x4020];
	_ =	sdelay $0x4  }
0x22a: {  	[tilespmem:v18+s21+$0x0] =	vst.idx.msk $0xffff, v0  }
0x22b: {  	v0 =	vld [tilespmem:s9+$0x4030];
	_ =	sdelay $0x4  }
0x22c: {  	[tilespmem:v19+s21+$0x0] =	vst.idx.msk $0xffff, v0  }
0x22d: {  	v0 =	vld [tilespmem:s9+$0x4660];
	_ =	sdelay $0x4  }
0x22e: {  	[tilespmem:v20+s21+$0x0] =	vst.idx.msk $0xffff, v0  }
0x22f: {  	v0 =	vld [tilespmem:s9+$0x4670];
	_ =	sdelay $0x4  }
0x230: {  	[tilespmem:v21+s21+$0x0] =	vst.idx.msk $0xffff, v0  }
0x231: {  	v0 =	vld [tilespmem:s9+$0x4CA0];
	_ =	sdelay $0x4  }
0x232: {  	[tilespmem:v22+s21+$0x0] =	vst.idx.msk $0xffff, v0  }
0x233: {  	v0 =	vld [tilespmem:s9+$0x4CB0];
	_ =	sdelay $0x4  }
0x234: {  	[tilespmem:v23+s21+$0x0] =	vst.idx.msk $0xffff, v0  }
0x235: {  	v0 =	vld [tilespmem:s9+$0x52E0];
	_ =	sdelay $0x4  }
0x236: {  	[tilespmem:v24+s21+$0x0] =	vst.idx.msk $0xffff, v0  }
0x237: {  	v0 =	vld [tilespmem:s9+$0x52F0];
	_ =	sdelay $0x4  }
0x238: {  	[tilespmem:v25+s21+$0x0] =	vst.idx.msk $0xffff, v0  }
0x239: {  	v0 =	vld [tilespmem:s9+$0x5920];
	_ =	sdelay $0x4  }
0x23a: {  	[tilespmem:v26+s21+$0x0] =	vst.idx.msk $0xffff, v0  }
0x23b: {  	v0 =	vld [tilespmem:s9+$0x5930];
	_ =	sdelay $0x4  }
0x23c: {  	[tilespmem:v27+s21+$0x0] =	vst.idx.msk $0xffff, v0  }
0x23d: {  	v0 =	vld [tilespmem:s9+$0x5F60];
	_ =	sdelay $0x4  }
0x23e: {  	[tilespmem:v28+s21+$0x0] =	vst.idx.msk $0xffff, v0  }
0x23f: {  	v0 =	vld [tilespmem:s9+$0x5F70];
	_ =	sdelay $0x4  }
0x240: {  	[tilespmem:v29+s21+$0x0] =	vst.idx.msk $0xffff, v0  }
0x241: {  	v0 =	vld [tilespmem:s9+$0x65A0];
	_ =	sdelay $0x4  }
0x242: {  	[tilespmem:v30+s21+$0x0] =	vst.idx.msk $0xffff, v0  }
0x243: {  	v0 =	vld [tilespmem:s9+$0x65B0];
	_ =	sdelay $0x4  }
0x244: {  	[tilespmem:v31+s21+$0x0] =	vst.idx.msk $0xffff, v0  }
0x245: {  	v0 =	vld [tilespmem:s9+$0x6BE0];
	_ =	sdelay $0x4  }
0x246: {  	[tilespmem:v32+s21+$0x0] =	vst.idx.msk $0xffff, v0  }
0x247: {  	v0 =	vld [tilespmem:s9+$0x6BF0];
	_ =	sdelay $0x4  }
0x248: {  	[tilespmem:v33+s21+$0x0] =	vst.idx.msk $0xffff, v0  }
0x249: {  	v0 =	vld [tilespmem:s9+$0x7220];
	_ =	sdelay $0x4  }
0x24a: {  	[tilespmem:v34+s21+$0x0] =	vst.idx.msk $0xffff, v0  }
0x24b: {  	v0 =	vld [tilespmem:s9+$0x7230];
	_ =	sdelay $0x4  }
0x24c: {  	[tilespmem:v35+s21+$0x0] =	vst.idx.msk $0xffff, v0  }
0x24d: {  	v0 =	vld [tilespmem:s9+$0x7860];
	_ =	sdelay $0x4  }
0x24e: {  	[tilespmem:v36+s21+$0x0] =	vst.idx.msk $0xffff, v0  }
0x24f: {  	v0 =	vld [tilespmem:s9+$0x7870];
	_ =	sdelay $0x4  }
0x250: {  	[tilespmem:v37+s21+$0x0] =	vst.idx.msk $0xffff, v0  }
0x251: {  	v0 =	vld [tilespmem:s9+$0x7EA0];
	_ =	sdelay $0x4  }
0x252: {  	[tilespmem:v38+s21+$0x0] =	vst.idx.msk $0xffff, v0  }
0x253: {  	v0 =	vld [tilespmem:s9+$0x7EB0];
	_ =	sdelay $0x4  }
0x254: {  	[tilespmem:v39+s21+$0x0] =	vst.idx.msk $0xffff, v0  }
0x255: {  	v0 =	vld [tilespmem:s9+$0x84E0];
	_ =	sdelay $0x4  }
0x256: {  	[tilespmem:v40+s21+$0x0] =	vst.idx.msk $0xffff, v0  }
0x257: {  	v0 =	vld [tilespmem:s9+$0x84F0];
	_ =	sdelay $0x4  }
0x258: {  	[tilespmem:v41+s21+$0x0] =	vst.idx.msk $0xffff, v0  }
0x259: {  	v0 =	vld [tilespmem:s9+$0x8B20];
	_ =	sdelay $0x4  }
0x25a: {  	[tilespmem:v42+s21+$0x0] =	vst.idx.msk $0xffff, v0  }
0x25b: {  	v0 =	vld [tilespmem:s9+$0x8B30];
	_ =	sdelay $0x4  }
0x25c: {  	[tilespmem:v43+s21+$0x0] =	vst.idx.msk $0xffff, v0  }
0x25d: {  	v0 =	vld [tilespmem:s9+$0x9160];
	_ =	sdelay $0x4  }
0x25e: {  	[tilespmem:v44+s21+$0x0] =	vst.idx.msk $0xffff, v0  }
0x25f: {  	v0 =	vld [tilespmem:s9+$0x9170];
	_ =	sdelay $0x4  }
0x260: {  	[tilespmem:v45+s21+$0x0] =	vst.idx.msk $0xffff, v0  }
0x261: {  	v0 =	vld [tilespmem:s9+$0x97A0];
	_ =	sdelay $0x4  }
0x262: {  	[tilespmem:v46+s21+$0x0] =	vst.idx.msk $0xffff, v0  }
0x263: {  	v0 =	vld [tilespmem:s9+$0x97B0];
	_ =	sdelay $0x4  }
0x264: {  	[tilespmem:v47+s21+$0x0] =	vst.idx.msk $0xffff, v0  }
0x265: {  	v0 =	vld [tilespmem:s9+$0x9DE0];
	_ =	sdelay $0x4  }
0x266: {  	[tilespmem:v48+s21+$0x0] =	vst.idx.msk $0xffff, v0  }
0x267: {  	v0 =	vld [tilespmem:s9+$0x9DF0];
	_ =	sdelay $0x4  }
0x268: {  	[tilespmem:v49+s21+$0x0] =	vst.idx.msk $0xffff, v0  }
0x269: {  	v0 =	vld [tilespmem:s9+$0xA420];
	_ =	sdelay $0x4  }
0x26a: {  	[tilespmem:v50+s21+$0x0] =	vst.idx.msk $0xffff, v0  }
0x26b: {  	v0 =	vld [tilespmem:s9+$0xA430];
	_ =	sdelay $0x4  }
0x26c: {  	[tilespmem:v51+s21+$0x0] =	vst.idx.msk $0xffff, v0  }
0x26d: {  	v0 =	vld [tilespmem:s9+$0xAA60];
	_ =	sdelay $0x4  }
0x26e: {  	[tilespmem:v52+s21+$0x0] =	vst.idx.msk $0xffff, v0  }
0x26f: {  	v0 =	vld [tilespmem:s9+$0xAA70];
	_ =	sdelay $0x4  }
0x270: {  	[tilespmem:v53+s21+$0x0] =	vst.idx.msk $0xffff, v0  }
0x271: {  	v0 =	vld [tilespmem:s9+$0xB0A0];
	_ =	sdelay $0x4  }
0x272: {  	[tilespmem:v54+s21+$0x0] =	vst.idx.msk $0xffff, v0  }
0x273: {  	v0 =	vld [tilespmem:s9+$0xB0B0];
	_ =	sdelay $0x4  }
0x274: {  	[tilespmem:v55+s21+$0x0] =	vst.idx.msk $0xffff, v0  }
0x275: {  	v0 =	vld [tilespmem:s9+$0xB6E0];
	_ =	sdelay $0x4  }
0x276: {  	[tilespmem:v56+s21+$0x0] =	vst.idx.msk $0xffff, v0  }
0x277: {  	v0 =	vld [tilespmem:s9+$0xB6F0];
	_ =	sdelay $0x4  }
0x278: {  	[tilespmem:v57+s21+$0x0] =	vst.idx.msk $0xffff, v0  }
0x279: {  	v0 =	vld [tilespmem:s9+$0xBD20];
	_ =	sdelay $0x4  }
0x27a: {  	[tilespmem:v58+s21+$0x0] =	vst.idx.msk $0xffff, v0  }
0x27b: {  	v0 =	vld [tilespmem:s9+$0xBD30];
	_ =	sdelay $0x4  }
0x27c: {  	[tilespmem:v59+s21+$0x0] =	vst.idx.msk $0xffff, v0  }
0x27d: {  	v0 =	vld [tilespmem:s9+$0xC360];
	_ =	sdelay $0x4  }
0x27e: {  	[tilespmem:v60+s21+$0x0] =	vst.idx.msk $0xffff, v0  }
0x27f: {  	v0 =	vld [tilespmem:s9+$0xC370];
	_ =	sdelay $0x4  }
0x280: {  	[tilespmem:v61+s21+$0x0] =	vst.idx.msk $0xffff, v0  }
0x281: {  	v0 =	vld [tilespmem:s9+$0xC9A0];
	_ =	sdelay $0x4  }
0x282: {  	[tilespmem:v62+s21+$0x0] =	vst.idx.msk $0xffff, v0  }
0x283: {  	v0 =	vld [tilespmem:s9+$0xC9B0];
	_ =	sdelay $0x2  }
0x284: {  	v62 =	vld [tilespmem:$0x1FFD0];
	_ =	sdelay $0x1  }
0x285: {  	[tilespmem:v63+s21+$0x0] =	vst.idx.msk $0xffff, v0  }
0x286: {  	v0 =	vld [tilespmem:s9+$0xCFE0];
	_ =	sdelay $0x2  }
0x287: {  	v63 =	vld [tilespmem:$0x1FFF0];
	_ =	sdelay $0x1  }
0x288: {  	[tilespmem:v62+s21+$0x0] =	vst.idx.msk $0xffff, v0  }
0x289: {  	v0 =	vld [tilespmem:s9+$0xCFF0];
	_ =	sdelay $0x4  }
0x28a: {  	s14 =	sadd.s32 $0x100, s14;
	[tilespmem:v63+s21+$0x0] =	vst.idx.msk $0xffff, v0  }
0x28b: {  	[hbm4b:s12+s13] =	stream.strided.scatter [tilespmem:s21], [sflag:$0x6], $0x100, s17, s13, $0x38;
	[tilespmem:$0x1A600] =	vst v63  }
0x28c: {  	s30 =	sadd.s32 $0x4000, s12;
	p2 =	sne.s32 s14, $0x1900  }
0x28d: {  	[hbm4b:s30+s13] =	stream.strided.scatter [tilespmem:s22], [sflag:$0x6], $0x100, s17, s13, $0x38;
	[tilespmem:$0x1A600] =	vst v63  }
.Ltmp0:
0x28e: {  	_ = 	snop;
	(pc) =	sbr.rel @p2 .LBB2_3-.Ltmp0, $4  }
0x28f: {  	s10 =	sadd.s32 $0x8000, s12  }
0x290: {  	[hbm4b:s10+s13] =	stream.strided.scatter [tilespmem:s23], [sflag:$0x6], $0x100, s17, s13, $0x38;
	[tilespmem:$0x1A600] =	vst v63  }
0x291: {  	s11 =	sadd.s32 $0x100000, s11;
	s30 =	sadd.s32 $0xC000, s12;
	s12 =	sadd.s32 $0x20000, s12  }
0x292: {  	[hbm4b:s30+s13] =	stream.strided.scatter [tilespmem:s24], [sflag:$0x6], $0x100, s17, s13, $0x38;
	[tilespmem:$0x1A600] =	vst v63  }
0x293: {  	_ =	swait.ge [sflag:s25], $0x400  }
.Ltmp1:
0x294: {  	[sflag:s25] =	ssyncset.done $0x0;
	(pc) =	sbr.rel @p1 .LBB2_6-.Ltmp1, $4  }
0x295: {  	[sflag:s25] =	ssyncadd.s32 $0xFFFFFC00  }
0x296: {  	_ =	swait.ge [sflag:s26], $0x400  }
0x297: {  	[sflag:s26] =	ssyncset.done $0x0  }
0x298: {  	[sflag:s26] =	ssyncadd.s32 $0xFFFFFC00  }
0x299: {  	s9 =	simm.s32 $0x1  }
0x29a: {  	_ =	swait.ge [sflag:s9], $0x700  }
0x29b: {  	[sflag:s9] =	ssyncset.done $0x0  }
0x29c: {  	s12 =	simm.s32 $0x0;
	s10 =	simm.s32 $0xE00;
	[sflag:s9] =	ssyncadd.s32 $0xFFFFF900  }
0x29d: {  	[tilespmem:s10], [sflag:$0x3] =	stream.indirect.gather [hbm4b:s6+s15], $0x20, s12, s15, $0xb8;
	[tilespmem:$0x1A600] =	vst v63  }
0x29e: {  	s14 =	simm.s32 $0x38;
	s30 =	simm.s32 $0x1440  }
0x29f: {  	[tilespmem:s30], [sflag:$0x3] =	stream.indirect.gather [hbm4b:s6+s15], $0x20, s14, s15, $0xb8;
	[tilespmem:$0x1A600] =	vst v63  }
0x2a0: {  	s11 =	simm.s32 $0x70;
	s12 =	simm.s32 $0x1A80  }
0x2a1: {  	[tilespmem:s12], [sflag:$0x3] =	stream.indirect.gather [hbm4b:s6+s15], $0x20, s11, s15, $0xb8;
	[tilespmem:$0x1A600] =	vst v63  }
0x2a2: {  	s14 =	simm.s32 $0xA8;
	s30 =	simm.s32 $0x20C0  }
0x2a3: {  	[tilespmem:s30], [sflag:$0x3] =	stream.indirect.gather [hbm4b:s6+s15], $0x20, s14, s15, $0xb8;
	[tilespmem:$0x1A600] =	vst v63  }
0x2a4: {  	s11 =	simm.s32 $0xE0;
	s12 =	simm.s32 $0x2700  }
0x2a5: {  	[tilespmem:s12], [sflag:$0x3] =	stream.indirect.gather [hbm4b:s6+s15], $0x20, s11, s15, $0xb8;
	[tilespmem:$0x1A600] =	vst v63  }
0x2a6: {  	s14 =	simm.s32 $0x118;
	s30 =	simm.s32 $0x2D40  }
0x2a7: {  	[tilespmem:s30], [sflag:$0x3] =	stream.indirect.gather [hbm4b:s6+s15], $0x20, s14, s15, $0xb8;
	[tilespmem:$0x1A600] =	vst v63  }
0x2a8: {  	s11 =	simm.s32 $0x150;
	s12 =	simm.s32 $0x3380  }
0x2a9: {  	[tilespmem:s12], [sflag:$0x3] =	stream.indirect.gather [hbm4b:s6+s15], $0x20, s11, s15, $0xb8;
	[tilespmem:$0x1A600] =	vst v63  }
0x2aa: {  	s14 =	simm.s32 $0x188;
	s30 =	simm.s32 $0x39C0  }
0x2ab: {  	[tilespmem:s30], [sflag:$0x3] =	stream.indirect.gather [hbm4b:s6+s15], $0x20, s14, s15, $0xb8;
	[tilespmem:$0x1A600] =	vst v63  }
0x2ac: {  	s11 =	simm.s32 $0x1C0;
	s12 =	simm.s32 $0x4000  }
0x2ad: {  	[tilespmem:s12], [sflag:$0x3] =	stream.indirect.gather [hbm4b:s6+s15], $0x20, s11, s15, $0xb8;
	[tilespmem:$0x1A600] =	vst v63  }
0x2ae: {  	s14 =	simm.s32 $0x1F8;
	s30 =	simm.s32 $0x4640  }
0x2af: {  	[tilespmem:s30], [sflag:$0x3] =	stream.indirect.gather [hbm4b:s6+s15], $0x20, s14, s15, $0xb8;
	[tilespmem:$0x1A600] =	vst v63  }
0x2b0: {  	s11 =	simm.s32 $0x230;
	s12 =	simm.s32 $0x4C80  }
0x2b1: {  	[tilespmem:s12], [sflag:$0x3] =	stream.indirect.gather [hbm4b:s6+s15], $0x20, s11, s15, $0xb8;
	[tilespmem:$0x1A600] =	vst v63  }
0x2b2: {  	s14 =	simm.s32 $0x268;
	s30 =	simm.s32 $0x52C0  }
0x2b3: {  	[tilespmem:s30], [sflag:$0x3] =	stream.indirect.gather [hbm4b:s6+s15], $0x20, s14, s15, $0xb8;
	[tilespmem:$0x1A600] =	vst v63  }
0x2b4: {  	s11 =	simm.s32 $0x2A0;
	s12 =	simm.s32 $0x5900  }
0x2b5: {  	[tilespmem:s12], [sflag:$0x3] =	stream.indirect.gather [hbm4b:s6+s15], $0x20, s11, s15, $0xb8;
	[tilespmem:$0x1A600] =	vst v63  }
0x2b6: {  	s14 =	simm.s32 $0x2D8;
	s30 =	simm.s32 $0x5F40  }
0x2b7: {  	[tilespmem:s30], [sflag:$0x3] =	stream.indirect.gather [hbm4b:s6+s15], $0x20, s14, s15, $0xb8;
	[tilespmem:$0x1A600] =	vst v63  }
0x2b8: {  	s11 =	simm.s32 $0x310;
	s12 =	simm.s32 $0x6580  }
0x2b9: {  	[tilespmem:s12], [sflag:$0x3] =	stream.indirect.gather [hbm4b:s6+s15], $0x20, s11, s15, $0xb8;
	[tilespmem:$0x1A600] =	vst v63  }
0x2ba: {  	s14 =	simm.s32 $0x348;
	s30 =	simm.s32 $0x6BC0  }
0x2bb: {  	[tilespmem:s30], [sflag:$0x3] =	stream.indirect.gather [hbm4b:s6+s15], $0x20, s14, s15, $0xb8;
	[tilespmem:$0x1A600] =	vst v63  }
0x2bc: {  	s11 =	simm.s32 $0x380;
	s12 =	simm.s32 $0x7200  }
0x2bd: {  	[tilespmem:s12], [sflag:$0x3] =	stream.indirect.gather [hbm4b:s6+s15], $0x20, s11, s15, $0xb8;
	[tilespmem:$0x1A600] =	vst v63  }
0x2be: {  	s14 =	simm.s32 $0x3B8;
	s30 =	simm.s32 $0x7840  }
0x2bf: {  	[tilespmem:s30], [sflag:$0x3] =	stream.indirect.gather [hbm4b:s6+s15], $0x20, s14, s15, $0xb8;
	[tilespmem:$0x1A600] =	vst v63  }
0x2c0: {  	s11 =	simm.s32 $0x3F0;
	s12 =	simm.s32 $0x7E80  }
0x2c1: {  	[tilespmem:s12], [sflag:$0x3] =	stream.indirect.gather [hbm4b:s6+s15], $0x20, s11, s15, $0xb8;
	[tilespmem:$0x1A600] =	vst v63  }
0x2c2: {  	s14 =	simm.s32 $0x428;
	s30 =	simm.s32 $0x84C0  }
0x2c3: {  	[tilespmem:s30], [sflag:$0x3] =	stream.indirect.gather [hbm4b:s6+s15], $0x20, s14, s15, $0xb8;
	[tilespmem:$0x1A600] =	vst v63  }
0x2c4: {  	s11 =	simm.s32 $0x460;
	s12 =	simm.s32 $0x8B00  }
0x2c5: {  	[tilespmem:s12], [sflag:$0x3] =	stream.indirect.gather [hbm4b:s6+s15], $0x20, s11, s15, $0xb8;
	[tilespmem:$0x1A600] =	vst v63  }
0x2c6: {  	s14 =	simm.s32 $0x498;
	s30 =	simm.s32 $0x9140  }
0x2c7: {  	[tilespmem:s30], [sflag:$0x3] =	stream.indirect.gather [hbm4b:s6+s15], $0x20, s14, s15, $0xb8;
	[tilespmem:$0x1A600] =	vst v63  }
0x2c8: {  	s11 =	simm.s32 $0x4D0;
	s12 =	simm.s32 $0x9780  }
0x2c9: {  	[tilespmem:s12], [sflag:$0x3] =	stream.indirect.gather [hbm4b:s6+s15], $0x20, s11, s15, $0xb8;
	[tilespmem:$0x1A600] =	vst v63  }
0x2ca: {  	s14 =	simm.s32 $0x508;
	s30 =	simm.s32 $0x9DC0  }
0x2cb: {  	[tilespmem:s30], [sflag:$0x3] =	stream.indirect.gather [hbm4b:s6+s15], $0x20, s14, s15, $0xb8;
	[tilespmem:$0x1A600] =	vst v63  }
0x2cc: {  	s11 =	simm.s32 $0x540;
	s12 =	simm.s32 $0xA400  }
0x2cd: {  	[tilespmem:s12], [sflag:$0x3] =	stream.indirect.gather [hbm4b:s6+s15], $0x20, s11, s15, $0xb8;
	[tilespmem:$0x1A600] =	vst v63  }
0x2ce: {  	s14 =	simm.s32 $0x578;
	s30 =	simm.s32 $0xAA40  }
0x2cf: {  	[tilespmem:s30], [sflag:$0x3] =	stream.indirect.gather [hbm4b:s6+s15], $0x20, s14, s15, $0xb8;
	[tilespmem:$0x1A600] =	vst v63  }
0x2d0: {  	s11 =	simm.s32 $0x5B0;
	s12 =	simm.s32 $0xB080  }
0x2d1: {  	[tilespmem:s12], [sflag:$0x3] =	stream.indirect.gather [hbm4b:s6+s15], $0x20, s11, s15, $0xb8;
	[tilespmem:$0x1A600] =	vst v63  }
0x2d2: {  	s14 =	simm.s32 $0x5E8;
	s30 =	simm.s32 $0xB6C0  }
0x2d3: {  	[tilespmem:s30], [sflag:$0x3] =	stream.indirect.gather [hbm4b:s6+s15], $0x20, s14, s15, $0xb8;
	[tilespmem:$0x1A600] =	vst v63  }
0x2d4: {  	s11 =	simm.s32 $0x620;
	s12 =	simm.s32 $0xBD00  }
0x2d5: {  	[tilespmem:s12], [sflag:$0x3] =	stream.indirect.gather [hbm4b:s6+s15], $0x20, s11, s15, $0xb8;
	[tilespmem:$0x1A600] =	vst v63  }
0x2d6: {  	s14 =	simm.s32 $0x658;
	s30 =	simm.s32 $0xC340  }
0x2d7: {  	[tilespmem:s30], [sflag:$0x3] =	stream.indirect.gather [hbm4b:s6+s15], $0x20, s14, s15, $0xb8;
	[tilespmem:$0x1A600] =	vst v63  }
0x2d8: {  	s11 =	simm.s32 $0x690;
	s12 =	simm.s32 $0xC980  }
0x2d9: {  	[tilespmem:s12], [sflag:$0x3] =	stream.indirect.gather [hbm4b:s6+s15], $0x20, s11, s15, $0xb8;
	[tilespmem:$0x1A600] =	vst v63  }
0x2da: {  	s14 =	simm.s32 $0x6C8;
	s30 =	simm.s32 $0xCFC0  }
0x2db: {  	[tilespmem:s30], [sflag:$0x3] =	stream.indirect.gather [hbm4b:s6+s15], $0x20, s14, s15, $0xb8;
	[tilespmem:$0x1A600] =	vst v63  }
.LBB2_6:
0x2dc: {  	_ =	swait.ge [sflag:s28], $0x640  }
0x2dd: {  	[sflag:s28] =	ssyncset.done $0x0  }
0x2de: {  	[sflag:s28] =	ssyncadd.s32 $0xFFFFF9C0  }
0x2df: {  	_ =	swait.ge [sflag:s28], $0x640  }
0x2e0: {  	[sflag:s28] =	ssyncset.done $0x0  }
0x2e1: {  	[sflag:s28] =	ssyncadd.s32 $0xFFFFF9C0  }
0x2e2: {  	_ =	swait.ge [sflag:s28], $0x640  }
0x2e3: {  	[sflag:s28] =	ssyncset.done $0x0  }
0x2e4: {  	[sflag:s28] =	ssyncadd.s32 $0xFFFFF9C0  }
0x2e5: {  	_ =	swait.ge [sflag:s28], $0x640  }
0x2e6: {  	[sflag:s28] =	ssyncset.done $0x0  }
0x2e7: {  	[sflag:s28] =	ssyncadd.s32 $0xFFFFF9C0  }
0x2e8: {  	_ =	swait.ge [sflag:s28], $0x640  }
0x2e9: {  	[sflag:s28] =	ssyncset.done $0x0  }
0x2ea: {  	[sflag:s28] =	ssyncadd.s32 $0xFFFFF9C0  }
0x2eb: {  	_ =	swait.ge [sflag:s28], $0x640  }
0x2ec: {  	[sflag:s28] =	ssyncset.done $0x0  }
0x2ed: {  	[sflag:s28] =	ssyncadd.s32 $0xFFFFF9C0  }
0x2ee: {  	_ =	swait.ge [sflag:s28], $0x640  }
0x2ef: {  	[sflag:s28] =	ssyncset.done $0x0  }
0x2f0: {  	[sflag:s28] =	ssyncadd.s32 $0xFFFFF9C0  }
0x2f1: {  	_ =	swait.ge [sflag:s28], $0x640  }
0x2f2: {  	[sflag:s28] =	ssyncset.done $0x0  }
0x2f3: {  	[sflag:s28] =	ssyncadd.s32 $0xFFFFF9C0  }
0x2f4: {  	_ =	swait.ge [sflag:s28], $0x640  }
0x2f5: {  	[sflag:s28] =	ssyncset.done $0x0  }
0x2f6: {  	[sflag:s28] =	ssyncadd.s32 $0xFFFFF9C0  }
0x2f7: {  	_ =	swait.ge [sflag:s28], $0x640  }
0x2f8: {  	[sflag:s28] =	ssyncset.done $0x0  }
0x2f9: {  	[sflag:s28] =	ssyncadd.s32 $0xFFFFF9C0  }
0x2fa: {  	_ =	swait.ge [sflag:s28], $0x640  }
0x2fb: {  	[sflag:s28] =	ssyncset.done $0x0  }
0x2fc: {  	[sflag:s28] =	ssyncadd.s32 $0xFFFFF9C0  }
0x2fd: {  	_ =	swait.ge [sflag:s28], $0x640  }
0x2fe: {  	[sflag:s28] =	ssyncset.done $0x0  }
0x2ff: {  	[sflag:s28] =	ssyncadd.s32 $0xFFFFF9C0  }
0x300: {  	_ =	swait.ge [sflag:s28], $0x640  }
0x301: {  	[sflag:s28] =	ssyncset.done $0x0  }
0x302: {  	[sflag:s28] =	ssyncadd.s32 $0xFFFFF9C0  }
0x303: {  	_ =	swait.ge [sflag:s28], $0x640  }
0x304: {  	[sflag:s28] =	ssyncset.done $0x0  }
0x305: {  	[sflag:s28] =	ssyncadd.s32 $0xFFFFF9C0  }
0x306: {  	_ =	swait.ge [sflag:s28], $0x640  }
0x307: {  	[sflag:s28] =	ssyncset.done $0x0  }
0x308: {  	[sflag:s28] =	ssyncadd.s32 $0xFFFFF9C0  }
0x309: {  	_ =	swait.ge [sflag:s28], $0x640  }
0x30a: {  	[sflag:s28] =	ssyncset.done $0x0  }
0x30b: {  	[sflag:s28] =	ssyncadd.s32 $0xFFFFF9C0  }
0x30c: {  	_ =	swait.ge [sflag:s28], $0x640  }
0x30d: {  	[sflag:s28] =	ssyncset.done $0x0  }
0x30e: {  	[sflag:s28] =	ssyncadd.s32 $0xFFFFF9C0  }
0x30f: {  	_ =	swait.ge [sflag:s28], $0x640  }
0x310: {  	[sflag:s28] =	ssyncset.done $0x0  }
0x311: {  	[sflag:s28] =	ssyncadd.s32 $0xFFFFF9C0  }
0x312: {  	_ =	swait.ge [sflag:s28], $0x640  }
0x313: {  	[sflag:s28] =	ssyncset.done $0x0  }
0x314: {  	[sflag:s28] =	ssyncadd.s32 $0xFFFFF9C0  }
0x315: {  	_ =	swait.ge [sflag:s28], $0x640  }
0x316: {  	[sflag:s28] =	ssyncset.done $0x0  }
0x317: {  	[sflag:s28] =	ssyncadd.s32 $0xFFFFF9C0  }
0x318: {  	_ =	swait.ge [sflag:s28], $0x640  }
0x319: {  	[sflag:s28] =	ssyncset.done $0x0  }
0x31a: {  	[sflag:s28] =	ssyncadd.s32 $0xFFFFF9C0  }
0x31b: {  	_ =	swait.ge [sflag:s28], $0x640  }
0x31c: {  	[sflag:s28] =	ssyncset.done $0x0  }
0x31d: {  	[sflag:s28] =	ssyncadd.s32 $0xFFFFF9C0  }
0x31e: {  	_ =	swait.ge [sflag:s28], $0x640  }
0x31f: {  	[sflag:s28] =	ssyncset.done $0x0  }
0x320: {  	[sflag:s28] =	ssyncadd.s32 $0xFFFFF9C0  }
0x321: {  	_ =	swait.ge [sflag:s28], $0x640  }
0x322: {  	[sflag:s28] =	ssyncset.done $0x0  }
0x323: {  	[sflag:s28] =	ssyncadd.s32 $0xFFFFF9C0  }
0x324: {  	_ =	swait.ge [sflag:s28], $0x640  }
0x325: {  	[sflag:s28] =	ssyncset.done $0x0  }
0x326: {  	[sflag:s28] =	ssyncadd.s32 $0xFFFFF9C0  }
0x327: {  	_ =	swait.ge [sflag:s28], $0x640  }
0x328: {  	[sflag:s28] =	ssyncset.done $0x0  }
0x329: {  	[sflag:s28] =	ssyncadd.s32 $0xFFFFF9C0  }
0x32a: {  	_ =	swait.ge [sflag:s28], $0x640  }
0x32b: {  	[sflag:s28] =	ssyncset.done $0x0  }
0x32c: {  	[sflag:s28] =	ssyncadd.s32 $0xFFFFF9C0  }
0x32d: {  	_ =	swait.ge [sflag:s28], $0x640  }
0x32e: {  	[sflag:s28] =	ssyncset.done $0x0  }
0x32f: {  	[sflag:s28] =	ssyncadd.s32 $0xFFFFF9C0  }
0x330: {  	_ =	swait.ge [sflag:s28], $0x640  }
0x331: {  	[sflag:s28] =	ssyncset.done $0x0  }
0x332: {  	[sflag:s28] =	ssyncadd.s32 $0xFFFFF9C0  }
0x333: {  	_ =	swait.ge [sflag:s28], $0x640  }
0x334: {  	[sflag:s28] =	ssyncset.done $0x0  }
0x335: {  	[sflag:s28] =	ssyncadd.s32 $0xFFFFF9C0  }
0x336: {  	_ =	swait.ge [sflag:s28], $0x640  }
0x337: {  	[sflag:s28] =	ssyncset.done $0x0  }
0x338: {  	[sflag:s28] =	ssyncadd.s32 $0xFFFFF9C0  }
0x339: {  	_ =	swait.ge [sflag:s28], $0x640  }
0x33a: {  	s9 =	rddreg [dreg:$0x7]  }
0x33b: {  	s8 =	sadd.s32 @!p1 s8, s9  }
0x33c: {  	s8 =	smul.u32 @!p1 $0x7, s8  }
0x33d: {  	s10 =	simm.s32 @!p1 $0x700;
	[sflag:s28] =	ssyncset.done $0x0  }
0x33e: {  	[sflag:s28] =	ssyncadd.s32 $0xFFFFF9C0;
	s9 =	simm.s32 @!p1 $0x0;
	s8 =	sadd.s32 @!p1 s5, s8  }
0x33f: {  	[tilespmem:s10], [sflag:$0x2] =	stream.linear.gather @!p1 [hbm4b:s8+s9], $0x700, $0x38;
	[tilespmem:$0x1A600] =	vst v63  }
0x340: {  	s8 =	simm.s32 $0x0  }
.LBB2_7:
0x341: {  	p1 =	seq.s32 s8, $0x0  }
0x342: {  	s9 =	simm.s32 @!p1 $0x5  }
0x343: {  	_ =	swait.ge @!p1 [sflag:s9], $0x400  }
0x344: {  	v2 =	vld [tilespmem:$0x1FFE0]  }
0x345: {  	[sflag:s9] =	ssyncset.done @!p1 $0x0  }
0x346: {  	s14 =	sshra.s32 s8, $0x2;
	[sflag:s9] =	ssyncadd.s32 @!p1 $0xFFFFFC00  }
0x347: {  	v0 =	vld [tilespmem:s14+$0xD600];
	_ =	sdelay $0x2  }
0x348: {  	v3 =	vld [tilespmem:$0x1FC00];
	_ =	sdelay $0x1  }
0x349: {  	[tilespmem:v2+s3+$0x0] =	vst.idx.msk $0xffff, v0  }
0x34a: {  	v0 =	vld [tilespmem:s14+$0xD610];
	_ =	sdelay $0x2  }
0x34b: {  	v4 =	vld [tilespmem:$0x1FC10];
	_ =	sdelay $0x1  }
0x34c: {  	[tilespmem:v3+s3+$0x0] =	vst.idx.msk $0xffff, v0  }
0x34d: {  	v0 =	vld [tilespmem:s14+$0xDC40];
	_ =	sdelay $0x2  }
0x34e: {  	v5 =	vld [tilespmem:$0x1FC20];
	_ =	sdelay $0x1  }
0x34f: {  	[tilespmem:v4+s3+$0x0] =	vst.idx.msk $0xffff, v0  }
0x350: {  	v0 =	vld [tilespmem:s14+$0xDC50];
	_ =	sdelay $0x2  }
0x351: {  	v6 =	vld [tilespmem:$0x1FC30];
	_ =	sdelay $0x1  }
0x352: {  	[tilespmem:v5+s3+$0x0] =	vst.idx.msk $0xffff, v0  }
0x353: {  	v0 =	vld [tilespmem:s14+$0xE280];
	_ =	sdelay $0x2  }
0x354: {  	v7 =	vld [tilespmem:$0x1FC40];
	_ =	sdelay $0x1  }
0x355: {  	[tilespmem:v6+s3+$0x0] =	vst.idx.msk $0xffff, v0  }
0x356: {  	v0 =	vld [tilespmem:s14+$0xE290];
	_ =	sdelay $0x2  }
0x357: {  	v8 =	vld [tilespmem:$0x1FC50];
	_ =	sdelay $0x1  }
0x358: {  	[tilespmem:v7+s3+$0x0] =	vst.idx.msk $0xffff, v0  }
0x359: {  	v0 =	vld [tilespmem:s14+$0xE8C0];
	_ =	sdelay $0x2  }
0x35a: {  	v9 =	vld [tilespmem:$0x1FC60];
	_ =	sdelay $0x1  }
0x35b: {  	[tilespmem:v8+s3+$0x0] =	vst.idx.msk $0xffff, v0  }
0x35c: {  	v0 =	vld [tilespmem:s14+$0xE8D0];
	_ =	sdelay $0x2  }
0x35d: {  	v10 =	vld [tilespmem:$0x1FC70];
	_ =	sdelay $0x1  }
0x35e: {  	[tilespmem:v9+s3+$0x0] =	vst.idx.msk $0xffff, v0  }
0x35f: {  	v0 =	vld [tilespmem:s14+$0xEF00];
	_ =	sdelay $0x2  }
0x360: {  	v11 =	vld [tilespmem:$0x1FC80];
	_ =	sdelay $0x1  }
0x361: {  	[tilespmem:v10+s3+$0x0] =	vst.idx.msk $0xffff, v0  }
0x362: {  	v0 =	vld [tilespmem:s14+$0xEF10];
	_ =	sdelay $0x2  }
0x363: {  	v12 =	vld [tilespmem:$0x1FC90];
	_ =	sdelay $0x1  }
0x364: {  	[tilespmem:v11+s3+$0x0] =	vst.idx.msk $0xffff, v0  }
0x365: {  	v0 =	vld [tilespmem:s14+$0xF540];
	_ =	sdelay $0x2  }
0x366: {  	v13 =	vld [tilespmem:$0x1FCA0];
	_ =	sdelay $0x1  }
0x367: {  	[tilespmem:v12+s3+$0x0] =	vst.idx.msk $0xffff, v0  }
0x368: {  	v0 =	vld [tilespmem:s14+$0xF550];
	_ =	sdelay $0x2  }
0x369: {  	v14 =	vld [tilespmem:$0x1FCB0];
	_ =	sdelay $0x1  }
0x36a: {  	[tilespmem:v13+s3+$0x0] =	vst.idx.msk $0xffff, v0  }
0x36b: {  	v0 =	vld [tilespmem:s14+$0xFB80];
	_ =	sdelay $0x2  }
0x36c: {  	v15 =	vld [tilespmem:$0x1FCC0];
	_ =	sdelay $0x1  }
0x36d: {  	[tilespmem:v14+s3+$0x0] =	vst.idx.msk $0xffff, v0  }
0x36e: {  	v0 =	vld [tilespmem:s14+$0xFB90];
	_ =	sdelay $0x2  }
0x36f: {  	v16 =	vld [tilespmem:$0x1FCD0];
	_ =	sdelay $0x1  }
0x370: {  	[tilespmem:v15+s3+$0x0] =	vst.idx.msk $0xffff, v0  }
0x371: {  	v0 =	vld [tilespmem:s14+$0x101C0];
	_ =	sdelay $0x2  }
0x372: {  	v17 =	vld [tilespmem:$0x1FCE0];
	_ =	sdelay $0x1  }
0x373: {  	[tilespmem:v16+s3+$0x0] =	vst.idx.msk $0xffff, v0  }
0x374: {  	v0 =	vld [tilespmem:s14+$0x101D0];
	_ =	sdelay $0x2  }
0x375: {  	v18 =	vld [tilespmem:$0x1FCF0];
	_ =	sdelay $0x1  }
0x376: {  	[tilespmem:v17+s3+$0x0] =	vst.idx.msk $0xffff, v0  }
0x377: {  	v0 =	vld [tilespmem:s14+$0x10800];
	_ =	sdelay $0x2  }
0x378: {  	v19 =	vld [tilespmem:$0x1FD00];
	_ =	sdelay $0x1  }
0x379: {  	[tilespmem:v18+s3+$0x0] =	vst.idx.msk $0xffff, v0  }
0x37a: {  	v0 =	vld [tilespmem:s14+$0x10810];
	_ =	sdelay $0x2  }
0x37b: {  	v20 =	vld [tilespmem:$0x1FD10];
	_ =	sdelay $0x1  }
0x37c: {  	[tilespmem:v19+s3+$0x0] =	vst.idx.msk $0xffff, v0  }
0x37d: {  	v0 =	vld [tilespmem:s14+$0x10E40];
	_ =	sdelay $0x2  }
0x37e: {  	v21 =	vld [tilespmem:$0x1FD20];
	_ =	sdelay $0x1  }
0x37f: {  	[tilespmem:v20+s3+$0x0] =	vst.idx.msk $0xffff, v0  }
0x380: {  	v0 =	vld [tilespmem:s14+$0x10E50];
	_ =	sdelay $0x2  }
0x381: {  	v22 =	vld [tilespmem:$0x1FD30];
	_ =	sdelay $0x1  }
0x382: {  	[tilespmem:v21+s3+$0x0] =	vst.idx.msk $0xffff, v0  }
0x383: {  	v0 =	vld [tilespmem:s14+$0x11480];
	_ =	sdelay $0x2  }
0x384: {  	v23 =	vld [tilespmem:$0x1FD40];
	_ =	sdelay $0x1  }
0x385: {  	[tilespmem:v22+s3+$0x0] =	vst.idx.msk $0xffff, v0  }
0x386: {  	v0 =	vld [tilespmem:s14+$0x11490];
	_ =	sdelay $0x2  }
0x387: {  	v24 =	vld [tilespmem:$0x1FD50];
	_ =	sdelay $0x1  }
0x388: {  	[tilespmem:v23+s3+$0x0] =	vst.idx.msk $0xffff, v0  }
0x389: {  	v0 =	vld [tilespmem:s14+$0x11AC0];
	_ =	sdelay $0x2  }
0x38a: {  	v25 =	vld [tilespmem:$0x1FD60];
	_ =	sdelay $0x1  }
0x38b: {  	[tilespmem:v24+s3+$0x0] =	vst.idx.msk $0xffff, v0  }
0x38c: {  	v0 =	vld [tilespmem:s14+$0x11AD0];
	_ =	sdelay $0x2  }
0x38d: {  	v26 =	vld [tilespmem:$0x1FD70];
	_ =	sdelay $0x1  }
0x38e: {  	[tilespmem:v25+s3+$0x0] =	vst.idx.msk $0xffff, v0  }
0x38f: {  	v0 =	vld [tilespmem:s14+$0x12100];
	_ =	sdelay $0x2  }
0x390: {  	v27 =	vld [tilespmem:$0x1FD80];
	_ =	sdelay $0x1  }
0x391: {  	[tilespmem:v26+s3+$0x0] =	vst.idx.msk $0xffff, v0  }
0x392: {  	v0 =	vld [tilespmem:s14+$0x12110];
	_ =	sdelay $0x2  }
0x393: {  	v28 =	vld [tilespmem:$0x1FD90];
	_ =	sdelay $0x1  }
0x394: {  	[tilespmem:v27+s3+$0x0] =	vst.idx.msk $0xffff, v0  }
0x395: {  	v0 =	vld [tilespmem:s14+$0x12740];
	_ =	sdelay $0x2  }
0x396: {  	v29 =	vld [tilespmem:$0x1FDA0];
	_ =	sdelay $0x1  }
0x397: {  	[tilespmem:v28+s3+$0x0] =	vst.idx.msk $0xffff, v0  }
0x398: {  	v0 =	vld [tilespmem:s14+$0x12750];
	_ =	sdelay $0x2  }
0x399: {  	v30 =	vld [tilespmem:$0x1FDB0];
	_ =	sdelay $0x1  }
0x39a: {  	[tilespmem:v29+s3+$0x0] =	vst.idx.msk $0xffff, v0  }
0x39b: {  	v0 =	vld [tilespmem:s14+$0x12D80];
	_ =	sdelay $0x2  }
0x39c: {  	v31 =	vld [tilespmem:$0x1FDC0];
	_ =	sdelay $0x1  }
0x39d: {  	[tilespmem:v30+s3+$0x0] =	vst.idx.msk $0xffff, v0  }
0x39e: {  	v0 =	vld [tilespmem:s14+$0x12D90];
	_ =	sdelay $0x2  }
0x39f: {  	v32 =	vld [tilespmem:$0x1FDD0];
	_ =	sdelay $0x1  }
0x3a0: {  	[tilespmem:v31+s3+$0x0] =	vst.idx.msk $0xffff, v0  }
0x3a1: {  	v0 =	vld [tilespmem:s14+$0x133C0];
	_ =	sdelay $0x2  }
0x3a2: {  	v33 =	vld [tilespmem:$0x1FDE0];
	_ =	sdelay $0x1  }
0x3a3: {  	[tilespmem:v32+s3+$0x0] =	vst.idx.msk $0xffff, v0  }
0x3a4: {  	v0 =	vld [tilespmem:s14+$0x133D0];
	_ =	sdelay $0x2  }
0x3a5: {  	v34 =	vld [tilespmem:$0x1FDF0];
	_ =	sdelay $0x1  }
0x3a6: {  	[tilespmem:v33+s3+$0x0] =	vst.idx.msk $0xffff, v0  }
0x3a7: {  	v0 =	vld [tilespmem:s14+$0x13A00];
	_ =	sdelay $0x2  }
0x3a8: {  	v35 =	vld [tilespmem:$0x1FE00];
	_ =	sdelay $0x1  }
0x3a9: {  	[tilespmem:v34+s3+$0x0] =	vst.idx.msk $0xffff, v0  }
0x3aa: {  	v0 =	vld [tilespmem:s14+$0x13A10];
	_ =	sdelay $0x2  }
0x3ab: {  	v36 =	vld [tilespmem:$0x1FE10];
	_ =	sdelay $0x1  }
0x3ac: {  	[tilespmem:v35+s3+$0x0] =	vst.idx.msk $0xffff, v0  }
0x3ad: {  	v0 =	vld [tilespmem:s14+$0x14040];
	_ =	sdelay $0x2  }
0x3ae: {  	v37 =	vld [tilespmem:$0x1FE20];
	_ =	sdelay $0x1  }
0x3af: {  	[tilespmem:v36+s3+$0x0] =	vst.idx.msk $0xffff, v0  }
0x3b0: {  	v0 =	vld [tilespmem:s14+$0x14050];
	_ =	sdelay $0x2  }
0x3b1: {  	v38 =	vld [tilespmem:$0x1FE30];
	_ =	sdelay $0x1  }
0x3b2: {  	[tilespmem:v37+s3+$0x0] =	vst.idx.msk $0xffff, v0  }
0x3b3: {  	v0 =	vld [tilespmem:s14+$0x14680];
	_ =	sdelay $0x2  }
0x3b4: {  	v39 =	vld [tilespmem:$0x1FE40];
	_ =	sdelay $0x1  }
0x3b5: {  	[tilespmem:v38+s3+$0x0] =	vst.idx.msk $0xffff, v0  }
0x3b6: {  	v0 =	vld [tilespmem:s14+$0x14690];
	_ =	sdelay $0x2  }
0x3b7: {  	v40 =	vld [tilespmem:$0x1FE50];
	_ =	sdelay $0x1  }
0x3b8: {  	[tilespmem:v39+s3+$0x0] =	vst.idx.msk $0xffff, v0  }
0x3b9: {  	v0 =	vld [tilespmem:s14+$0x14CC0];
	_ =	sdelay $0x2  }
0x3ba: {  	v41 =	vld [tilespmem:$0x1FE60];
	_ =	sdelay $0x1  }
0x3bb: {  	[tilespmem:v40+s3+$0x0] =	vst.idx.msk $0xffff, v0  }
0x3bc: {  	v0 =	vld [tilespmem:s14+$0x14CD0];
	_ =	sdelay $0x2  }
0x3bd: {  	v42 =	vld [tilespmem:$0x1FE70];
	_ =	sdelay $0x1  }
0x3be: {  	[tilespmem:v41+s3+$0x0] =	vst.idx.msk $0xffff, v0  }
0x3bf: {  	v0 =	vld [tilespmem:s14+$0x15300];
	_ =	sdelay $0x2  }
0x3c0: {  	v43 =	vld [tilespmem:$0x1FE80];
	_ =	sdelay $0x1  }
0x3c1: {  	[tilespmem:v42+s3+$0x0] =	vst.idx.msk $0xffff, v0  }
0x3c2: {  	v0 =	vld [tilespmem:s14+$0x15310];
	_ =	sdelay $0x2  }
0x3c3: {  	v44 =	vld [tilespmem:$0x1FE90];
	_ =	sdelay $0x1  }
0x3c4: {  	[tilespmem:v43+s3+$0x0] =	vst.idx.msk $0xffff, v0  }
0x3c5: {  	v0 =	vld [tilespmem:s14+$0x15940];
	_ =	sdelay $0x2  }
0x3c6: {  	v45 =	vld [tilespmem:$0x1FEA0];
	_ =	sdelay $0x1  }
0x3c7: {  	[tilespmem:v44+s3+$0x0] =	vst.idx.msk $0xffff, v0  }
0x3c8: {  	v0 =	vld [tilespmem:s14+$0x15950];
	_ =	sdelay $0x2  }
0x3c9: {  	v46 =	vld [tilespmem:$0x1FEB0];
	_ =	sdelay $0x1  }
0x3ca: {  	[tilespmem:v45+s3+$0x0] =	vst.idx.msk $0xffff, v0  }
0x3cb: {  	v0 =	vld [tilespmem:s14+$0x15F80];
	_ =	sdelay $0x2  }
0x3cc: {  	v47 =	vld [tilespmem:$0x1FEC0];
	_ =	sdelay $0x1  }
0x3cd: {  	[tilespmem:v46+s3+$0x0] =	vst.idx.msk $0xffff, v0  }
0x3ce: {  	v0 =	vld [tilespmem:s14+$0x15F90];
	_ =	sdelay $0x2  }
0x3cf: {  	v48 =	vld [tilespmem:$0x1FED0];
	_ =	sdelay $0x1  }
0x3d0: {  	[tilespmem:v47+s3+$0x0] =	vst.idx.msk $0xffff, v0  }
0x3d1: {  	v0 =	vld [tilespmem:s14+$0x165C0];
	_ =	sdelay $0x2  }
0x3d2: {  	v49 =	vld [tilespmem:$0x1FEE0];
	_ =	sdelay $0x1  }
0x3d3: {  	[tilespmem:v48+s3+$0x0] =	vst.idx.msk $0xffff, v0  }
0x3d4: {  	v0 =	vld [tilespmem:s14+$0x165D0];
	_ =	sdelay $0x2  }
0x3d5: {  	v50 =	vld [tilespmem:$0x1FEF0];
	_ =	sdelay $0x1  }
0x3d6: {  	[tilespmem:v49+s3+$0x0] =	vst.idx.msk $0xffff, v0  }
0x3d7: {  	v0 =	vld [tilespmem:s14+$0x16C00];
	_ =	sdelay $0x2  }
0x3d8: {  	v51 =	vld [tilespmem:$0x1FF00];
	_ =	sdelay $0x1  }
0x3d9: {  	[tilespmem:v50+s3+$0x0] =	vst.idx.msk $0xffff, v0  }
0x3da: {  	v0 =	vld [tilespmem:s14+$0x16C10];
	_ =	sdelay $0x2  }
0x3db: {  	v52 =	vld [tilespmem:$0x1FF10];
	_ =	sdelay $0x1  }
0x3dc: {  	[tilespmem:v51+s3+$0x0] =	vst.idx.msk $0xffff, v0  }
0x3dd: {  	v0 =	vld [tilespmem:s14+$0x17240];
	_ =	sdelay $0x2  }
0x3de: {  	v53 =	vld [tilespmem:$0x1FF20];
	_ =	sdelay $0x1  }
0x3df: {  	[tilespmem:v52+s3+$0x0] =	vst.idx.msk $0xffff, v0  }
0x3e0: {  	v0 =	vld [tilespmem:s14+$0x17250];
	_ =	sdelay $0x2  }
0x3e1: {  	v54 =	vld [tilespmem:$0x1FF30];
	_ =	sdelay $0x1  }
0x3e2: {  	[tilespmem:v53+s3+$0x0] =	vst.idx.msk $0xffff, v0  }
0x3e3: {  	v0 =	vld [tilespmem:s14+$0x17880];
	_ =	sdelay $0x2  }
0x3e4: {  	v55 =	vld [tilespmem:$0x1FF40];
	_ =	sdelay $0x1  }
0x3e5: {  	[tilespmem:v54+s3+$0x0] =	vst.idx.msk $0xffff, v0  }
0x3e6: {  	v0 =	vld [tilespmem:s14+$0x17890];
	_ =	sdelay $0x2  }
0x3e7: {  	v56 =	vld [tilespmem:$0x1FF50];
	_ =	sdelay $0x1  }
0x3e8: {  	[tilespmem:v55+s3+$0x0] =	vst.idx.msk $0xffff, v0  }
0x3e9: {  	v0 =	vld [tilespmem:s14+$0x17EC0];
	_ =	sdelay $0x2  }
0x3ea: {  	v57 =	vld [tilespmem:$0x1FF60];
	_ =	sdelay $0x1  }
0x3eb: {  	[tilespmem:v56+s3+$0x0] =	vst.idx.msk $0xffff, v0  }
0x3ec: {  	v0 =	vld [tilespmem:s14+$0x17ED0];
	_ =	sdelay $0x2  }
0x3ed: {  	v58 =	vld [tilespmem:$0x1FF70];
	_ =	sdelay $0x1  }
0x3ee: {  	[tilespmem:v57+s3+$0x0] =	vst.idx.msk $0xffff, v0  }
0x3ef: {  	v0 =	vld [tilespmem:s14+$0x18500];
	_ =	sdelay $0x2  }
0x3f0: {  	v59 =	vld [tilespmem:$0x1FF80];
	_ =	sdelay $0x1  }
0x3f1: {  	[tilespmem:v58+s3+$0x0] =	vst.idx.msk $0xffff, v0  }
0x3f2: {  	v0 =	vld [tilespmem:s14+$0x18510];
	_ =	sdelay $0x2  }
0x3f3: {  	v60 =	vld [tilespmem:$0x1FF90];
	_ =	sdelay $0x1  }
0x3f4: {  	[tilespmem:v59+s3+$0x0] =	vst.idx.msk $0xffff, v0  }
0x3f5: {  	v0 =	vld [tilespmem:s14+$0x18B40];
	_ =	sdelay $0x2  }
0x3f6: {  	v61 =	vld [tilespmem:$0x1FFA0];
	_ =	sdelay $0x1  }
0x3f7: {  	[tilespmem:v60+s3+$0x0] =	vst.idx.msk $0xffff, v0  }
0x3f8: {  	v0 =	vld [tilespmem:s14+$0x18B50];
	_ =	sdelay $0x2  }
0x3f9: {  	v62 =	vld [tilespmem:$0x1FFB0];
	_ =	sdelay $0x1  }
0x3fa: {  	[tilespmem:v61+s3+$0x0] =	vst.idx.msk $0xffff, v0  }
0x3fb: {  	v0 =	vld [tilespmem:s14+$0x19180];
	_ =	sdelay $0x2  }
0x3fc: {  	v63 =	vld [tilespmem:$0x1FFC0];
	_ =	sdelay $0x1  }
0x3fd: {  	[tilespmem:v62+s3+$0x0] =	vst.idx.msk $0xffff, v0  }
0x3fe: {  	v0 =	vld [tilespmem:s14+$0x19190];
	_ =	sdelay $0x2  }
0x3ff: {  	v1 =	vld [tilespmem:$0x1FFD0];
	_ =	sdelay $0x1  }
0x400: {  	[tilespmem:v63+s3+$0x0] =	vst.idx.msk $0xffff, v0  }
0x401: {  	v0 =	vld [tilespmem:s14+$0x197C0];
	_ =	sdelay $0x4  }
0x402: {  	[tilespmem:v1+s3+$0x0] =	vst.idx.msk $0xffff, v0;
	v1 =	vld [tilespmem:$0x1FFF0];
	_ =	sdelay $0x2  }
0x403: {  	v0 =	vld [tilespmem:s14+$0x197D0];
	_ =	sdelay $0x4  }
0x404: {  	[tilespmem:v1+s3+$0x0] =	vst.idx.msk $0xffff, v0  }
0x405: {  	[hbm4b:s1+s13] =	stream.strided.scatter [tilespmem:s3], [sflag:$0x5], $0x100, s17, s13, $0x38;
	[tilespmem:$0x1A600] =	vst v63  }
0x406: {  	s10 =	sadd.s32 $0x4000, s1  }
0x407: {  	[hbm4b:s10+s13] =	stream.strided.scatter [tilespmem:s18], [sflag:$0x5], $0x100, s17, s13, $0x38;
	[tilespmem:$0x1A600] =	vst v63  }
0x408: {  	s30 =	sadd.s32 $0x8000, s1  }
0x409: {  	[hbm4b:s30+s13] =	stream.strided.scatter [tilespmem:s19], [sflag:$0x5], $0x100, s17, s13, $0x38;
	[tilespmem:$0x1A600] =	vst v63  }
0x40a: {  	s11 =	sadd.s32 $0xC000, s1;
	s10 =	simm.s32 @!p1 $0x6  }
0x40b: {  	[hbm4b:s11+s13] =	stream.strided.scatter [tilespmem:s20], [sflag:$0x5], $0x100, s17, s13, $0x38;
	[tilespmem:$0x1A600] =	vst v63  }
0x40c: {  	_ =	swait.ge @!p1 [sflag:s10], $0x400  }
0x40d: {  	[sflag:s10] =	ssyncset.done @!p1 $0x0  }
0x40e: {  	[sflag:s10] =	ssyncadd.s32 @!p1 $0xFFFFFC00  }
0x40f: {  	v0 =	vld [tilespmem:s14+$0xD620];
	_ =	sdelay $0x4  }
0x410: {  	[tilespmem:v2+s21+$0x0] =	vst.idx.msk $0xffff, v0  }
0x411: {  	v0 =	vld [tilespmem:s14+$0xD630];
	_ =	sdelay $0x4  }
0x412: {  	[tilespmem:v3+s21+$0x0] =	vst.idx.msk $0xffff, v0  }
0x413: {  	v0 =	vld [tilespmem:s14+$0xDC60];
	_ =	sdelay $0x4  }
0x414: {  	[tilespmem:v4+s21+$0x0] =	vst.idx.msk $0xffff, v0  }
0x415: {  	v0 =	vld [tilespmem:s14+$0xDC70];
	_ =	sdelay $0x4  }
0x416: {  	[tilespmem:v5+s21+$0x0] =	vst.idx.msk $0xffff, v0  }
0x417: {  	v0 =	vld [tilespmem:s14+$0xE2A0];
	_ =	sdelay $0x4  }
0x418: {  	[tilespmem:v6+s21+$0x0] =	vst.idx.msk $0xffff, v0  }
0x419: {  	v0 =	vld [tilespmem:s14+$0xE2B0];
	_ =	sdelay $0x4  }
0x41a: {  	[tilespmem:v7+s21+$0x0] =	vst.idx.msk $0xffff, v0  }
0x41b: {  	v0 =	vld [tilespmem:s14+$0xE8E0];
	_ =	sdelay $0x4  }
0x41c: {  	[tilespmem:v8+s21+$0x0] =	vst.idx.msk $0xffff, v0  }
0x41d: {  	v0 =	vld [tilespmem:s14+$0xE8F0];
	_ =	sdelay $0x4  }
0x41e: {  	[tilespmem:v9+s21+$0x0] =	vst.idx.msk $0xffff, v0  }
0x41f: {  	v0 =	vld [tilespmem:s14+$0xEF20];
	_ =	sdelay $0x4  }
0x420: {  	[tilespmem:v10+s21+$0x0] =	vst.idx.msk $0xffff, v0  }
0x421: {  	v0 =	vld [tilespmem:s14+$0xEF30];
	_ =	sdelay $0x4  }
0x422: {  	[tilespmem:v11+s21+$0x0] =	vst.idx.msk $0xffff, v0  }
0x423: {  	v0 =	vld [tilespmem:s14+$0xF560];
	_ =	sdelay $0x4  }
0x424: {  	[tilespmem:v12+s21+$0x0] =	vst.idx.msk $0xffff, v0  }
0x425: {  	v0 =	vld [tilespmem:s14+$0xF570];
	_ =	sdelay $0x4  }
0x426: {  	[tilespmem:v13+s21+$0x0] =	vst.idx.msk $0xffff, v0  }
0x427: {  	v0 =	vld [tilespmem:s14+$0xFBA0];
	_ =	sdelay $0x4  }
0x428: {  	[tilespmem:v14+s21+$0x0] =	vst.idx.msk $0xffff, v0  }
0x429: {  	v0 =	vld [tilespmem:s14+$0xFBB0];
	_ =	sdelay $0x4  }
0x42a: {  	[tilespmem:v15+s21+$0x0] =	vst.idx.msk $0xffff, v0  }
0x42b: {  	v0 =	vld [tilespmem:s14+$0x101E0];
	_ =	sdelay $0x4  }
0x42c: {  	[tilespmem:v16+s21+$0x0] =	vst.idx.msk $0xffff, v0  }
0x42d: {  	v0 =	vld [tilespmem:s14+$0x101F0];
	_ =	sdelay $0x4  }
0x42e: {  	[tilespmem:v17+s21+$0x0] =	vst.idx.msk $0xffff, v0  }
0x42f: {  	v0 =	vld [tilespmem:s14+$0x10820];
	_ =	sdelay $0x4  }
0x430: {  	[tilespmem:v18+s21+$0x0] =	vst.idx.msk $0xffff, v0  }
0x431: {  	v0 =	vld [tilespmem:s14+$0x10830];
	_ =	sdelay $0x4  }
0x432: {  	[tilespmem:v19+s21+$0x0] =	vst.idx.msk $0xffff, v0  }
0x433: {  	v0 =	vld [tilespmem:s14+$0x10E60];
	_ =	sdelay $0x4  }
0x434: {  	[tilespmem:v20+s21+$0x0] =	vst.idx.msk $0xffff, v0  }
0x435: {  	v0 =	vld [tilespmem:s14+$0x10E70];
	_ =	sdelay $0x4  }
0x436: {  	[tilespmem:v21+s21+$0x0] =	vst.idx.msk $0xffff, v0  }
0x437: {  	v0 =	vld [tilespmem:s14+$0x114A0];
	_ =	sdelay $0x4  }
0x438: {  	[tilespmem:v22+s21+$0x0] =	vst.idx.msk $0xffff, v0  }
0x439: {  	v0 =	vld [tilespmem:s14+$0x114B0];
	_ =	sdelay $0x4  }
0x43a: {  	[tilespmem:v23+s21+$0x0] =	vst.idx.msk $0xffff, v0  }
0x43b: {  	v0 =	vld [tilespmem:s14+$0x11AE0];
	_ =	sdelay $0x4  }
0x43c: {  	[tilespmem:v24+s21+$0x0] =	vst.idx.msk $0xffff, v0  }
0x43d: {  	v0 =	vld [tilespmem:s14+$0x11AF0];
	_ =	sdelay $0x4  }
0x43e: {  	[tilespmem:v25+s21+$0x0] =	vst.idx.msk $0xffff, v0  }
0x43f: {  	v0 =	vld [tilespmem:s14+$0x12120];
	_ =	sdelay $0x4  }
0x440: {  	[tilespmem:v26+s21+$0x0] =	vst.idx.msk $0xffff, v0  }
0x441: {  	v0 =	vld [tilespmem:s14+$0x12130];
	_ =	sdelay $0x4  }
0x442: {  	[tilespmem:v27+s21+$0x0] =	vst.idx.msk $0xffff, v0  }
0x443: {  	v0 =	vld [tilespmem:s14+$0x12760];
	_ =	sdelay $0x4  }
0x444: {  	[tilespmem:v28+s21+$0x0] =	vst.idx.msk $0xffff, v0  }
0x445: {  	v0 =	vld [tilespmem:s14+$0x12770];
	_ =	sdelay $0x4  }
0x446: {  	[tilespmem:v29+s21+$0x0] =	vst.idx.msk $0xffff, v0  }
0x447: {  	v0 =	vld [tilespmem:s14+$0x12DA0];
	_ =	sdelay $0x4  }
0x448: {  	[tilespmem:v30+s21+$0x0] =	vst.idx.msk $0xffff, v0  }
0x449: {  	v0 =	vld [tilespmem:s14+$0x12DB0];
	_ =	sdelay $0x4  }
0x44a: {  	[tilespmem:v31+s21+$0x0] =	vst.idx.msk $0xffff, v0  }
0x44b: {  	v0 =	vld [tilespmem:s14+$0x133E0];
	_ =	sdelay $0x4  }
0x44c: {  	[tilespmem:v32+s21+$0x0] =	vst.idx.msk $0xffff, v0  }
0x44d: {  	v0 =	vld [tilespmem:s14+$0x133F0];
	_ =	sdelay $0x4  }
0x44e: {  	[tilespmem:v33+s21+$0x0] =	vst.idx.msk $0xffff, v0  }
0x44f: {  	v0 =	vld [tilespmem:s14+$0x13A20];
	_ =	sdelay $0x4  }
0x450: {  	[tilespmem:v34+s21+$0x0] =	vst.idx.msk $0xffff, v0  }
0x451: {  	v0 =	vld [tilespmem:s14+$0x13A30];
	_ =	sdelay $0x4  }
0x452: {  	[tilespmem:v35+s21+$0x0] =	vst.idx.msk $0xffff, v0  }
0x453: {  	v0 =	vld [tilespmem:s14+$0x14060];
	_ =	sdelay $0x4  }
0x454: {  	[tilespmem:v36+s21+$0x0] =	vst.idx.msk $0xffff, v0  }
0x455: {  	v0 =	vld [tilespmem:s14+$0x14070];
	_ =	sdelay $0x4  }
0x456: {  	[tilespmem:v37+s21+$0x0] =	vst.idx.msk $0xffff, v0  }
0x457: {  	v0 =	vld [tilespmem:s14+$0x146A0];
	_ =	sdelay $0x4  }
0x458: {  	[tilespmem:v38+s21+$0x0] =	vst.idx.msk $0xffff, v0  }
0x459: {  	v0 =	vld [tilespmem:s14+$0x146B0];
	_ =	sdelay $0x4  }
0x45a: {  	[tilespmem:v39+s21+$0x0] =	vst.idx.msk $0xffff, v0  }
0x45b: {  	v0 =	vld [tilespmem:s14+$0x14CE0];
	_ =	sdelay $0x4  }
0x45c: {  	[tilespmem:v40+s21+$0x0] =	vst.idx.msk $0xffff, v0  }
0x45d: {  	v0 =	vld [tilespmem:s14+$0x14CF0];
	_ =	sdelay $0x4  }
0x45e: {  	[tilespmem:v41+s21+$0x0] =	vst.idx.msk $0xffff, v0  }
0x45f: {  	v0 =	vld [tilespmem:s14+$0x15320];
	_ =	sdelay $0x4  }
0x460: {  	[tilespmem:v42+s21+$0x0] =	vst.idx.msk $0xffff, v0  }
0x461: {  	v0 =	vld [tilespmem:s14+$0x15330];
	_ =	sdelay $0x4  }
0x462: {  	[tilespmem:v43+s21+$0x0] =	vst.idx.msk $0xffff, v0  }
0x463: {  	v0 =	vld [tilespmem:s14+$0x15960];
	_ =	sdelay $0x4  }
0x464: {  	[tilespmem:v44+s21+$0x0] =	vst.idx.msk $0xffff, v0  }
0x465: {  	v0 =	vld [tilespmem:s14+$0x15970];
	_ =	sdelay $0x4  }
0x466: {  	[tilespmem:v45+s21+$0x0] =	vst.idx.msk $0xffff, v0  }
0x467: {  	v0 =	vld [tilespmem:s14+$0x15FA0];
	_ =	sdelay $0x4  }
0x468: {  	[tilespmem:v46+s21+$0x0] =	vst.idx.msk $0xffff, v0  }
0x469: {  	v0 =	vld [tilespmem:s14+$0x15FB0];
	_ =	sdelay $0x4  }
0x46a: {  	[tilespmem:v47+s21+$0x0] =	vst.idx.msk $0xffff, v0  }
0x46b: {  	v0 =	vld [tilespmem:s14+$0x165E0];
	_ =	sdelay $0x4  }
0x46c: {  	[tilespmem:v48+s21+$0x0] =	vst.idx.msk $0xffff, v0  }
0x46d: {  	v0 =	vld [tilespmem:s14+$0x165F0];
	_ =	sdelay $0x4  }
0x46e: {  	[tilespmem:v49+s21+$0x0] =	vst.idx.msk $0xffff, v0  }
0x46f: {  	v0 =	vld [tilespmem:s14+$0x16C20];
	_ =	sdelay $0x4  }
0x470: {  	[tilespmem:v50+s21+$0x0] =	vst.idx.msk $0xffff, v0  }
0x471: {  	v0 =	vld [tilespmem:s14+$0x16C30];
	_ =	sdelay $0x4  }
0x472: {  	[tilespmem:v51+s21+$0x0] =	vst.idx.msk $0xffff, v0  }
0x473: {  	v0 =	vld [tilespmem:s14+$0x17260];
	_ =	sdelay $0x4  }
0x474: {  	[tilespmem:v52+s21+$0x0] =	vst.idx.msk $0xffff, v0  }
0x475: {  	v0 =	vld [tilespmem:s14+$0x17270];
	_ =	sdelay $0x4  }
0x476: {  	[tilespmem:v53+s21+$0x0] =	vst.idx.msk $0xffff, v0  }
0x477: {  	v0 =	vld [tilespmem:s14+$0x178A0];
	_ =	sdelay $0x4  }
0x478: {  	[tilespmem:v54+s21+$0x0] =	vst.idx.msk $0xffff, v0  }
0x479: {  	v0 =	vld [tilespmem:s14+$0x178B0];
	_ =	sdelay $0x4  }
0x47a: {  	[tilespmem:v55+s21+$0x0] =	vst.idx.msk $0xffff, v0  }
0x47b: {  	v0 =	vld [tilespmem:s14+$0x17EE0];
	_ =	sdelay $0x4  }
0x47c: {  	[tilespmem:v56+s21+$0x0] =	vst.idx.msk $0xffff, v0  }
0x47d: {  	v0 =	vld [tilespmem:s14+$0x17EF0];
	_ =	sdelay $0x4  }
0x47e: {  	[tilespmem:v57+s21+$0x0] =	vst.idx.msk $0xffff, v0  }
0x47f: {  	v0 =	vld [tilespmem:s14+$0x18520];
	_ =	sdelay $0x4  }
0x480: {  	[tilespmem:v58+s21+$0x0] =	vst.idx.msk $0xffff, v0  }
0x481: {  	v0 =	vld [tilespmem:s14+$0x18530];
	_ =	sdelay $0x4  }
0x482: {  	[tilespmem:v59+s21+$0x0] =	vst.idx.msk $0xffff, v0  }
0x483: {  	v0 =	vld [tilespmem:s14+$0x18B60];
	_ =	sdelay $0x4  }
0x484: {  	[tilespmem:v60+s21+$0x0] =	vst.idx.msk $0xffff, v0  }
0x485: {  	v0 =	vld [tilespmem:s14+$0x18B70];
	_ =	sdelay $0x4  }
0x486: {  	[tilespmem:v61+s21+$0x0] =	vst.idx.msk $0xffff, v0  }
0x487: {  	v0 =	vld [tilespmem:s14+$0x191A0];
	_ =	sdelay $0x4  }
0x488: {  	[tilespmem:v62+s21+$0x0] =	vst.idx.msk $0xffff, v0  }
0x489: {  	v0 =	vld [tilespmem:s14+$0x191B0];
	_ =	sdelay $0x2  }
0x48a: {  	v62 =	vld [tilespmem:$0x1FFD0];
	_ =	sdelay $0x1  }
0x48b: {  	[tilespmem:v63+s21+$0x0] =	vst.idx.msk $0xffff, v0  }
0x48c: {  	v0 =	vld [tilespmem:s14+$0x197E0];
	_ =	sdelay $0x2  }
0x48d: {  	v63 =	vld [tilespmem:$0x1FFF0];
	_ =	sdelay $0x1  }
0x48e: {  	[tilespmem:v62+s21+$0x0] =	vst.idx.msk $0xffff, v0  }
0x48f: {  	v0 =	vld [tilespmem:s14+$0x197F0];
	_ =	sdelay $0x4  }
0x490: {  	s8 =	sadd.s32 $0x100, s8;
	[tilespmem:v63+s21+$0x0] =	vst.idx.msk $0xffff, v0  }
0x491: {  	[hbm4b:s0+s13] =	stream.strided.scatter [tilespmem:s21], [sflag:$0x6], $0x100, s17, s13, $0x38;
	[tilespmem:$0x1A600] =	vst v63  }
0x492: {  	s12 =	sadd.s32 $0x4000, s0;
	p1 =	sne.s32 s8, $0x1900  }
0x493: {  	[hbm4b:s12+s13] =	stream.strided.scatter [tilespmem:s22], [sflag:$0x6], $0x100, s17, s13, $0x38;
	[tilespmem:$0x1A600] =	vst v63  }
.Ltmp2:
0x494: {  	_ = 	snop;
	(pc) =	sbr.rel @p1 .LBB2_7-.Ltmp2, $4  }
0x495: {  	s14 =	sadd.s32 $0x8000, s0  }
0x496: {  	[hbm4b:s14+s13] =	stream.strided.scatter [tilespmem:s23], [sflag:$0x6], $0x100, s17, s13, $0x38;
	[tilespmem:$0x1A600] =	vst v63  }
0x497: {  	s1 =	sadd.s32 $0x20000, s1;
	s30 =	sadd.s32 $0xC000, s0;
	s0 =	sadd.s32 $0x20000, s0  }
0x498: {  	[hbm4b:s30+s13] =	stream.strided.scatter [tilespmem:s24], [sflag:$0x6], $0x100, s17, s13, $0x38;
	[tilespmem:$0x1A600] =	vst v63  }
0x499: {  	s31 =	sadd.s32 $0x1, s31  }
0x49a: {  	_ =	swait.ge [sflag:s25], $0x400;
	p1 =	sne.s32 s31, $0x8  }
.Ltmp3:
0x49b: {  	[sflag:s25] =	ssyncset.done $0x0;
	(pc) =	sbr.rel @p1 .LBB2_2-.Ltmp3, $4  }
0x49c: {  	[sflag:s25] =	ssyncadd.s32 $0xFFFFFC00  }
0x49d: {  	_ =	swait.ge [sflag:s26], $0x400  }
0x49e: {  	s4 =	sadd.s32 $0x40, s4;
	[sflag:s26] =	ssyncset.done $0x0  }
0x49f: {  	p0 =	por !p0, !p0;
	s29 =	sadd.s32 $0x200, s29;
	[sflag:s26] =	ssyncadd.s32 $0xFFFFFC00  }
0x4a0: {  	s1 =	rddreg [dreg:$0xa]  }
0x4a1: {  	s0 =	rddreg [dreg:$0x8];
	s1 =	sadd.s32 $0x1, s1  }
0x4a2: {  	p0 =	sne.s32 s1, s0  }
.Ltmp4:
0x4a3: {  	_ = 	snop;
	(pc) =	sbr.rel @p0 .LBB2_1-.Ltmp4, $1  }
0x4a4: {  	_ =	sdelay $0x3  }
0x4a5: {  	_ =	sfence.sel $0x180000  }
0x4a6: {  	[bflag:$0x0] =	sbarrier.arrive $0xFFFF  }
0x4a7: {  	_ =	strace $0x90000047  }
0x4a8: {  	s0 =	stileid.u32;
	[bflag:$0x2] =	sbarrier.arrive $0xFFFF  }
0x4a9: {  	p0 =	sne.s32 s0, $0x0;
	s0 =	rddreg [dreg:$0x2]  }
0x4aa: {  	s0 =	sadd.s32 @!p0 $0x100000, s0  }
0x4ab: {  	[sflag:s0] =	ssyncadd.tile.s32 @!p0 $0x1;
	_ =	shalt  }
.Lfunc_end2:
_tile_overlayer_lowered:
.L_overlay_start_2:
0x4ac: {  	(tag) =	ssettag $0x2  }
0x4ad: {  	s0 =	rddreg [dreg:$0x0];
	s2 =	stileid.u32  }
0x4ae: {  	s1 =	rddreg [dreg:$0x1];
	p0 =	sne.s32 s2, $0x0  }
0x4af: {  	s3 =	rddreg [dreg:$0x2];
	[bflag:$0x3] =	sbarrier.arrive $0xFFFF;
	s2 =	simm.s32 @!p0 $0x1C07  }
0x4b0: {  	[timem:s3], [sflag:s2] =	dma.local @!p0 [hbm:s0], s1  }
0x4b1: {  	s0 =	simm.s32 @!p0 $0x7  }
0x4b2: {  	_ =	swait.ge @!p0 [sflag:s0], s1  }
0x4b3: {  	s1 =	ssub.s32 @!p0 $0x0, s1;
	[sflag:s0] =	ssyncset.done @!p0 $0x0  }
0x4b4: {  	[sflag:s0] =	ssyncadd.s32 @!p0 s1  }
0x4b5: {  	[bflag:$0x3] =	sbarrier.arrive $0xFFFF  }
0x4b6: {  	_ =	shalt  }

</sc_bundles>
